<compile_context>
chip_gen: v7x
topology: tpu7x:2x2x1
jax: 0.10.2.dev20260603
libtpu: 0.0.44.dev20260713+nightly
codegen_flags: <defaults>
</compile_context>

<pallas_src>
import functools

import jax
import jax.numpy as jnp
from jax import lax
from jax.experimental import pallas as pl
from jax.experimental.pallas import tpu as pltpu
from jax.experimental.pallas import tpu_sc as plsc

P = 16
NH = 12
NE = 8
D = 384
HD = 1536
S = 197
B = 8
NTOK = B * S
NW = 32
BPW = 56
NPAD = NW * BPW
CHUNK = 256
NCHUNK = NPAD // CHUNK


def _gelu(x):
    return 0.5 * x * (1.0 + lax.erf(x * jnp.float32(0.7071067811865476)))


def _ln(x, g, b):
    m = jnp.mean(x, axis=-1, keepdims=True)
    v = jnp.mean((x - m) ** 2, axis=-1, keepdims=True)
    return (x - m) / jnp.sqrt(v + 1e-5) * g + b



def _embed_body(x_ref, w_ref, b_ref, cls_ref, pos_ref, o_ref):
    pieces = []
    nch = x_ref.shape[1]
    for ch in range(nch):
        for i in range(P):
            pieces.append(x_ref[0, ch, :, i, :, :].reshape(196, P))
    p = jnp.concatenate(pieces, axis=1)
    t = lax.dot_general(p, w_ref[...], (((1,), (1,)), ((), ())),
                        preferred_element_type=jnp.float32)
    t = t + b_ref[...] + pos_ref[1:, :]
    o_ref[0, 0:1, :] = cls_ref[...] + pos_ref[0:1, :]
    o_ref[0, 1:, :] = t


def _embed_call(x6, patch_W, patch_b, cls_token, pos_embed):
    C = x6.shape[1]
    return pl.pallas_call(
        _embed_body,
        grid=(B,),
        in_specs=[
            pl.BlockSpec((1, C, 14, P, 14, P), lambda i: (i, 0, 0, 0, 0, 0)),
            pl.BlockSpec((D, 768), lambda i: (0, 0)),
            pl.BlockSpec((1, D), lambda i: (0, 0)),
            pl.BlockSpec((1, D), lambda i: (0, 0)),
            pl.BlockSpec((S, D), lambda i: (0, 0)),
        ],
        out_specs=pl.BlockSpec((1, S, D), lambda i: (i, 0, 0)),
        out_shape=jax.ShapeDtypeStruct((B, S, D), jnp.float32),
    )(x6, patch_W, patch_b.reshape(1, D), cls_token.reshape(1, D),
      pos_embed.reshape(S, D))



def _attn_body(h_ref, wqkv_ref, bqkv_ref, wo_ref, bo_ref, g_ref, be_ref,
               o_ref):
    x = h_ref[0]
    qkv = lax.dot_general(x, wqkv_ref[0], (((1,), (1,)), ((), ())),
                          preferred_element_type=jnp.float32) + bqkv_ref[0]
    hd = D // NH
    iscale = jnp.float32(1.0) / jnp.sqrt(jnp.float32(hd))
    heads = []
    for i in range(NH):
        q = qkv[:, i * hd:(i + 1) * hd] * iscale
        k = qkv[:, D + i * hd:D + (i + 1) * hd]
        v = qkv[:, 2 * D + i * hd:2 * D + (i + 1) * hd]
        s = lax.dot_general(q, k, (((1,), (1,)), ((), ())),
                            preferred_element_type=jnp.float32)
        m = jnp.max(s, axis=1, keepdims=True)
        e = jnp.exp(s - m)
        a = e * (jnp.float32(1.0) / jnp.sum(e, axis=1, keepdims=True))
        heads.append(lax.dot_general(a, v, (((1,), (0,)), ((), ())),
                                     preferred_element_type=jnp.float32))
    o = jnp.concatenate(heads, axis=1)
    ao = lax.dot_general(o, wo_ref[0], (((1,), (1,)), ((), ())),
                         preferred_element_type=jnp.float32) + bo_ref[0]
    o_ref[0] = _ln(x + ao, g_ref[0], be_ref[0])


def _attn_call(l, h, qkv_W, qkv_b, out_W, out_b, ln1_g, ln1_b):
    L = qkv_W.shape[0]
    return pl.pallas_call(
        _attn_body,
        grid=(B,),
        in_specs=[
            pl.BlockSpec((1, S, D), lambda i: (i, 0, 0)),
            pl.BlockSpec((1, 3 * D, D), lambda i: (l, 0, 0)),
            pl.BlockSpec((1, 1, 3 * D), lambda i: (l, 0, 0)),
            pl.BlockSpec((1, D, D), lambda i: (l, 0, 0)),
            pl.BlockSpec((1, 1, D), lambda i: (l, 0, 0)),
            pl.BlockSpec((1, 1, D), lambda i: (l, 0, 0)),
            pl.BlockSpec((1, 1, D), lambda i: (l, 0, 0)),
        ],
        out_specs=pl.BlockSpec((1, S, D), lambda i: (i, 0, 0)),
        out_shape=jax.ShapeDtypeStruct((B, S, D), jnp.float32),
    )(h, qkv_W, qkv_b.reshape(L, 1, 3 * D), out_W, out_b.reshape(L, 1, D),
      ln1_g.reshape(L, 1, D), ln1_b.reshape(L, 1, D))



def _route_body(xf_ref, rw_ref, rb_ref, nz_ref, dest_ref, eidx_ref,
                sinfo_ref):
    xf = xf_ref[...]
    logits = lax.dot_general(xf, rw_ref[0], (((1,), (1,)), ((), ())),
                             preferred_element_type=jnp.float32)
    logits = logits + rb_ref[0] + nz_ref[0]
    mx = jnp.max(logits, axis=1, keepdims=True)
    lane = lax.broadcasted_iota(jnp.int32, (NTOK, NE), 1)
    eidx = jnp.min(jnp.where(logits == mx, lane, NE), axis=1, keepdims=True)
    onehot = (lane == eidx).astype(jnp.float32)
    counts = jnp.sum(onehot, axis=0, keepdims=True)
    r8 = lax.broadcasted_iota(jnp.int32, (NE, NE), 0)
    c8 = lax.broadcasted_iota(jnp.int32, (NE, NE), 1)
    tstrict = (r8 < c8).astype(jnp.float32)
    starts = lax.dot_general(counts, tstrict, (((1,), (0,)), ((), ())),
                             preferred_element_type=jnp.float32)
    cum = onehot
    shift = 1
    while shift < NTOK:
        z = jnp.zeros((shift, NE), jnp.float32)
        cum = cum + jnp.concatenate([z, cum[:NTOK - shift, :]], axis=0)
        shift *= 2
    rank = jnp.sum(cum * onehot, axis=1, keepdims=True)
    sbase = jnp.sum(starts * onehot, axis=1, keepdims=True)
    dest = (sbase + rank - 1.0).astype(jnp.int32)
    dest_ref[...] = dest
    eidx_ref[...] = eidx
    ends = starts + counts
    sinfo_ref[...] = jnp.concatenate([starts, ends], axis=1).astype(jnp.int32)


def _route_call(l, xf, router_W, router_b, noise):
    L = router_W.shape[0]
    return pl.pallas_call(
        _route_body,
        grid=(1,),
        in_specs=[
            pl.BlockSpec((NTOK, D), lambda i: (0, 0)),
            pl.BlockSpec((1, NE, D), lambda i: (l, 0, 0)),
            pl.BlockSpec((1, 1, NE), lambda i: (l, 0, 0)),
            pl.BlockSpec((1, NTOK, NE), lambda i: (l, 0, 0)),
        ],
        out_specs=(
            pl.BlockSpec((NTOK, 1), lambda i: (0, 0)),
            pl.BlockSpec((NTOK, 1), lambda i: (0, 0)),
            pl.BlockSpec((1, 2 * NE), lambda i: (0, 0)),
        ),
        out_shape=(jax.ShapeDtypeStruct((NTOK, 1), jnp.int32),
                   jax.ShapeDtypeStruct((NTOK, 1), jnp.int32),
                   jax.ShapeDtypeStruct((1, 2 * NE), jnp.int32)),
    )(xf, router_W, router_b.reshape(L, 1, NE), noise)



def _ffn_body(sinfo_ref, x_ref, w1_ref, b1_ref, w2_ref, b2_ref, o_ref,
              c_ref):
    j = pl.program_id(0)
    w1 = w1_ref[0, 0]
    w2 = w2_ref[0, 0]
    b1 = b1_ref[0, 0]
    b2 = b2_ref[0, 0]
    c_ref[0] = lax.dot_general(_gelu(b1), w2, (((1,), (1,)), ((), ())),
                               preferred_element_type=jnp.float32) + b2

    @pl.when(j == 0)
    def _():
        o_ref[...] = jnp.zeros((NPAD, D), jnp.float32)

    s = sinfo_ref[j]
    e = sinfo_ref[NE + j]
    for c in range(NCHUNK):
        base = c * CHUNK

        @pl.when((e > base) & (s < base + CHUNK))
        def _():
            xb = x_ref[base:base + CHUNK, :]
            h1 = _gelu(lax.dot_general(xb, w1, (((1,), (1,)), ((), ())),
                                       preferred_element_type=jnp.float32)
                       + b1)
            y = lax.dot_general(h1, w2, (((1,), (1,)), ((), ())),
                                preferred_element_type=jnp.float32) + b2
            rows = base + lax.broadcasted_iota(jnp.int32, (CHUNK, 1), 0)
            msk = (rows >= s) & (rows < e)
            o_ref[base:base + CHUNK, :] = jnp.where(
                msk, y, o_ref[base:base + CHUNK, :])


def _ffn_call(l, sinfo, sorted_x, e_W1, e_b1, e_W2, e_b2):
    L = e_W1.shape[0]
    return pl.pallas_call(
        _ffn_body,
        grid=(NE,),
        in_specs=[
            pl.BlockSpec(memory_space=pltpu.SMEM),
            pl.BlockSpec((NPAD, D), lambda j: (0, 0)),
            pl.BlockSpec((1, 1, HD, D), lambda j: (l, j, 0, 0)),
            pl.BlockSpec((1, 1, 1, HD), lambda j: (l, j, 0, 0)),
            pl.BlockSpec((1, 1, D, HD), lambda j: (l, j, 0, 0)),
            pl.BlockSpec((1, 1, 1, D), lambda j: (l, j, 0, 0)),
        ],
        out_specs=(pl.BlockSpec((NPAD, D), lambda j: (0, 0)),
                   pl.BlockSpec((1, 1, D), lambda j: (j, 0, 0))),
        out_shape=(jax.ShapeDtypeStruct((NPAD, D), jnp.float32),
                   jax.ShapeDtypeStruct((NE, 1, D), jnp.float32)),
    )(sinfo, sorted_x, e_W1, e_b1.reshape(L, NE, 1, HD), e_W2,
      e_b2.reshape(L, NE, 1, D))



def _resln_body(h_ref, y_ref, eidx_ref, c_ref, g_ref, b_ref, o_ref):
    lane = lax.broadcasted_iota(jnp.int32, (NTOK, NE), 1)
    onehot = (lane == eidx_ref[...]).astype(jnp.float32)
    call = c_ref[...]
    csum = jnp.sum(call, axis=0, keepdims=True)
    csel = lax.dot_general(onehot, call, (((1,), (0,)), ((), ())),
                           preferred_element_type=jnp.float32)
    y = y_ref[...] + (csum - csel)
    o_ref[...] = _ln(h_ref[...] + y, g_ref[0], b_ref[0])


def _resln_call(l, h, y, eidx, call, ln2_g, ln2_b):
    L = ln2_g.shape[0]
    return pl.pallas_call(
        _resln_body,
        grid=(1,),
        in_specs=[
            pl.BlockSpec((NTOK, D), lambda i: (0, 0)),
            pl.BlockSpec((NTOK, D), lambda i: (0, 0)),
            pl.BlockSpec((NTOK, 1), lambda i: (0, 0)),
            pl.BlockSpec((NE, D), lambda i: (0, 0)),
            pl.BlockSpec((1, 1, D), lambda i: (l, 0, 0)),
            pl.BlockSpec((1, 1, D), lambda i: (l, 0, 0)),
        ],
        out_specs=pl.BlockSpec((NTOK, D), lambda i: (0, 0)),
        out_shape=jax.ShapeDtypeStruct((NTOK, D), jnp.float32),
    )(h, y, eidx, call, ln2_g.reshape(L, 1, D), ln2_b.reshape(L, 1, D))



def _head_body(hf_ref, g_ref, b_ref, wf_ref, bf_ref, o_ref):
    x = jnp.concatenate([hf_ref[b * S:b * S + 1, :] for b in range(B)],
                        axis=0)
    x = _ln(x, g_ref[...], b_ref[...])
    o_ref[...] = lax.dot_general(x, wf_ref[...], (((1,), (1,)), ((), ())),
                                 preferred_element_type=jnp.float32) \
        + bf_ref[...]


def _head_call(h, g, b, wf, bf):
    nc = wf.shape[0]
    return pl.pallas_call(
        _head_body,
        out_shape=jax.ShapeDtypeStruct((B, nc), jnp.float32),
    )(h, g.reshape(1, D), b.reshape(1, D), wf, bf.reshape(1, nc))



NFULL = NTOK // BPW
NTAIL = NTOK - NFULL * BPW


@functools.lru_cache(maxsize=None)
def _sc_kernels():
    mesh = plsc.VectorSubcoreMesh(core_axis_name="c", subcore_axis_name="s")
    scratch = [
        pltpu.VMEM((BPW,), jnp.int32),
        pltpu.VMEM((BPW, D), jnp.float32),
        pltpu.VMEM((NTAIL,), jnp.int32),
        pltpu.VMEM((NTAIL, D), jnp.float32),
        pltpu.SemaphoreType.DMA,
    ]

    @functools.partial(
        pl.kernel, mesh=mesh,
        out_type=jax.ShapeDtypeStruct((NPAD, D), jnp.float32),
        scratch_types=scratch,
    )
    def sc_scatter(x_hbm, idx_hbm, out_hbm, idx_v, rows_v, idx_t, rows_t,
                   sem):
        wid = lax.axis_index("s") * 2 + lax.axis_index("c")
        base = wid * BPW

        @pl.when(wid < NFULL)
        def _():
            pltpu.sync_copy(idx_hbm.at[pl.ds(base, BPW)], idx_v)
            pltpu.sync_copy(x_hbm.at[pl.ds(base, BPW)], rows_v)
            pltpu.async_copy(rows_v, out_hbm.at[idx_v], sem).wait()

        @pl.when(wid == NFULL)
        def _():
            pltpu.sync_copy(idx_hbm.at[pl.ds(NFULL * BPW, NTAIL)], idx_t)
            pltpu.sync_copy(x_hbm.at[pl.ds(NFULL * BPW, NTAIL)], rows_t)
            pltpu.async_copy(rows_t, out_hbm.at[idx_t], sem).wait()

    @functools.partial(
        pl.kernel, mesh=mesh,
        out_type=jax.ShapeDtypeStruct((NTOK, D), jnp.float32),
        scratch_types=scratch,
    )
    def sc_gather(y_hbm, idx_hbm, out_hbm, idx_v, rows_v, idx_t, rows_t,
                  sem):
        wid = lax.axis_index("s") * 2 + lax.axis_index("c")
        base = wid * BPW

        @pl.when(wid < NFULL)
        def _():
            pltpu.sync_copy(idx_hbm.at[pl.ds(base, BPW)], idx_v)
            pltpu.async_copy(y_hbm.at[idx_v], rows_v, sem).wait()
            pltpu.sync_copy(rows_v, out_hbm.at[pl.ds(base, BPW)])

        @pl.when(wid == NFULL)
        def _():
            pltpu.sync_copy(idx_hbm.at[pl.ds(NFULL * BPW, NTAIL)], idx_t)
            pltpu.async_copy(y_hbm.at[idx_t], rows_t, sem).wait()
            pltpu.sync_copy(rows_t, out_hbm.at[pl.ds(NFULL * BPW, NTAIL)])

    return sc_scatter, sc_gather



def kernel(x, patch_W, patch_b, cls_token, pos_embed, qkv_W, qkv_b, out_W,
           out_b, ln1_g, ln1_b, ln2_g, ln2_b, router_W, router_b, e_W1, e_b1,
           e_W2, e_b2, fn_g, fn_b, fc_W, fc_b):
    nb, C, H, W = x.shape
    hp, wp = H // P, W // P
    x6 = x.reshape(nb, C, hp, P, wp, P)

    h = _embed_call(x6, patch_W, patch_b, cls_token, pos_embed)

    L = qkv_W.shape[0]
    nkey = jax.random.key(42)
    sc_scatter, sc_gather = _sc_kernels()
    keys = jnp.stack([jax.random.fold_in(nkey, l) for l in range(L)])
    noise_all = jax.vmap(
        lambda k: jax.random.normal(k, (NTOK, NE), jnp.float32))(keys) * 0.01
    xf = None
    for l in range(L):
        h = _attn_call(l, h, qkv_W, qkv_b, out_W, out_b, ln1_g, ln1_b)
        xf = h.reshape(NTOK, D)
        dest, eidx, sinfo = _route_call(l, xf, router_W, router_b, noise_all)
        sorted_x = sc_scatter(xf, dest.reshape(NTOK))
        sorted_y, call = _ffn_call(l, sinfo.reshape(2 * NE), sorted_x,
                                   e_W1, e_b1, e_W2, e_b2)
        y = sc_gather(sorted_y, dest.reshape(NTOK))
        xf = _resln_call(l, xf, y, eidx, call.reshape(NE, D), ln2_g, ln2_b)
        h = xf.reshape(B, S, D)

    return _head_call(xf, fn_g, fn_b, fc_W, fc_b)

# --- scband reference (transcript-rebuilt; emitter-appended) ---
"""Pipeline reference for scband-vision-transformer-mo-e-72765335929166 (READ-ONLY COPY).

The authoritative reference and input builder live on the scoring server;
editing this copy changes nothing except your own understanding.
"""

import jax, jax.numpy as jnp
import numpy as np

P = 16
NH = 12
KTOP = 1
NE = 8

def _ln(x, g, b):
    m = jnp.mean(x, axis=-1, keepdims=True)
    v = jnp.mean((x - m) ** 2, axis=-1, keepdims=True)
    return (x - m) / jnp.sqrt(v + 1e-5) * g + b

def _mha(x, Wqkv, bqkv, Wo, bo, nh):
    B, S, D = x.shape
    qkv = x @ Wqkv.T + bqkv
    q, k, v = jnp.split(qkv, 3, axis=-1)
    hd = D // nh
    q = q.reshape(B, S, nh, hd).transpose(0, 2, 1, 3)
    k = k.reshape(B, S, nh, hd).transpose(0, 2, 1, 3)
    v = v.reshape(B, S, nh, hd).transpose(0, 2, 1, 3)
    att = (q @ k.transpose(0, 1, 3, 2)) / jnp.sqrt(jnp.float32(hd))
    att = jax.nn.softmax(att, axis=-1)
    o = (att @ v).transpose(0, 2, 1, 3).reshape(B, S, D)
    return o @ Wo.T + bo

def _moe(x, rW, rb, W1, b1, W2, b2, nkey):
    B, S, D = x.shape
    xf = x.reshape(-1, D)
    logits = xf @ rW.T + rb
    logits = logits + jax.random.normal(nkey, logits.shape, dtype=logits.dtype) * 0.01
    vals, idx = jax.lax.top_k(logits, KTOP)
    gates = jax.nn.softmax(vals, axis=-1)
    out = jnp.zeros_like(xf)
    for i in range(KTOP):
        eidx = idx[:, i]
        for j in range(NE):
            mask = (eidx == j).astype(xf.dtype)[:, None]
            xm = xf * mask
            hdn = jax.nn.gelu(xm @ W1[j].T + b1[j], approximate=False)
            y = hdn @ W2[j].T + b2[j]
            out = out + gates[:, i:i + 1] * y
    return out.reshape(B, S, D)

def _forward(x, patch_W, patch_b, cls_token, pos_embed, qkv_W, qkv_b, out_W, out_b, ln1_g, ln1_b, ln2_g, ln2_b, router_W, router_b, e_W1, e_b1, e_W2, e_b2, fn_g, fn_b, fc_W, fc_b):
    B, C, H, W = x.shape
    hp, wp = H // P, W // P
    patches = x.reshape(B, C, hp, P, wp, P).transpose(0, 1, 2, 4, 3, 5).reshape(B, C, hp * wp, P * P)
    patches = patches.transpose(0, 2, 1, 3).reshape(B, hp * wp, C * P * P)
    tokens = patches @ patch_W.T + patch_b
    D = tokens.shape[-1]
    cls = jnp.broadcast_to(cls_token, (B, 1, D))
    h = jnp.concatenate([cls, tokens], axis=1) + pos_embed
    L = qkv_W.shape[0]
    nkey = jax.random.key(42)
    for l in range(L):
        attn = _mha(h, qkv_W[l], qkv_b[l], out_W[l], out_b[l], NH)
        h = _ln(h + attn, ln1_g[l], ln1_b[l])
        moe = _moe(h, router_W[l], router_b[l], e_W1[l], e_b1[l], e_W2[l], e_b2[l], jax.random.fold_in(nkey, l))
        h = _ln(h + moe, ln2_g[l], ln2_b[l])
    h = _ln(h, fn_g, fn_b)
    return h[:, 0] @ fc_W.T + fc_b

def setup_inputs(seed: int = 0):
    key = jax.random.key(seed)
    B = 8; C = 3; HW = 224; D = 384; L = 2; Hd = 1536; E = 8; NC = 1000
    S = (HW // P) ** 2 + 1
    pd = C * P * P
    ks = jax.random.split(key, 12)
    def n(i, shape, s=0.02):
        return jax.random.normal(ks[i], shape, dtype=jnp.float32) * s
    return {
        "x": jax.random.normal(ks[0], (B, C, HW, HW), dtype=jnp.float32),
        "patch_W": n(1, (D, pd)),
        "patch_b": jnp.zeros((D,), jnp.float32),
        "cls_token": n(2, (1, 1, D)),
        "pos_embed": n(3, (1, S, D)),
        "qkv_W": n(4, (L, 3 * D, D)),
        "qkv_b": jnp.zeros((L, 3 * D), jnp.float32),
        "out_W": n(5, (L, D, D)),
        "out_b": jnp.zeros((L, D), jnp.float32),
        "ln1_g": jnp.ones((L, D), jnp.float32),
        "ln1_b": jnp.zeros((L, D), jnp.float32),
        "ln2_g": jnp.ones((L, D), jnp.float32),
        "ln2_b": jnp.zeros((L, D), jnp.float32),
        "router_W": n(6, (L, E, D)),
        "router_b": jnp.zeros((L, E), jnp.float32),
        "e_W1": n(7, (L, E, Hd, D)),
        "e_b1": jnp.zeros((L, E, Hd), jnp.float32),
        "e_W2": n(8, (L, E, D, Hd)),
        "e_b2": jnp.zeros((L, E, D), jnp.float32),
        "fn_g": jnp.ones((D,), jnp.float32),
        "fn_b": jnp.zeros((D,), jnp.float32),
        "fc_W": n(9, (NC, D)),
        "fc_b": jnp.zeros((NC,), jnp.float32),
    }

def reference(x, patch_W, patch_b, cls_token, pos_embed, qkv_W, qkv_b, out_W, out_b, ln1_g, ln1_b, ln2_g, ln2_b, router_W, router_b, e_W1, e_b1, e_W2, e_b2, fn_g, fn_b, fc_W, fc_b):
    return _forward(x, patch_W, patch_b, cls_token, pos_embed, qkv_W, qkv_b, out_W, out_b, ln1_g, ln1_b, ln2_g, ln2_b, router_W, router_b, e_W1, e_b1, e_W2, e_b2, fn_g, fn_b, fc_W, fc_b)

if __name__ == "__main__":
    import jax
    _d = setup_inputs()
    print(jax.jit(kernel)(*tuple(_d.values())))

</pallas_src>

<mosaic_0001>
#map = affine_map<(d0, d1) -> (0, 0)>
#map1 = affine_map<(d0, d1) -> (0)>
module attributes {stable_mosaic.version = 14 : i64} {
  func.func @sc_gather(%arg0: i32, %arg1: i32, %arg2: memref<1792x384xf32, #tpu.memory_space<hbm>>, %arg3: memref<1576xi32, #tpu.memory_space<hbm>>, %arg4: memref<1576x384xf32, #tpu.memory_space<hbm>>, %arg5: memref<56xi32, #tpu.memory_space<vmem>>, %arg6: memref<56x384xf32, #tpu.memory_space<vmem>>, %arg7: memref<8xi32, #tpu.memory_space<vmem>>, %arg8: memref<8x384xf32, #tpu.memory_space<vmem>>, %arg9: memref<!tpu.dma_semaphore, #tpu.memory_space<semaphore_mem>>) attributes {dimension_semantics = [#tpu.dimension_semantics<core_parallel>, #tpu.dimension_semantics<subcore_parallel>], iteration_bounds = array<i64: 2, 16>, scalar_prefetch = 0 : i64, scratch_operands = 5 : i64, tpu.core_type = #tpu.core_type<sc_vector_subcore>, window_params = [{transform_indices = #map}, {transform_indices = #map1}, {transform_indices = #map}]} {
    %mul3A = arith.constant 2 : i32
    %mul3A_0 = arith.muli %arg1, %mul3A : i32
    %add3A = arith.addi %mul3A_0, %arg0 : i32
    %mul3A_1 = arith.constant 56 : i32
    %mul3A_2 = arith.muli %add3A, %mul3A_1 : i32
    %lt3A = arith.constant 28 : i32
    %lt3A_3 = arith.cmpi slt, %add3A, %lt3A : i32
    %convert_element_type3A = arith.extui %lt3A_3 : i1 to i32
    %cond3A = arith.constant 0 : i32
    %cond3A_4 = arith.cmpi ne, %convert_element_type3A, %cond3A : i32
    scf.if %cond3A_4 {
      "tpu.region"() ({
        %run_scoped3A = tpu.sem_alloc : memref<!tpu.dma_semaphore, #tpu.memory_space<semaphore_mem>>
        %dma_start3A_13 = tpu.memref_slice %arg3[%mul3A_2] : memref<1576xi32, #tpu.memory_space<hbm>> -> memref<56xi32, #tpu.memory_space<hbm>>
        %dma_start3A_14 = tpu.memref_slice %arg3[%mul3A_2] : memref<1576xi32, #tpu.memory_space<hbm>> -> memref<56xi32, #tpu.memory_space<hbm>>
        tpu.enqueue_dma source(%dma_start3A_14 : memref<56xi32, #tpu.memory_space<hbm>>) target(%arg5 : memref<56xi32, #tpu.memory_space<vmem>>) target_semaphore(%run_scoped3A : memref<!tpu.dma_semaphore, #tpu.memory_space<semaphore_mem>>)
        %dma_wait3A_15 = tpu.memref_slice %arg3[%mul3A_2] : memref<1576xi32, #tpu.memory_space<hbm>> -> memref<56xi32, #tpu.memory_space<hbm>>
        %dma_wait3A_16 = tpu.memref_slice %arg3[%mul3A_2] : memref<1576xi32, #tpu.memory_space<hbm>> -> memref<56xi32, #tpu.memory_space<hbm>>
        tpu.wait_dma2 semaphore(%run_scoped3A : memref<!tpu.dma_semaphore, #tpu.memory_space<semaphore_mem>>) src(%dma_wait3A_16 : memref<56xi32, #tpu.memory_space<hbm>>) dst(%arg5 : memref<56xi32, #tpu.memory_space<vmem>>)
        tpu.yield
      }) : () -> ()
      %dma_start3A = arith.constant 0 : i32
      %dma_start3A_9 = arith.constant 0 : i32
      %dma_start3A_10 = tpu.memref_slice %arg2[%dma_start3A, %dma_start3A_9] : memref<1792x384xf32, #tpu.memory_space<hbm>> -> memref<1792x384xf32, #tpu.memory_space<hbm>>
      tpu.enqueue_indirect_dma source(%dma_start3A_10 : memref<1792x384xf32, #tpu.memory_space<hbm>>) target(%arg6 : memref<56x384xf32, #tpu.memory_space<vmem>>) offsets(%arg5 : memref<56xi32, #tpu.memory_space<vmem>>) semaphore(%arg9 : memref<!tpu.dma_semaphore, #tpu.memory_space<semaphore_mem>>)
      %dma_wait3A = arith.constant 0 : i32
      %dma_wait3A_11 = arith.constant 0 : i32
      %dma_wait3A_12 = tpu.memref_slice %arg2[%dma_wait3A, %dma_wait3A_11] : memref<1792x384xf32, #tpu.memory_space<hbm>> -> memref<1792x384xf32, #tpu.memory_space<hbm>>
      tpu.wait_indirect_dma semaphore(%arg9 : memref<!tpu.dma_semaphore, #tpu.memory_space<semaphore_mem>>) src(%dma_wait3A_12 : memref<1792x384xf32, #tpu.memory_space<hbm>>) dst(%arg6 : memref<56x384xf32, #tpu.memory_space<vmem>>)
      "tpu.region"() ({
        %run_scoped3A = tpu.sem_alloc : memref<!tpu.dma_semaphore, #tpu.memory_space<semaphore_mem>>
        %dma_start3A_13 = arith.constant 0 : i32
        %dma_start3A_14 = tpu.memref_slice %arg4[%mul3A_2, %dma_start3A_13] : memref<1576x384xf32, #tpu.memory_space<hbm>> -> memref<56x384xf32, #tpu.memory_space<hbm>>
        %dma_start3A_15 = arith.constant 0 : i32
        %dma_start3A_16 = tpu.memref_slice %arg4[%mul3A_2, %dma_start3A_15] : memref<1576x384xf32, #tpu.memory_space<hbm>> -> memref<56x384xf32, #tpu.memory_space<hbm>>
        tpu.enqueue_dma source(%arg6 : memref<56x384xf32, #tpu.memory_space<vmem>>) target(%dma_start3A_16 : memref<56x384xf32, #tpu.memory_space<hbm>>) target_semaphore(%run_scoped3A : memref<!tpu.dma_semaphore, #tpu.memory_space<semaphore_mem>>)
        %dma_wait3A_17 = arith.constant 0 : i32
        %dma_wait3A_18 = tpu.memref_slice %arg4[%mul3A_2, %dma_wait3A_17] : memref<1576x384xf32, #tpu.memory_space<hbm>> -> memref<56x384xf32, #tpu.memory_space<hbm>>
        %dma_wait3A_19 = arith.constant 0 : i32
        %dma_wait3A_20 = tpu.memref_slice %arg4[%mul3A_2, %dma_wait3A_19] : memref<1576x384xf32, #tpu.memory_space<hbm>> -> memref<56x384xf32, #tpu.memory_space<hbm>>
        tpu.wait_dma2 semaphore(%run_scoped3A : memref<!tpu.dma_semaphore, #tpu.memory_space<semaphore_mem>>) src(%arg6 : memref<56x384xf32, #tpu.memory_space<vmem>>) dst(%dma_wait3A_20 : memref<56x384xf32, #tpu.memory_space<hbm>>)
        tpu.yield
      }) : () -> ()
    } else {
    }
    %eq3A = arith.constant 28 : i32
    %eq3A_5 = arith.cmpi eq, %add3A, %eq3A : i32
    %convert_element_type3A_6 = arith.extui %eq3A_5 : i1 to i32
    %cond3A_7 = arith.constant 0 : i32
    %cond3A_8 = arith.cmpi ne, %convert_element_type3A_6, %cond3A_7 : i32
    scf.if %cond3A_8 {
      "tpu.region"() ({
        %run_scoped3A = tpu.sem_alloc : memref<!tpu.dma_semaphore, #tpu.memory_space<semaphore_mem>>
        %dma_start3A_13 = arith.constant 1568 : i32
        %dma_start3A_14 = tpu.memref_slice %arg3[%dma_start3A_13] : memref<1576xi32, #tpu.memory_space<hbm>> -> memref<8xi32, #tpu.memory_space<hbm>>
        %dma_start3A_15 = arith.constant 1568 : i32
        %dma_start3A_16 = tpu.memref_slice %arg3[%dma_start3A_15] : memref<1576xi32, #tpu.memory_space<hbm>> -> memref<8xi32, #tpu.memory_space<hbm>>
        tpu.enqueue_dma source(%dma_start3A_16 : memref<8xi32, #tpu.memory_space<hbm>>) target(%arg7 : memref<8xi32, #tpu.memory_space<vmem>>) target_semaphore(%run_scoped3A : memref<!tpu.dma_semaphore, #tpu.memory_space<semaphore_mem>>)
        %dma_wait3A_17 = arith.constant 1568 : i32
        %dma_wait3A_18 = tpu.memref_slice %arg3[%dma_wait3A_17] : memref<1576xi32, #tpu.memory_space<hbm>> -> memref<8xi32, #tpu.memory_space<hbm>>
        %dma_wait3A_19 = arith.constant 1568 : i32
        %dma_wait3A_20 = tpu.memref_slice %arg3[%dma_wait3A_19] : memref<1576xi32, #tpu.memory_space<hbm>> -> memref<8xi32, #tpu.memory_space<hbm>>
        tpu.wait_dma2 semaphore(%run_scoped3A : memref<!tpu.dma_semaphore, #tpu.memory_space<semaphore_mem>>) src(%dma_wait3A_20 : memref<8xi32, #tpu.memory_space<hbm>>) dst(%arg7 : memref<8xi32, #tpu.memory_space<vmem>>)
        tpu.yield
      }) : () -> ()
      %dma_start3A = arith.constant 0 : i32
      %dma_start3A_9 = arith.constant 0 : i32
      %dma_start3A_10 = tpu.memref_slice %arg2[%dma_start3A, %dma_start3A_9] : memref<1792x384xf32, #tpu.memory_space<hbm>> -> memref<1792x384xf32, #tpu.memory_space<hbm>>
      tpu.enqueue_indirect_dma source(%dma_start3A_10 : memref<1792x384xf32, #tpu.memory_space<hbm>>) target(%arg8 : memref<8x384xf32, #tpu.memory_space<vmem>>) offsets(%arg7 : memref<8xi32, #tpu.memory_space<vmem>>) semaphore(%arg9 : memref<!tpu.dma_semaphore, #tpu.memory_space<semaphore_mem>>)
      %dma_wait3A = arith.constant 0 : i32
      %dma_wait3A_11 = arith.constant 0 : i32
      %dma_wait3A_12 = tpu.memref_slice %arg2[%dma_wait3A, %dma_wait3A_11] : memref<1792x384xf32, #tpu.memory_space<hbm>> -> memref<1792x384xf32, #tpu.memory_space<hbm>>
      tpu.wait_indirect_dma semaphore(%arg9 : memref<!tpu.dma_semaphore, #tpu.memory_space<semaphore_mem>>) src(%dma_wait3A_12 : memref<1792x384xf32, #tpu.memory_space<hbm>>) dst(%arg8 : memref<8x384xf32, #tpu.memory_space<vmem>>)
      "tpu.region"() ({
        %run_scoped3A = tpu.sem_alloc : memref<!tpu.dma_semaphore, #tpu.memory_space<semaphore_mem>>
        %dma_start3A_13 = arith.constant 1568 : i32
        %dma_start3A_14 = arith.constant 0 : i32
        %dma_start3A_15 = tpu.memref_slice %arg4[%dma_start3A_13, %dma_start3A_14] : memref<1576x384xf32, #tpu.memory_space<hbm>> -> memref<8x384xf32, #tpu.memory_space<hbm>>
        %dma_start3A_16 = arith.constant 1568 : i32
        %dma_start3A_17 = arith.constant 0 : i32
        %dma_start3A_18 = tpu.memref_slice %arg4[%dma_start3A_16, %dma_start3A_17] : memref<1576x384xf32, #tpu.memory_space<hbm>> -> memref<8x384xf32, #tpu.memory_space<hbm>>
        tpu.enqueue_dma source(%arg8 : memref<8x384xf32, #tpu.memory_space<vmem>>) target(%dma_start3A_18 : memref<8x384xf32, #tpu.memory_space<hbm>>) target_semaphore(%run_scoped3A : memref<!tpu.dma_semaphore, #tpu.memory_space<semaphore_mem>>)
        %dma_wait3A_19 = arith.constant 1568 : i32
        %dma_wait3A_20 = arith.constant 0 : i32
        %dma_wait3A_21 = tpu.memref_slice %arg4[%dma_wait3A_19, %dma_wait3A_20] : memref<1576x384xf32, #tpu.memory_space<hbm>> -> memref<8x384xf32, #tpu.memory_space<hbm>>
        %dma_wait3A_22 = arith.constant 1568 : i32
        %dma_wait3A_23 = arith.constant 0 : i32
        %dma_wait3A_24 = tpu.memref_slice %arg4[%dma_wait3A_22, %dma_wait3A_23] : memref<1576x384xf32, #tpu.memory_space<hbm>> -> memref<8x384xf32, #tpu.memory_space<hbm>>
        tpu.wait_dma2 semaphore(%run_scoped3A : memref<!tpu.dma_semaphore, #tpu.memory_space<semaphore_mem>>) src(%arg8 : memref<8x384xf32, #tpu.memory_space<vmem>>) dst(%dma_wait3A_24 : memref<8x384xf32, #tpu.memory_space<hbm>>)
        tpu.yield
      }) : () -> ()
    } else {
    }
    return
  }
}

#map = affine_map<(d0, d1) -> (0, 0)>
#map1 = affine_map<(d0, d1) -> (0)>
module attributes {stable_mosaic.version = 14 : i64} {
  func.func @sc_gather(%arg0: i32, %arg1: i32, %arg2: memref<1792x384xf32, #tpu.memory_space<hbm>>, %arg3: memref<1576xi32, #tpu.memory_space<hbm>>, %arg4: memref<1576x384xf32, #tpu.memory_space<hbm>>, %arg5: memref<56xi32, #tpu.memory_space<vmem>>, %arg6: memref<56x384xf32, #tpu.memory_space<vmem>>, %arg7: memref<8xi32, #tpu.memory_space<vmem>>, %arg8: memref<8x384xf32, #tpu.memory_space<vmem>>, %arg9: memref<!tpu.dma_semaphore, #tpu.memory_space<semaphore_mem>>) attributes {dimension_semantics = [#tpu.dimension_semantics<core_parallel>, #tpu.dimension_semantics<subcore_parallel>], iteration_bounds = array<i64: 2, 16>, scalar_prefetch = 0 : i64, scratch_operands = 5 : i64, tpu.core_type = #tpu.core_type<sc_vector_subcore>, window_params = [{transform_indices = #map}, {transform_indices = #map1}, {transform_indices = #map}]} {
    %mul3A = arith.constant 2 : i32
    %mul3A_0 = arith.muli %arg1, %mul3A : i32
    %add3A = arith.addi %mul3A_0, %arg0 : i32
    %mul3A_1 = arith.constant 56 : i32
    %mul3A_2 = arith.muli %add3A, %mul3A_1 : i32
    %lt3A = arith.constant 28 : i32
    %lt3A_3 = arith.cmpi slt, %add3A, %lt3A : i32
    %convert_element_type3A = arith.extui %lt3A_3 : i1 to i32
    %cond3A = arith.constant 0 : i32
    %cond3A_4 = arith.cmpi ne, %convert_element_type3A, %cond3A : i32
    scf.if %cond3A_4 {
      "tpu.region"() ({
        %run_scoped3A = tpu.sem_alloc : memref<!tpu.dma_semaphore, #tpu.memory_space<semaphore_mem>>
        %dma_start3A_13 = tpu.memref_slice %arg3[%mul3A_2] : memref<1576xi32, #tpu.memory_space<hbm>> -> memref<56xi32, #tpu.memory_space<hbm>>
        %dma_start3A_14 = tpu.memref_slice %arg3[%mul3A_2] : memref<1576xi32, #tpu.memory_space<hbm>> -> memref<56xi32, #tpu.memory_space<hbm>>
        tpu.enqueue_dma source(%dma_start3A_14 : memref<56xi32, #tpu.memory_space<hbm>>) target(%arg5 : memref<56xi32, #tpu.memory_space<vmem>>) target_semaphore(%run_scoped3A : memref<!tpu.dma_semaphore, #tpu.memory_space<semaphore_mem>>)
        %dma_wait3A_15 = tpu.memref_slice %arg3[%mul3A_2] : memref<1576xi32, #tpu.memory_space<hbm>> -> memref<56xi32, #tpu.memory_space<hbm>>
        %dma_wait3A_16 = tpu.memref_slice %arg3[%mul3A_2] : memref<1576xi32, #tpu.memory_space<hbm>> -> memref<56xi32, #tpu.memory_space<hbm>>
        tpu.wait_dma2 semaphore(%run_scoped3A : memref<!tpu.dma_semaphore, #tpu.memory_space<semaphore_mem>>) src(%dma_wait3A_16 : memref<56xi32, #tpu.memory_space<hbm>>) dst(%arg5 : memref<56xi32, #tpu.memory_space<vmem>>)
        tpu.yield
      }) : () -> ()
      %dma_start3A = arith.constant 0 : i32
      %dma_start3A_9 = arith.constant 0 : i32
      %dma_start3A_10 = tpu.memref_slice %arg2[%dma_start3A, %dma_start3A_9] : memref<1792x384xf32, #tpu.memory_space<hbm>> -> memref<1792x384xf32, #tpu.memory_space<hbm>>
      tpu.enqueue_indirect_dma source(%dma_start3A_10 : memref<1792x384xf32, #tpu.memory_space<hbm>>) target(%arg6 : memref<56x384xf32, #tpu.memory_space<vmem>>) offsets(%arg5 : memref<56xi32, #tpu.memory_space<vmem>>) semaphore(%arg9 : memref<!tpu.dma_semaphore, #tpu.memory_space<semaphore_mem>>)
      %dma_wait3A = arith.constant 0 : i32
      %dma_wait3A_11 = arith.constant 0 : i32
      %dma_wait3A_12 = tpu.memref_slice %arg2[%dma_wait3A, %dma_wait3A_11] : memref<1792x384xf32, #tpu.memory_space<hbm>> -> memref<1792x384xf32, #tpu.memory_space<hbm>>
      tpu.wait_indirect_dma semaphore(%arg9 : memref<!tpu.dma_semaphore, #tpu.memory_space<semaphore_mem>>) src(%dma_wait3A_12 : memref<1792x384xf32, #tpu.memory_space<hbm>>) dst(%arg6 : memref<56x384xf32, #tpu.memory_space<vmem>>)
      "tpu.region"() ({
        %run_scoped3A = tpu.sem_alloc : memref<!tpu.dma_semaphore, #tpu.memory_space<semaphore_mem>>
        %dma_start3A_13 = arith.constant 0 : i32
        %dma_start3A_14 = tpu.memref_slice %arg4[%mul3A_2, %dma_start3A_13] : memref<1576x384xf32, #tpu.memory_space<hbm>> -> memref<56x384xf32, #tpu.memory_space<hbm>>
        %dma_start3A_15 = arith.constant 0 : i32
        %dma_start3A_16 = tpu.memref_slice %arg4[%mul3A_2, %dma_start3A_15] : memref<1576x384xf32, #tpu.memory_space<hbm>> -> memref<56x384xf32, #tpu.memory_space<hbm>>
        tpu.enqueue_dma source(%arg6 : memref<56x384xf32, #tpu.memory_space<vmem>>) target(%dma_start3A_16 : memref<56x384xf32, #tpu.memory_space<hbm>>) target_semaphore(%run_scoped3A : memref<!tpu.dma_semaphore, #tpu.memory_space<semaphore_mem>>)
        %dma_wait3A_17 = arith.constant 0 : i32
        %dma_wait3A_18 = tpu.memref_slice %arg4[%mul3A_2, %dma_wait3A_17] : memref<1576x384xf32, #tpu.memory_space<hbm>> -> memref<56x384xf32, #tpu.memory_space<hbm>>
        %dma_wait3A_19 = arith.constant 0 : i32
        %dma_wait3A_20 = tpu.memref_slice %arg4[%mul3A_2, %dma_wait3A_19] : memref<1576x384xf32, #tpu.memory_space<hbm>> -> memref<56x384xf32, #tpu.memory_space<hbm>>
        tpu.wait_dma2 semaphore(%run_scoped3A : memref<!tpu.dma_semaphore, #tpu.memory_space<semaphore_mem>>) src(%arg6 : memref<56x384xf32, #tpu.memory_space<vmem>>) dst(%dma_wait3A_20 : memref<56x384xf32, #tpu.memory_space<hbm>>)
        tpu.yield
      }) : () -> ()
    } else {
    }
    %eq3A = arith.constant 28 : i32
    %eq3A_5 = arith.cmpi eq, %add3A, %eq3A : i32
    %convert_element_type3A_6 = arith.extui %eq3A_5 : i1 to i32
    %cond3A_7 = arith.constant 0 : i32
    %cond3A_8 = arith.cmpi ne, %convert_element_type3A_6, %cond3A_7 : i32
    scf.if %cond3A_8 {
      "tpu.region"() ({
        %run_scoped3A = tpu.sem_alloc : memref<!tpu.dma_semaphore, #tpu.memory_space<semaphore_mem>>
        %dma_start3A_13 = arith.constant 1568 : i32
        %dma_start3A_14 = tpu.memref_slice %arg3[%dma_start3A_13] : memref<1576xi32, #tpu.memory_space<hbm>> -> memref<8xi32, #tpu.memory_space<hbm>>
        %dma_start3A_15 = arith.constant 1568 : i32
        %dma_start3A_16 = tpu.memref_slice %arg3[%dma_start3A_15] : memref<1576xi32, #tpu.memory_space<hbm>> -> memref<8xi32, #tpu.memory_space<hbm>>
        tpu.enqueue_dma source(%dma_start3A_16 : memref<8xi32, #tpu.memory_space<hbm>>) target(%arg7 : memref<8xi32, #tpu.memory_space<vmem>>) target_semaphore(%run_scoped3A : memref<!tpu.dma_semaphore, #tpu.memory_space<semaphore_mem>>)
        %dma_wait3A_17 = arith.constant 1568 : i32
        %dma_wait3A_18 = tpu.memref_slice %arg3[%dma_wait3A_17] : memref<1576xi32, #tpu.memory_space<hbm>> -> memref<8xi32, #tpu.memory_space<hbm>>
        %dma_wait3A_19 = arith.constant 1568 : i32
        %dma_wait3A_20 = tpu.memref_slice %arg3[%dma_wait3A_19] : memref<1576xi32, #tpu.memory_space<hbm>> -> memref<8xi32, #tpu.memory_space<hbm>>
        tpu.wait_dma2 semaphore(%run_scoped3A : memref<!tpu.dma_semaphore, #tpu.memory_space<semaphore_mem>>) src(%dma_wait3A_20 : memref<8xi32, #tpu.memory_space<hbm>>) dst(%arg7 : memref<8xi32, #tpu.memory_space<vmem>>)
        tpu.yield
      }) : () -> ()
      %dma_start3A = arith.constant 0 : i32
      %dma_start3A_9 = arith.constant 0 : i32
      %dma_start3A_10 = tpu.memref_slice %arg2[%dma_start3A, %dma_start3A_9] : memref<1792x384xf32, #tpu.memory_space<hbm>> -> memref<1792x384xf32, #tpu.memory_space<hbm>>
      tpu.enqueue_indirect_dma source(%dma_start3A_10 : memref<1792x384xf32, #tpu.memory_space<hbm>>) target(%arg8 : memref<8x384xf32, #tpu.memory_space<vmem>>) offsets(%arg7 : memref<8xi32, #tpu.memory_space<vmem>>) semaphore(%arg9 : memref<!tpu.dma_semaphore, #tpu.memory_space<semaphore_mem>>)
      %dma_wait3A = arith.constant 0 : i32
      %dma_wait3A_11 = arith.constant 0 : i32
      %dma_wait3A_12 = tpu.memref_slice %arg2[%dma_wait3A, %dma_wait3A_11] : memref<1792x384xf32, #tpu.memory_space<hbm>> -> memref<1792x384xf32, #tpu.memory_space<hbm>>
      tpu.wait_indirect_dma semaphore(%arg9 : memref<!tpu.dma_semaphore, #tpu.memory_space<semaphore_mem>>) src(%dma_wait3A_12 : memref<1792x384xf32, #tpu.memory_space<hbm>>) dst(%arg8 : memref<8x384xf32, #tpu.memory_space<vmem>>)
      "tpu.region"() ({
        %run_scoped3A = tpu.sem_alloc : memref<!tpu.dma_semaphore, #tpu.memory_space<semaphore_mem>>
        %dma_start3A_13 = arith.constant 1568 : i32
        %dma_start3A_14 = arith.constant 0 : i32
        %dma_start3A_15 = tpu.memref_slice %arg4[%dma_start3A_13, %dma_start3A_14] : memref<1576x384xf32, #tpu.memory_space<hbm>> -> memref<8x384xf32, #tpu.memory_space<hbm>>
        %dma_start3A_16 = arith.constant 1568 : i32
        %dma_start3A_17 = arith.constant 0 : i32
        %dma_start3A_18 = tpu.memref_slice %arg4[%dma_start3A_16, %dma_start3A_17] : memref<1576x384xf32, #tpu.memory_space<hbm>> -> memref<8x384xf32, #tpu.memory_space<hbm>>
        tpu.enqueue_dma source(%arg8 : memref<8x384xf32, #tpu.memory_space<vmem>>) target(%dma_start3A_18 : memref<8x384xf32, #tpu.memory_space<hbm>>) target_semaphore(%run_scoped3A : memref<!tpu.dma_semaphore, #tpu.memory_space<semaphore_mem>>)
        %dma_wait3A_19 = arith.constant 1568 : i32
        %dma_wait3A_20 = arith.constant 0 : i32
        %dma_wait3A_21 = tpu.memref_slice %arg4[%dma_wait3A_19, %dma_wait3A_20] : memref<1576x384xf32, #tpu.memory_space<hbm>> -> memref<8x384xf32, #tpu.memory_space<hbm>>
        %dma_wait3A_22 = arith.constant 1568 : i32
        %dma_wait3A_23 = arith.constant 0 : i32
        %dma_wait3A_24 = tpu.memref_slice %arg4[%dma_wait3A_22, %dma_wait3A_23] : memref<1576x384xf32, #tpu.memory_space<hbm>> -> memref<8x384xf32, #tpu.memory_space<hbm>>
        tpu.wait_dma2 semaphore(%run_scoped3A : memref<!tpu.dma_semaphore, #tpu.memory_space<semaphore_mem>>) src(%arg8 : memref<8x384xf32, #tpu.memory_space<vmem>>) dst(%dma_wait3A_24 : memref<8x384xf32, #tpu.memory_space<hbm>>)
        tpu.yield
      }) : () -> ()
    } else {
    }
    return
  }
}

#map = affine_map<(d0, d1) -> (0, 0)>
#map1 = affine_map<(d0, d1) -> (0)>
module attributes {stable_mosaic.version = 14 : i64} {
  func.func @sc_scatter(%arg0: i32, %arg1: i32, %arg2: memref<1576x384xf32, #tpu.memory_space<hbm>>, %arg3: memref<1576xi32, #tpu.memory_space<hbm>>, %arg4: memref<1792x384xf32, #tpu.memory_space<hbm>>, %arg5: memref<56xi32, #tpu.memory_space<vmem>>, %arg6: memref<56x384xf32, #tpu.memory_space<vmem>>, %arg7: memref<8xi32, #tpu.memory_space<vmem>>, %arg8: memref<8x384xf32, #tpu.memory_space<vmem>>, %arg9: memref<!tpu.dma_semaphore, #tpu.memory_space<semaphore_mem>>) attributes {dimension_semantics = [#tpu.dimension_semantics<core_parallel>, #tpu.dimension_semantics<subcore_parallel>], iteration_bounds = array<i64: 2, 16>, scalar_prefetch = 0 : i64, scratch_operands = 5 : i64, tpu.core_type = #tpu.core_type<sc_vector_subcore>, window_params = [{transform_indices = #map}, {transform_indices = #map1}, {transform_indices = #map}]} {
    %mul3A = arith.constant 2 : i32
    %mul3A_0 = arith.muli %arg1, %mul3A : i32
    %add3A = arith.addi %mul3A_0, %arg0 : i32
    %mul3A_1 = arith.constant 56 : i32
    %mul3A_2 = arith.muli %add3A, %mul3A_1 : i32
    %lt3A = arith.constant 28 : i32
    %lt3A_3 = arith.cmpi slt, %add3A, %lt3A : i32
    %convert_element_type3A = arith.extui %lt3A_3 : i1 to i32
    %cond3A = arith.constant 0 : i32
    %cond3A_4 = arith.cmpi ne, %convert_element_type3A, %cond3A : i32
    scf.if %cond3A_4 {
      "tpu.region"() ({
        %run_scoped3A = tpu.sem_alloc : memref<!tpu.dma_semaphore, #tpu.memory_space<semaphore_mem>>
        %dma_start3A_13 = tpu.memref_slice %arg3[%mul3A_2] : memref<1576xi32, #tpu.memory_space<hbm>> -> memref<56xi32, #tpu.memory_space<hbm>>
        %dma_start3A_14 = tpu.memref_slice %arg3[%mul3A_2] : memref<1576xi32, #tpu.memory_space<hbm>> -> memref<56xi32, #tpu.memory_space<hbm>>
        tpu.enqueue_dma source(%dma_start3A_14 : memref<56xi32, #tpu.memory_space<hbm>>) target(%arg5 : memref<56xi32, #tpu.memory_space<vmem>>) target_semaphore(%run_scoped3A : memref<!tpu.dma_semaphore, #tpu.memory_space<semaphore_mem>>)
        %dma_wait3A_15 = tpu.memref_slice %arg3[%mul3A_2] : memref<1576xi32, #tpu.memory_space<hbm>> -> memref<56xi32, #tpu.memory_space<hbm>>
        %dma_wait3A_16 = tpu.memref_slice %arg3[%mul3A_2] : memref<1576xi32, #tpu.memory_space<hbm>> -> memref<56xi32, #tpu.memory_space<hbm>>
        tpu.wait_dma2 semaphore(%run_scoped3A : memref<!tpu.dma_semaphore, #tpu.memory_space<semaphore_mem>>) src(%dma_wait3A_16 : memref<56xi32, #tpu.memory_space<hbm>>) dst(%arg5 : memref<56xi32, #tpu.memory_space<vmem>>)
        tpu.yield
      }) : () -> ()
      "tpu.region"() ({
        %run_scoped3A = tpu.sem_alloc : memref<!tpu.dma_semaphore, #tpu.memory_space<semaphore_mem>>
        %dma_start3A_13 = arith.constant 0 : i32
        %dma_start3A_14 = tpu.memref_slice %arg2[%mul3A_2, %dma_start3A_13] : memref<1576x384xf32, #tpu.memory_space<hbm>> -> memref<56x384xf32, #tpu.memory_space<hbm>>
        %dma_start3A_15 = arith.constant 0 : i32
        %dma_start3A_16 = tpu.memref_slice %arg2[%mul3A_2, %dma_start3A_15] : memref<1576x384xf32, #tpu.memory_space<hbm>> -> memref<56x384xf32, #tpu.memory_space<hbm>>
        tpu.enqueue_dma source(%dma_start3A_16 : memref<56x384xf32, #tpu.memory_space<hbm>>) target(%arg6 : memref<56x384xf32, #tpu.memory_space<vmem>>) target_semaphore(%run_scoped3A : memref<!tpu.dma_semaphore, #tpu.memory_space<semaphore_mem>>)
        %dma_wait3A_17 = arith.constant 0 : i32
        %dma_wait3A_18 = tpu.memref_slice %arg2[%mul3A_2, %dma_wait3A_17] : memref<1576x384xf32, #tpu.memory_space<hbm>> -> memref<56x384xf32, #tpu.memory_space<hbm>>
        %dma_wait3A_19 = arith.constant 0 : i32
        %dma_wait3A_20 = tpu.memref_slice %arg2[%mul3A_2, %dma_wait3A_19] : memref<1576x384xf32, #tpu.memory_space<hbm>> -> memref<56x384xf32, #tpu.memory_space<hbm>>
        tpu.wait_dma2 semaphore(%run_scoped3A : memref<!tpu.dma_semaphore, #tpu.memory_space<semaphore_mem>>) src(%dma_wait3A_20 : memref<56x384xf32, #tpu.memory_space<hbm>>) dst(%arg6 : memref<56x384xf32, #tpu.memory_space<vmem>>)
        tpu.yield
      }) : () -> ()
      %dma_start3A = arith.constant 0 : i32
      %dma_start3A_9 = arith.constant 0 : i32
      %dma_start3A_10 = tpu.memref_slice %arg4[%dma_start3A, %dma_start3A_9] : memref<1792x384xf32, #tpu.memory_space<hbm>> -> memref<1792x384xf32, #tpu.memory_space<hbm>>
      tpu.enqueue_indirect_dma source(%arg6 : memref<56x384xf32, #tpu.memory_space<vmem>>) target(%dma_start3A_10 : memref<1792x384xf32, #tpu.memory_space<hbm>>) offsets(%arg5 : memref<56xi32, #tpu.memory_space<vmem>>) semaphore(%arg9 : memref<!tpu.dma_semaphore, #tpu.memory_space<semaphore_mem>>)
      %dma_wait3A = arith.constant 0 : i32
      %dma_wait3A_11 = arith.constant 0 : i32
      %dma_wait3A_12 = tpu.memref_slice %arg4[%dma_wait3A, %dma_wait3A_11] : memref<1792x384xf32, #tpu.memory_space<hbm>> -> memref<1792x384xf32, #tpu.memory_space<hbm>>
      tpu.wait_indirect_dma semaphore(%arg9 : memref<!tpu.dma_semaphore, #tpu.memory_space<semaphore_mem>>) src(%arg6 : memref<56x384xf32, #tpu.memory_space<vmem>>) dst(%dma_wait3A_12 : memref<1792x384xf32, #tpu.memory_space<hbm>>)
    } else {
    }
    %eq3A = arith.constant 28 : i32
    %eq3A_5 = arith.cmpi eq, %add3A, %eq3A : i32
    %convert_element_type3A_6 = arith.extui %eq3A_5 : i1 to i32
    %cond3A_7 = arith.constant 0 : i32
    %cond3A_8 = arith.cmpi ne, %convert_element_type3A_6, %cond3A_7 : i32
    scf.if %cond3A_8 {
      "tpu.region"() ({
        %run_scoped3A = tpu.sem_alloc : memref<!tpu.dma_semaphore, #tpu.memory_space<semaphore_mem>>
        %dma_start3A_13 = arith.constant 1568 : i32
        %dma_start3A_14 = tpu.memref_slice %arg3[%dma_start3A_13] : memref<1576xi32, #tpu.memory_space<hbm>> -> memref<8xi32, #tpu.memory_space<hbm>>
        %dma_start3A_15 = arith.constant 1568 : i32
        %dma_start3A_16 = tpu.memref_slice %arg3[%dma_start3A_15] : memref<1576xi32, #tpu.memory_space<hbm>> -> memref<8xi32, #tpu.memory_space<hbm>>
        tpu.enqueue_dma source(%dma_start3A_16 : memref<8xi32, #tpu.memory_space<hbm>>) target(%arg7 : memref<8xi32, #tpu.memory_space<vmem>>) target_semaphore(%run_scoped3A : memref<!tpu.dma_semaphore, #tpu.memory_space<semaphore_mem>>)
        %dma_wait3A_17 = arith.constant 1568 : i32
        %dma_wait3A_18 = tpu.memref_slice %arg3[%dma_wait3A_17] : memref<1576xi32, #tpu.memory_space<hbm>> -> memref<8xi32, #tpu.memory_space<hbm>>
        %dma_wait3A_19 = arith.constant 1568 : i32
        %dma_wait3A_20 = tpu.memref_slice %arg3[%dma_wait3A_19] : memref<1576xi32, #tpu.memory_space<hbm>> -> memref<8xi32, #tpu.memory_space<hbm>>
        tpu.wait_dma2 semaphore(%run_scoped3A : memref<!tpu.dma_semaphore, #tpu.memory_space<semaphore_mem>>) src(%dma_wait3A_20 : memref<8xi32, #tpu.memory_space<hbm>>) dst(%arg7 : memref<8xi32, #tpu.memory_space<vmem>>)
        tpu.yield
      }) : () -> ()
      "tpu.region"() ({
        %run_scoped3A = tpu.sem_alloc : memref<!tpu.dma_semaphore, #tpu.memory_space<semaphore_mem>>
        %dma_start3A_13 = arith.constant 1568 : i32
        %dma_start3A_14 = arith.constant 0 : i32
        %dma_start3A_15 = tpu.memref_slice %arg2[%dma_start3A_13, %dma_start3A_14] : memref<1576x384xf32, #tpu.memory_space<hbm>> -> memref<8x384xf32, #tpu.memory_space<hbm>>
        %dma_start3A_16 = arith.constant 1568 : i32
        %dma_start3A_17 = arith.constant 0 : i32
        %dma_start3A_18 = tpu.memref_slice %arg2[%dma_start3A_16, %dma_start3A_17] : memref<1576x384xf32, #tpu.memory_space<hbm>> -> memref<8x384xf32, #tpu.memory_space<hbm>>
        tpu.enqueue_dma source(%dma_start3A_18 : memref<8x384xf32, #tpu.memory_space<hbm>>) target(%arg8 : memref<8x384xf32, #tpu.memory_space<vmem>>) target_semaphore(%run_scoped3A : memref<!tpu.dma_semaphore, #tpu.memory_space<semaphore_mem>>)
        %dma_wait3A_19 = arith.constant 1568 : i32
        %dma_wait3A_20 = arith.constant 0 : i32
        %dma_wait3A_21 = tpu.memref_slice %arg2[%dma_wait3A_19, %dma_wait3A_20] : memref<1576x384xf32, #tpu.memory_space<hbm>> -> memref<8x384xf32, #tpu.memory_space<hbm>>
        %dma_wait3A_22 = arith.constant 1568 : i32
        %dma_wait3A_23 = arith.constant 0 : i32
        %dma_wait3A_24 = tpu.memref_slice %arg2[%dma_wait3A_22, %dma_wait3A_23] : memref<1576x384xf32, #tpu.memory_space<hbm>> -> memref<8x384xf32, #tpu.memory_space<hbm>>
        tpu.wait_dma2 semaphore(%run_scoped3A : memref<!tpu.dma_semaphore, #tpu.memory_space<semaphore_mem>>) src(%dma_wait3A_24 : memref<8x384xf32, #tpu.memory_space<hbm>>) dst(%arg8 : memref<8x384xf32, #tpu.memory_space<vmem>>)
        tpu.yield
      }) : () -> ()
      %dma_start3A = arith.constant 0 : i32
      %dma_start3A_9 = arith.constant 0 : i32
      %dma_start3A_10 = tpu.memref_slice %arg4[%dma_start3A, %dma_start3A_9] : memref<1792x384xf32, #tpu.memory_space<hbm>> -> memref<1792x384xf32, #tpu.memory_space<hbm>>
      tpu.enqueue_indirect_dma source(%arg8 : memref<8x384xf32, #tpu.memory_space<vmem>>) target(%dma_start3A_10 : memref<1792x384xf32, #tpu.memory_space<hbm>>) offsets(%arg7 : memref<8xi32, #tpu.memory_space<vmem>>) semaphore(%arg9 : memref<!tpu.dma_semaphore, #tpu.memory_space<semaphore_mem>>)
      %dma_wait3A = arith.constant 0 : i32
      %dma_wait3A_11 = arith.constant 0 : i32
      %dma_wait3A_12 = tpu.memref_slice %arg4[%dma_wait3A, %dma_wait3A_11] : memref<1792x384xf32, #tpu.memory_space<hbm>> -> memref<1792x384xf32, #tpu.memory_space<hbm>>
      tpu.wait_indirect_dma semaphore(%arg9 : memref<!tpu.dma_semaphore, #tpu.memory_space<semaphore_mem>>) src(%arg8 : memref<8x384xf32, #tpu.memory_space<vmem>>) dst(%dma_wait3A_12 : memref<1792x384xf32, #tpu.memory_space<hbm>>)
    } else {
    }
    return
  }
}

#map = affine_map<(d0, d1) -> (0, 0)>
#map1 = affine_map<(d0, d1) -> (0)>
module attributes {stable_mosaic.version = 14 : i64} {
  func.func @sc_scatter(%arg0: i32, %arg1: i32, %arg2: memref<1576x384xf32, #tpu.memory_space<hbm>>, %arg3: memref<1576xi32, #tpu.memory_space<hbm>>, %arg4: memref<1792x384xf32, #tpu.memory_space<hbm>>, %arg5: memref<56xi32, #tpu.memory_space<vmem>>, %arg6: memref<56x384xf32, #tpu.memory_space<vmem>>, %arg7: memref<8xi32, #tpu.memory_space<vmem>>, %arg8: memref<8x384xf32, #tpu.memory_space<vmem>>, %arg9: memref<!tpu.dma_semaphore, #tpu.memory_space<semaphore_mem>>) attributes {dimension_semantics = [#tpu.dimension_semantics<core_parallel>, #tpu.dimension_semantics<subcore_parallel>], iteration_bounds = array<i64: 2, 16>, scalar_prefetch = 0 : i64, scratch_operands = 5 : i64, tpu.core_type = #tpu.core_type<sc_vector_subcore>, window_params = [{transform_indices = #map}, {transform_indices = #map1}, {transform_indices = #map}]} {
    %mul3A = arith.constant 2 : i32
    %mul3A_0 = arith.muli %arg1, %mul3A : i32
    %add3A = arith.addi %mul3A_0, %arg0 : i32
    %mul3A_1 = arith.constant 56 : i32
    %mul3A_2 = arith.muli %add3A, %mul3A_1 : i32
    %lt3A = arith.constant 28 : i32
    %lt3A_3 = arith.cmpi slt, %add3A, %lt3A : i32
    %convert_element_type3A = arith.extui %lt3A_3 : i1 to i32
    %cond3A = arith.constant 0 : i32
    %cond3A_4 = arith.cmpi ne, %convert_element_type3A, %cond3A : i32
    scf.if %cond3A_4 {
      "tpu.region"() ({
        %run_scoped3A = tpu.sem_alloc : memref<!tpu.dma_semaphore, #tpu.memory_space<semaphore_mem>>
        %dma_start3A_13 = tpu.memref_slice %arg3[%mul3A_2] : memref<1576xi32, #tpu.memory_space<hbm>> -> memref<56xi32, #tpu.memory_space<hbm>>
        %dma_start3A_14 = tpu.memref_slice %arg3[%mul3A_2] : memref<1576xi32, #tpu.memory_space<hbm>> -> memref<56xi32, #tpu.memory_space<hbm>>
        tpu.enqueue_dma source(%dma_start3A_14 : memref<56xi32, #tpu.memory_space<hbm>>) target(%arg5 : memref<56xi32, #tpu.memory_space<vmem>>) target_semaphore(%run_scoped3A : memref<!tpu.dma_semaphore, #tpu.memory_space<semaphore_mem>>)
        %dma_wait3A_15 = tpu.memref_slice %arg3[%mul3A_2] : memref<1576xi32, #tpu.memory_space<hbm>> -> memref<56xi32, #tpu.memory_space<hbm>>
        %dma_wait3A_16 = tpu.memref_slice %arg3[%mul3A_2] : memref<1576xi32, #tpu.memory_space<hbm>> -> memref<56xi32, #tpu.memory_space<hbm>>
        tpu.wait_dma2 semaphore(%run_scoped3A : memref<!tpu.dma_semaphore, #tpu.memory_space<semaphore_mem>>) src(%dma_wait3A_16 : memref<56xi32, #tpu.memory_space<hbm>>) dst(%arg5 : memref<56xi32, #tpu.memory_space<vmem>>)
        tpu.yield
      }) : () -> ()
      "tpu.region"() ({
        %run_scoped3A = tpu.sem_alloc : memref<!tpu.dma_semaphore, #tpu.memory_space<semaphore_mem>>
        %dma_start3A_13 = arith.constant 0 : i32
        %dma_start3A_14 = tpu.memref_slice %arg2[%mul3A_2, %dma_start3A_13] : memref<1576x384xf32, #tpu.memory_space<hbm>> -> memref<56x384xf32, #tpu.memory_space<hbm>>
        %dma_start3A_15 = arith.constant 0 : i32
        %dma_start3A_16 = tpu.memref_slice %arg2[%mul3A_2, %dma_start3A_15] : memref<1576x384xf32, #tpu.memory_space<hbm>> -> memref<56x384xf32, #tpu.memory_space<hbm>>
        tpu.enqueue_dma source(%dma_start3A_16 : memref<56x384xf32, #tpu.memory_space<hbm>>) target(%arg6 : memref<56x384xf32, #tpu.memory_space<vmem>>) target_semaphore(%run_scoped3A : memref<!tpu.dma_semaphore, #tpu.memory_space<semaphore_mem>>)
        %dma_wait3A_17 = arith.constant 0 : i32
        %dma_wait3A_18 = tpu.memref_slice %arg2[%mul3A_2, %dma_wait3A_17] : memref<1576x384xf32, #tpu.memory_space<hbm>> -> memref<56x384xf32, #tpu.memory_space<hbm>>
        %dma_wait3A_19 = arith.constant 0 : i32
        %dma_wait3A_20 = tpu.memref_slice %arg2[%mul3A_2, %dma_wait3A_19] : memref<1576x384xf32, #tpu.memory_space<hbm>> -> memref<56x384xf32, #tpu.memory_space<hbm>>
        tpu.wait_dma2 semaphore(%run_scoped3A : memref<!tpu.dma_semaphore, #tpu.memory_space<semaphore_mem>>) src(%dma_wait3A_20 : memref<56x384xf32, #tpu.memory_space<hbm>>) dst(%arg6 : memref<56x384xf32, #tpu.memory_space<vmem>>)
        tpu.yield
      }) : () -> ()
      %dma_start3A = arith.constant 0 : i32
      %dma_start3A_9 = arith.constant 0 : i32
      %dma_start3A_10 = tpu.memref_slice %arg4[%dma_start3A, %dma_start3A_9] : memref<1792x384xf32, #tpu.memory_space<hbm>> -> memref<1792x384xf32, #tpu.memory_space<hbm>>
      tpu.enqueue_indirect_dma source(%arg6 : memref<56x384xf32, #tpu.memory_space<vmem>>) target(%dma_start3A_10 : memref<1792x384xf32, #tpu.memory_space<hbm>>) offsets(%arg5 : memref<56xi32, #tpu.memory_space<vmem>>) semaphore(%arg9 : memref<!tpu.dma_semaphore, #tpu.memory_space<semaphore_mem>>)
      %dma_wait3A = arith.constant 0 : i32
      %dma_wait3A_11 = arith.constant 0 : i32
      %dma_wait3A_12 = tpu.memref_slice %arg4[%dma_wait3A, %dma_wait3A_11] : memref<1792x384xf32, #tpu.memory_space<hbm>> -> memref<1792x384xf32, #tpu.memory_space<hbm>>
      tpu.wait_indirect_dma semaphore(%arg9 : memref<!tpu.dma_semaphore, #tpu.memory_space<semaphore_mem>>) src(%arg6 : memref<56x384xf32, #tpu.memory_space<vmem>>) dst(%dma_wait3A_12 : memref<1792x384xf32, #tpu.memory_space<hbm>>)
    } else {
    }
    %eq3A = arith.constant 28 : i32
    %eq3A_5 = arith.cmpi eq, %add3A, %eq3A : i32
    %convert_element_type3A_6 = arith.extui %eq3A_5 : i1 to i32
    %cond3A_7 = arith.constant 0 : i32
    %cond3A_8 = arith.cmpi ne, %convert_element_type3A_6, %cond3A_7 : i32
    scf.if %cond3A_8 {
      "tpu.region"() ({
        %run_scoped3A = tpu.sem_alloc : memref<!tpu.dma_semaphore, #tpu.memory_space<semaphore_mem>>
        %dma_start3A_13 = arith.constant 1568 : i32
        %dma_start3A_14 = tpu.memref_slice %arg3[%dma_start3A_13] : memref<1576xi32, #tpu.memory_space<hbm>> -> memref<8xi32, #tpu.memory_space<hbm>>
        %dma_start3A_15 = arith.constant 1568 : i32
        %dma_start3A_16 = tpu.memref_slice %arg3[%dma_start3A_15] : memref<1576xi32, #tpu.memory_space<hbm>> -> memref<8xi32, #tpu.memory_space<hbm>>
        tpu.enqueue_dma source(%dma_start3A_16 : memref<8xi32, #tpu.memory_space<hbm>>) target(%arg7 : memref<8xi32, #tpu.memory_space<vmem>>) target_semaphore(%run_scoped3A : memref<!tpu.dma_semaphore, #tpu.memory_space<semaphore_mem>>)
        %dma_wait3A_17 = arith.constant 1568 : i32
        %dma_wait3A_18 = tpu.memref_slice %arg3[%dma_wait3A_17] : memref<1576xi32, #tpu.memory_space<hbm>> -> memref<8xi32, #tpu.memory_space<hbm>>
        %dma_wait3A_19 = arith.constant 1568 : i32
        %dma_wait3A_20 = tpu.memref_slice %arg3[%dma_wait3A_19] : memref<1576xi32, #tpu.memory_space<hbm>> -> memref<8xi32, #tpu.memory_space<hbm>>
        tpu.wait_dma2 semaphore(%run_scoped3A : memref<!tpu.dma_semaphore, #tpu.memory_space<semaphore_mem>>) src(%dma_wait3A_20 : memref<8xi32, #tpu.memory_space<hbm>>) dst(%arg7 : memref<8xi32, #tpu.memory_space<vmem>>)
        tpu.yield
      }) : () -> ()
      "tpu.region"() ({
        %run_scoped3A = tpu.sem_alloc : memref<!tpu.dma_semaphore, #tpu.memory_space<semaphore_mem>>
        %dma_start3A_13 = arith.constant 1568 : i32
        %dma_start3A_14 = arith.constant 0 : i32
        %dma_start3A_15 = tpu.memref_slice %arg2[%dma_start3A_13, %dma_start3A_14] : memref<1576x384xf32, #tpu.memory_space<hbm>> -> memref<8x384xf32, #tpu.memory_space<hbm>>
        %dma_start3A_16 = arith.constant 1568 : i32
        %dma_start3A_17 = arith.constant 0 : i32
        %dma_start3A_18 = tpu.memref_slice %arg2[%dma_start3A_16, %dma_start3A_17] : memref<1576x384xf32, #tpu.memory_space<hbm>> -> memref<8x384xf32, #tpu.memory_space<hbm>>
        tpu.enqueue_dma source(%dma_start3A_18 : memref<8x384xf32, #tpu.memory_space<hbm>>) target(%arg8 : memref<8x384xf32, #tpu.memory_space<vmem>>) target_semaphore(%run_scoped3A : memref<!tpu.dma_semaphore, #tpu.memory_space<semaphore_mem>>)
        %dma_wait3A_19 = arith.constant 1568 : i32
        %dma_wait3A_20 = arith.constant 0 : i32
        %dma_wait3A_21 = tpu.memref_slice %arg2[%dma_wait3A_19, %dma_wait3A_20] : memref<1576x384xf32, #tpu.memory_space<hbm>> -> memref<8x384xf32, #tpu.memory_space<hbm>>
        %dma_wait3A_22 = arith.constant 1568 : i32
        %dma_wait3A_23 = arith.constant 0 : i32
        %dma_wait3A_24 = tpu.memref_slice %arg2[%dma_wait3A_22, %dma_wait3A_23] : memref<1576x384xf32, #tpu.memory_space<hbm>> -> memref<8x384xf32, #tpu.memory_space<hbm>>
        tpu.wait_dma2 semaphore(%run_scoped3A : memref<!tpu.dma_semaphore, #tpu.memory_space<semaphore_mem>>) src(%dma_wait3A_24 : memref<8x384xf32, #tpu.memory_space<hbm>>) dst(%arg8 : memref<8x384xf32, #tpu.memory_space<vmem>>)
        tpu.yield
      }) : () -> ()
      %dma_start3A = arith.constant 0 : i32
      %dma_start3A_9 = arith.constant 0 : i32
      %dma_start3A_10 = tpu.memref_slice %arg4[%dma_start3A, %dma_start3A_9] : memref<1792x384xf32, #tpu.memory_space<hbm>> -> memref<1792x384xf32, #tpu.memory_space<hbm>>
      tpu.enqueue_indirect_dma source(%arg8 : memref<8x384xf32, #tpu.memory_space<vmem>>) target(%dma_start3A_10 : memref<1792x384xf32, #tpu.memory_space<hbm>>) offsets(%arg7 : memref<8xi32, #tpu.memory_space<vmem>>) semaphore(%arg9 : memref<!tpu.dma_semaphore, #tpu.memory_space<semaphore_mem>>)
      %dma_wait3A = arith.constant 0 : i32
      %dma_wait3A_11 = arith.constant 0 : i32
      %dma_wait3A_12 = tpu.memref_slice %arg4[%dma_wait3A, %dma_wait3A_11] : memref<1792x384xf32, #tpu.memory_space<hbm>> -> memref<1792x384xf32, #tpu.memory_space<hbm>>
      tpu.wait_indirect_dma semaphore(%arg9 : memref<!tpu.dma_semaphore, #tpu.memory_space<semaphore_mem>>) src(%arg8 : memref<8x384xf32, #tpu.memory_space<vmem>>) dst(%dma_wait3A_12 : memref<1792x384xf32, #tpu.memory_space<hbm>>)
    } else {
    }
    return
  }
}

module attributes {stable_mosaic.version = 14 : i64} {
  func.func @_attn_body(%arg0: i32, %arg1: memref<1x197x384xf32, #tpu.memory_space<vmem>>, %arg2: memref<1x1152x384xf32, #tpu.memory_space<vmem>>, %arg3: memref<1x1x1152xf32, #tpu.memory_space<vmem>>, %arg4: memref<1x384x384xf32, #tpu.memory_space<vmem>>, %arg5: memref<1x1x384xf32, #tpu.memory_space<vmem>>, %arg6: memref<1x1x384xf32, #tpu.memory_space<vmem>>, %arg7: memref<1x1x384xf32, #tpu.memory_space<vmem>>, %arg8: memref<1x197x384xf32, #tpu.memory_space<vmem>>) attributes {dimension_semantics = [#tpu.dimension_semantics<arbitrary>], iteration_bounds = array<i64: 8>, scalar_prefetch = 0 : i64, scratch_operands = 0 : i64, tpu.core_type = #tpu.core_type<tc>, window_params = [{transform_indices = @transform_0, window_bounds = array<i64: 1, 197, 384>}, {transform_indices = @transform_1, window_bounds = array<i64: 1, 1152, 384>}, {transform_indices = @transform_2, window_bounds = array<i64: 1, 1, 1152>}, {transform_indices = @transform_3, window_bounds = array<i64: 1, 384, 384>}, {transform_indices = @transform_4, window_bounds = array<i64: 1, 1, 384>}, {transform_indices = @transform_5, window_bounds = array<i64: 1, 1, 384>}, {transform_indices = @transform_6, window_bounds = array<i64: 1, 1, 384>}, {transform_indices = @transform_7, window_bounds = array<i64: 1, 197, 384>}]} {
    %get3A = arith.constant 0 : index
    %get3A_0 = arith.constant 0 : index
    %get3A_1 = arith.constant 0 : index
    %get3A_2 = vector.load %arg1[%get3A, %get3A_0, %get3A_1] : memref<1x197x384xf32, #tpu.memory_space<vmem>>, vector<1x197x384xf32>
    %get3A_3 = vector.shape_cast %get3A_2 : vector<1x197x384xf32> to vector<197x384xf32>
    %get3A_4 = arith.constant 0 : index
    %get3A_5 = arith.constant 0 : index
    %get3A_6 = arith.constant 0 : index
    %get3A_7 = vector.load %arg2[%get3A_4, %get3A_5, %get3A_6] : memref<1x1152x384xf32, #tpu.memory_space<vmem>>, vector<1x1152x384xf32>
    %get3A_8 = vector.shape_cast %get3A_7 : vector<1x1152x384xf32> to vector<1152x384xf32>
    %dot_general3A = arith.constant dense<0.000000e+00> : vector<197x1152xf32>
    %dot_general3A_9 = tpu.matmul %get3A_3, %get3A_8, %dot_general3A {dimension_numbers = #tpu.dot_dimension_numbers<[1], [1], [0], [0], [0, 0, 1, 0], [], []>, transpose_lhs_hint = false} : vector<197x384xf32>, vector<1152x384xf32>, vector<197x1152xf32> -> vector<197x1152xf32>
    %get3A_10 = arith.constant 0 : index
    %get3A_11 = arith.constant 0 : index
    %get3A_12 = arith.constant 0 : index
    %get3A_13 = vector.load %arg3[%get3A_10, %get3A_11, %get3A_12] : memref<1x1x1152xf32, #tpu.memory_space<vmem>>, vector<1x1x1152xf32>
    %get3A_14 = vector.shape_cast %get3A_13 : vector<1x1x1152xf32> to vector<1x1152xf32>
    %add3A = vector.broadcast %get3A_14 : vector<1x1152xf32> to vector<197x1152xf32>
    %add3A_15 = arith.addf %dot_general3A_9, %add3A : vector<197x1152xf32>
    %sqrt3A = arith.constant 3.200000e+01 : f32
    %sqrt3A_16 = math.sqrt %sqrt3A : f32
    %div3A = arith.constant 1.000000e+00 : f32
    %div3A_17 = arith.divf %div3A, %sqrt3A_16 : f32
    %slice3A = vector.extract_strided_slice %add3A_15 {offsets = [0, 0], sizes = [197, 32], strides = [1, 1]} : vector<197x1152xf32> to vector<197x32xf32>
    %mul3A = vector.broadcast %div3A_17 : f32 to vector<197x32xf32>
    %mul3A_18 = arith.mulf %slice3A, %mul3A : vector<197x32xf32>
    %slice3A_19 = vector.extract_strided_slice %add3A_15 {offsets = [0, 384], sizes = [197, 32], strides = [1, 1]} : vector<197x1152xf32> to vector<197x32xf32>
    %slice3A_20 = vector.extract_strided_slice %add3A_15 {offsets = [0, 768], sizes = [197, 32], strides = [1, 1]} : vector<197x1152xf32> to vector<197x32xf32>
    %dot_general3A_21 = arith.constant dense<0.000000e+00> : vector<197x197xf32>
    %dot_general3A_22 = tpu.matmul %mul3A_18, %slice3A_19, %dot_general3A_21 {dimension_numbers = #tpu.dot_dimension_numbers<[1], [1], [0], [0], [0, 0, 1, 0], [], []>, transpose_lhs_hint = false} : vector<197x32xf32>, vector<197x32xf32>, vector<197x197xf32> -> vector<197x197xf32>
    %reduce_max3A = arith.constant dense<0xFF800000> : vector<197xf32>
    %reduce_max3A_23 = vector.multi_reduction <maximumf>, %dot_general3A_22, %reduce_max3A [1] : vector<197x197xf32> to vector<197xf32>
    %broadcast_in_dim3A = vector.shape_cast %reduce_max3A_23 : vector<197xf32> to vector<197x1xf32>
    %sub3A = vector.broadcast %broadcast_in_dim3A : vector<197x1xf32> to vector<197x197xf32>
    %sub3A_24 = arith.subf %dot_general3A_22, %sub3A : vector<197x197xf32>
    %exp3A = math.exp %sub3A_24 : vector<197x197xf32>
    %reduce_sum3A = arith.constant dense<0.000000e+00> : vector<197xf32>
    %reduce_sum3A_25 = vector.multi_reduction <add>, %exp3A, %reduce_sum3A [1] : vector<197x197xf32> to vector<197xf32>
    %broadcast_in_dim3A_26 = vector.shape_cast %reduce_sum3A_25 : vector<197xf32> to vector<197x1xf32>
    %div3A_27 = arith.constant 1.000000e+00 : f32
    %div3A_28 = vector.broadcast %div3A_27 : f32 to vector<197x1xf32>
    %div3A_29 = arith.divf %div3A_28, %broadcast_in_dim3A_26 : vector<197x1xf32>
    %mul3A_30 = vector.broadcast %div3A_29 : vector<197x1xf32> to vector<197x197xf32>
    %mul3A_31 = arith.mulf %exp3A, %mul3A_30 : vector<197x197xf32>
    %dot_general3A_32 = arith.constant dense<0.000000e+00> : vector<197x32xf32>
    %dot_general3A_33 = tpu.matmul %mul3A_31, %slice3A_20, %dot_general3A_32 {dimension_numbers = #tpu.dot_dimension_numbers<[1], [0], [0], [1], [0, 0, 1, 1], [], []>, transpose_lhs_hint = false} : vector<197x197xf32>, vector<197x32xf32>, vector<197x32xf32> -> vector<197x32xf32>
    %slice3A_34 = vector.extract_strided_slice %add3A_15 {offsets = [0, 32], sizes = [197, 32], strides = [1, 1]} : vector<197x1152xf32> to vector<197x32xf32>
    %mul3A_35 = vector.broadcast %div3A_17 : f32 to vector<197x32xf32>
    %mul3A_36 = arith.mulf %slice3A_34, %mul3A_35 : vector<197x32xf32>
    %slice3A_37 = vector.extract_strided_slice %add3A_15 {offsets = [0, 416], sizes = [197, 32], strides = [1, 1]} : vector<197x1152xf32> to vector<197x32xf32>
    %slice3A_38 = vector.extract_strided_slice %add3A_15 {offsets = [0, 800], sizes = [197, 32], strides = [1, 1]} : vector<197x1152xf32> to vector<197x32xf32>
    %dot_general3A_39 = arith.constant dense<0.000000e+00> : vector<197x197xf32>
    %dot_general3A_40 = tpu.matmul %mul3A_36, %slice3A_37, %dot_general3A_39 {dimension_numbers = #tpu.dot_dimension_numbers<[1], [1], [0], [0], [0, 0, 1, 0], [], []>, transpose_lhs_hint = false} : vector<197x32xf32>, vector<197x32xf32>, vector<197x197xf32> -> vector<197x197xf32>
    %reduce_max3A_41 = arith.constant dense<0xFF800000> : vector<197xf32>
    %reduce_max3A_42 = vector.multi_reduction <maximumf>, %dot_general3A_40, %reduce_max3A_41 [1] : vector<197x197xf32> to vector<197xf32>
    %broadcast_in_dim3A_43 = vector.shape_cast %reduce_max3A_42 : vector<197xf32> to vector<197x1xf32>
    %sub3A_44 = vector.broadcast %broadcast_in_dim3A_43 : vector<197x1xf32> to vector<197x197xf32>
    %sub3A_45 = arith.subf %dot_general3A_40, %sub3A_44 : vector<197x197xf32>
    %exp3A_46 = math.exp %sub3A_45 : vector<197x197xf32>
    %reduce_sum3A_47 = arith.constant dense<0.000000e+00> : vector<197xf32>
    %reduce_sum3A_48 = vector.multi_reduction <add>, %exp3A_46, %reduce_sum3A_47 [1] : vector<197x197xf32> to vector<197xf32>
    %broadcast_in_dim3A_49 = vector.shape_cast %reduce_sum3A_48 : vector<197xf32> to vector<197x1xf32>
    %div3A_50 = arith.constant 1.000000e+00 : f32
    %div3A_51 = vector.broadcast %div3A_50 : f32 to vector<197x1xf32>
    %div3A_52 = arith.divf %div3A_51, %broadcast_in_dim3A_49 : vector<197x1xf32>
    %mul3A_53 = vector.broadcast %div3A_52 : vector<197x1xf32> to vector<197x197xf32>
    %mul3A_54 = arith.mulf %exp3A_46, %mul3A_53 : vector<197x197xf32>
    %dot_general3A_55 = arith.constant dense<0.000000e+00> : vector<197x32xf32>
    %dot_general3A_56 = tpu.matmul %mul3A_54, %slice3A_38, %dot_general3A_55 {dimension_numbers = #tpu.dot_dimension_numbers<[1], [0], [0], [1], [0, 0, 1, 1], [], []>, transpose_lhs_hint = false} : vector<197x197xf32>, vector<197x32xf32>, vector<197x32xf32> -> vector<197x32xf32>
    %slice3A_57 = vector.extract_strided_slice %add3A_15 {offsets = [0, 64], sizes = [197, 32], strides = [1, 1]} : vector<197x1152xf32> to vector<197x32xf32>
    %mul3A_58 = vector.broadcast %div3A_17 : f32 to vector<197x32xf32>
    %mul3A_59 = arith.mulf %slice3A_57, %mul3A_58 : vector<197x32xf32>
    %slice3A_60 = vector.extract_strided_slice %add3A_15 {offsets = [0, 448], sizes = [197, 32], strides = [1, 1]} : vector<197x1152xf32> to vector<197x32xf32>
    %slice3A_61 = vector.extract_strided_slice %add3A_15 {offsets = [0, 832], sizes = [197, 32], strides = [1, 1]} : vector<197x1152xf32> to vector<197x32xf32>
    %dot_general3A_62 = arith.constant dense<0.000000e+00> : vector<197x197xf32>
    %dot_general3A_63 = tpu.matmul %mul3A_59, %slice3A_60, %dot_general3A_62 {dimension_numbers = #tpu.dot_dimension_numbers<[1], [1], [0], [0], [0, 0, 1, 0], [], []>, transpose_lhs_hint = false} : vector<197x32xf32>, vector<197x32xf32>, vector<197x197xf32> -> vector<197x197xf32>
    %reduce_max3A_64 = arith.constant dense<0xFF800000> : vector<197xf32>
    %reduce_max3A_65 = vector.multi_reduction <maximumf>, %dot_general3A_63, %reduce_max3A_64 [1] : vector<197x197xf32> to vector<197xf32>
    %broadcast_in_dim3A_66 = vector.shape_cast %reduce_max3A_65 : vector<197xf32> to vector<197x1xf32>
    %sub3A_67 = vector.broadcast %broadcast_in_dim3A_66 : vector<197x1xf32> to vector<197x197xf32>
    %sub3A_68 = arith.subf %dot_general3A_63, %sub3A_67 : vector<197x197xf32>
    %exp3A_69 = math.exp %sub3A_68 : vector<197x197xf32>
    %reduce_sum3A_70 = arith.constant dense<0.000000e+00> : vector<197xf32>
    %reduce_sum3A_71 = vector.multi_reduction <add>, %exp3A_69, %reduce_sum3A_70 [1] : vector<197x197xf32> to vector<197xf32>
    %broadcast_in_dim3A_72 = vector.shape_cast %reduce_sum3A_71 : vector<197xf32> to vector<197x1xf32>
    %div3A_73 = arith.constant 1.000000e+00 : f32
    %div3A_74 = vector.broadcast %div3A_73 : f32 to vector<197x1xf32>
    %div3A_75 = arith.divf %div3A_74, %broadcast_in_dim3A_72 : vector<197x1xf32>
    %mul3A_76 = vector.broadcast %div3A_75 : vector<197x1xf32> to vector<197x197xf32>
    %mul3A_77 = arith.mulf %exp3A_69, %mul3A_76 : vector<197x197xf32>
    %dot_general3A_78 = arith.constant dense<0.000000e+00> : vector<197x32xf32>
    %dot_general3A_79 = tpu.matmul %mul3A_77, %slice3A_61, %dot_general3A_78 {dimension_numbers = #tpu.dot_dimension_numbers<[1], [0], [0], [1], [0, 0, 1, 1], [], []>, transpose_lhs_hint = false} : vector<197x197xf32>, vector<197x32xf32>, vector<197x32xf32> -> vector<197x32xf32>
    %slice3A_80 = vector.extract_strided_slice %add3A_15 {offsets = [0, 96], sizes = [197, 32], strides = [1, 1]} : vector<197x1152xf32> to vector<197x32xf32>
    %mul3A_81 = vector.broadcast %div3A_17 : f32 to vector<197x32xf32>
    %mul3A_82 = arith.mulf %slice3A_80, %mul3A_81 : vector<197x32xf32>
    %slice3A_83 = vector.extract_strided_slice %add3A_15 {offsets = [0, 480], sizes = [197, 32], strides = [1, 1]} : vector<197x1152xf32> to vector<197x32xf32>
    %slice3A_84 = vector.extract_strided_slice %add3A_15 {offsets = [0, 864], sizes = [197, 32], strides = [1, 1]} : vector<197x1152xf32> to vector<197x32xf32>
    %dot_general3A_85 = arith.constant dense<0.000000e+00> : vector<197x197xf32>
    %dot_general3A_86 = tpu.matmul %mul3A_82, %slice3A_83, %dot_general3A_85 {dimension_numbers = #tpu.dot_dimension_numbers<[1], [1], [0], [0], [0, 0, 1, 0], [], []>, transpose_lhs_hint = false} : vector<197x32xf32>, vector<197x32xf32>, vector<197x197xf32> -> vector<197x197xf32>
    %reduce_max3A_87 = arith.constant dense<0xFF800000> : vector<197xf32>
    %reduce_max3A_88 = vector.multi_reduction <maximumf>, %dot_general3A_86, %reduce_max3A_87 [1] : vector<197x197xf32> to vector<197xf32>
    %broadcast_in_dim3A_89 = vector.shape_cast %reduce_max3A_88 : vector<197xf32> to vector<197x1xf32>
    %sub3A_90 = vector.broadcast %broadcast_in_dim3A_89 : vector<197x1xf32> to vector<197x197xf32>
    %sub3A_91 = arith.subf %dot_general3A_86, %sub3A_90 : vector<197x197xf32>
    %exp3A_92 = math.exp %sub3A_91 : vector<197x197xf32>
    %reduce_sum3A_93 = arith.constant dense<0.000000e+00> : vector<197xf32>
    %reduce_sum3A_94 = vector.multi_reduction <add>, %exp3A_92, %reduce_sum3A_93 [1] : vector<197x197xf32> to vector<197xf32>
    %broadcast_in_dim3A_95 = vector.shape_cast %reduce_sum3A_94 : vector<197xf32> to vector<197x1xf32>
    %div3A_96 = arith.constant 1.000000e+00 : f32
    %div3A_97 = vector.broadcast %div3A_96 : f32 to vector<197x1xf32>
    %div3A_98 = arith.divf %div3A_97, %broadcast_in_dim3A_95 : vector<197x1xf32>
    %mul3A_99 = vector.broadcast %div3A_98 : vector<197x1xf32> to vector<197x197xf32>
    %mul3A_100 = arith.mulf %exp3A_92, %mul3A_99 : vector<197x197xf32>
    %dot_general3A_101 = arith.constant dense<0.000000e+00> : vector<197x32xf32>
    %dot_general3A_102 = tpu.matmul %mul3A_100, %slice3A_84, %dot_general3A_101 {dimension_numbers = #tpu.dot_dimension_numbers<[1], [0], [0], [1], [0, 0, 1, 1], [], []>, transpose_lhs_hint = false} : vector<197x197xf32>, vector<197x32xf32>, vector<197x32xf32> -> vector<197x32xf32>
    %slice3A_103 = vector.extract_strided_slice %add3A_15 {offsets = [0, 128], sizes = [197, 32], strides = [1, 1]} : vector<197x1152xf32> to vector<197x32xf32>
    %mul3A_104 = vector.broadcast %div3A_17 : f32 to vector<197x32xf32>
    %mul3A_105 = arith.mulf %slice3A_103, %mul3A_104 : vector<197x32xf32>
    %slice3A_106 = vector.extract_strided_slice %add3A_15 {offsets = [0, 512], sizes = [197, 32], strides = [1, 1]} : vector<197x1152xf32> to vector<197x32xf32>
    %slice3A_107 = vector.extract_strided_slice %add3A_15 {offsets = [0, 896], sizes = [197, 32], strides = [1, 1]} : vector<197x1152xf32> to vector<197x32xf32>
    %dot_general3A_108 = arith.constant dense<0.000000e+00> : vector<197x197xf32>
    %dot_general3A_109 = tpu.matmul %mul3A_105, %slice3A_106, %dot_general3A_108 {dimension_numbers = #tpu.dot_dimension_numbers<[1], [1], [0], [0], [0, 0, 1, 0], [], []>, transpose_lhs_hint = false} : vector<197x32xf32>, vector<197x32xf32>, vector<197x197xf32> -> vector<197x197xf32>
    %reduce_max3A_110 = arith.constant dense<0xFF800000> : vector<197xf32>
    %reduce_max3A_111 = vector.multi_reduction <maximumf>, %dot_general3A_109, %reduce_max3A_110 [1] : vector<197x197xf32> to vector<197xf32>
    %broadcast_in_dim3A_112 = vector.shape_cast %reduce_max3A_111 : vector<197xf32> to vector<197x1xf32>
    %sub3A_113 = vector.broadcast %broadcast_in_dim3A_112 : vector<197x1xf32> to vector<197x197xf32>
    %sub3A_114 = arith.subf %dot_general3A_109, %sub3A_113 : vector<197x197xf32>
    %exp3A_115 = math.exp %sub3A_114 : vector<197x197xf32>
    %reduce_sum3A_116 = arith.constant dense<0.000000e+00> : vector<197xf32>
    %reduce_sum3A_117 = vector.multi_reduction <add>, %exp3A_115, %reduce_sum3A_116 [1] : vector<197x197xf32> to vector<197xf32>
    %broadcast_in_dim3A_118 = vector.shape_cast %reduce_sum3A_117 : vector<197xf32> to vector<197x1xf32>
    %div3A_119 = arith.constant 1.000000e+00 : f32
    %div3A_120 = vector.broadcast %div3A_119 : f32 to vector<197x1xf32>
    %div3A_121 = arith.divf %div3A_120, %broadcast_in_dim3A_118 : vector<197x1xf32>
    %mul3A_122 = vector.broadcast %div3A_121 : vector<197x1xf32> to vector<197x197xf32>
    %mul3A_123 = arith.mulf %exp3A_115, %mul3A_122 : vector<197x197xf32>
    %dot_general3A_124 = arith.constant dense<0.000000e+00> : vector<197x32xf32>
    %dot_general3A_125 = tpu.matmul %mul3A_123, %slice3A_107, %dot_general3A_124 {dimension_numbers = #tpu.dot_dimension_numbers<[1], [0], [0], [1], [0, 0, 1, 1], [], []>, transpose_lhs_hint = false} : vector<197x197xf32>, vector<197x32xf32>, vector<197x32xf32> -> vector<197x32xf32>
    %slice3A_126 = vector.extract_strided_slice %add3A_15 {offsets = [0, 160], sizes = [197, 32], strides = [1, 1]} : vector<197x1152xf32> to vector<197x32xf32>
    %mul3A_127 = vector.broadcast %div3A_17 : f32 to vector<197x32xf32>
    %mul3A_128 = arith.mulf %slice3A_126, %mul3A_127 : vector<197x32xf32>
    %slice3A_129 = vector.extract_strided_slice %add3A_15 {offsets = [0, 544], sizes = [197, 32], strides = [1, 1]} : vector<197x1152xf32> to vector<197x32xf32>
    %slice3A_130 = vector.extract_strided_slice %add3A_15 {offsets = [0, 928], sizes = [197, 32], strides = [1, 1]} : vector<197x1152xf32> to vector<197x32xf32>
    %dot_general3A_131 = arith.constant dense<0.000000e+00> : vector<197x197xf32>
    %dot_general3A_132 = tpu.matmul %mul3A_128, %slice3A_129, %dot_general3A_131 {dimension_numbers = #tpu.dot_dimension_numbers<[1], [1], [0], [0], [0, 0, 1, 0], [], []>, transpose_lhs_hint = false} : vector<197x32xf32>, vector<197x32xf32>, vector<197x197xf32> -> vector<197x197xf32>
    %reduce_max3A_133 = arith.constant dense<0xFF800000> : vector<197xf32>
    %reduce_max3A_134 = vector.multi_reduction <maximumf>, %dot_general3A_132, %reduce_max3A_133 [1] : vector<197x197xf32> to vector<197xf32>
    %broadcast_in_dim3A_135 = vector.shape_cast %reduce_max3A_134 : vector<197xf32> to vector<197x1xf32>
    %sub3A_136 = vector.broadcast %broadcast_in_dim3A_135 : vector<197x1xf32> to vector<197x197xf32>
    %sub3A_137 = arith.subf %dot_general3A_132, %sub3A_136 : vector<197x197xf32>
    %exp3A_138 = math.exp %sub3A_137 : vector<197x197xf32>
    %reduce_sum3A_139 = arith.constant dense<0.000000e+00> : vector<197xf32>
    %reduce_sum3A_140 = vector.multi_reduction <add>, %exp3A_138, %reduce_sum3A_139 [1] : vector<197x197xf32> to vector<197xf32>
    %broadcast_in_dim3A_141 = vector.shape_cast %reduce_sum3A_140 : vector<197xf32> to vector<197x1xf32>
    %div3A_142 = arith.constant 1.000000e+00 : f32
    %div3A_143 = vector.broadcast %div3A_142 : f32 to vector<197x1xf32>
    %div3A_144 = arith.divf %div3A_143, %broadcast_in_dim3A_141 : vector<197x1xf32>
    %mul3A_145 = vector.broadcast %div3A_144 : vector<197x1xf32> to vector<197x197xf32>
    %mul3A_146 = arith.mulf %exp3A_138, %mul3A_145 : vector<197x197xf32>
    %dot_general3A_147 = arith.constant dense<0.000000e+00> : vector<197x32xf32>
    %dot_general3A_148 = tpu.matmul %mul3A_146, %slice3A_130, %dot_general3A_147 {dimension_numbers = #tpu.dot_dimension_numbers<[1], [0], [0], [1], [0, 0, 1, 1], [], []>, transpose_lhs_hint = false} : vector<197x197xf32>, vector<197x32xf32>, vector<197x32xf32> -> vector<197x32xf32>
    %slice3A_149 = vector.extract_strided_slice %add3A_15 {offsets = [0, 192], sizes = [197, 32], strides = [1, 1]} : vector<197x1152xf32> to vector<197x32xf32>
    %mul3A_150 = vector.broadcast %div3A_17 : f32 to vector<197x32xf32>
    %mul3A_151 = arith.mulf %slice3A_149, %mul3A_150 : vector<197x32xf32>
    %slice3A_152 = vector.extract_strided_slice %add3A_15 {offsets = [0, 576], sizes = [197, 32], strides = [1, 1]} : vector<197x1152xf32> to vector<197x32xf32>
    %slice3A_153 = vector.extract_strided_slice %add3A_15 {offsets = [0, 960], sizes = [197, 32], strides = [1, 1]} : vector<197x1152xf32> to vector<197x32xf32>
    %dot_general3A_154 = arith.constant dense<0.000000e+00> : vector<197x197xf32>
    %dot_general3A_155 = tpu.matmul %mul3A_151, %slice3A_152, %dot_general3A_154 {dimension_numbers = #tpu.dot_dimension_numbers<[1], [1], [0], [0], [0, 0, 1, 0], [], []>, transpose_lhs_hint = false} : vector<197x32xf32>, vector<197x32xf32>, vector<197x197xf32> -> vector<197x197xf32>
    %reduce_max3A_156 = arith.constant dense<0xFF800000> : vector<197xf32>
    %reduce_max3A_157 = vector.multi_reduction <maximumf>, %dot_general3A_155, %reduce_max3A_156 [1] : vector<197x197xf32> to vector<197xf32>
    %broadcast_in_dim3A_158 = vector.shape_cast %reduce_max3A_157 : vector<197xf32> to vector<197x1xf32>
    %sub3A_159 = vector.broadcast %broadcast_in_dim3A_158 : vector<197x1xf32> to vector<197x197xf32>
    %sub3A_160 = arith.subf %dot_general3A_155, %sub3A_159 : vector<197x197xf32>
    %exp3A_161 = math.exp %sub3A_160 : vector<197x197xf32>
    %reduce_sum3A_162 = arith.constant dense<0.000000e+00> : vector<197xf32>
    %reduce_sum3A_163 = vector.multi_reduction <add>, %exp3A_161, %reduce_sum3A_162 [1] : vector<197x197xf32> to vector<197xf32>
    %broadcast_in_dim3A_164 = vector.shape_cast %reduce_sum3A_163 : vector<197xf32> to vector<197x1xf32>
    %div3A_165 = arith.constant 1.000000e+00 : f32
    %div3A_166 = vector.broadcast %div3A_165 : f32 to vector<197x1xf32>
    %div3A_167 = arith.divf %div3A_166, %broadcast_in_dim3A_164 : vector<197x1xf32>
    %mul3A_168 = vector.broadcast %div3A_167 : vector<197x1xf32> to vector<197x197xf32>
    %mul3A_169 = arith.mulf %exp3A_161, %mul3A_168 : vector<197x197xf32>
    %dot_general3A_170 = arith.constant dense<0.000000e+00> : vector<197x32xf32>
    %dot_general3A_171 = tpu.matmul %mul3A_169, %slice3A_153, %dot_general3A_170 {dimension_numbers = #tpu.dot_dimension_numbers<[1], [0], [0], [1], [0, 0, 1, 1], [], []>, transpose_lhs_hint = false} : vector<197x197xf32>, vector<197x32xf32>, vector<197x32xf32> -> vector<197x32xf32>
    %slice3A_172 = vector.extract_strided_slice %add3A_15 {offsets = [0, 224], sizes = [197, 32], strides = [1, 1]} : vector<197x1152xf32> to vector<197x32xf32>
    %mul3A_173 = vector.broadcast %div3A_17 : f32 to vector<197x32xf32>
    %mul3A_174 = arith.mulf %slice3A_172, %mul3A_173 : vector<197x32xf32>
    %slice3A_175 = vector.extract_strided_slice %add3A_15 {offsets = [0, 608], sizes = [197, 32], strides = [1, 1]} : vector<197x1152xf32> to vector<197x32xf32>
    %slice3A_176 = vector.extract_strided_slice %add3A_15 {offsets = [0, 992], sizes = [197, 32], strides = [1, 1]} : vector<197x1152xf32> to vector<197x32xf32>
    %dot_general3A_177 = arith.constant dense<0.000000e+00> : vector<197x197xf32>
    %dot_general3A_178 = tpu.matmul %mul3A_174, %slice3A_175, %dot_general3A_177 {dimension_numbers = #tpu.dot_dimension_numbers<[1], [1], [0], [0], [0, 0, 1, 0], [], []>, transpose_lhs_hint = false} : vector<197x32xf32>, vector<197x32xf32>, vector<197x197xf32> -> vector<197x197xf32>
    %reduce_max3A_179 = arith.constant dense<0xFF800000> : vector<197xf32>
    %reduce_max3A_180 = vector.multi_reduction <maximumf>, %dot_general3A_178, %reduce_max3A_179 [1] : vector<197x197xf32> to vector<197xf32>
    %broadcast_in_dim3A_181 = vector.shape_cast %reduce_max3A_180 : vector<197xf32> to vector<197x1xf32>
    %sub3A_182 = vector.broadcast %broadcast_in_dim3A_181 : vector<197x1xf32> to vector<197x197xf32>
    %sub3A_183 = arith.subf %dot_general3A_178, %sub3A_182 : vector<197x197xf32>
    %exp3A_184 = math.exp %sub3A_183 : vector<197x197xf32>
    %reduce_sum3A_185 = arith.constant dense<0.000000e+00> : vector<197xf32>
    %reduce_sum3A_186 = vector.multi_reduction <add>, %exp3A_184, %reduce_sum3A_185 [1] : vector<197x197xf32> to vector<197xf32>
    %broadcast_in_dim3A_187 = vector.shape_cast %reduce_sum3A_186 : vector<197xf32> to vector<197x1xf32>
    %div3A_188 = arith.constant 1.000000e+00 : f32
    %div3A_189 = vector.broadcast %div3A_188 : f32 to vector<197x1xf32>
    %div3A_190 = arith.divf %div3A_189, %broadcast_in_dim3A_187 : vector<197x1xf32>
    %mul3A_191 = vector.broadcast %div3A_190 : vector<197x1xf32> to vector<197x197xf32>
    %mul3A_192 = arith.mulf %exp3A_184, %mul3A_191 : vector<197x197xf32>
    %dot_general3A_193 = arith.constant dense<0.000000e+00> : vector<197x32xf32>
    %dot_general3A_194 = tpu.matmul %mul3A_192, %slice3A_176, %dot_general3A_193 {dimension_numbers = #tpu.dot_dimension_numbers<[1], [0], [0], [1], [0, 0, 1, 1], [], []>, transpose_lhs_hint = false} : vector<197x197xf32>, vector<197x32xf32>, vector<197x32xf32> -> vector<197x32xf32>
    %slice3A_195 = vector.extract_strided_slice %add3A_15 {offsets = [0, 256], sizes = [197, 32], strides = [1, 1]} : vector<197x1152xf32> to vector<197x32xf32>
    %mul3A_196 = vector.broadcast %div3A_17 : f32 to vector<197x32xf32>
    %mul3A_197 = arith.mulf %slice3A_195, %mul3A_196 : vector<197x32xf32>
    %slice3A_198 = vector.extract_strided_slice %add3A_15 {offsets = [0, 640], sizes = [197, 32], strides = [1, 1]} : vector<197x1152xf32> to vector<197x32xf32>
    %slice3A_199 = vector.extract_strided_slice %add3A_15 {offsets = [0, 1024], sizes = [197, 32], strides = [1, 1]} : vector<197x1152xf32> to vector<197x32xf32>
    %dot_general3A_200 = arith.constant dense<0.000000e+00> : vector<197x197xf32>
    %dot_general3A_201 = tpu.matmul %mul3A_197, %slice3A_198, %dot_general3A_200 {dimension_numbers = #tpu.dot_dimension_numbers<[1], [1], [0], [0], [0, 0, 1, 0], [], []>, transpose_lhs_hint = false} : vector<197x32xf32>, vector<197x32xf32>, vector<197x197xf32> -> vector<197x197xf32>
    %reduce_max3A_202 = arith.constant dense<0xFF800000> : vector<197xf32>
    %reduce_max3A_203 = vector.multi_reduction <maximumf>, %dot_general3A_201, %reduce_max3A_202 [1] : vector<197x197xf32> to vector<197xf32>
    %broadcast_in_dim3A_204 = vector.shape_cast %reduce_max3A_203 : vector<197xf32> to vector<197x1xf32>
    %sub3A_205 = vector.broadcast %broadcast_in_dim3A_204 : vector<197x1xf32> to vector<197x197xf32>
    %sub3A_206 = arith.subf %dot_general3A_201, %sub3A_205 : vector<197x197xf32>
    %exp3A_207 = math.exp %sub3A_206 : vector<197x197xf32>
    %reduce_sum3A_208 = arith.constant dense<0.000000e+00> : vector<197xf32>
    %reduce_sum3A_209 = vector.multi_reduction <add>, %exp3A_207, %reduce_sum3A_208 [1] : vector<197x197xf32> to vector<197xf32>
    %broadcast_in_dim3A_210 = vector.shape_cast %reduce_sum3A_209 : vector<197xf32> to vector<197x1xf32>
    %div3A_211 = arith.constant 1.000000e+00 : f32
    %div3A_212 = vector.broadcast %div3A_211 : f32 to vector<197x1xf32>
    %div3A_213 = arith.divf %div3A_212, %broadcast_in_dim3A_210 : vector<197x1xf32>
    %mul3A_214 = vector.broadcast %div3A_213 : vector<197x1xf32> to vector<197x197xf32>
    %mul3A_215 = arith.mulf %exp3A_207, %mul3A_214 : vector<197x197xf32>
    %dot_general3A_216 = arith.constant dense<0.000000e+00> : vector<197x32xf32>
    %dot_general3A_217 = tpu.matmul %mul3A_215, %slice3A_199, %dot_general3A_216 {dimension_numbers = #tpu.dot_dimension_numbers<[1], [0], [0], [1], [0, 0, 1, 1], [], []>, transpose_lhs_hint = false} : vector<197x197xf32>, vector<197x32xf32>, vector<197x32xf32> -> vector<197x32xf32>
    %slice3A_218 = vector.extract_strided_slice %add3A_15 {offsets = [0, 288], sizes = [197, 32], strides = [1, 1]} : vector<197x1152xf32> to vector<197x32xf32>
    %mul3A_219 = vector.broadcast %div3A_17 : f32 to vector<197x32xf32>
    %mul3A_220 = arith.mulf %slice3A_218, %mul3A_219 : vector<197x32xf32>
    %slice3A_221 = vector.extract_strided_slice %add3A_15 {offsets = [0, 672], sizes = [197, 32], strides = [1, 1]} : vector<197x1152xf32> to vector<197x32xf32>
    %slice3A_222 = vector.extract_strided_slice %add3A_15 {offsets = [0, 1056], sizes = [197, 32], strides = [1, 1]} : vector<197x1152xf32> to vector<197x32xf32>
    %dot_general3A_223 = arith.constant dense<0.000000e+00> : vector<197x197xf32>
    %dot_general3A_224 = tpu.matmul %mul3A_220, %slice3A_221, %dot_general3A_223 {dimension_numbers = #tpu.dot_dimension_numbers<[1], [1], [0], [0], [0, 0, 1, 0], [], []>, transpose_lhs_hint = false} : vector<197x32xf32>, vector<197x32xf32>, vector<197x197xf32> -> vector<197x197xf32>
    %reduce_max3A_225 = arith.constant dense<0xFF800000> : vector<197xf32>
    %reduce_max3A_226 = vector.multi_reduction <maximumf>, %dot_general3A_224, %reduce_max3A_225 [1] : vector<197x197xf32> to vector<197xf32>
    %broadcast_in_dim3A_227 = vector.shape_cast %reduce_max3A_226 : vector<197xf32> to vector<197x1xf32>
    %sub3A_228 = vector.broadcast %broadcast_in_dim3A_227 : vector<197x1xf32> to vector<197x197xf32>
    %sub3A_229 = arith.subf %dot_general3A_224, %sub3A_228 : vector<197x197xf32>
    %exp3A_230 = math.exp %sub3A_229 : vector<197x197xf32>
    %reduce_sum3A_231 = arith.constant dense<0.000000e+00> : vector<197xf32>
    %reduce_sum3A_232 = vector.multi_reduction <add>, %exp3A_230, %reduce_sum3A_231 [1] : vector<197x197xf32> to vector<197xf32>
    %broadcast_in_dim3A_233 = vector.shape_cast %reduce_sum3A_232 : vector<197xf32> to vector<197x1xf32>
    %div3A_234 = arith.constant 1.000000e+00 : f32
    %div3A_235 = vector.broadcast %div3A_234 : f32 to vector<197x1xf32>
    %div3A_236 = arith.divf %div3A_235, %broadcast_in_dim3A_233 : vector<197x1xf32>
    %mul3A_237 = vector.broadcast %div3A_236 : vector<197x1xf32> to vector<197x197xf32>
    %mul3A_238 = arith.mulf %exp3A_230, %mul3A_237 : vector<197x197xf32>
    %dot_general3A_239 = arith.constant dense<0.000000e+00> : vector<197x32xf32>
    %dot_general3A_240 = tpu.matmul %mul3A_238, %slice3A_222, %dot_general3A_239 {dimension_numbers = #tpu.dot_dimension_numbers<[1], [0], [0], [1], [0, 0, 1, 1], [], []>, transpose_lhs_hint = false} : vector<197x197xf32>, vector<197x32xf32>, vector<197x32xf32> -> vector<197x32xf32>
    %slice3A_241 = vector.extract_strided_slice %add3A_15 {offsets = [0, 320], sizes = [197, 32], strides = [1, 1]} : vector<197x1152xf32> to vector<197x32xf32>
    %mul3A_242 = vector.broadcast %div3A_17 : f32 to vector<197x32xf32>
    %mul3A_243 = arith.mulf %slice3A_241, %mul3A_242 : vector<197x32xf32>
    %slice3A_244 = vector.extract_strided_slice %add3A_15 {offsets = [0, 704], sizes = [197, 32], strides = [1, 1]} : vector<197x1152xf32> to vector<197x32xf32>
    %slice3A_245 = vector.extract_strided_slice %add3A_15 {offsets = [0, 1088], sizes = [197, 32], strides = [1, 1]} : vector<197x1152xf32> to vector<197x32xf32>
    %dot_general3A_246 = arith.constant dense<0.000000e+00> : vector<197x197xf32>
    %dot_general3A_247 = tpu.matmul %mul3A_243, %slice3A_244, %dot_general3A_246 {dimension_numbers = #tpu.dot_dimension_numbers<[1], [1], [0], [0], [0, 0, 1, 0], [], []>, transpose_lhs_hint = false} : vector<197x32xf32>, vector<197x32xf32>, vector<197x197xf32> -> vector<197x197xf32>
    %reduce_max3A_248 = arith.constant dense<0xFF800000> : vector<197xf32>
    %reduce_max3A_249 = vector.multi_reduction <maximumf>, %dot_general3A_247, %reduce_max3A_248 [1] : vector<197x197xf32> to vector<197xf32>
    %broadcast_in_dim3A_250 = vector.shape_cast %reduce_max3A_249 : vector<197xf32> to vector<197x1xf32>
    %sub3A_251 = vector.broadcast %broadcast_in_dim3A_250 : vector<197x1xf32> to vector<197x197xf32>
    %sub3A_252 = arith.subf %dot_general3A_247, %sub3A_251 : vector<197x197xf32>
    %exp3A_253 = math.exp %sub3A_252 : vector<197x197xf32>
    %reduce_sum3A_254 = arith.constant dense<0.000000e+00> : vector<197xf32>
    %reduce_sum3A_255 = vector.multi_reduction <add>, %exp3A_253, %reduce_sum3A_254 [1] : vector<197x197xf32> to vector<197xf32>
    %broadcast_in_dim3A_256 = vector.shape_cast %reduce_sum3A_255 : vector<197xf32> to vector<197x1xf32>
    %div3A_257 = arith.constant 1.000000e+00 : f32
    %div3A_258 = vector.broadcast %div3A_257 : f32 to vector<197x1xf32>
    %div3A_259 = arith.divf %div3A_258, %broadcast_in_dim3A_256 : vector<197x1xf32>
    %mul3A_260 = vector.broadcast %div3A_259 : vector<197x1xf32> to vector<197x197xf32>
    %mul3A_261 = arith.mulf %exp3A_253, %mul3A_260 : vector<197x197xf32>
    %dot_general3A_262 = arith.constant dense<0.000000e+00> : vector<197x32xf32>
    %dot_general3A_263 = tpu.matmul %mul3A_261, %slice3A_245, %dot_general3A_262 {dimension_numbers = #tpu.dot_dimension_numbers<[1], [0], [0], [1], [0, 0, 1, 1], [], []>, transpose_lhs_hint = false} : vector<197x197xf32>, vector<197x32xf32>, vector<197x32xf32> -> vector<197x32xf32>
    %slice3A_264 = vector.extract_strided_slice %add3A_15 {offsets = [0, 352], sizes = [197, 32], strides = [1, 1]} : vector<197x1152xf32> to vector<197x32xf32>
    %mul3A_265 = vector.broadcast %div3A_17 : f32 to vector<197x32xf32>
    %mul3A_266 = arith.mulf %slice3A_264, %mul3A_265 : vector<197x32xf32>
    %slice3A_267 = vector.extract_strided_slice %add3A_15 {offsets = [0, 736], sizes = [197, 32], strides = [1, 1]} : vector<197x1152xf32> to vector<197x32xf32>
    %slice3A_268 = vector.extract_strided_slice %add3A_15 {offsets = [0, 1120], sizes = [197, 32], strides = [1, 1]} : vector<197x1152xf32> to vector<197x32xf32>
    %dot_general3A_269 = arith.constant dense<0.000000e+00> : vector<197x197xf32>
    %dot_general3A_270 = tpu.matmul %mul3A_266, %slice3A_267, %dot_general3A_269 {dimension_numbers = #tpu.dot_dimension_numbers<[1], [1], [0], [0], [0, 0, 1, 0], [], []>, transpose_lhs_hint = false} : vector<197x32xf32>, vector<197x32xf32>, vector<197x197xf32> -> vector<197x197xf32>
    %reduce_max3A_271 = arith.constant dense<0xFF800000> : vector<197xf32>
    %reduce_max3A_272 = vector.multi_reduction <maximumf>, %dot_general3A_270, %reduce_max3A_271 [1] : vector<197x197xf32> to vector<197xf32>
    %broadcast_in_dim3A_273 = vector.shape_cast %reduce_max3A_272 : vector<197xf32> to vector<197x1xf32>
    %sub3A_274 = vector.broadcast %broadcast_in_dim3A_273 : vector<197x1xf32> to vector<197x197xf32>
    %sub3A_275 = arith.subf %dot_general3A_270, %sub3A_274 : vector<197x197xf32>
    %exp3A_276 = math.exp %sub3A_275 : vector<197x197xf32>
    %reduce_sum3A_277 = arith.constant dense<0.000000e+00> : vector<197xf32>
    %reduce_sum3A_278 = vector.multi_reduction <add>, %exp3A_276, %reduce_sum3A_277 [1] : vector<197x197xf32> to vector<197xf32>
    %broadcast_in_dim3A_279 = vector.shape_cast %reduce_sum3A_278 : vector<197xf32> to vector<197x1xf32>
    %div3A_280 = arith.constant 1.000000e+00 : f32
    %div3A_281 = vector.broadcast %div3A_280 : f32 to vector<197x1xf32>
    %div3A_282 = arith.divf %div3A_281, %broadcast_in_dim3A_279 : vector<197x1xf32>
    %mul3A_283 = vector.broadcast %div3A_282 : vector<197x1xf32> to vector<197x197xf32>
    %mul3A_284 = arith.mulf %exp3A_276, %mul3A_283 : vector<197x197xf32>
    %dot_general3A_285 = arith.constant dense<0.000000e+00> : vector<197x32xf32>
    %dot_general3A_286 = tpu.matmul %mul3A_284, %slice3A_268, %dot_general3A_285 {dimension_numbers = #tpu.dot_dimension_numbers<[1], [0], [0], [1], [0, 0, 1, 1], [], []>, transpose_lhs_hint = false} : vector<197x197xf32>, vector<197x32xf32>, vector<197x32xf32> -> vector<197x32xf32>
    %concatenate3A = tpu.concatenate %dot_general3A_33, %dot_general3A_56, %dot_general3A_79, %dot_general3A_102, %dot_general3A_125, %dot_general3A_148, %dot_general3A_171, %dot_general3A_194, %dot_general3A_217, %dot_general3A_240, %dot_general3A_263, %dot_general3A_286 in 1 : vector<197x32xf32>, vector<197x32xf32>, vector<197x32xf32>, vector<197x32xf32>, vector<197x32xf32>, vector<197x32xf32>, vector<197x32xf32>, vector<197x32xf32>, vector<197x32xf32>, vector<197x32xf32>, vector<197x32xf32>, vector<197x32xf32> -> vector<197x384xf32>
    %get3A_287 = arith.constant 0 : index
    %get3A_288 = arith.constant 0 : index
    %get3A_289 = arith.constant 0 : index
    %get3A_290 = vector.load %arg4[%get3A_287, %get3A_288, %get3A_289] : memref<1x384x384xf32, #tpu.memory_space<vmem>>, vector<1x384x384xf32>
    %get3A_291 = vector.shape_cast %get3A_290 : vector<1x384x384xf32> to vector<384x384xf32>
    %dot_general3A_292 = arith.constant dense<0.000000e+00> : vector<197x384xf32>
    %dot_general3A_293 = tpu.matmul %concatenate3A, %get3A_291, %dot_general3A_292 {dimension_numbers = #tpu.dot_dimension_numbers<[1], [1], [0], [0], [0, 0, 1, 0], [], []>, transpose_lhs_hint = false} : vector<197x384xf32>, vector<384x384xf32>, vector<197x384xf32> -> vector<197x384xf32>
    %get3A_294 = arith.constant 0 : index
    %get3A_295 = arith.constant 0 : index
    %get3A_296 = arith.constant 0 : index
    %get3A_297 = vector.load %arg5[%get3A_294, %get3A_295, %get3A_296] : memref<1x1x384xf32, #tpu.memory_space<vmem>>, vector<1x1x384xf32>
    %get3A_298 = vector.shape_cast %get3A_297 : vector<1x1x384xf32> to vector<1x384xf32>
    %add3A_299 = vector.broadcast %get3A_298 : vector<1x384xf32> to vector<197x384xf32>
    %add3A_300 = arith.addf %dot_general3A_293, %add3A_299 : vector<197x384xf32>
    %add3A_301 = arith.addf %get3A_3, %add3A_300 : vector<197x384xf32>
    %get3A_302 = arith.constant 0 : index
    %get3A_303 = arith.constant 0 : index
    %get3A_304 = arith.constant 0 : index
    %get3A_305 = vector.load %arg6[%get3A_302, %get3A_303, %get3A_304] : memref<1x1x384xf32, #tpu.memory_space<vmem>>, vector<1x1x384xf32>
    %get3A_306 = vector.shape_cast %get3A_305 : vector<1x1x384xf32> to vector<1x384xf32>
    %get3A_307 = arith.constant 0 : index
    %get3A_308 = arith.constant 0 : index
    %get3A_309 = arith.constant 0 : index
    %get3A_310 = vector.load %arg7[%get3A_307, %get3A_308, %get3A_309] : memref<1x1x384xf32, #tpu.memory_space<vmem>>, vector<1x1x384xf32>
    %get3A_311 = vector.shape_cast %get3A_310 : vector<1x1x384xf32> to vector<1x384xf32>
    %reduce_sum3A_312 = arith.constant dense<0.000000e+00> : vector<197xf32>
    %reduce_sum3A_313 = vector.multi_reduction <add>, %add3A_301, %reduce_sum3A_312 [1] : vector<197x384xf32> to vector<197xf32>
    %broadcast_in_dim3A_314 = vector.shape_cast %reduce_sum3A_313 : vector<197xf32> to vector<197x1xf32>
    %div3A_315 = arith.constant 3.840000e+02 : f32
    %div3A_316 = vector.broadcast %div3A_315 : f32 to vector<197x1xf32>
    %div3A_317 = arith.divf %broadcast_in_dim3A_314, %div3A_316 : vector<197x1xf32>
    %sub3A_318 = vector.broadcast %div3A_317 : vector<197x1xf32> to vector<197x384xf32>
    %sub3A_319 = arith.subf %add3A_301, %sub3A_318 : vector<197x384xf32>
    %integer_pow3A = arith.mulf %sub3A_319, %sub3A_319 : vector<197x384xf32>
    %reduce_sum3A_320 = arith.constant dense<0.000000e+00> : vector<197xf32>
    %reduce_sum3A_321 = vector.multi_reduction <add>, %integer_pow3A, %reduce_sum3A_320 [1] : vector<197x384xf32> to vector<197xf32>
    %broadcast_in_dim3A_322 = vector.shape_cast %reduce_sum3A_321 : vector<197xf32> to vector<197x1xf32>
    %div3A_323 = arith.constant 3.840000e+02 : f32
    %div3A_324 = vector.broadcast %div3A_323 : f32 to vector<197x1xf32>
    %div3A_325 = arith.divf %broadcast_in_dim3A_322, %div3A_324 : vector<197x1xf32>
    %sub3A_326 = vector.broadcast %div3A_317 : vector<197x1xf32> to vector<197x384xf32>
    %sub3A_327 = arith.subf %add3A_301, %sub3A_326 : vector<197x384xf32>
    %add3A_328 = arith.constant 9.99999974E-6 : f32
    %add3A_329 = vector.broadcast %add3A_328 : f32 to vector<197x1xf32>
    %add3A_330 = arith.addf %div3A_325, %add3A_329 : vector<197x1xf32>
    %sqrt3A_331 = math.sqrt %add3A_330 : vector<197x1xf32>
    %div3A_332 = vector.broadcast %sqrt3A_331 : vector<197x1xf32> to vector<197x384xf32>
    %div3A_333 = arith.divf %sub3A_327, %div3A_332 : vector<197x384xf32>
    %mul3A_334 = vector.broadcast %get3A_306 : vector<1x384xf32> to vector<197x384xf32>
    %mul3A_335 = arith.mulf %div3A_333, %mul3A_334 : vector<197x384xf32>
    %add3A_336 = vector.broadcast %get3A_311 : vector<1x384xf32> to vector<197x384xf32>
    %add3A_337 = arith.addf %mul3A_335, %add3A_336 : vector<197x384xf32>
    %swap3A = arith.constant 0 : index
    %swap3A_338 = arith.constant 0 : index
    %swap3A_339 = arith.constant 0 : index
    %swap3A_340 = vector.load %arg8[%swap3A, %swap3A_338, %swap3A_339] : memref<1x197x384xf32, #tpu.memory_space<vmem>>, vector<1x197x384xf32>
    %swap3A_341 = vector.shape_cast %swap3A_340 : vector<1x197x384xf32> to vector<197x384xf32>
    %swap3A_342 = vector.shape_cast %add3A_337 : vector<197x384xf32> to vector<1x197x384xf32>
    tpu.vector_store %arg8[%swap3A, %swap3A_338, %swap3A_339], %swap3A_342 {strides = array<i32>} : memref<1x197x384xf32, #tpu.memory_space<vmem>>, vector<1x197x384xf32>,
    return
  }
  func.func @transform_0(%arg0: i32) -> (i32, i32, i32) {
    %c0_i32 = arith.constant 0 : i32
    %c0_i32_0 = arith.constant 0 : i32
    %c0_i32_1 = arith.constant 0 : i32
    return %arg0, %c0_i32, %c0_i32_0 : i32, i32, i32
  }
  func.func @transform_1(%arg0: i32) -> (i32, i32, i32) {
    %c0_i32 = arith.constant 0 : i32
    %c0_i32_0 = arith.constant 0 : i32
    %c0_i32_1 = arith.constant 0 : i32
    %c0_i32_2 = arith.constant 0 : i32
    return %c0_i32, %c0_i32_0, %c0_i32_1 : i32, i32, i32
  }
  func.func @transform_2(%arg0: i32) -> (i32, i32, i32) {
    %c0_i32 = arith.constant 0 : i32
    %c0_i32_0 = arith.constant 0 : i32
    %c0_i32_1 = arith.constant 0 : i32
    %c0_i32_2 = arith.constant 0 : i32
    return %c0_i32, %c0_i32_0, %c0_i32_1 : i32, i32, i32
  }
  func.func @transform_3(%arg0: i32) -> (i32, i32, i32) {
    %c0_i32 = arith.constant 0 : i32
    %c0_i32_0 = arith.constant 0 : i32
    %c0_i32_1 = arith.constant 0 : i32
    %c0_i32_2 = arith.constant 0 : i32
    return %c0_i32, %c0_i32_0, %c0_i32_1 : i32, i32, i32
  }
  func.func @transform_4(%arg0: i32) -> (i32, i32, i32) {
    %c0_i32 = arith.constant 0 : i32
    %c0_i32_0 = arith.constant 0 : i32
    %c0_i32_1 = arith.constant 0 : i32
    %c0_i32_2 = arith.constant 0 : i32
    return %c0_i32, %c0_i32_0, %c0_i32_1 : i32, i32, i32
  }
  func.func @transform_5(%arg0: i32) -> (i32, i32, i32) {
    %c0_i32 = arith.constant 0 : i32
    %c0_i32_0 = arith.constant 0 : i32
    %c0_i32_1 = arith.constant 0 : i32
    %c0_i32_2 = arith.constant 0 : i32
    return %c0_i32, %c0_i32_0, %c0_i32_1 : i32, i32, i32
  }
  func.func @transform_6(%arg0: i32) -> (i32, i32, i32) {
    %c0_i32 = arith.constant 0 : i32
    %c0_i32_0 = arith.constant 0 : i32
    %c0_i32_1 = arith.constant 0 : i32
    %c0_i32_2 = arith.constant 0 : i32
    return %c0_i32, %c0_i32_0, %c0_i32_1 : i32, i32, i32
  }
  func.func @transform_7(%arg0: i32) -> (i32, i32, i32) {
    %c0_i32 = arith.constant 0 : i32
    %c0_i32_0 = arith.constant 0 : i32
    %c0_i32_1 = arith.constant 0 : i32
    return %arg0, %c0_i32, %c0_i32_0 : i32, i32, i32
  }
}

module attributes {stable_mosaic.version = 14 : i64} {
  func.func @_embed_body(%arg0: i32, %arg1: memref<1x3x14x16x14x16xf32, #tpu.memory_space<vmem>>, %arg2: memref<384x768xf32, #tpu.memory_space<vmem>>, %arg3: memref<1x384xf32, #tpu.memory_space<vmem>>, %arg4: memref<1x384xf32, #tpu.memory_space<vmem>>, %arg5: memref<197x384xf32, #tpu.memory_space<vmem>>, %arg6: memref<1x197x384xf32, #tpu.memory_space<vmem>>) attributes {dimension_semantics = [#tpu.dimension_semantics<arbitrary>], iteration_bounds = array<i64: 8>, scalar_prefetch = 0 : i64, scratch_operands = 0 : i64, tpu.core_type = #tpu.core_type<tc>, window_params = [{transform_indices = @transform_0, window_bounds = array<i64: 1, 3, 14, 16, 14, 16>}, {pipeline_mode = #tpu.pipeline_mode<synchronous>, transform_indices = @transform_1, window_bounds = array<i64: 384, 768>}, {pipeline_mode = #tpu.pipeline_mode<synchronous>, transform_indices = @transform_2, window_bounds = array<i64: 1, 384>}, {pipeline_mode = #tpu.pipeline_mode<synchronous>, transform_indices = @transform_3, window_bounds = array<i64: 1, 384>}, {pipeline_mode = #tpu.pipeline_mode<synchronous>, transform_indices = @transform_4, window_bounds = array<i64: 197, 384>}, {transform_indices = @transform_5, window_bounds = array<i64: 1, 197, 384>}]} {
    %get3A = arith.constant 0 : index
    %get3A_0 = arith.constant 0 : index
    %get3A_1 = arith.constant 0 : index
    %get3A_2 = arith.constant 0 : index
    %get3A_3 = arith.constant 0 : index
    %get3A_4 = arith.constant 0 : index
    %get3A_5 = vector.load %arg1[%get3A, %get3A_0, %get3A_1, %get3A_2, %get3A_3, %get3A_4] : memref<1x3x14x16x14x16xf32, #tpu.memory_space<vmem>>, vector<1x1x14x1x14x16xf32>
    %get3A_6 = vector.shape_cast %get3A_5 : vector<1x1x14x1x14x16xf32> to vector<14x14x16xf32>
    %reshape3A = vector.shape_cast %get3A_6 : vector<14x14x16xf32> to vector<196x16xf32>
    %get3A_7 = arith.constant 0 : index
    %get3A_8 = arith.constant 0 : index
    %get3A_9 = arith.constant 0 : index
    %get3A_10 = arith.constant 1 : index
    %get3A_11 = arith.constant 0 : index
    %get3A_12 = arith.constant 0 : index
    %get3A_13 = vector.load %arg1[%get3A_7, %get3A_8, %get3A_9, %get3A_10, %get3A_11, %get3A_12] : memref<1x3x14x16x14x16xf32, #tpu.memory_space<vmem>>, vector<1x1x14x1x14x16xf32>
    %get3A_14 = vector.shape_cast %get3A_13 : vector<1x1x14x1x14x16xf32> to vector<14x14x16xf32>
    %reshape3A_15 = vector.shape_cast %get3A_14 : vector<14x14x16xf32> to vector<196x16xf32>
    %get3A_16 = arith.constant 0 : index
    %get3A_17 = arith.constant 0 : index
    %get3A_18 = arith.constant 0 : index
    %get3A_19 = arith.constant 2 : index
    %get3A_20 = arith.constant 0 : index
    %get3A_21 = arith.constant 0 : index
    %get3A_22 = vector.load %arg1[%get3A_16, %get3A_17, %get3A_18, %get3A_19, %get3A_20, %get3A_21] : memref<1x3x14x16x14x16xf32, #tpu.memory_space<vmem>>, vector<1x1x14x1x14x16xf32>
    %get3A_23 = vector.shape_cast %get3A_22 : vector<1x1x14x1x14x16xf32> to vector<14x14x16xf32>
    %reshape3A_24 = vector.shape_cast %get3A_23 : vector<14x14x16xf32> to vector<196x16xf32>
    %get3A_25 = arith.constant 0 : index
    %get3A_26 = arith.constant 0 : index
    %get3A_27 = arith.constant 0 : index
    %get3A_28 = arith.constant 3 : index
    %get3A_29 = arith.constant 0 : index
    %get3A_30 = arith.constant 0 : index
    %get3A_31 = vector.load %arg1[%get3A_25, %get3A_26, %get3A_27, %get3A_28, %get3A_29, %get3A_30] : memref<1x3x14x16x14x16xf32, #tpu.memory_space<vmem>>, vector<1x1x14x1x14x16xf32>
    %get3A_32 = vector.shape_cast %get3A_31 : vector<1x1x14x1x14x16xf32> to vector<14x14x16xf32>
    %reshape3A_33 = vector.shape_cast %get3A_32 : vector<14x14x16xf32> to vector<196x16xf32>
    %get3A_34 = arith.constant 0 : index
    %get3A_35 = arith.constant 0 : index
    %get3A_36 = arith.constant 0 : index
    %get3A_37 = arith.constant 4 : index
    %get3A_38 = arith.constant 0 : index
    %get3A_39 = arith.constant 0 : index
    %get3A_40 = vector.load %arg1[%get3A_34, %get3A_35, %get3A_36, %get3A_37, %get3A_38, %get3A_39] : memref<1x3x14x16x14x16xf32, #tpu.memory_space<vmem>>, vector<1x1x14x1x14x16xf32>
    %get3A_41 = vector.shape_cast %get3A_40 : vector<1x1x14x1x14x16xf32> to vector<14x14x16xf32>
    %reshape3A_42 = vector.shape_cast %get3A_41 : vector<14x14x16xf32> to vector<196x16xf32>
    %get3A_43 = arith.constant 0 : index
    %get3A_44 = arith.constant 0 : index
    %get3A_45 = arith.constant 0 : index
    %get3A_46 = arith.constant 5 : index
    %get3A_47 = arith.constant 0 : index
    %get3A_48 = arith.constant 0 : index
    %get3A_49 = vector.load %arg1[%get3A_43, %get3A_44, %get3A_45, %get3A_46, %get3A_47, %get3A_48] : memref<1x3x14x16x14x16xf32, #tpu.memory_space<vmem>>, vector<1x1x14x1x14x16xf32>
    %get3A_50 = vector.shape_cast %get3A_49 : vector<1x1x14x1x14x16xf32> to vector<14x14x16xf32>
    %reshape3A_51 = vector.shape_cast %get3A_50 : vector<14x14x16xf32> to vector<196x16xf32>
    %get3A_52 = arith.constant 0 : index
    %get3A_53 = arith.constant 0 : index
    %get3A_54 = arith.constant 0 : index
    %get3A_55 = arith.constant 6 : index
    %get3A_56 = arith.constant 0 : index
    %get3A_57 = arith.constant 0 : index
    %get3A_58 = vector.load %arg1[%get3A_52, %get3A_53, %get3A_54, %get3A_55, %get3A_56, %get3A_57] : memref<1x3x14x16x14x16xf32, #tpu.memory_space<vmem>>, vector<1x1x14x1x14x16xf32>
    %get3A_59 = vector.shape_cast %get3A_58 : vector<1x1x14x1x14x16xf32> to vector<14x14x16xf32>
    %reshape3A_60 = vector.shape_cast %get3A_59 : vector<14x14x16xf32> to vector<196x16xf32>
    %get3A_61 = arith.constant 0 : index
    %get3A_62 = arith.constant 0 : index
    %get3A_63 = arith.constant 0 : index
    %get3A_64 = arith.constant 7 : index
    %get3A_65 = arith.constant 0 : index
    %get3A_66 = arith.constant 0 : index
    %get3A_67 = vector.load %arg1[%get3A_61, %get3A_62, %get3A_63, %get3A_64, %get3A_65, %get3A_66] : memref<1x3x14x16x14x16xf32, #tpu.memory_space<vmem>>, vector<1x1x14x1x14x16xf32>
    %get3A_68 = vector.shape_cast %get3A_67 : vector<1x1x14x1x14x16xf32> to vector<14x14x16xf32>
    %reshape3A_69 = vector.shape_cast %get3A_68 : vector<14x14x16xf32> to vector<196x16xf32>
    %get3A_70 = arith.constant 0 : index
    %get3A_71 = arith.constant 0 : index
    %get3A_72 = arith.constant 0 : index
    %get3A_73 = arith.constant 8 : index
    %get3A_74 = arith.constant 0 : index
    %get3A_75 = arith.constant 0 : index
    %get3A_76 = vector.load %arg1[%get3A_70, %get3A_71, %get3A_72, %get3A_73, %get3A_74, %get3A_75] : memref<1x3x14x16x14x16xf32, #tpu.memory_space<vmem>>, vector<1x1x14x1x14x16xf32>
    %get3A_77 = vector.shape_cast %get3A_76 : vector<1x1x14x1x14x16xf32> to vector<14x14x16xf32>
    %reshape3A_78 = vector.shape_cast %get3A_77 : vector<14x14x16xf32> to vector<196x16xf32>
    %get3A_79 = arith.constant 0 : index
    %get3A_80 = arith.constant 0 : index
    %get3A_81 = arith.constant 0 : index
    %get3A_82 = arith.constant 9 : index
    %get3A_83 = arith.constant 0 : index
    %get3A_84 = arith.constant 0 : index
    %get3A_85 = vector.load %arg1[%get3A_79, %get3A_80, %get3A_81, %get3A_82, %get3A_83, %get3A_84] : memref<1x3x14x16x14x16xf32, #tpu.memory_space<vmem>>, vector<1x1x14x1x14x16xf32>
    %get3A_86 = vector.shape_cast %get3A_85 : vector<1x1x14x1x14x16xf32> to vector<14x14x16xf32>
    %reshape3A_87 = vector.shape_cast %get3A_86 : vector<14x14x16xf32> to vector<196x16xf32>
    %get3A_88 = arith.constant 0 : index
    %get3A_89 = arith.constant 0 : index
    %get3A_90 = arith.constant 0 : index
    %get3A_91 = arith.constant 10 : index
    %get3A_92 = arith.constant 0 : index
    %get3A_93 = arith.constant 0 : index
    %get3A_94 = vector.load %arg1[%get3A_88, %get3A_89, %get3A_90, %get3A_91, %get3A_92, %get3A_93] : memref<1x3x14x16x14x16xf32, #tpu.memory_space<vmem>>, vector<1x1x14x1x14x16xf32>
    %get3A_95 = vector.shape_cast %get3A_94 : vector<1x1x14x1x14x16xf32> to vector<14x14x16xf32>
    %reshape3A_96 = vector.shape_cast %get3A_95 : vector<14x14x16xf32> to vector<196x16xf32>
    %get3A_97 = arith.constant 0 : index
    %get3A_98 = arith.constant 0 : index
    %get3A_99 = arith.constant 0 : index
    %get3A_100 = arith.constant 11 : index
    %get3A_101 = arith.constant 0 : index
    %get3A_102 = arith.constant 0 : index
    %get3A_103 = vector.load %arg1[%get3A_97, %get3A_98, %get3A_99, %get3A_100, %get3A_101, %get3A_102] : memref<1x3x14x16x14x16xf32, #tpu.memory_space<vmem>>, vector<1x1x14x1x14x16xf32>
    %get3A_104 = vector.shape_cast %get3A_103 : vector<1x1x14x1x14x16xf32> to vector<14x14x16xf32>
    %reshape3A_105 = vector.shape_cast %get3A_104 : vector<14x14x16xf32> to vector<196x16xf32>
    %get3A_106 = arith.constant 0 : index
    %get3A_107 = arith.constant 0 : index
    %get3A_108 = arith.constant 0 : index
    %get3A_109 = arith.constant 12 : index
    %get3A_110 = arith.constant 0 : index
    %get3A_111 = arith.constant 0 : index
    %get3A_112 = vector.load %arg1[%get3A_106, %get3A_107, %get3A_108, %get3A_109, %get3A_110, %get3A_111] : memref<1x3x14x16x14x16xf32, #tpu.memory_space<vmem>>, vector<1x1x14x1x14x16xf32>
    %get3A_113 = vector.shape_cast %get3A_112 : vector<1x1x14x1x14x16xf32> to vector<14x14x16xf32>
    %reshape3A_114 = vector.shape_cast %get3A_113 : vector<14x14x16xf32> to vector<196x16xf32>
    %get3A_115 = arith.constant 0 : index
    %get3A_116 = arith.constant 0 : index
    %get3A_117 = arith.constant 0 : index
    %get3A_118 = arith.constant 13 : index
    %get3A_119 = arith.constant 0 : index
    %get3A_120 = arith.constant 0 : index
    %get3A_121 = vector.load %arg1[%get3A_115, %get3A_116, %get3A_117, %get3A_118, %get3A_119, %get3A_120] : memref<1x3x14x16x14x16xf32, #tpu.memory_space<vmem>>, vector<1x1x14x1x14x16xf32>
    %get3A_122 = vector.shape_cast %get3A_121 : vector<1x1x14x1x14x16xf32> to vector<14x14x16xf32>
    %reshape3A_123 = vector.shape_cast %get3A_122 : vector<14x14x16xf32> to vector<196x16xf32>
    %get3A_124 = arith.constant 0 : index
    %get3A_125 = arith.constant 0 : index
    %get3A_126 = arith.constant 0 : index
    %get3A_127 = arith.constant 14 : index
    %get3A_128 = arith.constant 0 : index
    %get3A_129 = arith.constant 0 : index
    %get3A_130 = vector.load %arg1[%get3A_124, %get3A_125, %get3A_126, %get3A_127, %get3A_128, %get3A_129] : memref<1x3x14x16x14x16xf32, #tpu.memory_space<vmem>>, vector<1x1x14x1x14x16xf32>
    %get3A_131 = vector.shape_cast %get3A_130 : vector<1x1x14x1x14x16xf32> to vector<14x14x16xf32>
    %reshape3A_132 = vector.shape_cast %get3A_131 : vector<14x14x16xf32> to vector<196x16xf32>
    %get3A_133 = arith.constant 0 : index
    %get3A_134 = arith.constant 0 : index
    %get3A_135 = arith.constant 0 : index
    %get3A_136 = arith.constant 15 : index
    %get3A_137 = arith.constant 0 : index
    %get3A_138 = arith.constant 0 : index
    %get3A_139 = vector.load %arg1[%get3A_133, %get3A_134, %get3A_135, %get3A_136, %get3A_137, %get3A_138] : memref<1x3x14x16x14x16xf32, #tpu.memory_space<vmem>>, vector<1x1x14x1x14x16xf32>
    %get3A_140 = vector.shape_cast %get3A_139 : vector<1x1x14x1x14x16xf32> to vector<14x14x16xf32>
    %reshape3A_141 = vector.shape_cast %get3A_140 : vector<14x14x16xf32> to vector<196x16xf32>
    %get3A_142 = arith.constant 0 : index
    %get3A_143 = arith.constant 1 : index
    %get3A_144 = arith.constant 0 : index
    %get3A_145 = arith.constant 0 : index
    %get3A_146 = arith.constant 0 : index
    %get3A_147 = arith.constant 0 : index
    %get3A_148 = vector.load %arg1[%get3A_142, %get3A_143, %get3A_144, %get3A_145, %get3A_146, %get3A_147] : memref<1x3x14x16x14x16xf32, #tpu.memory_space<vmem>>, vector<1x1x14x1x14x16xf32>
    %get3A_149 = vector.shape_cast %get3A_148 : vector<1x1x14x1x14x16xf32> to vector<14x14x16xf32>
    %reshape3A_150 = vector.shape_cast %get3A_149 : vector<14x14x16xf32> to vector<196x16xf32>
    %get3A_151 = arith.constant 0 : index
    %get3A_152 = arith.constant 1 : index
    %get3A_153 = arith.constant 0 : index
    %get3A_154 = arith.constant 1 : index
    %get3A_155 = arith.constant 0 : index
    %get3A_156 = arith.constant 0 : index
    %get3A_157 = vector.load %arg1[%get3A_151, %get3A_152, %get3A_153, %get3A_154, %get3A_155, %get3A_156] : memref<1x3x14x16x14x16xf32, #tpu.memory_space<vmem>>, vector<1x1x14x1x14x16xf32>
    %get3A_158 = vector.shape_cast %get3A_157 : vector<1x1x14x1x14x16xf32> to vector<14x14x16xf32>
    %reshape3A_159 = vector.shape_cast %get3A_158 : vector<14x14x16xf32> to vector<196x16xf32>
    %get3A_160 = arith.constant 0 : index
    %get3A_161 = arith.constant 1 : index
    %get3A_162 = arith.constant 0 : index
    %get3A_163 = arith.constant 2 : index
    %get3A_164 = arith.constant 0 : index
    %get3A_165 = arith.constant 0 : index
    %get3A_166 = vector.load %arg1[%get3A_160, %get3A_161, %get3A_162, %get3A_163, %get3A_164, %get3A_165] : memref<1x3x14x16x14x16xf32, #tpu.memory_space<vmem>>, vector<1x1x14x1x14x16xf32>
    %get3A_167 = vector.shape_cast %get3A_166 : vector<1x1x14x1x14x16xf32> to vector<14x14x16xf32>
    %reshape3A_168 = vector.shape_cast %get3A_167 : vector<14x14x16xf32> to vector<196x16xf32>
    %get3A_169 = arith.constant 0 : index
    %get3A_170 = arith.constant 1 : index
    %get3A_171 = arith.constant 0 : index
    %get3A_172 = arith.constant 3 : index
    %get3A_173 = arith.constant 0 : index
    %get3A_174 = arith.constant 0 : index
    %get3A_175 = vector.load %arg1[%get3A_169, %get3A_170, %get3A_171, %get3A_172, %get3A_173, %get3A_174] : memref<1x3x14x16x14x16xf32, #tpu.memory_space<vmem>>, vector<1x1x14x1x14x16xf32>
    %get3A_176 = vector.shape_cast %get3A_175 : vector<1x1x14x1x14x16xf32> to vector<14x14x16xf32>
    %reshape3A_177 = vector.shape_cast %get3A_176 : vector<14x14x16xf32> to vector<196x16xf32>
    %get3A_178 = arith.constant 0 : index
    %get3A_179 = arith.constant 1 : index
    %get3A_180 = arith.constant 0 : index
    %get3A_181 = arith.constant 4 : index
    %get3A_182 = arith.constant 0 : index
    %get3A_183 = arith.constant 0 : index
    %get3A_184 = vector.load %arg1[%get3A_178, %get3A_179, %get3A_180, %get3A_181, %get3A_182, %get3A_183] : memref<1x3x14x16x14x16xf32, #tpu.memory_space<vmem>>, vector<1x1x14x1x14x16xf32>
    %get3A_185 = vector.shape_cast %get3A_184 : vector<1x1x14x1x14x16xf32> to vector<14x14x16xf32>
    %reshape3A_186 = vector.shape_cast %get3A_185 : vector<14x14x16xf32> to vector<196x16xf32>
    %get3A_187 = arith.constant 0 : index
    %get3A_188 = arith.constant 1 : index
    %get3A_189 = arith.constant 0 : index
    %get3A_190 = arith.constant 5 : index
    %get3A_191 = arith.constant 0 : index
    %get3A_192 = arith.constant 0 : index
    %get3A_193 = vector.load %arg1[%get3A_187, %get3A_188, %get3A_189, %get3A_190, %get3A_191, %get3A_192] : memref<1x3x14x16x14x16xf32, #tpu.memory_space<vmem>>, vector<1x1x14x1x14x16xf32>
    %get3A_194 = vector.shape_cast %get3A_193 : vector<1x1x14x1x14x16xf32> to vector<14x14x16xf32>
    %reshape3A_195 = vector.shape_cast %get3A_194 : vector<14x14x16xf32> to vector<196x16xf32>
    %get3A_196 = arith.constant 0 : index
    %get3A_197 = arith.constant 1 : index
    %get3A_198 = arith.constant 0 : index
    %get3A_199 = arith.constant 6 : index
    %get3A_200 = arith.constant 0 : index
    %get3A_201 = arith.constant 0 : index
    %get3A_202 = vector.load %arg1[%get3A_196, %get3A_197, %get3A_198, %get3A_199, %get3A_200, %get3A_201] : memref<1x3x14x16x14x16xf32, #tpu.memory_space<vmem>>, vector<1x1x14x1x14x16xf32>
    %get3A_203 = vector.shape_cast %get3A_202 : vector<1x1x14x1x14x16xf32> to vector<14x14x16xf32>
    %reshape3A_204 = vector.shape_cast %get3A_203 : vector<14x14x16xf32> to vector<196x16xf32>
    %get3A_205 = arith.constant 0 : index
    %get3A_206 = arith.constant 1 : index
    %get3A_207 = arith.constant 0 : index
    %get3A_208 = arith.constant 7 : index
    %get3A_209 = arith.constant 0 : index
    %get3A_210 = arith.constant 0 : index
    %get3A_211 = vector.load %arg1[%get3A_205, %get3A_206, %get3A_207, %get3A_208, %get3A_209, %get3A_210] : memref<1x3x14x16x14x16xf32, #tpu.memory_space<vmem>>, vector<1x1x14x1x14x16xf32>
    %get3A_212 = vector.shape_cast %get3A_211 : vector<1x1x14x1x14x16xf32> to vector<14x14x16xf32>
    %reshape3A_213 = vector.shape_cast %get3A_212 : vector<14x14x16xf32> to vector<196x16xf32>
    %get3A_214 = arith.constant 0 : index
    %get3A_215 = arith.constant 1 : index
    %get3A_216 = arith.constant 0 : index
    %get3A_217 = arith.constant 8 : index
    %get3A_218 = arith.constant 0 : index
    %get3A_219 = arith.constant 0 : index
    %get3A_220 = vector.load %arg1[%get3A_214, %get3A_215, %get3A_216, %get3A_217, %get3A_218, %get3A_219] : memref<1x3x14x16x14x16xf32, #tpu.memory_space<vmem>>, vector<1x1x14x1x14x16xf32>
    %get3A_221 = vector.shape_cast %get3A_220 : vector<1x1x14x1x14x16xf32> to vector<14x14x16xf32>
    %reshape3A_222 = vector.shape_cast %get3A_221 : vector<14x14x16xf32> to vector<196x16xf32>
    %get3A_223 = arith.constant 0 : index
    %get3A_224 = arith.constant 1 : index
    %get3A_225 = arith.constant 0 : index
    %get3A_226 = arith.constant 9 : index
    %get3A_227 = arith.constant 0 : index
    %get3A_228 = arith.constant 0 : index
    %get3A_229 = vector.load %arg1[%get3A_223, %get3A_224, %get3A_225, %get3A_226, %get3A_227, %get3A_228] : memref<1x3x14x16x14x16xf32, #tpu.memory_space<vmem>>, vector<1x1x14x1x14x16xf32>
    %get3A_230 = vector.shape_cast %get3A_229 : vector<1x1x14x1x14x16xf32> to vector<14x14x16xf32>
    %reshape3A_231 = vector.shape_cast %get3A_230 : vector<14x14x16xf32> to vector<196x16xf32>
    %get3A_232 = arith.constant 0 : index
    %get3A_233 = arith.constant 1 : index
    %get3A_234 = arith.constant 0 : index
    %get3A_235 = arith.constant 10 : index
    %get3A_236 = arith.constant 0 : index
    %get3A_237 = arith.constant 0 : index
    %get3A_238 = vector.load %arg1[%get3A_232, %get3A_233, %get3A_234, %get3A_235, %get3A_236, %get3A_237] : memref<1x3x14x16x14x16xf32, #tpu.memory_space<vmem>>, vector<1x1x14x1x14x16xf32>
    %get3A_239 = vector.shape_cast %get3A_238 : vector<1x1x14x1x14x16xf32> to vector<14x14x16xf32>
    %reshape3A_240 = vector.shape_cast %get3A_239 : vector<14x14x16xf32> to vector<196x16xf32>
    %get3A_241 = arith.constant 0 : index
    %get3A_242 = arith.constant 1 : index
    %get3A_243 = arith.constant 0 : index
    %get3A_244 = arith.constant 11 : index
    %get3A_245 = arith.constant 0 : index
    %get3A_246 = arith.constant 0 : index
    %get3A_247 = vector.load %arg1[%get3A_241, %get3A_242, %get3A_243, %get3A_244, %get3A_245, %get3A_246] : memref<1x3x14x16x14x16xf32, #tpu.memory_space<vmem>>, vector<1x1x14x1x14x16xf32>
    %get3A_248 = vector.shape_cast %get3A_247 : vector<1x1x14x1x14x16xf32> to vector<14x14x16xf32>
    %reshape3A_249 = vector.shape_cast %get3A_248 : vector<14x14x16xf32> to vector<196x16xf32>
    %get3A_250 = arith.constant 0 : index
    %get3A_251 = arith.constant 1 : index
    %get3A_252 = arith.constant 0 : index
    %get3A_253 = arith.constant 12 : index
    %get3A_254 = arith.constant 0 : index
    %get3A_255 = arith.constant 0 : index
    %get3A_256 = vector.load %arg1[%get3A_250, %get3A_251, %get3A_252, %get3A_253, %get3A_254, %get3A_255] : memref<1x3x14x16x14x16xf32, #tpu.memory_space<vmem>>, vector<1x1x14x1x14x16xf32>
    %get3A_257 = vector.shape_cast %get3A_256 : vector<1x1x14x1x14x16xf32> to vector<14x14x16xf32>
    %reshape3A_258 = vector.shape_cast %get3A_257 : vector<14x14x16xf32> to vector<196x16xf32>
    %get3A_259 = arith.constant 0 : index
    %get3A_260 = arith.constant 1 : index
    %get3A_261 = arith.constant 0 : index
    %get3A_262 = arith.constant 13 : index
    %get3A_263 = arith.constant 0 : index
    %get3A_264 = arith.constant 0 : index
    %get3A_265 = vector.load %arg1[%get3A_259, %get3A_260, %get3A_261, %get3A_262, %get3A_263, %get3A_264] : memref<1x3x14x16x14x16xf32, #tpu.memory_space<vmem>>, vector<1x1x14x1x14x16xf32>
    %get3A_266 = vector.shape_cast %get3A_265 : vector<1x1x14x1x14x16xf32> to vector<14x14x16xf32>
    %reshape3A_267 = vector.shape_cast %get3A_266 : vector<14x14x16xf32> to vector<196x16xf32>
    %get3A_268 = arith.constant 0 : index
    %get3A_269 = arith.constant 1 : index
    %get3A_270 = arith.constant 0 : index
    %get3A_271 = arith.constant 14 : index
    %get3A_272 = arith.constant 0 : index
    %get3A_273 = arith.constant 0 : index
    %get3A_274 = vector.load %arg1[%get3A_268, %get3A_269, %get3A_270, %get3A_271, %get3A_272, %get3A_273] : memref<1x3x14x16x14x16xf32, #tpu.memory_space<vmem>>, vector<1x1x14x1x14x16xf32>
    %get3A_275 = vector.shape_cast %get3A_274 : vector<1x1x14x1x14x16xf32> to vector<14x14x16xf32>
    %reshape3A_276 = vector.shape_cast %get3A_275 : vector<14x14x16xf32> to vector<196x16xf32>
    %get3A_277 = arith.constant 0 : index
    %get3A_278 = arith.constant 1 : index
    %get3A_279 = arith.constant 0 : index
    %get3A_280 = arith.constant 15 : index
    %get3A_281 = arith.constant 0 : index
    %get3A_282 = arith.constant 0 : index
    %get3A_283 = vector.load %arg1[%get3A_277, %get3A_278, %get3A_279, %get3A_280, %get3A_281, %get3A_282] : memref<1x3x14x16x14x16xf32, #tpu.memory_space<vmem>>, vector<1x1x14x1x14x16xf32>
    %get3A_284 = vector.shape_cast %get3A_283 : vector<1x1x14x1x14x16xf32> to vector<14x14x16xf32>
    %reshape3A_285 = vector.shape_cast %get3A_284 : vector<14x14x16xf32> to vector<196x16xf32>
    %get3A_286 = arith.constant 0 : index
    %get3A_287 = arith.constant 2 : index
    %get3A_288 = arith.constant 0 : index
    %get3A_289 = arith.constant 0 : index
    %get3A_290 = arith.constant 0 : index
    %get3A_291 = arith.constant 0 : index
    %get3A_292 = vector.load %arg1[%get3A_286, %get3A_287, %get3A_288, %get3A_289, %get3A_290, %get3A_291] : memref<1x3x14x16x14x16xf32, #tpu.memory_space<vmem>>, vector<1x1x14x1x14x16xf32>
    %get3A_293 = vector.shape_cast %get3A_292 : vector<1x1x14x1x14x16xf32> to vector<14x14x16xf32>
    %reshape3A_294 = vector.shape_cast %get3A_293 : vector<14x14x16xf32> to vector<196x16xf32>
    %get3A_295 = arith.constant 0 : index
    %get3A_296 = arith.constant 2 : index
    %get3A_297 = arith.constant 0 : index
    %get3A_298 = arith.constant 1 : index
    %get3A_299 = arith.constant 0 : index
    %get3A_300 = arith.constant 0 : index
    %get3A_301 = vector.load %arg1[%get3A_295, %get3A_296, %get3A_297, %get3A_298, %get3A_299, %get3A_300] : memref<1x3x14x16x14x16xf32, #tpu.memory_space<vmem>>, vector<1x1x14x1x14x16xf32>
    %get3A_302 = vector.shape_cast %get3A_301 : vector<1x1x14x1x14x16xf32> to vector<14x14x16xf32>
    %reshape3A_303 = vector.shape_cast %get3A_302 : vector<14x14x16xf32> to vector<196x16xf32>
    %get3A_304 = arith.constant 0 : index
    %get3A_305 = arith.constant 2 : index
    %get3A_306 = arith.constant 0 : index
    %get3A_307 = arith.constant 2 : index
    %get3A_308 = arith.constant 0 : index
    %get3A_309 = arith.constant 0 : index
    %get3A_310 = vector.load %arg1[%get3A_304, %get3A_305, %get3A_306, %get3A_307, %get3A_308, %get3A_309] : memref<1x3x14x16x14x16xf32, #tpu.memory_space<vmem>>, vector<1x1x14x1x14x16xf32>
    %get3A_311 = vector.shape_cast %get3A_310 : vector<1x1x14x1x14x16xf32> to vector<14x14x16xf32>
    %reshape3A_312 = vector.shape_cast %get3A_311 : vector<14x14x16xf32> to vector<196x16xf32>
    %get3A_313 = arith.constant 0 : index
    %get3A_314 = arith.constant 2 : index
    %get3A_315 = arith.constant 0 : index
    %get3A_316 = arith.constant 3 : index
    %get3A_317 = arith.constant 0 : index
    %get3A_318 = arith.constant 0 : index
    %get3A_319 = vector.load %arg1[%get3A_313, %get3A_314, %get3A_315, %get3A_316, %get3A_317, %get3A_318] : memref<1x3x14x16x14x16xf32, #tpu.memory_space<vmem>>, vector<1x1x14x1x14x16xf32>
    %get3A_320 = vector.shape_cast %get3A_319 : vector<1x1x14x1x14x16xf32> to vector<14x14x16xf32>
    %reshape3A_321 = vector.shape_cast %get3A_320 : vector<14x14x16xf32> to vector<196x16xf32>
    %get3A_322 = arith.constant 0 : index
    %get3A_323 = arith.constant 2 : index
    %get3A_324 = arith.constant 0 : index
    %get3A_325 = arith.constant 4 : index
    %get3A_326 = arith.constant 0 : index
    %get3A_327 = arith.constant 0 : index
    %get3A_328 = vector.load %arg1[%get3A_322, %get3A_323, %get3A_324, %get3A_325, %get3A_326, %get3A_327] : memref<1x3x14x16x14x16xf32, #tpu.memory_space<vmem>>, vector<1x1x14x1x14x16xf32>
    %get3A_329 = vector.shape_cast %get3A_328 : vector<1x1x14x1x14x16xf32> to vector<14x14x16xf32>
    %reshape3A_330 = vector.shape_cast %get3A_329 : vector<14x14x16xf32> to vector<196x16xf32>
    %get3A_331 = arith.constant 0 : index
    %get3A_332 = arith.constant 2 : index
    %get3A_333 = arith.constant 0 : index
    %get3A_334 = arith.constant 5 : index
    %get3A_335 = arith.constant 0 : index
    %get3A_336 = arith.constant 0 : index
    %get3A_337 = vector.load %arg1[%get3A_331, %get3A_332, %get3A_333, %get3A_334, %get3A_335, %get3A_336] : memref<1x3x14x16x14x16xf32, #tpu.memory_space<vmem>>, vector<1x1x14x1x14x16xf32>
    %get3A_338 = vector.shape_cast %get3A_337 : vector<1x1x14x1x14x16xf32> to vector<14x14x16xf32>
    %reshape3A_339 = vector.shape_cast %get3A_338 : vector<14x14x16xf32> to vector<196x16xf32>
    %get3A_340 = arith.constant 0 : index
    %get3A_341 = arith.constant 2 : index
    %get3A_342 = arith.constant 0 : index
    %get3A_343 = arith.constant 6 : index
    %get3A_344 = arith.constant 0 : index
    %get3A_345 = arith.constant 0 : index
    %get3A_346 = vector.load %arg1[%get3A_340, %get3A_341, %get3A_342, %get3A_343, %get3A_344, %get3A_345] : memref<1x3x14x16x14x16xf32, #tpu.memory_space<vmem>>, vector<1x1x14x1x14x16xf32>
    %get3A_347 = vector.shape_cast %get3A_346 : vector<1x1x14x1x14x16xf32> to vector<14x14x16xf32>
    %reshape3A_348 = vector.shape_cast %get3A_347 : vector<14x14x16xf32> to vector<196x16xf32>
    %get3A_349 = arith.constant 0 : index
    %get3A_350 = arith.constant 2 : index
    %get3A_351 = arith.constant 0 : index
    %get3A_352 = arith.constant 7 : index
    %get3A_353 = arith.constant 0 : index
    %get3A_354 = arith.constant 0 : index
    %get3A_355 = vector.load %arg1[%get3A_349, %get3A_350, %get3A_351, %get3A_352, %get3A_353, %get3A_354] : memref<1x3x14x16x14x16xf32, #tpu.memory_space<vmem>>, vector<1x1x14x1x14x16xf32>
    %get3A_356 = vector.shape_cast %get3A_355 : vector<1x1x14x1x14x16xf32> to vector<14x14x16xf32>
    %reshape3A_357 = vector.shape_cast %get3A_356 : vector<14x14x16xf32> to vector<196x16xf32>
    %get3A_358 = arith.constant 0 : index
    %get3A_359 = arith.constant 2 : index
    %get3A_360 = arith.constant 0 : index
    %get3A_361 = arith.constant 8 : index
    %get3A_362 = arith.constant 0 : index
    %get3A_363 = arith.constant 0 : index
    %get3A_364 = vector.load %arg1[%get3A_358, %get3A_359, %get3A_360, %get3A_361, %get3A_362, %get3A_363] : memref<1x3x14x16x14x16xf32, #tpu.memory_space<vmem>>, vector<1x1x14x1x14x16xf32>
    %get3A_365 = vector.shape_cast %get3A_364 : vector<1x1x14x1x14x16xf32> to vector<14x14x16xf32>
    %reshape3A_366 = vector.shape_cast %get3A_365 : vector<14x14x16xf32> to vector<196x16xf32>
    %get3A_367 = arith.constant 0 : index
    %get3A_368 = arith.constant 2 : index
    %get3A_369 = arith.constant 0 : index
    %get3A_370 = arith.constant 9 : index
    %get3A_371 = arith.constant 0 : index
    %get3A_372 = arith.constant 0 : index
    %get3A_373 = vector.load %arg1[%get3A_367, %get3A_368, %get3A_369, %get3A_370, %get3A_371, %get3A_372] : memref<1x3x14x16x14x16xf32, #tpu.memory_space<vmem>>, vector<1x1x14x1x14x16xf32>
    %get3A_374 = vector.shape_cast %get3A_373 : vector<1x1x14x1x14x16xf32> to vector<14x14x16xf32>
    %reshape3A_375 = vector.shape_cast %get3A_374 : vector<14x14x16xf32> to vector<196x16xf32>
    %get3A_376 = arith.constant 0 : index
    %get3A_377 = arith.constant 2 : index
    %get3A_378 = arith.constant 0 : index
    %get3A_379 = arith.constant 10 : index
    %get3A_380 = arith.constant 0 : index
    %get3A_381 = arith.constant 0 : index
    %get3A_382 = vector.load %arg1[%get3A_376, %get3A_377, %get3A_378, %get3A_379, %get3A_380, %get3A_381] : memref<1x3x14x16x14x16xf32, #tpu.memory_space<vmem>>, vector<1x1x14x1x14x16xf32>
    %get3A_383 = vector.shape_cast %get3A_382 : vector<1x1x14x1x14x16xf32> to vector<14x14x16xf32>
    %reshape3A_384 = vector.shape_cast %get3A_383 : vector<14x14x16xf32> to vector<196x16xf32>
    %get3A_385 = arith.constant 0 : index
    %get3A_386 = arith.constant 2 : index
    %get3A_387 = arith.constant 0 : index
    %get3A_388 = arith.constant 11 : index
    %get3A_389 = arith.constant 0 : index
    %get3A_390 = arith.constant 0 : index
    %get3A_391 = vector.load %arg1[%get3A_385, %get3A_386, %get3A_387, %get3A_388, %get3A_389, %get3A_390] : memref<1x3x14x16x14x16xf32, #tpu.memory_space<vmem>>, vector<1x1x14x1x14x16xf32>
    %get3A_392 = vector.shape_cast %get3A_391 : vector<1x1x14x1x14x16xf32> to vector<14x14x16xf32>
    %reshape3A_393 = vector.shape_cast %get3A_392 : vector<14x14x16xf32> to vector<196x16xf32>
    %get3A_394 = arith.constant 0 : index
    %get3A_395 = arith.constant 2 : index
    %get3A_396 = arith.constant 0 : index
    %get3A_397 = arith.constant 12 : index
    %get3A_398 = arith.constant 0 : index
    %get3A_399 = arith.constant 0 : index
    %get3A_400 = vector.load %arg1[%get3A_394, %get3A_395, %get3A_396, %get3A_397, %get3A_398, %get3A_399] : memref<1x3x14x16x14x16xf32, #tpu.memory_space<vmem>>, vector<1x1x14x1x14x16xf32>
    %get3A_401 = vector.shape_cast %get3A_400 : vector<1x1x14x1x14x16xf32> to vector<14x14x16xf32>
    %reshape3A_402 = vector.shape_cast %get3A_401 : vector<14x14x16xf32> to vector<196x16xf32>
    %get3A_403 = arith.constant 0 : index
    %get3A_404 = arith.constant 2 : index
    %get3A_405 = arith.constant 0 : index
    %get3A_406 = arith.constant 13 : index
    %get3A_407 = arith.constant 0 : index
    %get3A_408 = arith.constant 0 : index
    %get3A_409 = vector.load %arg1[%get3A_403, %get3A_404, %get3A_405, %get3A_406, %get3A_407, %get3A_408] : memref<1x3x14x16x14x16xf32, #tpu.memory_space<vmem>>, vector<1x1x14x1x14x16xf32>
    %get3A_410 = vector.shape_cast %get3A_409 : vector<1x1x14x1x14x16xf32> to vector<14x14x16xf32>
    %reshape3A_411 = vector.shape_cast %get3A_410 : vector<14x14x16xf32> to vector<196x16xf32>
    %get3A_412 = arith.constant 0 : index
    %get3A_413 = arith.constant 2 : index
    %get3A_414 = arith.constant 0 : index
    %get3A_415 = arith.constant 14 : index
    %get3A_416 = arith.constant 0 : index
    %get3A_417 = arith.constant 0 : index
    %get3A_418 = vector.load %arg1[%get3A_412, %get3A_413, %get3A_414, %get3A_415, %get3A_416, %get3A_417] : memref<1x3x14x16x14x16xf32, #tpu.memory_space<vmem>>, vector<1x1x14x1x14x16xf32>
    %get3A_419 = vector.shape_cast %get3A_418 : vector<1x1x14x1x14x16xf32> to vector<14x14x16xf32>
    %reshape3A_420 = vector.shape_cast %get3A_419 : vector<14x14x16xf32> to vector<196x16xf32>
    %get3A_421 = arith.constant 0 : index
    %get3A_422 = arith.constant 2 : index
    %get3A_423 = arith.constant 0 : index
    %get3A_424 = arith.constant 15 : index
    %get3A_425 = arith.constant 0 : index
    %get3A_426 = arith.constant 0 : index
    %get3A_427 = vector.load %arg1[%get3A_421, %get3A_422, %get3A_423, %get3A_424, %get3A_425, %get3A_426] : memref<1x3x14x16x14x16xf32, #tpu.memory_space<vmem>>, vector<1x1x14x1x14x16xf32>
    %get3A_428 = vector.shape_cast %get3A_427 : vector<1x1x14x1x14x16xf32> to vector<14x14x16xf32>
    %reshape3A_429 = vector.shape_cast %get3A_428 : vector<14x14x16xf32> to vector<196x16xf32>
    %concatenate3A = tpu.concatenate %reshape3A, %reshape3A_15, %reshape3A_24, %reshape3A_33, %reshape3A_42, %reshape3A_51, %reshape3A_60, %reshape3A_69, %reshape3A_78, %reshape3A_87, %reshape3A_96, %reshape3A_105, %reshape3A_114, %reshape3A_123, %reshape3A_132, %reshape3A_141, %reshape3A_150, %reshape3A_159, %reshape3A_168, %reshape3A_177, %reshape3A_186, %reshape3A_195, %reshape3A_204, %reshape3A_213, %reshape3A_222, %reshape3A_231, %reshape3A_240, %reshape3A_249, %reshape3A_258, %reshape3A_267, %reshape3A_276, %reshape3A_285, %reshape3A_294, %reshape3A_303, %reshape3A_312, %reshape3A_321, %reshape3A_330, %reshape3A_339, %reshape3A_348, %reshape3A_357, %reshape3A_366, %reshape3A_375, %reshape3A_384, %reshape3A_393, %reshape3A_402, %reshape3A_411, %reshape3A_420, %reshape3A_429 in 1 : vector<196x16xf32>, vector<196x16xf32>, vector<196x16xf32>, vector<196x16xf32>, vector<196x16xf32>, vector<196x16xf32>, vector<196x16xf32>, vector<196x16xf32>, vector<196x16xf32>, vector<196x16xf32>, vector<196x16xf32>, vector<196x16xf32>, vector<196x16xf32>, vector<196x16xf32>, vector<196x16xf32>, vector<196x16xf32>, vector<196x16xf32>, vector<196x16xf32>, vector<196x16xf32>, vector<196x16xf32>, vector<196x16xf32>, vector<196x16xf32>, vector<196x16xf32>, vector<196x16xf32>, vector<196x16xf32>, vector<196x16xf32>, vector<196x16xf32>, vector<196x16xf32>, vector<196x16xf32>, vector<196x16xf32>, vector<196x16xf32>, vector<196x16xf32>, vector<196x16xf32>, vector<196x16xf32>, vector<196x16xf32>, vector<196x16xf32>, vector<196x16xf32>, vector<196x16xf32>, vector<196x16xf32>, vector<196x16xf32>, vector<196x16xf32>, vector<196x16xf32>, vector<196x16xf32>, vector<196x16xf32>, vector<196x16xf32>, vector<196x16xf32>, vector<196x16xf32>, vector<196x16xf32> -> vector<196x768xf32>
    %get3A_430 = arith.constant 0 : index
    %get3A_431 = arith.constant 0 : index
    %get3A_432 = vector.load %arg2[%get3A_430, %get3A_431] : memref<384x768xf32, #tpu.memory_space<vmem>>, vector<384x768xf32>
    %dot_general3A = arith.constant dense<0.000000e+00> : vector<196x384xf32>
    %dot_general3A_433 = tpu.matmul %concatenate3A, %get3A_432, %dot_general3A {dimension_numbers = #tpu.dot_dimension_numbers<[1], [1], [0], [0], [0, 0, 1, 0], [], []>, transpose_lhs_hint = false} : vector<196x768xf32>, vector<384x768xf32>, vector<196x384xf32> -> vector<196x384xf32>
    %get3A_434 = arith.constant 0 : index
    %get3A_435 = arith.constant 0 : index
    %get3A_436 = vector.load %arg3[%get3A_434, %get3A_435] : memref<1x384xf32, #tpu.memory_space<vmem>>, vector<1x384xf32>
    %add3A = vector.broadcast %get3A_436 : vector<1x384xf32> to vector<196x384xf32>
    %add3A_437 = arith.addf %dot_general3A_433, %add3A : vector<196x384xf32>
    %get3A_438 = arith.constant 1 : index
    %get3A_439 = arith.constant 0 : index
    %get3A_440 = vector.load %arg5[%get3A_438, %get3A_439] : memref<197x384xf32, #tpu.memory_space<vmem>>, vector<196x384xf32>
    %add3A_441 = arith.addf %add3A_437, %get3A_440 : vector<196x384xf32>
    %get3A_442 = arith.constant 0 : index
    %get3A_443 = arith.constant 0 : index
    %get3A_444 = vector.load %arg4[%get3A_442, %get3A_443] : memref<1x384xf32, #tpu.memory_space<vmem>>, vector<1x384xf32>
    %get3A_445 = arith.constant 0 : index
    %get3A_446 = arith.constant 0 : index
    %get3A_447 = vector.load %arg5[%get3A_445, %get3A_446] : memref<197x384xf32, #tpu.memory_space<vmem>>, vector<1x384xf32>
    %add3A_448 = arith.addf %get3A_444, %get3A_447 : vector<1x384xf32>
    %swap3A = arith.constant 0 : index
    %swap3A_449 = arith.constant 0 : index
    %swap3A_450 = arith.constant 0 : index
    %swap3A_451 = vector.load %arg6[%swap3A, %swap3A_449, %swap3A_450] : memref<1x197x384xf32, #tpu.memory_space<vmem>>, vector<1x1x384xf32>
    %swap3A_452 = vector.shape_cast %swap3A_451 : vector<1x1x384xf32> to vector<1x384xf32>
    %swap3A_453 = vector.shape_cast %add3A_448 : vector<1x384xf32> to vector<1x1x384xf32>
    tpu.vector_store %arg6[%swap3A, %swap3A_449, %swap3A_450], %swap3A_453 {strides = array<i32>} : memref<1x197x384xf32, #tpu.memory_space<vmem>>, vector<1x1x384xf32>,
    %swap3A_454 = arith.constant 0 : index
    %swap3A_455 = arith.constant 1 : index
    %swap3A_456 = arith.constant 0 : index
    %swap3A_457 = vector.load %arg6[%swap3A_454, %swap3A_455, %swap3A_456] : memref<1x197x384xf32, #tpu.memory_space<vmem>>, vector<1x196x384xf32>
    %swap3A_458 = vector.shape_cast %swap3A_457 : vector<1x196x384xf32> to vector<196x384xf32>
    %swap3A_459 = vector.shape_cast %add3A_441 : vector<196x384xf32> to vector<1x196x384xf32>
    tpu.vector_store %arg6[%swap3A_454, %swap3A_455, %swap3A_456], %swap3A_459 {strides = array<i32>} : memref<1x197x384xf32, #tpu.memory_space<vmem>>, vector<1x196x384xf32>,
    return
  }
  func.func @transform_0(%arg0: i32) -> (i32, i32, i32, i32, i32, i32) {
    %c0_i32 = arith.constant 0 : i32
    %c0_i32_0 = arith.constant 0 : i32
    %c0_i32_1 = arith.constant 0 : i32
    %c0_i32_2 = arith.constant 0 : i32
    %c0_i32_3 = arith.constant 0 : i32
    %c0_i32_4 = arith.constant 0 : i32
    return %arg0, %c0_i32, %c0_i32_0, %c0_i32_1, %c0_i32_2, %c0_i32_3 : i32, i32, i32, i32, i32, i32
  }
  func.func @transform_1(%arg0: i32) -> (i32, i32) {
    %c0_i32 = arith.constant 0 : i32
    %c0_i32_0 = arith.constant 0 : i32
    %c0_i32_1 = arith.constant 0 : i32
    return %c0_i32, %c0_i32_0 : i32, i32
  }
  func.func @transform_2(%arg0: i32) -> (i32, i32) {
    %c0_i32 = arith.constant 0 : i32
    %c0_i32_0 = arith.constant 0 : i32
    %c0_i32_1 = arith.constant 0 : i32
    return %c0_i32, %c0_i32_0 : i32, i32
  }
  func.func @transform_3(%arg0: i32) -> (i32, i32) {
    %c0_i32 = arith.constant 0 : i32
    %c0_i32_0 = arith.constant 0 : i32
    %c0_i32_1 = arith.constant 0 : i32
    return %c0_i32, %c0_i32_0 : i32, i32
  }
  func.func @transform_4(%arg0: i32) -> (i32, i32) {
    %c0_i32 = arith.constant 0 : i32
    %c0_i32_0 = arith.constant 0 : i32
    %c0_i32_1 = arith.constant 0 : i32
    return %c0_i32, %c0_i32_0 : i32, i32
  }
  func.func @transform_5(%arg0: i32) -> (i32, i32, i32) {
    %c0_i32 = arith.constant 0 : i32
    %c0_i32_0 = arith.constant 0 : i32
    %c0_i32_1 = arith.constant 0 : i32
    return %arg0, %c0_i32, %c0_i32_0 : i32, i32, i32
  }
}

module attributes {stable_mosaic.version = 14 : i64} {
  func.func @_route_body(%arg0: i32, %arg1: memref<1576x384xf32, #tpu.memory_space<vmem>>, %arg2: memref<1x8x384xf32, #tpu.memory_space<vmem>>, %arg3: memref<1x1x8xf32, #tpu.memory_space<vmem>>, %arg4: memref<1x1576x8xf32, #tpu.memory_space<vmem>>, %arg5: memref<1576x1xi32, #tpu.memory_space<vmem>>, %arg6: memref<1576x1xi32, #tpu.memory_space<vmem>>, %arg7: memref<1x16xi32, #tpu.memory_space<vmem>>) attributes {dimension_semantics = [#tpu.dimension_semantics<arbitrary>], iteration_bounds = array<i64: 1>, scalar_prefetch = 0 : i64, scratch_operands = 0 : i64, tpu.core_type = #tpu.core_type<tc>, window_params = [{pipeline_mode = #tpu.pipeline_mode<synchronous>, transform_indices = @transform_0, window_bounds = array<i64: 1576, 384>}, {transform_indices = @transform_1, window_bounds = array<i64: 1, 8, 384>}, {transform_indices = @transform_2, window_bounds = array<i64: 1, 1, 8>}, {transform_indices = @transform_3, window_bounds = array<i64: 1, 1576, 8>}, {pipeline_mode = #tpu.pipeline_mode<synchronous>, transform_indices = @transform_4, window_bounds = array<i64: 1576, 1>}, {pipeline_mode = #tpu.pipeline_mode<synchronous>, transform_indices = @transform_5, window_bounds = array<i64: 1576, 1>}, {pipeline_mode = #tpu.pipeline_mode<synchronous>, transform_indices = @transform_6, window_bounds = array<i64: 1, 16>}]} {
    %get3A = arith.constant 0 : index
    %get3A_0 = arith.constant 0 : index
    %get3A_1 = vector.load %arg1[%get3A, %get3A_0] : memref<1576x384xf32, #tpu.memory_space<vmem>>, vector<1576x384xf32>
    %get3A_2 = arith.constant 0 : index
    %get3A_3 = arith.constant 0 : index
    %get3A_4 = arith.constant 0 : index
    %get3A_5 = vector.load %arg2[%get3A_2, %get3A_3, %get3A_4] : memref<1x8x384xf32, #tpu.memory_space<vmem>>, vector<1x8x384xf32>
    %get3A_6 = vector.shape_cast %get3A_5 : vector<1x8x384xf32> to vector<8x384xf32>
    %dot_general3A = arith.constant dense<0.000000e+00> : vector<1576x8xf32>
    %dot_general3A_7 = tpu.matmul %get3A_1, %get3A_6, %dot_general3A {dimension_numbers = #tpu.dot_dimension_numbers<[1], [1], [0], [0], [0, 0, 1, 0], [], []>, transpose_lhs_hint = false} : vector<1576x384xf32>, vector<8x384xf32>, vector<1576x8xf32> -> vector<1576x8xf32>
    %get3A_8 = arith.constant 0 : index
    %get3A_9 = arith.constant 0 : index
    %get3A_10 = arith.constant 0 : index
    %get3A_11 = vector.load %arg3[%get3A_8, %get3A_9, %get3A_10] : memref<1x1x8xf32, #tpu.memory_space<vmem>>, vector<1x1x8xf32>
    %get3A_12 = vector.shape_cast %get3A_11 : vector<1x1x8xf32> to vector<1x8xf32>
    %add3A = vector.broadcast %get3A_12 : vector<1x8xf32> to vector<1576x8xf32>
    %add3A_13 = arith.addf %dot_general3A_7, %add3A : vector<1576x8xf32>
    %get3A_14 = arith.constant 0 : index
    %get3A_15 = arith.constant 0 : index
    %get3A_16 = arith.constant 0 : index
    %get3A_17 = vector.load %arg4[%get3A_14, %get3A_15, %get3A_16] : memref<1x1576x8xf32, #tpu.memory_space<vmem>>, vector<1x1576x8xf32>
    %get3A_18 = vector.shape_cast %get3A_17 : vector<1x1576x8xf32> to vector<1576x8xf32>
    %add3A_19 = arith.addf %add3A_13, %get3A_18 : vector<1576x8xf32>
    %reduce_max3A = arith.constant dense<0xFF800000> : vector<1576xf32>
    %reduce_max3A_20 = vector.multi_reduction <maximumf>, %add3A_19, %reduce_max3A [1] : vector<1576x8xf32> to vector<1576xf32>
    %broadcast_in_dim3A = vector.shape_cast %reduce_max3A_20 : vector<1576xf32> to vector<1576x1xf32>
    %iota3A = tpu.iota {dimensions = array<i32: 1>} : vector<1576x8xi32>
    %eq3A = vector.broadcast %broadcast_in_dim3A : vector<1576x1xf32> to vector<1576x8xf32>
    %eq3A_21 = arith.cmpf oeq, %add3A_19, %eq3A : vector<1576x8xf32>
    %jit3A = arith.constant 8 : i32
    %broadcast_in_dim3A_22 = vector.broadcast %jit3A : i32 to vector<1576x8xi32>
    %select_n3A = arith.select %eq3A_21, %iota3A, %broadcast_in_dim3A_22 : vector<1576x8xi1>, vector<1576x8xi32>
    %reduce_min3A = arith.constant dense<2147483647> : vector<1576xi32>
    %reduce_min3A_23 = vector.multi_reduction <minsi>, %select_n3A, %reduce_min3A [1] : vector<1576x8xi32> to vector<1576xi32>
    %broadcast_in_dim3A_24 = vector.shape_cast %reduce_min3A_23 : vector<1576xi32> to vector<1576x1xi32>
    %eq3A_25 = vector.broadcast %broadcast_in_dim3A_24 : vector<1576x1xi32> to vector<1576x8xi32>
    %eq3A_26 = arith.cmpi eq, %iota3A, %eq3A_25 : vector<1576x8xi32>
    %convert_element_type3A = arith.extui %eq3A_26 : vector<1576x8xi1> to vector<1576x8xi32>
    %convert_element_type3A_27 = arith.sitofp %convert_element_type3A : vector<1576x8xi32> to vector<1576x8xf32>
    %reduce_sum3A = arith.constant dense<0.000000e+00> : vector<8xf32>
    %reduce_sum3A_28 = vector.multi_reduction <add>, %convert_element_type3A_27, %reduce_sum3A [0] : vector<1576x8xf32> to vector<8xf32>
    %broadcast_in_dim3A_29 = vector.shape_cast %reduce_sum3A_28 : vector<8xf32> to vector<1x8xf32>
    %iota3A_30 = tpu.iota {dimensions = array<i32: 0>} : vector<8x8xi32>
    %iota3A_31 = tpu.iota {dimensions = array<i32: 1>} : vector<8x8xi32>
    %lt3A = arith.cmpi slt, %iota3A_30, %iota3A_31 : vector<8x8xi32>
    %convert_element_type3A_32 = arith.extui %lt3A : vector<8x8xi1> to vector<8x8xi32>
    %convert_element_type3A_33 = arith.sitofp %convert_element_type3A_32 : vector<8x8xi32> to vector<8x8xf32>
    %dot_general3A_34 = arith.constant dense<0.000000e+00> : vector<1x8xf32>
    %dot_general3A_35 = tpu.matmul %broadcast_in_dim3A_29, %convert_element_type3A_33, %dot_general3A_34 {dimension_numbers = #tpu.dot_dimension_numbers<[1], [0], [0], [1], [0, 0, 1, 1], [], []>, transpose_lhs_hint = false} : vector<1x8xf32>, vector<8x8xf32>, vector<1x8xf32> -> vector<1x8xf32>
    %broadcast_in_dim3A_36 = arith.constant 0.000000e+00 : f32
    %broadcast_in_dim3A_37 = vector.broadcast %broadcast_in_dim3A_36 : f32 to vector<1x8xf32>
    %slice3A = vector.extract_strided_slice %convert_element_type3A_27 {offsets = [0, 0], sizes = [1575, 8], strides = [1, 1]} : vector<1576x8xf32> to vector<1575x8xf32>
    %concatenate3A = tpu.concatenate %broadcast_in_dim3A_37, %slice3A in 0 : vector<1x8xf32>, vector<1575x8xf32> -> vector<1576x8xf32>
    %add3A_38 = arith.addf %convert_element_type3A_27, %concatenate3A : vector<1576x8xf32>
    %broadcast_in_dim3A_39 = arith.constant 0.000000e+00 : f32
    %broadcast_in_dim3A_40 = vector.broadcast %broadcast_in_dim3A_39 : f32 to vector<2x8xf32>
    %slice3A_41 = vector.extract_strided_slice %add3A_38 {offsets = [0, 0], sizes = [1574, 8], strides = [1, 1]} : vector<1576x8xf32> to vector<1574x8xf32>
    %concatenate3A_42 = tpu.concatenate %broadcast_in_dim3A_40, %slice3A_41 in 0 : vector<2x8xf32>, vector<1574x8xf32> -> vector<1576x8xf32>
    %add3A_43 = arith.addf %add3A_38, %concatenate3A_42 : vector<1576x8xf32>
    %broadcast_in_dim3A_44 = arith.constant 0.000000e+00 : f32
    %broadcast_in_dim3A_45 = vector.broadcast %broadcast_in_dim3A_44 : f32 to vector<4x8xf32>
    %slice3A_46 = vector.extract_strided_slice %add3A_43 {offsets = [0, 0], sizes = [1572, 8], strides = [1, 1]} : vector<1576x8xf32> to vector<1572x8xf32>
    %concatenate3A_47 = tpu.concatenate %broadcast_in_dim3A_45, %slice3A_46 in 0 : vector<4x8xf32>, vector<1572x8xf32> -> vector<1576x8xf32>
    %add3A_48 = arith.addf %add3A_43, %concatenate3A_47 : vector<1576x8xf32>
    %broadcast_in_dim3A_49 = arith.constant 0.000000e+00 : f32
    %broadcast_in_dim3A_50 = vector.broadcast %broadcast_in_dim3A_49 : f32 to vector<8x8xf32>
    %slice3A_51 = vector.extract_strided_slice %add3A_48 {offsets = [0, 0], sizes = [1568, 8], strides = [1, 1]} : vector<1576x8xf32> to vector<1568x8xf32>
    %concatenate3A_52 = tpu.concatenate %broadcast_in_dim3A_50, %slice3A_51 in 0 : vector<8x8xf32>, vector<1568x8xf32> -> vector<1576x8xf32>
    %add3A_53 = arith.addf %add3A_48, %concatenate3A_52 : vector<1576x8xf32>
    %broadcast_in_dim3A_54 = arith.constant 0.000000e+00 : f32
    %broadcast_in_dim3A_55 = vector.broadcast %broadcast_in_dim3A_54 : f32 to vector<16x8xf32>
    %slice3A_56 = vector.extract_strided_slice %add3A_53 {offsets = [0, 0], sizes = [1560, 8], strides = [1, 1]} : vector<1576x8xf32> to vector<1560x8xf32>
    %concatenate3A_57 = tpu.concatenate %broadcast_in_dim3A_55, %slice3A_56 in 0 : vector<16x8xf32>, vector<1560x8xf32> -> vector<1576x8xf32>
    %add3A_58 = arith.addf %add3A_53, %concatenate3A_57 : vector<1576x8xf32>
    %broadcast_in_dim3A_59 = arith.constant 0.000000e+00 : f32
    %broadcast_in_dim3A_60 = vector.broadcast %broadcast_in_dim3A_59 : f32 to vector<32x8xf32>
    %slice3A_61 = vector.extract_strided_slice %add3A_58 {offsets = [0, 0], sizes = [1544, 8], strides = [1, 1]} : vector<1576x8xf32> to vector<1544x8xf32>
    %concatenate3A_62 = tpu.concatenate %broadcast_in_dim3A_60, %slice3A_61 in 0 : vector<32x8xf32>, vector<1544x8xf32> -> vector<1576x8xf32>
    %add3A_63 = arith.addf %add3A_58, %concatenate3A_62 : vector<1576x8xf32>
    %broadcast_in_dim3A_64 = arith.constant 0.000000e+00 : f32
    %broadcast_in_dim3A_65 = vector.broadcast %broadcast_in_dim3A_64 : f32 to vector<64x8xf32>
    %slice3A_66 = vector.extract_strided_slice %add3A_63 {offsets = [0, 0], sizes = [1512, 8], strides = [1, 1]} : vector<1576x8xf32> to vector<1512x8xf32>
    %concatenate3A_67 = tpu.concatenate %broadcast_in_dim3A_65, %slice3A_66 in 0 : vector<64x8xf32>, vector<1512x8xf32> -> vector<1576x8xf32>
    %add3A_68 = arith.addf %add3A_63, %concatenate3A_67 : vector<1576x8xf32>
    %broadcast_in_dim3A_69 = arith.constant 0.000000e+00 : f32
    %broadcast_in_dim3A_70 = vector.broadcast %broadcast_in_dim3A_69 : f32 to vector<128x8xf32>
    %slice3A_71 = vector.extract_strided_slice %add3A_68 {offsets = [0, 0], sizes = [1448, 8], strides = [1, 1]} : vector<1576x8xf32> to vector<1448x8xf32>
    %concatenate3A_72 = tpu.concatenate %broadcast_in_dim3A_70, %slice3A_71 in 0 : vector<128x8xf32>, vector<1448x8xf32> -> vector<1576x8xf32>
    %add3A_73 = arith.addf %add3A_68, %concatenate3A_72 : vector<1576x8xf32>
    %broadcast_in_dim3A_74 = arith.constant 0.000000e+00 : f32
    %broadcast_in_dim3A_75 = vector.broadcast %broadcast_in_dim3A_74 : f32 to vector<256x8xf32>
    %slice3A_76 = vector.extract_strided_slice %add3A_73 {offsets = [0, 0], sizes = [1320, 8], strides = [1, 1]} : vector<1576x8xf32> to vector<1320x8xf32>
    %concatenate3A_77 = tpu.concatenate %broadcast_in_dim3A_75, %slice3A_76 in 0 : vector<256x8xf32>, vector<1320x8xf32> -> vector<1576x8xf32>
    %add3A_78 = arith.addf %add3A_73, %concatenate3A_77 : vector<1576x8xf32>
    %broadcast_in_dim3A_79 = arith.constant 0.000000e+00 : f32
    %broadcast_in_dim3A_80 = vector.broadcast %broadcast_in_dim3A_79 : f32 to vector<512x8xf32>
    %slice3A_81 = vector.extract_strided_slice %add3A_78 {offsets = [0, 0], sizes = [1064, 8], strides = [1, 1]} : vector<1576x8xf32> to vector<1064x8xf32>
    %concatenate3A_82 = tpu.concatenate %broadcast_in_dim3A_80, %slice3A_81 in 0 : vector<512x8xf32>, vector<1064x8xf32> -> vector<1576x8xf32>
    %add3A_83 = arith.addf %add3A_78, %concatenate3A_82 : vector<1576x8xf32>
    %broadcast_in_dim3A_84 = arith.constant 0.000000e+00 : f32
    %broadcast_in_dim3A_85 = vector.broadcast %broadcast_in_dim3A_84 : f32 to vector<1024x8xf32>
    %slice3A_86 = vector.extract_strided_slice %add3A_83 {offsets = [0, 0], sizes = [552, 8], strides = [1, 1]} : vector<1576x8xf32> to vector<552x8xf32>
    %concatenate3A_87 = tpu.concatenate %broadcast_in_dim3A_85, %slice3A_86 in 0 : vector<1024x8xf32>, vector<552x8xf32> -> vector<1576x8xf32>
    %add3A_88 = arith.addf %add3A_83, %concatenate3A_87 : vector<1576x8xf32>
    %mul3A = arith.mulf %add3A_88, %convert_element_type3A_27 : vector<1576x8xf32>
    %reduce_sum3A_89 = arith.constant dense<0.000000e+00> : vector<1576xf32>
    %reduce_sum3A_90 = vector.multi_reduction <add>, %mul3A, %reduce_sum3A_89 [1] : vector<1576x8xf32> to vector<1576xf32>
    %broadcast_in_dim3A_91 = vector.shape_cast %reduce_sum3A_90 : vector<1576xf32> to vector<1576x1xf32>
    %mul3A_92 = vector.broadcast %dot_general3A_35 : vector<1x8xf32> to vector<1576x8xf32>
    %mul3A_93 = arith.mulf %mul3A_92, %convert_element_type3A_27 : vector<1576x8xf32>
    %reduce_sum3A_94 = arith.constant dense<0.000000e+00> : vector<1576xf32>
    %reduce_sum3A_95 = vector.multi_reduction <add>, %mul3A_93, %reduce_sum3A_94 [1] : vector<1576x8xf32> to vector<1576xf32>
    %broadcast_in_dim3A_96 = vector.shape_cast %reduce_sum3A_95 : vector<1576xf32> to vector<1576x1xf32>
    %add3A_97 = arith.addf %broadcast_in_dim3A_96, %broadcast_in_dim3A_91 : vector<1576x1xf32>
    %sub3A = arith.constant 1.000000e+00 : f32
    %sub3A_98 = vector.broadcast %sub3A : f32 to vector<1576x1xf32>
    %sub3A_99 = arith.subf %add3A_97, %sub3A_98 : vector<1576x1xf32>
    %convert_element_type3A_100 = arith.fptosi %sub3A_99 : vector<1576x1xf32> to vector<1576x1xi32>
    %swap3A = arith.constant 0 : index
    %swap3A_101 = arith.constant 0 : index
    %swap3A_102 = vector.load %arg5[%swap3A, %swap3A_101] : memref<1576x1xi32, #tpu.memory_space<vmem>>, vector<1576x1xi32>
    tpu.vector_store %arg5[%swap3A, %swap3A_101], %convert_element_type3A_100 {strides = array<i32>} : memref<1576x1xi32, #tpu.memory_space<vmem>>, vector<1576x1xi32>,
    %swap3A_103 = arith.constant 0 : index
    %swap3A_104 = arith.constant 0 : index
    %swap3A_105 = vector.load %arg6[%swap3A_103, %swap3A_104] : memref<1576x1xi32, #tpu.memory_space<vmem>>, vector<1576x1xi32>
    tpu.vector_store %arg6[%swap3A_103, %swap3A_104], %broadcast_in_dim3A_24 {strides = array<i32>} : memref<1576x1xi32, #tpu.memory_space<vmem>>, vector<1576x1xi32>,
    %add3A_106 = arith.addf %dot_general3A_35, %broadcast_in_dim3A_29 : vector<1x8xf32>
    %concatenate3A_107 = tpu.concatenate %dot_general3A_35, %add3A_106 in 1 : vector<1x8xf32>, vector<1x8xf32> -> vector<1x16xf32>
    %convert_element_type3A_108 = arith.fptosi %concatenate3A_107 : vector<1x16xf32> to vector<1x16xi32>
    %swap3A_109 = arith.constant 0 : index
    %swap3A_110 = arith.constant 0 : index
    %swap3A_111 = vector.load %arg7[%swap3A_109, %swap3A_110] : memref<1x16xi32, #tpu.memory_space<vmem>>, vector<1x16xi32>
    tpu.vector_store %arg7[%swap3A_109, %swap3A_110], %convert_element_type3A_108 {strides = array<i32>} : memref<1x16xi32, #tpu.memory_space<vmem>>, vector<1x16xi32>,
    return
  }
  func.func @transform_0(%arg0: i32) -> (i32, i32) {
    %c0_i32 = arith.constant 0 : i32
    %c0_i32_0 = arith.constant 0 : i32
    %c0_i32_1 = arith.constant 0 : i32
    return %c0_i32, %c0_i32_0 : i32, i32
  }
  func.func @transform_1(%arg0: i32) -> (i32, i32, i32) {
    %c0_i32 = arith.constant 0 : i32
    %c0_i32_0 = arith.constant 0 : i32
    %c0_i32_1 = arith.constant 0 : i32
    %c0_i32_2 = arith.constant 0 : i32
    return %c0_i32, %c0_i32_0, %c0_i32_1 : i32, i32, i32
  }
  func.func @transform_2(%arg0: i32) -> (i32, i32, i32) {
    %c0_i32 = arith.constant 0 : i32
    %c0_i32_0 = arith.constant 0 : i32
    %c0_i32_1 = arith.constant 0 : i32
    %c0_i32_2 = arith.constant 0 : i32
    return %c0_i32, %c0_i32_0, %c0_i32_1 : i32, i32, i32
  }
  func.func @transform_3(%arg0: i32) -> (i32, i32, i32) {
    %c0_i32 = arith.constant 0 : i32
    %c0_i32_0 = arith.constant 0 : i32
    %c0_i32_1 = arith.constant 0 : i32
    %c0_i32_2 = arith.constant 0 : i32
    return %c0_i32, %c0_i32_0, %c0_i32_1 : i32, i32, i32
  }
  func.func @transform_4(%arg0: i32) -> (i32, i32) {
    %c0_i32 = arith.constant 0 : i32
    %c0_i32_0 = arith.constant 0 : i32
    %c0_i32_1 = arith.constant 0 : i32
    return %c0_i32, %c0_i32_0 : i32, i32
  }
  func.func @transform_5(%arg0: i32) -> (i32, i32) {
    %c0_i32 = arith.constant 0 : i32
    %c0_i32_0 = arith.constant 0 : i32
    %c0_i32_1 = arith.constant 0 : i32
    return %c0_i32, %c0_i32_0 : i32, i32
  }
  func.func @transform_6(%arg0: i32) -> (i32, i32) {
    %c0_i32 = arith.constant 0 : i32
    %c0_i32_0 = arith.constant 0 : i32
    %c0_i32_1 = arith.constant 0 : i32
    return %c0_i32, %c0_i32_0 : i32, i32
  }
}

module attributes {stable_mosaic.version = 14 : i64} {
  func.func @_resln_body(%arg0: i32, %arg1: memref<1576x384xf32, #tpu.memory_space<vmem>>, %arg2: memref<1576x384xf32, #tpu.memory_space<vmem>>, %arg3: memref<1576x1xi32, #tpu.memory_space<vmem>>, %arg4: memref<8x384xf32, #tpu.memory_space<vmem>>, %arg5: memref<1x1x384xf32, #tpu.memory_space<vmem>>, %arg6: memref<1x1x384xf32, #tpu.memory_space<vmem>>, %arg7: memref<1576x384xf32, #tpu.memory_space<vmem>>) attributes {dimension_semantics = [#tpu.dimension_semantics<arbitrary>], iteration_bounds = array<i64: 1>, scalar_prefetch = 0 : i64, scratch_operands = 0 : i64, tpu.core_type = #tpu.core_type<tc>, window_params = [{pipeline_mode = #tpu.pipeline_mode<synchronous>, transform_indices = @transform_0, window_bounds = array<i64: 1576, 384>}, {pipeline_mode = #tpu.pipeline_mode<synchronous>, transform_indices = @transform_1, window_bounds = array<i64: 1576, 384>}, {pipeline_mode = #tpu.pipeline_mode<synchronous>, transform_indices = @transform_2, window_bounds = array<i64: 1576, 1>}, {pipeline_mode = #tpu.pipeline_mode<synchronous>, transform_indices = @transform_3, window_bounds = array<i64: 8, 384>}, {transform_indices = @transform_4, window_bounds = array<i64: 1, 1, 384>}, {transform_indices = @transform_5, window_bounds = array<i64: 1, 1, 384>}, {pipeline_mode = #tpu.pipeline_mode<synchronous>, transform_indices = @transform_6, window_bounds = array<i64: 1576, 384>}]} {
    %iota3A = tpu.iota {dimensions = array<i32: 1>} : vector<1576x8xi32>
    %get3A = arith.constant 0 : index
    %get3A_0 = arith.constant 0 : index
    %get3A_1 = vector.load %arg3[%get3A, %get3A_0] : memref<1576x1xi32, #tpu.memory_space<vmem>>, vector<1576x1xi32>
    %eq3A = vector.broadcast %get3A_1 : vector<1576x1xi32> to vector<1576x8xi32>
    %eq3A_2 = arith.cmpi eq, %iota3A, %eq3A : vector<1576x8xi32>
    %convert_element_type3A = arith.extui %eq3A_2 : vector<1576x8xi1> to vector<1576x8xi32>
    %convert_element_type3A_3 = arith.sitofp %convert_element_type3A : vector<1576x8xi32> to vector<1576x8xf32>
    %get3A_4 = arith.constant 0 : index
    %get3A_5 = arith.constant 0 : index
    %get3A_6 = vector.load %arg4[%get3A_4, %get3A_5] : memref<8x384xf32, #tpu.memory_space<vmem>>, vector<8x384xf32>
    %reduce_sum3A = arith.constant dense<0.000000e+00> : vector<384xf32>
    %reduce_sum3A_7 = vector.multi_reduction <add>, %get3A_6, %reduce_sum3A [0] : vector<8x384xf32> to vector<384xf32>
    %broadcast_in_dim3A = vector.shape_cast %reduce_sum3A_7 : vector<384xf32> to vector<1x384xf32>
    %dot_general3A = arith.constant dense<0.000000e+00> : vector<1576x384xf32>
    %dot_general3A_8 = tpu.matmul %convert_element_type3A_3, %get3A_6, %dot_general3A {dimension_numbers = #tpu.dot_dimension_numbers<[1], [0], [0], [1], [0, 0, 1, 1], [], []>, transpose_lhs_hint = false} : vector<1576x8xf32>, vector<8x384xf32>, vector<1576x384xf32> -> vector<1576x384xf32>
    %get3A_9 = arith.constant 0 : index
    %get3A_10 = arith.constant 0 : index
    %get3A_11 = vector.load %arg2[%get3A_9, %get3A_10] : memref<1576x384xf32, #tpu.memory_space<vmem>>, vector<1576x384xf32>
    %sub3A = vector.broadcast %broadcast_in_dim3A : vector<1x384xf32> to vector<1576x384xf32>
    %sub3A_12 = arith.subf %sub3A, %dot_general3A_8 : vector<1576x384xf32>
    %add3A = arith.addf %get3A_11, %sub3A_12 : vector<1576x384xf32>
    %get3A_13 = arith.constant 0 : index
    %get3A_14 = arith.constant 0 : index
    %get3A_15 = vector.load %arg1[%get3A_13, %get3A_14] : memref<1576x384xf32, #tpu.memory_space<vmem>>, vector<1576x384xf32>
    %add3A_16 = arith.addf %get3A_15, %add3A : vector<1576x384xf32>
    %get3A_17 = arith.constant 0 : index
    %get3A_18 = arith.constant 0 : index
    %get3A_19 = arith.constant 0 : index
    %get3A_20 = vector.load %arg5[%get3A_17, %get3A_18, %get3A_19] : memref<1x1x384xf32, #tpu.memory_space<vmem>>, vector<1x1x384xf32>
    %get3A_21 = vector.shape_cast %get3A_20 : vector<1x1x384xf32> to vector<1x384xf32>
    %get3A_22 = arith.constant 0 : index
    %get3A_23 = arith.constant 0 : index
    %get3A_24 = arith.constant 0 : index
    %get3A_25 = vector.load %arg6[%get3A_22, %get3A_23, %get3A_24] : memref<1x1x384xf32, #tpu.memory_space<vmem>>, vector<1x1x384xf32>
    %get3A_26 = vector.shape_cast %get3A_25 : vector<1x1x384xf32> to vector<1x384xf32>
    %reduce_sum3A_27 = arith.constant dense<0.000000e+00> : vector<1576xf32>
    %reduce_sum3A_28 = vector.multi_reduction <add>, %add3A_16, %reduce_sum3A_27 [1] : vector<1576x384xf32> to vector<1576xf32>
    %broadcast_in_dim3A_29 = vector.shape_cast %reduce_sum3A_28 : vector<1576xf32> to vector<1576x1xf32>
    %div3A = arith.constant 3.840000e+02 : f32
    %div3A_30 = vector.broadcast %div3A : f32 to vector<1576x1xf32>
    %div3A_31 = arith.divf %broadcast_in_dim3A_29, %div3A_30 : vector<1576x1xf32>
    %sub3A_32 = vector.broadcast %div3A_31 : vector<1576x1xf32> to vector<1576x384xf32>
    %sub3A_33 = arith.subf %add3A_16, %sub3A_32 : vector<1576x384xf32>
    %integer_pow3A = arith.mulf %sub3A_33, %sub3A_33 : vector<1576x384xf32>
    %reduce_sum3A_34 = arith.constant dense<0.000000e+00> : vector<1576xf32>
    %reduce_sum3A_35 = vector.multi_reduction <add>, %integer_pow3A, %reduce_sum3A_34 [1] : vector<1576x384xf32> to vector<1576xf32>
    %broadcast_in_dim3A_36 = vector.shape_cast %reduce_sum3A_35 : vector<1576xf32> to vector<1576x1xf32>
    %div3A_37 = arith.constant 3.840000e+02 : f32
    %div3A_38 = vector.broadcast %div3A_37 : f32 to vector<1576x1xf32>
    %div3A_39 = arith.divf %broadcast_in_dim3A_36, %div3A_38 : vector<1576x1xf32>
    %sub3A_40 = vector.broadcast %div3A_31 : vector<1576x1xf32> to vector<1576x384xf32>
    %sub3A_41 = arith.subf %add3A_16, %sub3A_40 : vector<1576x384xf32>
    %add3A_42 = arith.constant 9.99999974E-6 : f32
    %add3A_43 = vector.broadcast %add3A_42 : f32 to vector<1576x1xf32>
    %add3A_44 = arith.addf %div3A_39, %add3A_43 : vector<1576x1xf32>
    %sqrt3A = math.sqrt %add3A_44 : vector<1576x1xf32>
    %div3A_45 = vector.broadcast %sqrt3A : vector<1576x1xf32> to vector<1576x384xf32>
    %div3A_46 = arith.divf %sub3A_41, %div3A_45 : vector<1576x384xf32>
    %mul3A = vector.broadcast %get3A_21 : vector<1x384xf32> to vector<1576x384xf32>
    %mul3A_47 = arith.mulf %div3A_46, %mul3A : vector<1576x384xf32>
    %add3A_48 = vector.broadcast %get3A_26 : vector<1x384xf32> to vector<1576x384xf32>
    %add3A_49 = arith.addf %mul3A_47, %add3A_48 : vector<1576x384xf32>
    %swap3A = arith.constant 0 : index
    %swap3A_50 = arith.constant 0 : index
    %swap3A_51 = vector.load %arg7[%swap3A, %swap3A_50] : memref<1576x384xf32, #tpu.memory_space<vmem>>, vector<1576x384xf32>
    tpu.vector_store %arg7[%swap3A, %swap3A_50], %add3A_49 {strides = array<i32>} : memref<1576x384xf32, #tpu.memory_space<vmem>>, vector<1576x384xf32>,
    return
  }
  func.func @transform_0(%arg0: i32) -> (i32, i32) {
    %c0_i32 = arith.constant 0 : i32
    %c0_i32_0 = arith.constant 0 : i32
    %c0_i32_1 = arith.constant 0 : i32
    return %c0_i32, %c0_i32_0 : i32, i32
  }
  func.func @transform_1(%arg0: i32) -> (i32, i32) {
    %c0_i32 = arith.constant 0 : i32
    %c0_i32_0 = arith.constant 0 : i32
    %c0_i32_1 = arith.constant 0 : i32
    return %c0_i32, %c0_i32_0 : i32, i32
  }
  func.func @transform_2(%arg0: i32) -> (i32, i32) {
    %c0_i32 = arith.constant 0 : i32
    %c0_i32_0 = arith.constant 0 : i32
    %c0_i32_1 = arith.constant 0 : i32
    return %c0_i32, %c0_i32_0 : i32, i32
  }
  func.func @transform_3(%arg0: i32) -> (i32, i32) {
    %c0_i32 = arith.constant 0 : i32
    %c0_i32_0 = arith.constant 0 : i32
    %c0_i32_1 = arith.constant 0 : i32
    return %c0_i32, %c0_i32_0 : i32, i32
  }
  func.func @transform_4(%arg0: i32) -> (i32, i32, i32) {
    %c0_i32 = arith.constant 0 : i32
    %c0_i32_0 = arith.constant 0 : i32
    %c0_i32_1 = arith.constant 0 : i32
    %c0_i32_2 = arith.constant 0 : i32
    return %c0_i32, %c0_i32_0, %c0_i32_1 : i32, i32, i32
  }
  func.func @transform_5(%arg0: i32) -> (i32, i32, i32) {
    %c0_i32 = arith.constant 0 : i32
    %c0_i32_0 = arith.constant 0 : i32
    %c0_i32_1 = arith.constant 0 : i32
    %c0_i32_2 = arith.constant 0 : i32
    return %c0_i32, %c0_i32_0, %c0_i32_1 : i32, i32, i32
  }
  func.func @transform_6(%arg0: i32) -> (i32, i32) {
    %c0_i32 = arith.constant 0 : i32
    %c0_i32_0 = arith.constant 0 : i32
    %c0_i32_1 = arith.constant 0 : i32
    return %c0_i32, %c0_i32_0 : i32, i32
  }
}

module attributes {stable_mosaic.version = 14 : i64} {
  func.func @_ffn_body(%arg0: i32, %arg1: memref<16xi32, #tpu.memory_space<smem>>, %arg2: memref<1792x384xf32, #tpu.memory_space<vmem>>, %arg3: memref<1x1x1536x384xf32, #tpu.memory_space<vmem>>, %arg4: memref<1x1x1x1536xf32, #tpu.memory_space<vmem>>, %arg5: memref<1x1x384x1536xf32, #tpu.memory_space<vmem>>, %arg6: memref<1x1x1x384xf32, #tpu.memory_space<vmem>>, %arg7: memref<1792x384xf32, #tpu.memory_space<vmem>>, %arg8: memref<1x1x384xf32, #tpu.memory_space<vmem>>) attributes {dimension_semantics = [#tpu.dimension_semantics<arbitrary>], iteration_bounds = array<i64: 8>, scalar_prefetch = 0 : i64, scratch_operands = 0 : i64, tpu.core_type = #tpu.core_type<tc>, window_params = [{transform_indices = @transform_0, window_bounds = array<i64: 16>}, {pipeline_mode = #tpu.pipeline_mode<synchronous>, transform_indices = @transform_1, window_bounds = array<i64: 1792, 384>}, {transform_indices = @transform_2, window_bounds = array<i64: 1, 1, 1536, 384>}, {transform_indices = @transform_3, window_bounds = array<i64: 1, 1, 1, 1536>}, {transform_indices = @transform_4, window_bounds = array<i64: 1, 1, 384, 1536>}, {transform_indices = @transform_5, window_bounds = array<i64: 1, 1, 1, 384>}, {pipeline_mode = #tpu.pipeline_mode<synchronous>, transform_indices = @transform_6, window_bounds = array<i64: 1792, 384>}, {transform_indices = @transform_7, window_bounds = array<i64: 1, 1, 384>}]} {
    %get3A = arith.constant 0 : index
    %get3A_0 = arith.constant 0 : index
    %get3A_1 = arith.constant 0 : index
    %get3A_2 = arith.constant 0 : index
    %get3A_3 = vector.load %arg3[%get3A, %get3A_0, %get3A_1, %get3A_2] : memref<1x1x1536x384xf32, #tpu.memory_space<vmem>>, vector<1x1x1536x384xf32>
    %get3A_4 = vector.shape_cast %get3A_3 : vector<1x1x1536x384xf32> to vector<1536x384xf32>
    %get3A_5 = arith.constant 0 : index
    %get3A_6 = arith.constant 0 : index
    %get3A_7 = arith.constant 0 : index
    %get3A_8 = arith.constant 0 : index
    %get3A_9 = vector.load %arg5[%get3A_5, %get3A_6, %get3A_7, %get3A_8] : memref<1x1x384x1536xf32, #tpu.memory_space<vmem>>, vector<1x1x384x1536xf32>
    %get3A_10 = vector.shape_cast %get3A_9 : vector<1x1x384x1536xf32> to vector<384x1536xf32>
    %get3A_11 = arith.constant 0 : index
    %get3A_12 = arith.constant 0 : index
    %get3A_13 = arith.constant 0 : index
    %get3A_14 = arith.constant 0 : index
    %get3A_15 = vector.load %arg4[%get3A_11, %get3A_12, %get3A_13, %get3A_14] : memref<1x1x1x1536xf32, #tpu.memory_space<vmem>>, vector<1x1x1x1536xf32>
    %get3A_16 = vector.shape_cast %get3A_15 : vector<1x1x1x1536xf32> to vector<1x1536xf32>
    %get3A_17 = arith.constant 0 : index
    %get3A_18 = arith.constant 0 : index
    %get3A_19 = arith.constant 0 : index
    %get3A_20 = arith.constant 0 : index
    %get3A_21 = vector.load %arg6[%get3A_17, %get3A_18, %get3A_19, %get3A_20] : memref<1x1x1x384xf32, #tpu.memory_space<vmem>>, vector<1x1x1x384xf32>
    %get3A_22 = vector.shape_cast %get3A_21 : vector<1x1x1x384xf32> to vector<1x384xf32>
    %mul3A = arith.constant 5.000000e-01 : f32
    %mul3A_23 = vector.broadcast %mul3A : f32 to vector<1x1536xf32>
    %mul3A_24 = arith.mulf %mul3A_23, %get3A_16 : vector<1x1536xf32>
    %mul3A_25 = arith.constant 0.707106769 : f32
    %mul3A_26 = vector.broadcast %mul3A_25 : f32 to vector<1x1536xf32>
    %mul3A_27 = arith.mulf %get3A_16, %mul3A_26 : vector<1x1536xf32>
    %erf3A = math.erf %mul3A_27 : vector<1x1536xf32>
    %add3A = arith.constant 1.000000e+00 : f32
    %add3A_28 = vector.broadcast %add3A : f32 to vector<1x1536xf32>
    %add3A_29 = arith.addf %add3A_28, %erf3A : vector<1x1536xf32>
    %mul3A_30 = arith.mulf %mul3A_24, %add3A_29 : vector<1x1536xf32>
    %dot_general3A = arith.constant dense<0.000000e+00> : vector<1x384xf32>
    %dot_general3A_31 = tpu.matmul %mul3A_30, %get3A_10, %dot_general3A {dimension_numbers = #tpu.dot_dimension_numbers<[1], [1], [0], [0], [0, 0, 1, 0], [], []>, transpose_lhs_hint = false} : vector<1x1536xf32>, vector<384x1536xf32>, vector<1x384xf32> -> vector<1x384xf32>
    %add3A_32 = arith.addf %dot_general3A_31, %get3A_22 : vector<1x384xf32>
    %swap3A = arith.constant 0 : index
    %swap3A_33 = arith.constant 0 : index
    %swap3A_34 = arith.constant 0 : index
    %swap3A_35 = vector.load %arg8[%swap3A, %swap3A_33, %swap3A_34] : memref<1x1x384xf32, #tpu.memory_space<vmem>>, vector<1x1x384xf32>
    %swap3A_36 = vector.shape_cast %swap3A_35 : vector<1x1x384xf32> to vector<1x384xf32>
    %swap3A_37 = vector.shape_cast %add3A_32 : vector<1x384xf32> to vector<1x1x384xf32>
    tpu.vector_store %arg8[%swap3A, %swap3A_33, %swap3A_34], %swap3A_37 {strides = array<i32>} : memref<1x1x384xf32, #tpu.memory_space<vmem>>, vector<1x1x384xf32>,
    %eq3A = arith.constant 0 : i32
    %eq3A_38 = arith.cmpi eq, %arg0, %eq3A : i32
    %convert_element_type3A = arith.extui %eq3A_38 : i1 to i32
    %cond3A = arith.constant 0 : i32
    %cond3A_39 = arith.cmpi ne, %convert_element_type3A, %cond3A : i32
    scf.if %cond3A_39 {
      %broadcast_in_dim3A = arith.constant 0.000000e+00 : f32
      %broadcast_in_dim3A_99 = vector.broadcast %broadcast_in_dim3A : f32 to vector<1792x384xf32>
      %swap3A_100 = arith.constant 0 : index
      %swap3A_101 = arith.constant 0 : index
      %swap3A_102 = vector.load %arg7[%swap3A_100, %swap3A_101] : memref<1792x384xf32, #tpu.memory_space<vmem>>, vector<1792x384xf32>
      tpu.vector_store %arg7[%swap3A_100, %swap3A_101], %broadcast_in_dim3A_99 {strides = array<i32>} : memref<1792x384xf32, #tpu.memory_space<vmem>>, vector<1792x384xf32>,
    } else {
    }
    %get3A_40 = arith.index_cast %arg0 : i32 to index
    %get3A_41 = memref.load %arg1[%get3A_40] : memref<16xi32, #tpu.memory_space<smem>>
    %add3A_42 = arith.constant 8 : i32
    %add3A_43 = arith.addi %add3A_42, %arg0 : i32
    %get3A_44 = arith.index_cast %add3A_43 : i32 to index
    %get3A_45 = memref.load %arg1[%get3A_44] : memref<16xi32, #tpu.memory_space<smem>>
    %gt3A = arith.constant 0 : i32
    %gt3A_46 = arith.cmpi sgt, %get3A_45, %gt3A : i32
    %lt3A = arith.constant 256 : i32
    %lt3A_47 = arith.cmpi slt, %get3A_41, %lt3A : i32
    %and3A = arith.andi %gt3A_46, %lt3A_47 : i1
    %convert_element_type3A_48 = arith.extui %and3A : i1 to i32
    %cond3A_49 = arith.constant 0 : i32
    %cond3A_50 = arith.cmpi ne, %convert_element_type3A_48, %cond3A_49 : i32
    scf.if %cond3A_50 {
      %get3A_99 = arith.constant 0 : index
      %get3A_100 = arith.constant 0 : index
      %get3A_101 = vector.load %arg2[%get3A_99, %get3A_100] : memref<1792x384xf32, #tpu.memory_space<vmem>>, vector<256x384xf32>
      %dot_general3A_102 = arith.constant dense<0.000000e+00> : vector<256x1536xf32>
      %dot_general3A_103 = tpu.matmul %get3A_101, %get3A_4, %dot_general3A_102 {dimension_numbers = #tpu.dot_dimension_numbers<[1], [1], [0], [0], [0, 0, 1, 0], [], []>, transpose_lhs_hint = false} : vector<256x384xf32>, vector<1536x384xf32>, vector<256x1536xf32> -> vector<256x1536xf32>
      %add3A_104 = vector.broadcast %get3A_16 : vector<1x1536xf32> to vector<256x1536xf32>
      %add3A_105 = arith.addf %dot_general3A_103, %add3A_104 : vector<256x1536xf32>
      %mul3A_106 = arith.constant 5.000000e-01 : f32
      %mul3A_107 = vector.broadcast %mul3A_106 : f32 to vector<256x1536xf32>
      %mul3A_108 = arith.mulf %mul3A_107, %add3A_105 : vector<256x1536xf32>
      %mul3A_109 = arith.constant 0.707106769 : f32
      %mul3A_110 = vector.broadcast %mul3A_109 : f32 to vector<256x1536xf32>
      %mul3A_111 = arith.mulf %add3A_105, %mul3A_110 : vector<256x1536xf32>
      %erf3A_112 = math.erf %mul3A_111 : vector<256x1536xf32>
      %add3A_113 = arith.constant 1.000000e+00 : f32
      %add3A_114 = vector.broadcast %add3A_113 : f32 to vector<256x1536xf32>
      %add3A_115 = arith.addf %add3A_114, %erf3A_112 : vector<256x1536xf32>
      %mul3A_116 = arith.mulf %mul3A_108, %add3A_115 : vector<256x1536xf32>
      %dot_general3A_117 = arith.constant dense<0.000000e+00> : vector<256x384xf32>
      %dot_general3A_118 = tpu.matmul %mul3A_116, %get3A_10, %dot_general3A_117 {dimension_numbers = #tpu.dot_dimension_numbers<[1], [1], [0], [0], [0, 0, 1, 0], [], []>, transpose_lhs_hint = false} : vector<256x1536xf32>, vector<384x1536xf32>, vector<256x384xf32> -> vector<256x384xf32>
      %add3A_119 = vector.broadcast %get3A_22 : vector<1x384xf32> to vector<256x384xf32>
      %add3A_120 = arith.addf %dot_general3A_118, %add3A_119 : vector<256x384xf32>
      %iota3A = tpu.iota {dimensions = array<i32: 0>} : vector<256x1xi32>
      %add3A_121 = arith.constant 0 : i32
      %add3A_122 = vector.broadcast %add3A_121 : i32 to vector<256x1xi32>
      %add3A_123 = arith.addi %add3A_122, %iota3A : vector<256x1xi32>
      %ge3A = vector.broadcast %get3A_41 : i32 to vector<256x1xi32>
      %ge3A_124 = arith.cmpi sge, %add3A_123, %ge3A : vector<256x1xi32>
      %lt3A_125 = vector.broadcast %get3A_45 : i32 to vector<256x1xi32>
      %lt3A_126 = arith.cmpi slt, %add3A_123, %lt3A_125 : vector<256x1xi32>
      %and3A_127 = arith.andi %ge3A_124, %lt3A_126 : vector<256x1xi1>
      %get3A_128 = arith.constant 0 : index
      %get3A_129 = arith.constant 0 : index
      %get3A_130 = vector.load %arg7[%get3A_128, %get3A_129] : memref<1792x384xf32, #tpu.memory_space<vmem>>, vector<256x384xf32>
      %broadcast_in_dim3A = vector.shape_cast %and3A_127 : vector<256x1xi1> to vector<256x1xi1>
      %broadcast_in_dim3A_131 = vector.broadcast %broadcast_in_dim3A : vector<256x1xi1> to vector<256x384xi1>
      %select_n3A = arith.select %broadcast_in_dim3A_131, %add3A_120, %get3A_130 : vector<256x384xi1>, vector<256x384xf32>
      %swap3A_132 = arith.constant 0 : index
      %swap3A_133 = arith.constant 0 : index
      %swap3A_134 = vector.load %arg7[%swap3A_132, %swap3A_133] : memref<1792x384xf32, #tpu.memory_space<vmem>>, vector<256x384xf32>
      tpu.vector_store %arg7[%swap3A_132, %swap3A_133], %select_n3A {strides = array<i32>} : memref<1792x384xf32, #tpu.memory_space<vmem>>, vector<256x384xf32>,
    } else {
    }
    %gt3A_51 = arith.constant 256 : i32
    %gt3A_52 = arith.cmpi sgt, %get3A_45, %gt3A_51 : i32
    %lt3A_53 = arith.constant 512 : i32
    %lt3A_54 = arith.cmpi slt, %get3A_41, %lt3A_53 : i32
    %and3A_55 = arith.andi %gt3A_52, %lt3A_54 : i1
    %convert_element_type3A_56 = arith.extui %and3A_55 : i1 to i32
    %cond3A_57 = arith.constant 0 : i32
    %cond3A_58 = arith.cmpi ne, %convert_element_type3A_56, %cond3A_57 : i32
    scf.if %cond3A_58 {
      %get3A_99 = arith.constant 256 : index
      %get3A_100 = arith.constant 0 : index
      %get3A_101 = vector.load %arg2[%get3A_99, %get3A_100] : memref<1792x384xf32, #tpu.memory_space<vmem>>, vector<256x384xf32>
      %dot_general3A_102 = arith.constant dense<0.000000e+00> : vector<256x1536xf32>
      %dot_general3A_103 = tpu.matmul %get3A_101, %get3A_4, %dot_general3A_102 {dimension_numbers = #tpu.dot_dimension_numbers<[1], [1], [0], [0], [0, 0, 1, 0], [], []>, transpose_lhs_hint = false} : vector<256x384xf32>, vector<1536x384xf32>, vector<256x1536xf32> -> vector<256x1536xf32>
      %add3A_104 = vector.broadcast %get3A_16 : vector<1x1536xf32> to vector<256x1536xf32>
      %add3A_105 = arith.addf %dot_general3A_103, %add3A_104 : vector<256x1536xf32>
      %mul3A_106 = arith.constant 5.000000e-01 : f32
      %mul3A_107 = vector.broadcast %mul3A_106 : f32 to vector<256x1536xf32>
      %mul3A_108 = arith.mulf %mul3A_107, %add3A_105 : vector<256x1536xf32>
      %mul3A_109 = arith.constant 0.707106769 : f32
      %mul3A_110 = vector.broadcast %mul3A_109 : f32 to vector<256x1536xf32>
      %mul3A_111 = arith.mulf %add3A_105, %mul3A_110 : vector<256x1536xf32>
      %erf3A_112 = math.erf %mul3A_111 : vector<256x1536xf32>
      %add3A_113 = arith.constant 1.000000e+00 : f32
      %add3A_114 = vector.broadcast %add3A_113 : f32 to vector<256x1536xf32>
      %add3A_115 = arith.addf %add3A_114, %erf3A_112 : vector<256x1536xf32>
      %mul3A_116 = arith.mulf %mul3A_108, %add3A_115 : vector<256x1536xf32>
      %dot_general3A_117 = arith.constant dense<0.000000e+00> : vector<256x384xf32>
      %dot_general3A_118 = tpu.matmul %mul3A_116, %get3A_10, %dot_general3A_117 {dimension_numbers = #tpu.dot_dimension_numbers<[1], [1], [0], [0], [0, 0, 1, 0], [], []>, transpose_lhs_hint = false} : vector<256x1536xf32>, vector<384x1536xf32>, vector<256x384xf32> -> vector<256x384xf32>
      %add3A_119 = vector.broadcast %get3A_22 : vector<1x384xf32> to vector<256x384xf32>
      %add3A_120 = arith.addf %dot_general3A_118, %add3A_119 : vector<256x384xf32>
      %iota3A = tpu.iota {dimensions = array<i32: 0>} : vector<256x1xi32>
      %add3A_121 = arith.constant 256 : i32
      %add3A_122 = vector.broadcast %add3A_121 : i32 to vector<256x1xi32>
      %add3A_123 = arith.addi %add3A_122, %iota3A : vector<256x1xi32>
      %ge3A = vector.broadcast %get3A_41 : i32 to vector<256x1xi32>
      %ge3A_124 = arith.cmpi sge, %add3A_123, %ge3A : vector<256x1xi32>
      %lt3A_125 = vector.broadcast %get3A_45 : i32 to vector<256x1xi32>
      %lt3A_126 = arith.cmpi slt, %add3A_123, %lt3A_125 : vector<256x1xi32>
      %and3A_127 = arith.andi %ge3A_124, %lt3A_126 : vector<256x1xi1>
      %get3A_128 = arith.constant 256 : index
      %get3A_129 = arith.constant 0 : index
      %get3A_130 = vector.load %arg7[%get3A_128, %get3A_129] : memref<1792x384xf32, #tpu.memory_space<vmem>>, vector<256x384xf32>
      %broadcast_in_dim3A = vector.shape_cast %and3A_127 : vector<256x1xi1> to vector<256x1xi1>
      %broadcast_in_dim3A_131 = vector.broadcast %broadcast_in_dim3A : vector<256x1xi1> to vector<256x384xi1>
      %select_n3A = arith.select %broadcast_in_dim3A_131, %add3A_120, %get3A_130 : vector<256x384xi1>, vector<256x384xf32>
      %swap3A_132 = arith.constant 256 : index
      %swap3A_133 = arith.constant 0 : index
      %swap3A_134 = vector.load %arg7[%swap3A_132, %swap3A_133] : memref<1792x384xf32, #tpu.memory_space<vmem>>, vector<256x384xf32>
      tpu.vector_store %arg7[%swap3A_132, %swap3A_133], %select_n3A {strides = array<i32>} : memref<1792x384xf32, #tpu.memory_space<vmem>>, vector<256x384xf32>,
    } else {
    }
    %gt3A_59 = arith.constant 512 : i32
    %gt3A_60 = arith.cmpi sgt, %get3A_45, %gt3A_59 : i32
    %lt3A_61 = arith.constant 768 : i32
    %lt3A_62 = arith.cmpi slt, %get3A_41, %lt3A_61 : i32
    %and3A_63 = arith.andi %gt3A_60, %lt3A_62 : i1
    %convert_element_type3A_64 = arith.extui %and3A_63 : i1 to i32
    %cond3A_65 = arith.constant 0 : i32
    %cond3A_66 = arith.cmpi ne, %convert_element_type3A_64, %cond3A_65 : i32
    scf.if %cond3A_66 {
      %get3A_99 = arith.constant 512 : index
      %get3A_100 = arith.constant 0 : index
      %get3A_101 = vector.load %arg2[%get3A_99, %get3A_100] : memref<1792x384xf32, #tpu.memory_space<vmem>>, vector<256x384xf32>
      %dot_general3A_102 = arith.constant dense<0.000000e+00> : vector<256x1536xf32>
      %dot_general3A_103 = tpu.matmul %get3A_101, %get3A_4, %dot_general3A_102 {dimension_numbers = #tpu.dot_dimension_numbers<[1], [1], [0], [0], [0, 0, 1, 0], [], []>, transpose_lhs_hint = false} : vector<256x384xf32>, vector<1536x384xf32>, vector<256x1536xf32> -> vector<256x1536xf32>
      %add3A_104 = vector.broadcast %get3A_16 : vector<1x1536xf32> to vector<256x1536xf32>
      %add3A_105 = arith.addf %dot_general3A_103, %add3A_104 : vector<256x1536xf32>
      %mul3A_106 = arith.constant 5.000000e-01 : f32
      %mul3A_107 = vector.broadcast %mul3A_106 : f32 to vector<256x1536xf32>
      %mul3A_108 = arith.mulf %mul3A_107, %add3A_105 : vector<256x1536xf32>
      %mul3A_109 = arith.constant 0.707106769 : f32
      %mul3A_110 = vector.broadcast %mul3A_109 : f32 to vector<256x1536xf32>
      %mul3A_111 = arith.mulf %add3A_105, %mul3A_110 : vector<256x1536xf32>
      %erf3A_112 = math.erf %mul3A_111 : vector<256x1536xf32>
      %add3A_113 = arith.constant 1.000000e+00 : f32
      %add3A_114 = vector.broadcast %add3A_113 : f32 to vector<256x1536xf32>
      %add3A_115 = arith.addf %add3A_114, %erf3A_112 : vector<256x1536xf32>
      %mul3A_116 = arith.mulf %mul3A_108, %add3A_115 : vector<256x1536xf32>
      %dot_general3A_117 = arith.constant dense<0.000000e+00> : vector<256x384xf32>
      %dot_general3A_118 = tpu.matmul %mul3A_116, %get3A_10, %dot_general3A_117 {dimension_numbers = #tpu.dot_dimension_numbers<[1], [1], [0], [0], [0, 0, 1, 0], [], []>, transpose_lhs_hint = false} : vector<256x1536xf32>, vector<384x1536xf32>, vector<256x384xf32> -> vector<256x384xf32>
      %add3A_119 = vector.broadcast %get3A_22 : vector<1x384xf32> to vector<256x384xf32>
      %add3A_120 = arith.addf %dot_general3A_118, %add3A_119 : vector<256x384xf32>
      %iota3A = tpu.iota {dimensions = array<i32: 0>} : vector<256x1xi32>
      %add3A_121 = arith.constant 512 : i32
      %add3A_122 = vector.broadcast %add3A_121 : i32 to vector<256x1xi32>
      %add3A_123 = arith.addi %add3A_122, %iota3A : vector<256x1xi32>
      %ge3A = vector.broadcast %get3A_41 : i32 to vector<256x1xi32>
      %ge3A_124 = arith.cmpi sge, %add3A_123, %ge3A : vector<256x1xi32>
      %lt3A_125 = vector.broadcast %get3A_45 : i32 to vector<256x1xi32>
      %lt3A_126 = arith.cmpi slt, %add3A_123, %lt3A_125 : vector<256x1xi32>
      %and3A_127 = arith.andi %ge3A_124, %lt3A_126 : vector<256x1xi1>
      %get3A_128 = arith.constant 512 : index
      %get3A_129 = arith.constant 0 : index
      %get3A_130 = vector.load %arg7[%get3A_128, %get3A_129] : memref<1792x384xf32, #tpu.memory_space<vmem>>, vector<256x384xf32>
      %broadcast_in_dim3A = vector.shape_cast %and3A_127 : vector<256x1xi1> to vector<256x1xi1>
      %broadcast_in_dim3A_131 = vector.broadcast %broadcast_in_dim3A : vector<256x1xi1> to vector<256x384xi1>
      %select_n3A = arith.select %broadcast_in_dim3A_131, %add3A_120, %get3A_130 : vector<256x384xi1>, vector<256x384xf32>
      %swap3A_132 = arith.constant 512 : index
      %swap3A_133 = arith.constant 0 : index
      %swap3A_134 = vector.load %arg7[%swap3A_132, %swap3A_133] : memref<1792x384xf32, #tpu.memory_space<vmem>>, vector<256x384xf32>
      tpu.vector_store %arg7[%swap3A_132, %swap3A_133], %select_n3A {strides = array<i32>} : memref<1792x384xf32, #tpu.memory_space<vmem>>, vector<256x384xf32>,
    } else {
    }
    %gt3A_67 = arith.constant 768 : i32
    %gt3A_68 = arith.cmpi sgt, %get3A_45, %gt3A_67 : i32
    %lt3A_69 = arith.constant 1024 : i32
    %lt3A_70 = arith.cmpi slt, %get3A_41, %lt3A_69 : i32
    %and3A_71 = arith.andi %gt3A_68, %lt3A_70 : i1
    %convert_element_type3A_72 = arith.extui %and3A_71 : i1 to i32
    %cond3A_73 = arith.constant 0 : i32
    %cond3A_74 = arith.cmpi ne, %convert_element_type3A_72, %cond3A_73 : i32
    scf.if %cond3A_74 {
      %get3A_99 = arith.constant 768 : index
      %get3A_100 = arith.constant 0 : index
      %get3A_101 = vector.load %arg2[%get3A_99, %get3A_100] : memref<1792x384xf32, #tpu.memory_space<vmem>>, vector<256x384xf32>
      %dot_general3A_102 = arith.constant dense<0.000000e+00> : vector<256x1536xf32>
      %dot_general3A_103 = tpu.matmul %get3A_101, %get3A_4, %dot_general3A_102 {dimension_numbers = #tpu.dot_dimension_numbers<[1], [1], [0], [0], [0, 0, 1, 0], [], []>, transpose_lhs_hint = false} : vector<256x384xf32>, vector<1536x384xf32>, vector<256x1536xf32> -> vector<256x1536xf32>
      %add3A_104 = vector.broadcast %get3A_16 : vector<1x1536xf32> to vector<256x1536xf32>
      %add3A_105 = arith.addf %dot_general3A_103, %add3A_104 : vector<256x1536xf32>
      %mul3A_106 = arith.constant 5.000000e-01 : f32
      %mul3A_107 = vector.broadcast %mul3A_106 : f32 to vector<256x1536xf32>
      %mul3A_108 = arith.mulf %mul3A_107, %add3A_105 : vector<256x1536xf32>
      %mul3A_109 = arith.constant 0.707106769 : f32
      %mul3A_110 = vector.broadcast %mul3A_109 : f32 to vector<256x1536xf32>
      %mul3A_111 = arith.mulf %add3A_105, %mul3A_110 : vector<256x1536xf32>
      %erf3A_112 = math.erf %mul3A_111 : vector<256x1536xf32>
      %add3A_113 = arith.constant 1.000000e+00 : f32
      %add3A_114 = vector.broadcast %add3A_113 : f32 to vector<256x1536xf32>
      %add3A_115 = arith.addf %add3A_114, %erf3A_112 : vector<256x1536xf32>
      %mul3A_116 = arith.mulf %mul3A_108, %add3A_115 : vector<256x1536xf32>
      %dot_general3A_117 = arith.constant dense<0.000000e+00> : vector<256x384xf32>
      %dot_general3A_118 = tpu.matmul %mul3A_116, %get3A_10, %dot_general3A_117 {dimension_numbers = #tpu.dot_dimension_numbers<[1], [1], [0], [0], [0, 0, 1, 0], [], []>, transpose_lhs_hint = false} : vector<256x1536xf32>, vector<384x1536xf32>, vector<256x384xf32> -> vector<256x384xf32>
      %add3A_119 = vector.broadcast %get3A_22 : vector<1x384xf32> to vector<256x384xf32>
      %add3A_120 = arith.addf %dot_general3A_118, %add3A_119 : vector<256x384xf32>
      %iota3A = tpu.iota {dimensions = array<i32: 0>} : vector<256x1xi32>
      %add3A_121 = arith.constant 768 : i32
      %add3A_122 = vector.broadcast %add3A_121 : i32 to vector<256x1xi32>
      %add3A_123 = arith.addi %add3A_122, %iota3A : vector<256x1xi32>
      %ge3A = vector.broadcast %get3A_41 : i32 to vector<256x1xi32>
      %ge3A_124 = arith.cmpi sge, %add3A_123, %ge3A : vector<256x1xi32>
      %lt3A_125 = vector.broadcast %get3A_45 : i32 to vector<256x1xi32>
      %lt3A_126 = arith.cmpi slt, %add3A_123, %lt3A_125 : vector<256x1xi32>
      %and3A_127 = arith.andi %ge3A_124, %lt3A_126 : vector<256x1xi1>
      %get3A_128 = arith.constant 768 : index
      %get3A_129 = arith.constant 0 : index
      %get3A_130 = vector.load %arg7[%get3A_128, %get3A_129] : memref<1792x384xf32, #tpu.memory_space<vmem>>, vector<256x384xf32>
      %broadcast_in_dim3A = vector.shape_cast %and3A_127 : vector<256x1xi1> to vector<256x1xi1>
      %broadcast_in_dim3A_131 = vector.broadcast %broadcast_in_dim3A : vector<256x1xi1> to vector<256x384xi1>
      %select_n3A = arith.select %broadcast_in_dim3A_131, %add3A_120, %get3A_130 : vector<256x384xi1>, vector<256x384xf32>
      %swap3A_132 = arith.constant 768 : index
      %swap3A_133 = arith.constant 0 : index
      %swap3A_134 = vector.load %arg7[%swap3A_132, %swap3A_133] : memref<1792x384xf32, #tpu.memory_space<vmem>>, vector<256x384xf32>
      tpu.vector_store %arg7[%swap3A_132, %swap3A_133], %select_n3A {strides = array<i32>} : memref<1792x384xf32, #tpu.memory_space<vmem>>, vector<256x384xf32>,
    } else {
    }
    %gt3A_75 = arith.constant 1024 : i32
    %gt3A_76 = arith.cmpi sgt, %get3A_45, %gt3A_75 : i32
    %lt3A_77 = arith.constant 1280 : i32
    %lt3A_78 = arith.cmpi slt, %get3A_41, %lt3A_77 : i32
    %and3A_79 = arith.andi %gt3A_76, %lt3A_78 : i1
    %convert_element_type3A_80 = arith.extui %and3A_79 : i1 to i32
    %cond3A_81 = arith.constant 0 : i32
    %cond3A_82 = arith.cmpi ne, %convert_element_type3A_80, %cond3A_81 : i32
    scf.if %cond3A_82 {
      %get3A_99 = arith.constant 1024 : index
      %get3A_100 = arith.constant 0 : index
      %get3A_101 = vector.load %arg2[%get3A_99, %get3A_100] : memref<1792x384xf32, #tpu.memory_space<vmem>>, vector<256x384xf32>
      %dot_general3A_102 = arith.constant dense<0.000000e+00> : vector<256x1536xf32>
      %dot_general3A_103 = tpu.matmul %get3A_101, %get3A_4, %dot_general3A_102 {dimension_numbers = #tpu.dot_dimension_numbers<[1], [1], [0], [0], [0, 0, 1, 0], [], []>, transpose_lhs_hint = false} : vector<256x384xf32>, vector<1536x384xf32>, vector<256x1536xf32> -> vector<256x1536xf32>
      %add3A_104 = vector.broadcast %get3A_16 : vector<1x1536xf32> to vector<256x1536xf32>
      %add3A_105 = arith.addf %dot_general3A_103, %add3A_104 : vector<256x1536xf32>
      %mul3A_106 = arith.constant 5.000000e-01 : f32
      %mul3A_107 = vector.broadcast %mul3A_106 : f32 to vector<256x1536xf32>
      %mul3A_108 = arith.mulf %mul3A_107, %add3A_105 : vector<256x1536xf32>
      %mul3A_109 = arith.constant 0.707106769 : f32
      %mul3A_110 = vector.broadcast %mul3A_109 : f32 to vector<256x1536xf32>
      %mul3A_111 = arith.mulf %add3A_105, %mul3A_110 : vector<256x1536xf32>
      %erf3A_112 = math.erf %mul3A_111 : vector<256x1536xf32>
      %add3A_113 = arith.constant 1.000000e+00 : f32
      %add3A_114 = vector.broadcast %add3A_113 : f32 to vector<256x1536xf32>
      %add3A_115 = arith.addf %add3A_114, %erf3A_112 : vector<256x1536xf32>
      %mul3A_116 = arith.mulf %mul3A_108, %add3A_115 : vector<256x1536xf32>
      %dot_general3A_117 = arith.constant dense<0.000000e+00> : vector<256x384xf32>
      %dot_general3A_118 = tpu.matmul %mul3A_116, %get3A_10, %dot_general3A_117 {dimension_numbers = #tpu.dot_dimension_numbers<[1], [1], [0], [0], [0, 0, 1, 0], [], []>, transpose_lhs_hint = false} : vector<256x1536xf32>, vector<384x1536xf32>, vector<256x384xf32> -> vector<256x384xf32>
      %add3A_119 = vector.broadcast %get3A_22 : vector<1x384xf32> to vector<256x384xf32>
      %add3A_120 = arith.addf %dot_general3A_118, %add3A_119 : vector<256x384xf32>
      %iota3A = tpu.iota {dimensions = array<i32: 0>} : vector<256x1xi32>
      %add3A_121 = arith.constant 1024 : i32
      %add3A_122 = vector.broadcast %add3A_121 : i32 to vector<256x1xi32>
      %add3A_123 = arith.addi %add3A_122, %iota3A : vector<256x1xi32>
      %ge3A = vector.broadcast %get3A_41 : i32 to vector<256x1xi32>
      %ge3A_124 = arith.cmpi sge, %add3A_123, %ge3A : vector<256x1xi32>
      %lt3A_125 = vector.broadcast %get3A_45 : i32 to vector<256x1xi32>
      %lt3A_126 = arith.cmpi slt, %add3A_123, %lt3A_125 : vector<256x1xi32>
      %and3A_127 = arith.andi %ge3A_124, %lt3A_126 : vector<256x1xi1>
      %get3A_128 = arith.constant 1024 : index
      %get3A_129 = arith.constant 0 : index
      %get3A_130 = vector.load %arg7[%get3A_128, %get3A_129] : memref<1792x384xf32, #tpu.memory_space<vmem>>, vector<256x384xf32>
      %broadcast_in_dim3A = vector.shape_cast %and3A_127 : vector<256x1xi1> to vector<256x1xi1>
      %broadcast_in_dim3A_131 = vector.broadcast %broadcast_in_dim3A : vector<256x1xi1> to vector<256x384xi1>
      %select_n3A = arith.select %broadcast_in_dim3A_131, %add3A_120, %get3A_130 : vector<256x384xi1>, vector<256x384xf32>
      %swap3A_132 = arith.constant 1024 : index
      %swap3A_133 = arith.constant 0 : index
      %swap3A_134 = vector.load %arg7[%swap3A_132, %swap3A_133] : memref<1792x384xf32, #tpu.memory_space<vmem>>, vector<256x384xf32>
      tpu.vector_store %arg7[%swap3A_132, %swap3A_133], %select_n3A {strides = array<i32>} : memref<1792x384xf32, #tpu.memory_space<vmem>>, vector<256x384xf32>,
    } else {
    }
    %gt3A_83 = arith.constant 1280 : i32
    %gt3A_84 = arith.cmpi sgt, %get3A_45, %gt3A_83 : i32
    %lt3A_85 = arith.constant 1536 : i32
    %lt3A_86 = arith.cmpi slt, %get3A_41, %lt3A_85 : i32
    %and3A_87 = arith.andi %gt3A_84, %lt3A_86 : i1
    %convert_element_type3A_88 = arith.extui %and3A_87 : i1 to i32
    %cond3A_89 = arith.constant 0 : i32
    %cond3A_90 = arith.cmpi ne, %convert_element_type3A_88, %cond3A_89 : i32
    scf.if %cond3A_90 {
      %get3A_99 = arith.constant 1280 : index
      %get3A_100 = arith.constant 0 : index
      %get3A_101 = vector.load %arg2[%get3A_99, %get3A_100] : memref<1792x384xf32, #tpu.memory_space<vmem>>, vector<256x384xf32>
      %dot_general3A_102 = arith.constant dense<0.000000e+00> : vector<256x1536xf32>
      %dot_general3A_103 = tpu.matmul %get3A_101, %get3A_4, %dot_general3A_102 {dimension_numbers = #tpu.dot_dimension_numbers<[1], [1], [0], [0], [0, 0, 1, 0], [], []>, transpose_lhs_hint = false} : vector<256x384xf32>, vector<1536x384xf32>, vector<256x1536xf32> -> vector<256x1536xf32>
      %add3A_104 = vector.broadcast %get3A_16 : vector<1x1536xf32> to vector<256x1536xf32>
      %add3A_105 = arith.addf %dot_general3A_103, %add3A_104 : vector<256x1536xf32>
      %mul3A_106 = arith.constant 5.000000e-01 : f32
      %mul3A_107 = vector.broadcast %mul3A_106 : f32 to vector<256x1536xf32>
      %mul3A_108 = arith.mulf %mul3A_107, %add3A_105 : vector<256x1536xf32>
      %mul3A_109 = arith.constant 0.707106769 : f32
      %mul3A_110 = vector.broadcast %mul3A_109 : f32 to vector<256x1536xf32>
      %mul3A_111 = arith.mulf %add3A_105, %mul3A_110 : vector<256x1536xf32>
      %erf3A_112 = math.erf %mul3A_111 : vector<256x1536xf32>
      %add3A_113 = arith.constant 1.000000e+00 : f32
      %add3A_114 = vector.broadcast %add3A_113 : f32 to vector<256x1536xf32>
      %add3A_115 = arith.addf %add3A_114, %erf3A_112 : vector<256x1536xf32>
      %mul3A_116 = arith.mulf %mul3A_108, %add3A_115 : vector<256x1536xf32>
      %dot_general3A_117 = arith.constant dense<0.000000e+00> : vector<256x384xf32>
      %dot_general3A_118 = tpu.matmul %mul3A_116, %get3A_10, %dot_general3A_117 {dimension_numbers = #tpu.dot_dimension_numbers<[1], [1], [0], [0], [0, 0, 1, 0], [], []>, transpose_lhs_hint = false} : vector<256x1536xf32>, vector<384x1536xf32>, vector<256x384xf32> -> vector<256x384xf32>
      %add3A_119 = vector.broadcast %get3A_22 : vector<1x384xf32> to vector<256x384xf32>
      %add3A_120 = arith.addf %dot_general3A_118, %add3A_119 : vector<256x384xf32>
      %iota3A = tpu.iota {dimensions = array<i32: 0>} : vector<256x1xi32>
      %add3A_121 = arith.constant 1280 : i32
      %add3A_122 = vector.broadcast %add3A_121 : i32 to vector<256x1xi32>
      %add3A_123 = arith.addi %add3A_122, %iota3A : vector<256x1xi32>
      %ge3A = vector.broadcast %get3A_41 : i32 to vector<256x1xi32>
      %ge3A_124 = arith.cmpi sge, %add3A_123, %ge3A : vector<256x1xi32>
      %lt3A_125 = vector.broadcast %get3A_45 : i32 to vector<256x1xi32>
      %lt3A_126 = arith.cmpi slt, %add3A_123, %lt3A_125 : vector<256x1xi32>
      %and3A_127 = arith.andi %ge3A_124, %lt3A_126 : vector<256x1xi1>
      %get3A_128 = arith.constant 1280 : index
      %get3A_129 = arith.constant 0 : index
      %get3A_130 = vector.load %arg7[%get3A_128, %get3A_129] : memref<1792x384xf32, #tpu.memory_space<vmem>>, vector<256x384xf32>
      %broadcast_in_dim3A = vector.shape_cast %and3A_127 : vector<256x1xi1> to vector<256x1xi1>
      %broadcast_in_dim3A_131 = vector.broadcast %broadcast_in_dim3A : vector<256x1xi1> to vector<256x384xi1>
      %select_n3A = arith.select %broadcast_in_dim3A_131, %add3A_120, %get3A_130 : vector<256x384xi1>, vector<256x384xf32>
      %swap3A_132 = arith.constant 1280 : index
      %swap3A_133 = arith.constant 0 : index
      %swap3A_134 = vector.load %arg7[%swap3A_132, %swap3A_133] : memref<1792x384xf32, #tpu.memory_space<vmem>>, vector<256x384xf32>
      tpu.vector_store %arg7[%swap3A_132, %swap3A_133], %select_n3A {strides = array<i32>} : memref<1792x384xf32, #tpu.memory_space<vmem>>, vector<256x384xf32>,
    } else {
    }
    %gt3A_91 = arith.constant 1536 : i32
    %gt3A_92 = arith.cmpi sgt, %get3A_45, %gt3A_91 : i32
    %lt3A_93 = arith.constant 1792 : i32
    %lt3A_94 = arith.cmpi slt, %get3A_41, %lt3A_93 : i32
    %and3A_95 = arith.andi %gt3A_92, %lt3A_94 : i1
    %convert_element_type3A_96 = arith.extui %and3A_95 : i1 to i32
    %cond3A_97 = arith.constant 0 : i32
    %cond3A_98 = arith.cmpi ne, %convert_element_type3A_96, %cond3A_97 : i32
    scf.if %cond3A_98 {
      %get3A_99 = arith.constant 1536 : index
      %get3A_100 = arith.constant 0 : index
      %get3A_101 = vector.load %arg2[%get3A_99, %get3A_100] : memref<1792x384xf32, #tpu.memory_space<vmem>>, vector<256x384xf32>
      %dot_general3A_102 = arith.constant dense<0.000000e+00> : vector<256x1536xf32>
      %dot_general3A_103 = tpu.matmul %get3A_101, %get3A_4, %dot_general3A_102 {dimension_numbers = #tpu.dot_dimension_numbers<[1], [1], [0], [0], [0, 0, 1, 0], [], []>, transpose_lhs_hint = false} : vector<256x384xf32>, vector<1536x384xf32>, vector<256x1536xf32> -> vector<256x1536xf32>
      %add3A_104 = vector.broadcast %get3A_16 : vector<1x1536xf32> to vector<256x1536xf32>
      %add3A_105 = arith.addf %dot_general3A_103, %add3A_104 : vector<256x1536xf32>
      %mul3A_106 = arith.constant 5.000000e-01 : f32
      %mul3A_107 = vector.broadcast %mul3A_106 : f32 to vector<256x1536xf32>
      %mul3A_108 = arith.mulf %mul3A_107, %add3A_105 : vector<256x1536xf32>
      %mul3A_109 = arith.constant 0.707106769 : f32
      %mul3A_110 = vector.broadcast %mul3A_109 : f32 to vector<256x1536xf32>
      %mul3A_111 = arith.mulf %add3A_105, %mul3A_110 : vector<256x1536xf32>
      %erf3A_112 = math.erf %mul3A_111 : vector<256x1536xf32>
      %add3A_113 = arith.constant 1.000000e+00 : f32
      %add3A_114 = vector.broadcast %add3A_113 : f32 to vector<256x1536xf32>
      %add3A_115 = arith.addf %add3A_114, %erf3A_112 : vector<256x1536xf32>
      %mul3A_116 = arith.mulf %mul3A_108, %add3A_115 : vector<256x1536xf32>
      %dot_general3A_117 = arith.constant dense<0.000000e+00> : vector<256x384xf32>
      %dot_general3A_118 = tpu.matmul %mul3A_116, %get3A_10, %dot_general3A_117 {dimension_numbers = #tpu.dot_dimension_numbers<[1], [1], [0], [0], [0, 0, 1, 0], [], []>, transpose_lhs_hint = false} : vector<256x1536xf32>, vector<384x1536xf32>, vector<256x384xf32> -> vector<256x384xf32>
      %add3A_119 = vector.broadcast %get3A_22 : vector<1x384xf32> to vector<256x384xf32>
      %add3A_120 = arith.addf %dot_general3A_118, %add3A_119 : vector<256x384xf32>
      %iota3A = tpu.iota {dimensions = array<i32: 0>} : vector<256x1xi32>
      %add3A_121 = arith.constant 1536 : i32
      %add3A_122 = vector.broadcast %add3A_121 : i32 to vector<256x1xi32>
      %add3A_123 = arith.addi %add3A_122, %iota3A : vector<256x1xi32>
      %ge3A = vector.broadcast %get3A_41 : i32 to vector<256x1xi32>
      %ge3A_124 = arith.cmpi sge, %add3A_123, %ge3A : vector<256x1xi32>
      %lt3A_125 = vector.broadcast %get3A_45 : i32 to vector<256x1xi32>
      %lt3A_126 = arith.cmpi slt, %add3A_123, %lt3A_125 : vector<256x1xi32>
      %and3A_127 = arith.andi %ge3A_124, %lt3A_126 : vector<256x1xi1>
      %get3A_128 = arith.constant 1536 : index
      %get3A_129 = arith.constant 0 : index
      %get3A_130 = vector.load %arg7[%get3A_128, %get3A_129] : memref<1792x384xf32, #tpu.memory_space<vmem>>, vector<256x384xf32>
      %broadcast_in_dim3A = vector.shape_cast %and3A_127 : vector<256x1xi1> to vector<256x1xi1>
      %broadcast_in_dim3A_131 = vector.broadcast %broadcast_in_dim3A : vector<256x1xi1> to vector<256x384xi1>
      %select_n3A = arith.select %broadcast_in_dim3A_131, %add3A_120, %get3A_130 : vector<256x384xi1>, vector<256x384xf32>
      %swap3A_132 = arith.constant 1536 : index
      %swap3A_133 = arith.constant 0 : index
      %swap3A_134 = vector.load %arg7[%swap3A_132, %swap3A_133] : memref<1792x384xf32, #tpu.memory_space<vmem>>, vector<256x384xf32>
      tpu.vector_store %arg7[%swap3A_132, %swap3A_133], %select_n3A {strides = array<i32>} : memref<1792x384xf32, #tpu.memory_space<vmem>>, vector<256x384xf32>,
    } else {
    }
    return
  }
  func.func @transform_0(%arg0: i32) -> i32 {
    %c0_i32 = arith.constant 0 : i32
    %c0_i32_0 = arith.constant 0 : i32
    return %c0_i32 : i32
  }
  func.func @transform_1(%arg0: i32) -> (i32, i32) {
    %c0_i32 = arith.constant 0 : i32
    %c0_i32_0 = arith.constant 0 : i32
    %c0_i32_1 = arith.constant 0 : i32
    return %c0_i32, %c0_i32_0 : i32, i32
  }
  func.func @transform_2(%arg0: i32) -> (i32, i32, i32, i32) {
    %c0_i32 = arith.constant 0 : i32
    %c0_i32_0 = arith.constant 0 : i32
    %c0_i32_1 = arith.constant 0 : i32
    %c0_i32_2 = arith.constant 0 : i32
    return %c0_i32, %arg0, %c0_i32_0, %c0_i32_1 : i32, i32, i32, i32
  }
  func.func @transform_3(%arg0: i32) -> (i32, i32, i32, i32) {
    %c0_i32 = arith.constant 0 : i32
    %c0_i32_0 = arith.constant 0 : i32
    %c0_i32_1 = arith.constant 0 : i32
    %c0_i32_2 = arith.constant 0 : i32
    return %c0_i32, %arg0, %c0_i32_0, %c0_i32_1 : i32, i32, i32, i32
  }
  func.func @transform_4(%arg0: i32) -> (i32, i32, i32, i32) {
    %c0_i32 = arith.constant 0 : i32
    %c0_i32_0 = arith.constant 0 : i32
    %c0_i32_1 = arith.constant 0 : i32
    %c0_i32_2 = arith.constant 0 : i32
    return %c0_i32, %arg0, %c0_i32_0, %c0_i32_1 : i32, i32, i32, i32
  }
  func.func @transform_5(%arg0: i32) -> (i32, i32, i32, i32) {
    %c0_i32 = arith.constant 0 : i32
    %c0_i32_0 = arith.constant 0 : i32
    %c0_i32_1 = arith.constant 0 : i32
    %c0_i32_2 = arith.constant 0 : i32
    return %c0_i32, %arg0, %c0_i32_0, %c0_i32_1 : i32, i32, i32, i32
  }
  func.func @transform_6(%arg0: i32) -> (i32, i32) {
    %c0_i32 = arith.constant 0 : i32
    %c0_i32_0 = arith.constant 0 : i32
    %c0_i32_1 = arith.constant 0 : i32
    return %c0_i32, %c0_i32_0 : i32, i32
  }
  func.func @transform_7(%arg0: i32) -> (i32, i32, i32) {
    %c0_i32 = arith.constant 0 : i32
    %c0_i32_0 = arith.constant 0 : i32
    %c0_i32_1 = arith.constant 0 : i32
    return %arg0, %c0_i32, %c0_i32_0 : i32, i32, i32
  }
}

module attributes {stable_mosaic.version = 14 : i64} {
  func.func @_attn_body(%arg0: i32, %arg1: memref<1x197x384xf32, #tpu.memory_space<vmem>>, %arg2: memref<1x1152x384xf32, #tpu.memory_space<vmem>>, %arg3: memref<1x1x1152xf32, #tpu.memory_space<vmem>>, %arg4: memref<1x384x384xf32, #tpu.memory_space<vmem>>, %arg5: memref<1x1x384xf32, #tpu.memory_space<vmem>>, %arg6: memref<1x1x384xf32, #tpu.memory_space<vmem>>, %arg7: memref<1x1x384xf32, #tpu.memory_space<vmem>>, %arg8: memref<1x197x384xf32, #tpu.memory_space<vmem>>) attributes {dimension_semantics = [#tpu.dimension_semantics<arbitrary>], iteration_bounds = array<i64: 8>, scalar_prefetch = 0 : i64, scratch_operands = 0 : i64, tpu.core_type = #tpu.core_type<tc>, window_params = [{transform_indices = @transform_0, window_bounds = array<i64: 1, 197, 384>}, {transform_indices = @transform_1, window_bounds = array<i64: 1, 1152, 384>}, {transform_indices = @transform_2, window_bounds = array<i64: 1, 1, 1152>}, {transform_indices = @transform_3, window_bounds = array<i64: 1, 384, 384>}, {transform_indices = @transform_4, window_bounds = array<i64: 1, 1, 384>}, {transform_indices = @transform_5, window_bounds = array<i64: 1, 1, 384>}, {transform_indices = @transform_6, window_bounds = array<i64: 1, 1, 384>}, {transform_indices = @transform_7, window_bounds = array<i64: 1, 197, 384>}]} {
    %get3A = arith.constant 0 : index
    %get3A_0 = arith.constant 0 : index
    %get3A_1 = arith.constant 0 : index
    %get3A_2 = vector.load %arg1[%get3A, %get3A_0, %get3A_1] : memref<1x197x384xf32, #tpu.memory_space<vmem>>, vector<1x197x384xf32>
    %get3A_3 = vector.shape_cast %get3A_2 : vector<1x197x384xf32> to vector<197x384xf32>
    %get3A_4 = arith.constant 0 : index
    %get3A_5 = arith.constant 0 : index
    %get3A_6 = arith.constant 0 : index
    %get3A_7 = vector.load %arg2[%get3A_4, %get3A_5, %get3A_6] : memref<1x1152x384xf32, #tpu.memory_space<vmem>>, vector<1x1152x384xf32>
    %get3A_8 = vector.shape_cast %get3A_7 : vector<1x1152x384xf32> to vector<1152x384xf32>
    %dot_general3A = arith.constant dense<0.000000e+00> : vector<197x1152xf32>
    %dot_general3A_9 = tpu.matmul %get3A_3, %get3A_8, %dot_general3A {dimension_numbers = #tpu.dot_dimension_numbers<[1], [1], [0], [0], [0, 0, 1, 0], [], []>, transpose_lhs_hint = false} : vector<197x384xf32>, vector<1152x384xf32>, vector<197x1152xf32> -> vector<197x1152xf32>
    %get3A_10 = arith.constant 0 : index
    %get3A_11 = arith.constant 0 : index
    %get3A_12 = arith.constant 0 : index
    %get3A_13 = vector.load %arg3[%get3A_10, %get3A_11, %get3A_12] : memref<1x1x1152xf32, #tpu.memory_space<vmem>>, vector<1x1x1152xf32>
    %get3A_14 = vector.shape_cast %get3A_13 : vector<1x1x1152xf32> to vector<1x1152xf32>
    %add3A = vector.broadcast %get3A_14 : vector<1x1152xf32> to vector<197x1152xf32>
    %add3A_15 = arith.addf %dot_general3A_9, %add3A : vector<197x1152xf32>
    %sqrt3A = arith.constant 3.200000e+01 : f32
    %sqrt3A_16 = math.sqrt %sqrt3A : f32
    %div3A = arith.constant 1.000000e+00 : f32
    %div3A_17 = arith.divf %div3A, %sqrt3A_16 : f32
    %slice3A = vector.extract_strided_slice %add3A_15 {offsets = [0, 0], sizes = [197, 32], strides = [1, 1]} : vector<197x1152xf32> to vector<197x32xf32>
    %mul3A = vector.broadcast %div3A_17 : f32 to vector<197x32xf32>
    %mul3A_18 = arith.mulf %slice3A, %mul3A : vector<197x32xf32>
    %slice3A_19 = vector.extract_strided_slice %add3A_15 {offsets = [0, 384], sizes = [197, 32], strides = [1, 1]} : vector<197x1152xf32> to vector<197x32xf32>
    %slice3A_20 = vector.extract_strided_slice %add3A_15 {offsets = [0, 768], sizes = [197, 32], strides = [1, 1]} : vector<197x1152xf32> to vector<197x32xf32>
    %dot_general3A_21 = arith.constant dense<0.000000e+00> : vector<197x197xf32>
    %dot_general3A_22 = tpu.matmul %mul3A_18, %slice3A_19, %dot_general3A_21 {dimension_numbers = #tpu.dot_dimension_numbers<[1], [1], [0], [0], [0, 0, 1, 0], [], []>, transpose_lhs_hint = false} : vector<197x32xf32>, vector<197x32xf32>, vector<197x197xf32> -> vector<197x197xf32>
    %reduce_max3A = arith.constant dense<0xFF800000> : vector<197xf32>
    %reduce_max3A_23 = vector.multi_reduction <maximumf>, %dot_general3A_22, %reduce_max3A [1] : vector<197x197xf32> to vector<197xf32>
    %broadcast_in_dim3A = vector.shape_cast %reduce_max3A_23 : vector<197xf32> to vector<197x1xf32>
    %sub3A = vector.broadcast %broadcast_in_dim3A : vector<197x1xf32> to vector<197x197xf32>
    %sub3A_24 = arith.subf %dot_general3A_22, %sub3A : vector<197x197xf32>
    %exp3A = math.exp %sub3A_24 : vector<197x197xf32>
    %reduce_sum3A = arith.constant dense<0.000000e+00> : vector<197xf32>
    %reduce_sum3A_25 = vector.multi_reduction <add>, %exp3A, %reduce_sum3A [1] : vector<197x197xf32> to vector<197xf32>
    %broadcast_in_dim3A_26 = vector.shape_cast %reduce_sum3A_25 : vector<197xf32> to vector<197x1xf32>
    %div3A_27 = arith.constant 1.000000e+00 : f32
    %div3A_28 = vector.broadcast %div3A_27 : f32 to vector<197x1xf32>
    %div3A_29 = arith.divf %div3A_28, %broadcast_in_dim3A_26 : vector<197x1xf32>
    %mul3A_30 = vector.broadcast %div3A_29 : vector<197x1xf32> to vector<197x197xf32>
    %mul3A_31 = arith.mulf %exp3A, %mul3A_30 : vector<197x197xf32>
    %dot_general3A_32 = arith.constant dense<0.000000e+00> : vector<197x32xf32>
    %dot_general3A_33 = tpu.matmul %mul3A_31, %slice3A_20, %dot_general3A_32 {dimension_numbers = #tpu.dot_dimension_numbers<[1], [0], [0], [1], [0, 0, 1, 1], [], []>, transpose_lhs_hint = false} : vector<197x197xf32>, vector<197x32xf32>, vector<197x32xf32> -> vector<197x32xf32>
    %slice3A_34 = vector.extract_strided_slice %add3A_15 {offsets = [0, 32], sizes = [197, 32], strides = [1, 1]} : vector<197x1152xf32> to vector<197x32xf32>
    %mul3A_35 = vector.broadcast %div3A_17 : f32 to vector<197x32xf32>
    %mul3A_36 = arith.mulf %slice3A_34, %mul3A_35 : vector<197x32xf32>
    %slice3A_37 = vector.extract_strided_slice %add3A_15 {offsets = [0, 416], sizes = [197, 32], strides = [1, 1]} : vector<197x1152xf32> to vector<197x32xf32>
    %slice3A_38 = vector.extract_strided_slice %add3A_15 {offsets = [0, 800], sizes = [197, 32], strides = [1, 1]} : vector<197x1152xf32> to vector<197x32xf32>
    %dot_general3A_39 = arith.constant dense<0.000000e+00> : vector<197x197xf32>
    %dot_general3A_40 = tpu.matmul %mul3A_36, %slice3A_37, %dot_general3A_39 {dimension_numbers = #tpu.dot_dimension_numbers<[1], [1], [0], [0], [0, 0, 1, 0], [], []>, transpose_lhs_hint = false} : vector<197x32xf32>, vector<197x32xf32>, vector<197x197xf32> -> vector<197x197xf32>
    %reduce_max3A_41 = arith.constant dense<0xFF800000> : vector<197xf32>
    %reduce_max3A_42 = vector.multi_reduction <maximumf>, %dot_general3A_40, %reduce_max3A_41 [1] : vector<197x197xf32> to vector<197xf32>
    %broadcast_in_dim3A_43 = vector.shape_cast %reduce_max3A_42 : vector<197xf32> to vector<197x1xf32>
    %sub3A_44 = vector.broadcast %broadcast_in_dim3A_43 : vector<197x1xf32> to vector<197x197xf32>
    %sub3A_45 = arith.subf %dot_general3A_40, %sub3A_44 : vector<197x197xf32>
    %exp3A_46 = math.exp %sub3A_45 : vector<197x197xf32>
    %reduce_sum3A_47 = arith.constant dense<0.000000e+00> : vector<197xf32>
    %reduce_sum3A_48 = vector.multi_reduction <add>, %exp3A_46, %reduce_sum3A_47 [1] : vector<197x197xf32> to vector<197xf32>
    %broadcast_in_dim3A_49 = vector.shape_cast %reduce_sum3A_48 : vector<197xf32> to vector<197x1xf32>
    %div3A_50 = arith.constant 1.000000e+00 : f32
    %div3A_51 = vector.broadcast %div3A_50 : f32 to vector<197x1xf32>
    %div3A_52 = arith.divf %div3A_51, %broadcast_in_dim3A_49 : vector<197x1xf32>
    %mul3A_53 = vector.broadcast %div3A_52 : vector<197x1xf32> to vector<197x197xf32>
    %mul3A_54 = arith.mulf %exp3A_46, %mul3A_53 : vector<197x197xf32>
    %dot_general3A_55 = arith.constant dense<0.000000e+00> : vector<197x32xf32>
    %dot_general3A_56 = tpu.matmul %mul3A_54, %slice3A_38, %dot_general3A_55 {dimension_numbers = #tpu.dot_dimension_numbers<[1], [0], [0], [1], [0, 0, 1, 1], [], []>, transpose_lhs_hint = false} : vector<197x197xf32>, vector<197x32xf32>, vector<197x32xf32> -> vector<197x32xf32>
    %slice3A_57 = vector.extract_strided_slice %add3A_15 {offsets = [0, 64], sizes = [197, 32], strides = [1, 1]} : vector<197x1152xf32> to vector<197x32xf32>
    %mul3A_58 = vector.broadcast %div3A_17 : f32 to vector<197x32xf32>
    %mul3A_59 = arith.mulf %slice3A_57, %mul3A_58 : vector<197x32xf32>
    %slice3A_60 = vector.extract_strided_slice %add3A_15 {offsets = [0, 448], sizes = [197, 32], strides = [1, 1]} : vector<197x1152xf32> to vector<197x32xf32>
    %slice3A_61 = vector.extract_strided_slice %add3A_15 {offsets = [0, 832], sizes = [197, 32], strides = [1, 1]} : vector<197x1152xf32> to vector<197x32xf32>
    %dot_general3A_62 = arith.constant dense<0.000000e+00> : vector<197x197xf32>
    %dot_general3A_63 = tpu.matmul %mul3A_59, %slice3A_60, %dot_general3A_62 {dimension_numbers = #tpu.dot_dimension_numbers<[1], [1], [0], [0], [0, 0, 1, 0], [], []>, transpose_lhs_hint = false} : vector<197x32xf32>, vector<197x32xf32>, vector<197x197xf32> -> vector<197x197xf32>
    %reduce_max3A_64 = arith.constant dense<0xFF800000> : vector<197xf32>
    %reduce_max3A_65 = vector.multi_reduction <maximumf>, %dot_general3A_63, %reduce_max3A_64 [1] : vector<197x197xf32> to vector<197xf32>
    %broadcast_in_dim3A_66 = vector.shape_cast %reduce_max3A_65 : vector<197xf32> to vector<197x1xf32>
    %sub3A_67 = vector.broadcast %broadcast_in_dim3A_66 : vector<197x1xf32> to vector<197x197xf32>
    %sub3A_68 = arith.subf %dot_general3A_63, %sub3A_67 : vector<197x197xf32>
    %exp3A_69 = math.exp %sub3A_68 : vector<197x197xf32>
    %reduce_sum3A_70 = arith.constant dense<0.000000e+00> : vector<197xf32>
    %reduce_sum3A_71 = vector.multi_reduction <add>, %exp3A_69, %reduce_sum3A_70 [1] : vector<197x197xf32> to vector<197xf32>
    %broadcast_in_dim3A_72 = vector.shape_cast %reduce_sum3A_71 : vector<197xf32> to vector<197x1xf32>
    %div3A_73 = arith.constant 1.000000e+00 : f32
    %div3A_74 = vector.broadcast %div3A_73 : f32 to vector<197x1xf32>
    %div3A_75 = arith.divf %div3A_74, %broadcast_in_dim3A_72 : vector<197x1xf32>
    %mul3A_76 = vector.broadcast %div3A_75 : vector<197x1xf32> to vector<197x197xf32>
    %mul3A_77 = arith.mulf %exp3A_69, %mul3A_76 : vector<197x197xf32>
    %dot_general3A_78 = arith.constant dense<0.000000e+00> : vector<197x32xf32>
    %dot_general3A_79 = tpu.matmul %mul3A_77, %slice3A_61, %dot_general3A_78 {dimension_numbers = #tpu.dot_dimension_numbers<[1], [0], [0], [1], [0, 0, 1, 1], [], []>, transpose_lhs_hint = false} : vector<197x197xf32>, vector<197x32xf32>, vector<197x32xf32> -> vector<197x32xf32>
    %slice3A_80 = vector.extract_strided_slice %add3A_15 {offsets = [0, 96], sizes = [197, 32], strides = [1, 1]} : vector<197x1152xf32> to vector<197x32xf32>
    %mul3A_81 = vector.broadcast %div3A_17 : f32 to vector<197x32xf32>
    %mul3A_82 = arith.mulf %slice3A_80, %mul3A_81 : vector<197x32xf32>
    %slice3A_83 = vector.extract_strided_slice %add3A_15 {offsets = [0, 480], sizes = [197, 32], strides = [1, 1]} : vector<197x1152xf32> to vector<197x32xf32>
    %slice3A_84 = vector.extract_strided_slice %add3A_15 {offsets = [0, 864], sizes = [197, 32], strides = [1, 1]} : vector<197x1152xf32> to vector<197x32xf32>
    %dot_general3A_85 = arith.constant dense<0.000000e+00> : vector<197x197xf32>
    %dot_general3A_86 = tpu.matmul %mul3A_82, %slice3A_83, %dot_general3A_85 {dimension_numbers = #tpu.dot_dimension_numbers<[1], [1], [0], [0], [0, 0, 1, 0], [], []>, transpose_lhs_hint = false} : vector<197x32xf32>, vector<197x32xf32>, vector<197x197xf32> -> vector<197x197xf32>
    %reduce_max3A_87 = arith.constant dense<0xFF800000> : vector<197xf32>
    %reduce_max3A_88 = vector.multi_reduction <maximumf>, %dot_general3A_86, %reduce_max3A_87 [1] : vector<197x197xf32> to vector<197xf32>
    %broadcast_in_dim3A_89 = vector.shape_cast %reduce_max3A_88 : vector<197xf32> to vector<197x1xf32>
    %sub3A_90 = vector.broadcast %broadcast_in_dim3A_89 : vector<197x1xf32> to vector<197x197xf32>
    %sub3A_91 = arith.subf %dot_general3A_86, %sub3A_90 : vector<197x197xf32>
    %exp3A_92 = math.exp %sub3A_91 : vector<197x197xf32>
    %reduce_sum3A_93 = arith.constant dense<0.000000e+00> : vector<197xf32>
    %reduce_sum3A_94 = vector.multi_reduction <add>, %exp3A_92, %reduce_sum3A_93 [1] : vector<197x197xf32> to vector<197xf32>
    %broadcast_in_dim3A_95 = vector.shape_cast %reduce_sum3A_94 : vector<197xf32> to vector<197x1xf32>
    %div3A_96 = arith.constant 1.000000e+00 : f32
    %div3A_97 = vector.broadcast %div3A_96 : f32 to vector<197x1xf32>
    %div3A_98 = arith.divf %div3A_97, %broadcast_in_dim3A_95 : vector<197x1xf32>
    %mul3A_99 = vector.broadcast %div3A_98 : vector<197x1xf32> to vector<197x197xf32>
    %mul3A_100 = arith.mulf %exp3A_92, %mul3A_99 : vector<197x197xf32>
    %dot_general3A_101 = arith.constant dense<0.000000e+00> : vector<197x32xf32>
    %dot_general3A_102 = tpu.matmul %mul3A_100, %slice3A_84, %dot_general3A_101 {dimension_numbers = #tpu.dot_dimension_numbers<[1], [0], [0], [1], [0, 0, 1, 1], [], []>, transpose_lhs_hint = false} : vector<197x197xf32>, vector<197x32xf32>, vector<197x32xf32> -> vector<197x32xf32>
    %slice3A_103 = vector.extract_strided_slice %add3A_15 {offsets = [0, 128], sizes = [197, 32], strides = [1, 1]} : vector<197x1152xf32> to vector<197x32xf32>
    %mul3A_104 = vector.broadcast %div3A_17 : f32 to vector<197x32xf32>
    %mul3A_105 = arith.mulf %slice3A_103, %mul3A_104 : vector<197x32xf32>
    %slice3A_106 = vector.extract_strided_slice %add3A_15 {offsets = [0, 512], sizes = [197, 32], strides = [1, 1]} : vector<197x1152xf32> to vector<197x32xf32>
    %slice3A_107 = vector.extract_strided_slice %add3A_15 {offsets = [0, 896], sizes = [197, 32], strides = [1, 1]} : vector<197x1152xf32> to vector<197x32xf32>
    %dot_general3A_108 = arith.constant dense<0.000000e+00> : vector<197x197xf32>
    %dot_general3A_109 = tpu.matmul %mul3A_105, %slice3A_106, %dot_general3A_108 {dimension_numbers = #tpu.dot_dimension_numbers<[1], [1], [0], [0], [0, 0, 1, 0], [], []>, transpose_lhs_hint = false} : vector<197x32xf32>, vector<197x32xf32>, vector<197x197xf32> -> vector<197x197xf32>
    %reduce_max3A_110 = arith.constant dense<0xFF800000> : vector<197xf32>
    %reduce_max3A_111 = vector.multi_reduction <maximumf>, %dot_general3A_109, %reduce_max3A_110 [1] : vector<197x197xf32> to vector<197xf32>
    %broadcast_in_dim3A_112 = vector.shape_cast %reduce_max3A_111 : vector<197xf32> to vector<197x1xf32>
    %sub3A_113 = vector.broadcast %broadcast_in_dim3A_112 : vector<197x1xf32> to vector<197x197xf32>
    %sub3A_114 = arith.subf %dot_general3A_109, %sub3A_113 : vector<197x197xf32>
    %exp3A_115 = math.exp %sub3A_114 : vector<197x197xf32>
    %reduce_sum3A_116 = arith.constant dense<0.000000e+00> : vector<197xf32>
    %reduce_sum3A_117 = vector.multi_reduction <add>, %exp3A_115, %reduce_sum3A_116 [1] : vector<197x197xf32> to vector<197xf32>
    %broadcast_in_dim3A_118 = vector.shape_cast %reduce_sum3A_117 : vector<197xf32> to vector<197x1xf32>
    %div3A_119 = arith.constant 1.000000e+00 : f32
    %div3A_120 = vector.broadcast %div3A_119 : f32 to vector<197x1xf32>
    %div3A_121 = arith.divf %div3A_120, %broadcast_in_dim3A_118 : vector<197x1xf32>
    %mul3A_122 = vector.broadcast %div3A_121 : vector<197x1xf32> to vector<197x197xf32>
    %mul3A_123 = arith.mulf %exp3A_115, %mul3A_122 : vector<197x197xf32>
    %dot_general3A_124 = arith.constant dense<0.000000e+00> : vector<197x32xf32>
    %dot_general3A_125 = tpu.matmul %mul3A_123, %slice3A_107, %dot_general3A_124 {dimension_numbers = #tpu.dot_dimension_numbers<[1], [0], [0], [1], [0, 0, 1, 1], [], []>, transpose_lhs_hint = false} : vector<197x197xf32>, vector<197x32xf32>, vector<197x32xf32> -> vector<197x32xf32>
    %slice3A_126 = vector.extract_strided_slice %add3A_15 {offsets = [0, 160], sizes = [197, 32], strides = [1, 1]} : vector<197x1152xf32> to vector<197x32xf32>
    %mul3A_127 = vector.broadcast %div3A_17 : f32 to vector<197x32xf32>
    %mul3A_128 = arith.mulf %slice3A_126, %mul3A_127 : vector<197x32xf32>
    %slice3A_129 = vector.extract_strided_slice %add3A_15 {offsets = [0, 544], sizes = [197, 32], strides = [1, 1]} : vector<197x1152xf32> to vector<197x32xf32>
    %slice3A_130 = vector.extract_strided_slice %add3A_15 {offsets = [0, 928], sizes = [197, 32], strides = [1, 1]} : vector<197x1152xf32> to vector<197x32xf32>
    %dot_general3A_131 = arith.constant dense<0.000000e+00> : vector<197x197xf32>
    %dot_general3A_132 = tpu.matmul %mul3A_128, %slice3A_129, %dot_general3A_131 {dimension_numbers = #tpu.dot_dimension_numbers<[1], [1], [0], [0], [0, 0, 1, 0], [], []>, transpose_lhs_hint = false} : vector<197x32xf32>, vector<197x32xf32>, vector<197x197xf32> -> vector<197x197xf32>
    %reduce_max3A_133 = arith.constant dense<0xFF800000> : vector<197xf32>
    %reduce_max3A_134 = vector.multi_reduction <maximumf>, %dot_general3A_132, %reduce_max3A_133 [1] : vector<197x197xf32> to vector<197xf32>
    %broadcast_in_dim3A_135 = vector.shape_cast %reduce_max3A_134 : vector<197xf32> to vector<197x1xf32>
    %sub3A_136 = vector.broadcast %broadcast_in_dim3A_135 : vector<197x1xf32> to vector<197x197xf32>
    %sub3A_137 = arith.subf %dot_general3A_132, %sub3A_136 : vector<197x197xf32>
    %exp3A_138 = math.exp %sub3A_137 : vector<197x197xf32>
    %reduce_sum3A_139 = arith.constant dense<0.000000e+00> : vector<197xf32>
    %reduce_sum3A_140 = vector.multi_reduction <add>, %exp3A_138, %reduce_sum3A_139 [1] : vector<197x197xf32> to vector<197xf32>
    %broadcast_in_dim3A_141 = vector.shape_cast %reduce_sum3A_140 : vector<197xf32> to vector<197x1xf32>
    %div3A_142 = arith.constant 1.000000e+00 : f32
    %div3A_143 = vector.broadcast %div3A_142 : f32 to vector<197x1xf32>
    %div3A_144 = arith.divf %div3A_143, %broadcast_in_dim3A_141 : vector<197x1xf32>
    %mul3A_145 = vector.broadcast %div3A_144 : vector<197x1xf32> to vector<197x197xf32>
    %mul3A_146 = arith.mulf %exp3A_138, %mul3A_145 : vector<197x197xf32>
    %dot_general3A_147 = arith.constant dense<0.000000e+00> : vector<197x32xf32>
    %dot_general3A_148 = tpu.matmul %mul3A_146, %slice3A_130, %dot_general3A_147 {dimension_numbers = #tpu.dot_dimension_numbers<[1], [0], [0], [1], [0, 0, 1, 1], [], []>, transpose_lhs_hint = false} : vector<197x197xf32>, vector<197x32xf32>, vector<197x32xf32> -> vector<197x32xf32>
    %slice3A_149 = vector.extract_strided_slice %add3A_15 {offsets = [0, 192], sizes = [197, 32], strides = [1, 1]} : vector<197x1152xf32> to vector<197x32xf32>
    %mul3A_150 = vector.broadcast %div3A_17 : f32 to vector<197x32xf32>
    %mul3A_151 = arith.mulf %slice3A_149, %mul3A_150 : vector<197x32xf32>
    %slice3A_152 = vector.extract_strided_slice %add3A_15 {offsets = [0, 576], sizes = [197, 32], strides = [1, 1]} : vector<197x1152xf32> to vector<197x32xf32>
    %slice3A_153 = vector.extract_strided_slice %add3A_15 {offsets = [0, 960], sizes = [197, 32], strides = [1, 1]} : vector<197x1152xf32> to vector<197x32xf32>
    %dot_general3A_154 = arith.constant dense<0.000000e+00> : vector<197x197xf32>
    %dot_general3A_155 = tpu.matmul %mul3A_151, %slice3A_152, %dot_general3A_154 {dimension_numbers = #tpu.dot_dimension_numbers<[1], [1], [0], [0], [0, 0, 1, 0], [], []>, transpose_lhs_hint = false} : vector<197x32xf32>, vector<197x32xf32>, vector<197x197xf32> -> vector<197x197xf32>
    %reduce_max3A_156 = arith.constant dense<0xFF800000> : vector<197xf32>
    %reduce_max3A_157 = vector.multi_reduction <maximumf>, %dot_general3A_155, %reduce_max3A_156 [1] : vector<197x197xf32> to vector<197xf32>
    %broadcast_in_dim3A_158 = vector.shape_cast %reduce_max3A_157 : vector<197xf32> to vector<197x1xf32>
    %sub3A_159 = vector.broadcast %broadcast_in_dim3A_158 : vector<197x1xf32> to vector<197x197xf32>
    %sub3A_160 = arith.subf %dot_general3A_155, %sub3A_159 : vector<197x197xf32>
    %exp3A_161 = math.exp %sub3A_160 : vector<197x197xf32>
    %reduce_sum3A_162 = arith.constant dense<0.000000e+00> : vector<197xf32>
    %reduce_sum3A_163 = vector.multi_reduction <add>, %exp3A_161, %reduce_sum3A_162 [1] : vector<197x197xf32> to vector<197xf32>
    %broadcast_in_dim3A_164 = vector.shape_cast %reduce_sum3A_163 : vector<197xf32> to vector<197x1xf32>
    %div3A_165 = arith.constant 1.000000e+00 : f32
    %div3A_166 = vector.broadcast %div3A_165 : f32 to vector<197x1xf32>
    %div3A_167 = arith.divf %div3A_166, %broadcast_in_dim3A_164 : vector<197x1xf32>
    %mul3A_168 = vector.broadcast %div3A_167 : vector<197x1xf32> to vector<197x197xf32>
    %mul3A_169 = arith.mulf %exp3A_161, %mul3A_168 : vector<197x197xf32>
    %dot_general3A_170 = arith.constant dense<0.000000e+00> : vector<197x32xf32>
    %dot_general3A_171 = tpu.matmul %mul3A_169, %slice3A_153, %dot_general3A_170 {dimension_numbers = #tpu.dot_dimension_numbers<[1], [0], [0], [1], [0, 0, 1, 1], [], []>, transpose_lhs_hint = false} : vector<197x197xf32>, vector<197x32xf32>, vector<197x32xf32> -> vector<197x32xf32>
    %slice3A_172 = vector.extract_strided_slice %add3A_15 {offsets = [0, 224], sizes = [197, 32], strides = [1, 1]} : vector<197x1152xf32> to vector<197x32xf32>
    %mul3A_173 = vector.broadcast %div3A_17 : f32 to vector<197x32xf32>
    %mul3A_174 = arith.mulf %slice3A_172, %mul3A_173 : vector<197x32xf32>
    %slice3A_175 = vector.extract_strided_slice %add3A_15 {offsets = [0, 608], sizes = [197, 32], strides = [1, 1]} : vector<197x1152xf32> to vector<197x32xf32>
    %slice3A_176 = vector.extract_strided_slice %add3A_15 {offsets = [0, 992], sizes = [197, 32], strides = [1, 1]} : vector<197x1152xf32> to vector<197x32xf32>
    %dot_general3A_177 = arith.constant dense<0.000000e+00> : vector<197x197xf32>
    %dot_general3A_178 = tpu.matmul %mul3A_174, %slice3A_175, %dot_general3A_177 {dimension_numbers = #tpu.dot_dimension_numbers<[1], [1], [0], [0], [0, 0, 1, 0], [], []>, transpose_lhs_hint = false} : vector<197x32xf32>, vector<197x32xf32>, vector<197x197xf32> -> vector<197x197xf32>
    %reduce_max3A_179 = arith.constant dense<0xFF800000> : vector<197xf32>
    %reduce_max3A_180 = vector.multi_reduction <maximumf>, %dot_general3A_178, %reduce_max3A_179 [1] : vector<197x197xf32> to vector<197xf32>
    %broadcast_in_dim3A_181 = vector.shape_cast %reduce_max3A_180 : vector<197xf32> to vector<197x1xf32>
    %sub3A_182 = vector.broadcast %broadcast_in_dim3A_181 : vector<197x1xf32> to vector<197x197xf32>
    %sub3A_183 = arith.subf %dot_general3A_178, %sub3A_182 : vector<197x197xf32>
    %exp3A_184 = math.exp %sub3A_183 : vector<197x197xf32>
    %reduce_sum3A_185 = arith.constant dense<0.000000e+00> : vector<197xf32>
    %reduce_sum3A_186 = vector.multi_reduction <add>, %exp3A_184, %reduce_sum3A_185 [1] : vector<197x197xf32> to vector<197xf32>
    %broadcast_in_dim3A_187 = vector.shape_cast %reduce_sum3A_186 : vector<197xf32> to vector<197x1xf32>
    %div3A_188 = arith.constant 1.000000e+00 : f32
    %div3A_189 = vector.broadcast %div3A_188 : f32 to vector<197x1xf32>
    %div3A_190 = arith.divf %div3A_189, %broadcast_in_dim3A_187 : vector<197x1xf32>
    %mul3A_191 = vector.broadcast %div3A_190 : vector<197x1xf32> to vector<197x197xf32>
    %mul3A_192 = arith.mulf %exp3A_184, %mul3A_191 : vector<197x197xf32>
    %dot_general3A_193 = arith.constant dense<0.000000e+00> : vector<197x32xf32>
    %dot_general3A_194 = tpu.matmul %mul3A_192, %slice3A_176, %dot_general3A_193 {dimension_numbers = #tpu.dot_dimension_numbers<[1], [0], [0], [1], [0, 0, 1, 1], [], []>, transpose_lhs_hint = false} : vector<197x197xf32>, vector<197x32xf32>, vector<197x32xf32> -> vector<197x32xf32>
    %slice3A_195 = vector.extract_strided_slice %add3A_15 {offsets = [0, 256], sizes = [197, 32], strides = [1, 1]} : vector<197x1152xf32> to vector<197x32xf32>
    %mul3A_196 = vector.broadcast %div3A_17 : f32 to vector<197x32xf32>
    %mul3A_197 = arith.mulf %slice3A_195, %mul3A_196 : vector<197x32xf32>
    %slice3A_198 = vector.extract_strided_slice %add3A_15 {offsets = [0, 640], sizes = [197, 32], strides = [1, 1]} : vector<197x1152xf32> to vector<197x32xf32>
    %slice3A_199 = vector.extract_strided_slice %add3A_15 {offsets = [0, 1024], sizes = [197, 32], strides = [1, 1]} : vector<197x1152xf32> to vector<197x32xf32>
    %dot_general3A_200 = arith.constant dense<0.000000e+00> : vector<197x197xf32>
    %dot_general3A_201 = tpu.matmul %mul3A_197, %slice3A_198, %dot_general3A_200 {dimension_numbers = #tpu.dot_dimension_numbers<[1], [1], [0], [0], [0, 0, 1, 0], [], []>, transpose_lhs_hint = false} : vector<197x32xf32>, vector<197x32xf32>, vector<197x197xf32> -> vector<197x197xf32>
    %reduce_max3A_202 = arith.constant dense<0xFF800000> : vector<197xf32>
    %reduce_max3A_203 = vector.multi_reduction <maximumf>, %dot_general3A_201, %reduce_max3A_202 [1] : vector<197x197xf32> to vector<197xf32>
    %broadcast_in_dim3A_204 = vector.shape_cast %reduce_max3A_203 : vector<197xf32> to vector<197x1xf32>
    %sub3A_205 = vector.broadcast %broadcast_in_dim3A_204 : vector<197x1xf32> to vector<197x197xf32>
    %sub3A_206 = arith.subf %dot_general3A_201, %sub3A_205 : vector<197x197xf32>
    %exp3A_207 = math.exp %sub3A_206 : vector<197x197xf32>
    %reduce_sum3A_208 = arith.constant dense<0.000000e+00> : vector<197xf32>
    %reduce_sum3A_209 = vector.multi_reduction <add>, %exp3A_207, %reduce_sum3A_208 [1] : vector<197x197xf32> to vector<197xf32>
    %broadcast_in_dim3A_210 = vector.shape_cast %reduce_sum3A_209 : vector<197xf32> to vector<197x1xf32>
    %div3A_211 = arith.constant 1.000000e+00 : f32
    %div3A_212 = vector.broadcast %div3A_211 : f32 to vector<197x1xf32>
    %div3A_213 = arith.divf %div3A_212, %broadcast_in_dim3A_210 : vector<197x1xf32>
    %mul3A_214 = vector.broadcast %div3A_213 : vector<197x1xf32> to vector<197x197xf32>
    %mul3A_215 = arith.mulf %exp3A_207, %mul3A_214 : vector<197x197xf32>
    %dot_general3A_216 = arith.constant dense<0.000000e+00> : vector<197x32xf32>
    %dot_general3A_217 = tpu.matmul %mul3A_215, %slice3A_199, %dot_general3A_216 {dimension_numbers = #tpu.dot_dimension_numbers<[1], [0], [0], [1], [0, 0, 1, 1], [], []>, transpose_lhs_hint = false} : vector<197x197xf32>, vector<197x32xf32>, vector<197x32xf32> -> vector<197x32xf32>
    %slice3A_218 = vector.extract_strided_slice %add3A_15 {offsets = [0, 288], sizes = [197, 32], strides = [1, 1]} : vector<197x1152xf32> to vector<197x32xf32>
    %mul3A_219 = vector.broadcast %div3A_17 : f32 to vector<197x32xf32>
    %mul3A_220 = arith.mulf %slice3A_218, %mul3A_219 : vector<197x32xf32>
    %slice3A_221 = vector.extract_strided_slice %add3A_15 {offsets = [0, 672], sizes = [197, 32], strides = [1, 1]} : vector<197x1152xf32> to vector<197x32xf32>
    %slice3A_222 = vector.extract_strided_slice %add3A_15 {offsets = [0, 1056], sizes = [197, 32], strides = [1, 1]} : vector<197x1152xf32> to vector<197x32xf32>
    %dot_general3A_223 = arith.constant dense<0.000000e+00> : vector<197x197xf32>
    %dot_general3A_224 = tpu.matmul %mul3A_220, %slice3A_221, %dot_general3A_223 {dimension_numbers = #tpu.dot_dimension_numbers<[1], [1], [0], [0], [0, 0, 1, 0], [], []>, transpose_lhs_hint = false} : vector<197x32xf32>, vector<197x32xf32>, vector<197x197xf32> -> vector<197x197xf32>
    %reduce_max3A_225 = arith.constant dense<0xFF800000> : vector<197xf32>
    %reduce_max3A_226 = vector.multi_reduction <maximumf>, %dot_general3A_224, %reduce_max3A_225 [1] : vector<197x197xf32> to vector<197xf32>
    %broadcast_in_dim3A_227 = vector.shape_cast %reduce_max3A_226 : vector<197xf32> to vector<197x1xf32>
    %sub3A_228 = vector.broadcast %broadcast_in_dim3A_227 : vector<197x1xf32> to vector<197x197xf32>
    %sub3A_229 = arith.subf %dot_general3A_224, %sub3A_228 : vector<197x197xf32>
    %exp3A_230 = math.exp %sub3A_229 : vector<197x197xf32>
    %reduce_sum3A_231 = arith.constant dense<0.000000e+00> : vector<197xf32>
    %reduce_sum3A_232 = vector.multi_reduction <add>, %exp3A_230, %reduce_sum3A_231 [1] : vector<197x197xf32> to vector<197xf32>
    %broadcast_in_dim3A_233 = vector.shape_cast %reduce_sum3A_232 : vector<197xf32> to vector<197x1xf32>
    %div3A_234 = arith.constant 1.000000e+00 : f32
    %div3A_235 = vector.broadcast %div3A_234 : f32 to vector<197x1xf32>
    %div3A_236 = arith.divf %div3A_235, %broadcast_in_dim3A_233 : vector<197x1xf32>
    %mul3A_237 = vector.broadcast %div3A_236 : vector<197x1xf32> to vector<197x197xf32>
    %mul3A_238 = arith.mulf %exp3A_230, %mul3A_237 : vector<197x197xf32>
    %dot_general3A_239 = arith.constant dense<0.000000e+00> : vector<197x32xf32>
    %dot_general3A_240 = tpu.matmul %mul3A_238, %slice3A_222, %dot_general3A_239 {dimension_numbers = #tpu.dot_dimension_numbers<[1], [0], [0], [1], [0, 0, 1, 1], [], []>, transpose_lhs_hint = false} : vector<197x197xf32>, vector<197x32xf32>, vector<197x32xf32> -> vector<197x32xf32>
    %slice3A_241 = vector.extract_strided_slice %add3A_15 {offsets = [0, 320], sizes = [197, 32], strides = [1, 1]} : vector<197x1152xf32> to vector<197x32xf32>
    %mul3A_242 = vector.broadcast %div3A_17 : f32 to vector<197x32xf32>
    %mul3A_243 = arith.mulf %slice3A_241, %mul3A_242 : vector<197x32xf32>
    %slice3A_244 = vector.extract_strided_slice %add3A_15 {offsets = [0, 704], sizes = [197, 32], strides = [1, 1]} : vector<197x1152xf32> to vector<197x32xf32>
    %slice3A_245 = vector.extract_strided_slice %add3A_15 {offsets = [0, 1088], sizes = [197, 32], strides = [1, 1]} : vector<197x1152xf32> to vector<197x32xf32>
    %dot_general3A_246 = arith.constant dense<0.000000e+00> : vector<197x197xf32>
    %dot_general3A_247 = tpu.matmul %mul3A_243, %slice3A_244, %dot_general3A_246 {dimension_numbers = #tpu.dot_dimension_numbers<[1], [1], [0], [0], [0, 0, 1, 0], [], []>, transpose_lhs_hint = false} : vector<197x32xf32>, vector<197x32xf32>, vector<197x197xf32> -> vector<197x197xf32>
    %reduce_max3A_248 = arith.constant dense<0xFF800000> : vector<197xf32>
    %reduce_max3A_249 = vector.multi_reduction <maximumf>, %dot_general3A_247, %reduce_max3A_248 [1] : vector<197x197xf32> to vector<197xf32>
    %broadcast_in_dim3A_250 = vector.shape_cast %reduce_max3A_249 : vector<197xf32> to vector<197x1xf32>
    %sub3A_251 = vector.broadcast %broadcast_in_dim3A_250 : vector<197x1xf32> to vector<197x197xf32>
    %sub3A_252 = arith.subf %dot_general3A_247, %sub3A_251 : vector<197x197xf32>
    %exp3A_253 = math.exp %sub3A_252 : vector<197x197xf32>
    %reduce_sum3A_254 = arith.constant dense<0.000000e+00> : vector<197xf32>
    %reduce_sum3A_255 = vector.multi_reduction <add>, %exp3A_253, %reduce_sum3A_254 [1] : vector<197x197xf32> to vector<197xf32>
    %broadcast_in_dim3A_256 = vector.shape_cast %reduce_sum3A_255 : vector<197xf32> to vector<197x1xf32>
    %div3A_257 = arith.constant 1.000000e+00 : f32
    %div3A_258 = vector.broadcast %div3A_257 : f32 to vector<197x1xf32>
    %div3A_259 = arith.divf %div3A_258, %broadcast_in_dim3A_256 : vector<197x1xf32>
    %mul3A_260 = vector.broadcast %div3A_259 : vector<197x1xf32> to vector<197x197xf32>
    %mul3A_261 = arith.mulf %exp3A_253, %mul3A_260 : vector<197x197xf32>
    %dot_general3A_262 = arith.constant dense<0.000000e+00> : vector<197x32xf32>
    %dot_general3A_263 = tpu.matmul %mul3A_261, %slice3A_245, %dot_general3A_262 {dimension_numbers = #tpu.dot_dimension_numbers<[1], [0], [0], [1], [0, 0, 1, 1], [], []>, transpose_lhs_hint = false} : vector<197x197xf32>, vector<197x32xf32>, vector<197x32xf32> -> vector<197x32xf32>
    %slice3A_264 = vector.extract_strided_slice %add3A_15 {offsets = [0, 352], sizes = [197, 32], strides = [1, 1]} : vector<197x1152xf32> to vector<197x32xf32>
    %mul3A_265 = vector.broadcast %div3A_17 : f32 to vector<197x32xf32>
    %mul3A_266 = arith.mulf %slice3A_264, %mul3A_265 : vector<197x32xf32>
    %slice3A_267 = vector.extract_strided_slice %add3A_15 {offsets = [0, 736], sizes = [197, 32], strides = [1, 1]} : vector<197x1152xf32> to vector<197x32xf32>
    %slice3A_268 = vector.extract_strided_slice %add3A_15 {offsets = [0, 1120], sizes = [197, 32], strides = [1, 1]} : vector<197x1152xf32> to vector<197x32xf32>
    %dot_general3A_269 = arith.constant dense<0.000000e+00> : vector<197x197xf32>
    %dot_general3A_270 = tpu.matmul %mul3A_266, %slice3A_267, %dot_general3A_269 {dimension_numbers = #tpu.dot_dimension_numbers<[1], [1], [0], [0], [0, 0, 1, 0], [], []>, transpose_lhs_hint = false} : vector<197x32xf32>, vector<197x32xf32>, vector<197x197xf32> -> vector<197x197xf32>
    %reduce_max3A_271 = arith.constant dense<0xFF800000> : vector<197xf32>
    %reduce_max3A_272 = vector.multi_reduction <maximumf>, %dot_general3A_270, %reduce_max3A_271 [1] : vector<197x197xf32> to vector<197xf32>
    %broadcast_in_dim3A_273 = vector.shape_cast %reduce_max3A_272 : vector<197xf32> to vector<197x1xf32>
    %sub3A_274 = vector.broadcast %broadcast_in_dim3A_273 : vector<197x1xf32> to vector<197x197xf32>
    %sub3A_275 = arith.subf %dot_general3A_270, %sub3A_274 : vector<197x197xf32>
    %exp3A_276 = math.exp %sub3A_275 : vector<197x197xf32>
    %reduce_sum3A_277 = arith.constant dense<0.000000e+00> : vector<197xf32>
    %reduce_sum3A_278 = vector.multi_reduction <add>, %exp3A_276, %reduce_sum3A_277 [1] : vector<197x197xf32> to vector<197xf32>
    %broadcast_in_dim3A_279 = vector.shape_cast %reduce_sum3A_278 : vector<197xf32> to vector<197x1xf32>
    %div3A_280 = arith.constant 1.000000e+00 : f32
    %div3A_281 = vector.broadcast %div3A_280 : f32 to vector<197x1xf32>
    %div3A_282 = arith.divf %div3A_281, %broadcast_in_dim3A_279 : vector<197x1xf32>
    %mul3A_283 = vector.broadcast %div3A_282 : vector<197x1xf32> to vector<197x197xf32>
    %mul3A_284 = arith.mulf %exp3A_276, %mul3A_283 : vector<197x197xf32>
    %dot_general3A_285 = arith.constant dense<0.000000e+00> : vector<197x32xf32>
    %dot_general3A_286 = tpu.matmul %mul3A_284, %slice3A_268, %dot_general3A_285 {dimension_numbers = #tpu.dot_dimension_numbers<[1], [0], [0], [1], [0, 0, 1, 1], [], []>, transpose_lhs_hint = false} : vector<197x197xf32>, vector<197x32xf32>, vector<197x32xf32> -> vector<197x32xf32>
    %concatenate3A = tpu.concatenate %dot_general3A_33, %dot_general3A_56, %dot_general3A_79, %dot_general3A_102, %dot_general3A_125, %dot_general3A_148, %dot_general3A_171, %dot_general3A_194, %dot_general3A_217, %dot_general3A_240, %dot_general3A_263, %dot_general3A_286 in 1 : vector<197x32xf32>, vector<197x32xf32>, vector<197x32xf32>, vector<197x32xf32>, vector<197x32xf32>, vector<197x32xf32>, vector<197x32xf32>, vector<197x32xf32>, vector<197x32xf32>, vector<197x32xf32>, vector<197x32xf32>, vector<197x32xf32> -> vector<197x384xf32>
    %get3A_287 = arith.constant 0 : index
    %get3A_288 = arith.constant 0 : index
    %get3A_289 = arith.constant 0 : index
    %get3A_290 = vector.load %arg4[%get3A_287, %get3A_288, %get3A_289] : memref<1x384x384xf32, #tpu.memory_space<vmem>>, vector<1x384x384xf32>
    %get3A_291 = vector.shape_cast %get3A_290 : vector<1x384x384xf32> to vector<384x384xf32>
    %dot_general3A_292 = arith.constant dense<0.000000e+00> : vector<197x384xf32>
    %dot_general3A_293 = tpu.matmul %concatenate3A, %get3A_291, %dot_general3A_292 {dimension_numbers = #tpu.dot_dimension_numbers<[1], [1], [0], [0], [0, 0, 1, 0], [], []>, transpose_lhs_hint = false} : vector<197x384xf32>, vector<384x384xf32>, vector<197x384xf32> -> vector<197x384xf32>
    %get3A_294 = arith.constant 0 : index
    %get3A_295 = arith.constant 0 : index
    %get3A_296 = arith.constant 0 : index
    %get3A_297 = vector.load %arg5[%get3A_294, %get3A_295, %get3A_296] : memref<1x1x384xf32, #tpu.memory_space<vmem>>, vector<1x1x384xf32>
    %get3A_298 = vector.shape_cast %get3A_297 : vector<1x1x384xf32> to vector<1x384xf32>
    %add3A_299 = vector.broadcast %get3A_298 : vector<1x384xf32> to vector<197x384xf32>
    %add3A_300 = arith.addf %dot_general3A_293, %add3A_299 : vector<197x384xf32>
    %add3A_301 = arith.addf %get3A_3, %add3A_300 : vector<197x384xf32>
    %get3A_302 = arith.constant 0 : index
    %get3A_303 = arith.constant 0 : index
    %get3A_304 = arith.constant 0 : index
    %get3A_305 = vector.load %arg6[%get3A_302, %get3A_303, %get3A_304] : memref<1x1x384xf32, #tpu.memory_space<vmem>>, vector<1x1x384xf32>
    %get3A_306 = vector.shape_cast %get3A_305 : vector<1x1x384xf32> to vector<1x384xf32>
    %get3A_307 = arith.constant 0 : index
    %get3A_308 = arith.constant 0 : index
    %get3A_309 = arith.constant 0 : index
    %get3A_310 = vector.load %arg7[%get3A_307, %get3A_308, %get3A_309] : memref<1x1x384xf32, #tpu.memory_space<vmem>>, vector<1x1x384xf32>
    %get3A_311 = vector.shape_cast %get3A_310 : vector<1x1x384xf32> to vector<1x384xf32>
    %reduce_sum3A_312 = arith.constant dense<0.000000e+00> : vector<197xf32>
    %reduce_sum3A_313 = vector.multi_reduction <add>, %add3A_301, %reduce_sum3A_312 [1] : vector<197x384xf32> to vector<197xf32>
    %broadcast_in_dim3A_314 = vector.shape_cast %reduce_sum3A_313 : vector<197xf32> to vector<197x1xf32>
    %div3A_315 = arith.constant 3.840000e+02 : f32
    %div3A_316 = vector.broadcast %div3A_315 : f32 to vector<197x1xf32>
    %div3A_317 = arith.divf %broadcast_in_dim3A_314, %div3A_316 : vector<197x1xf32>
    %sub3A_318 = vector.broadcast %div3A_317 : vector<197x1xf32> to vector<197x384xf32>
    %sub3A_319 = arith.subf %add3A_301, %sub3A_318 : vector<197x384xf32>
    %integer_pow3A = arith.mulf %sub3A_319, %sub3A_319 : vector<197x384xf32>
    %reduce_sum3A_320 = arith.constant dense<0.000000e+00> : vector<197xf32>
    %reduce_sum3A_321 = vector.multi_reduction <add>, %integer_pow3A, %reduce_sum3A_320 [1] : vector<197x384xf32> to vector<197xf32>
    %broadcast_in_dim3A_322 = vector.shape_cast %reduce_sum3A_321 : vector<197xf32> to vector<197x1xf32>
    %div3A_323 = arith.constant 3.840000e+02 : f32
    %div3A_324 = vector.broadcast %div3A_323 : f32 to vector<197x1xf32>
    %div3A_325 = arith.divf %broadcast_in_dim3A_322, %div3A_324 : vector<197x1xf32>
    %sub3A_326 = vector.broadcast %div3A_317 : vector<197x1xf32> to vector<197x384xf32>
    %sub3A_327 = arith.subf %add3A_301, %sub3A_326 : vector<197x384xf32>
    %add3A_328 = arith.constant 9.99999974E-6 : f32
    %add3A_329 = vector.broadcast %add3A_328 : f32 to vector<197x1xf32>
    %add3A_330 = arith.addf %div3A_325, %add3A_329 : vector<197x1xf32>
    %sqrt3A_331 = math.sqrt %add3A_330 : vector<197x1xf32>
    %div3A_332 = vector.broadcast %sqrt3A_331 : vector<197x1xf32> to vector<197x384xf32>
    %div3A_333 = arith.divf %sub3A_327, %div3A_332 : vector<197x384xf32>
    %mul3A_334 = vector.broadcast %get3A_306 : vector<1x384xf32> to vector<197x384xf32>
    %mul3A_335 = arith.mulf %div3A_333, %mul3A_334 : vector<197x384xf32>
    %add3A_336 = vector.broadcast %get3A_311 : vector<1x384xf32> to vector<197x384xf32>
    %add3A_337 = arith.addf %mul3A_335, %add3A_336 : vector<197x384xf32>
    %swap3A = arith.constant 0 : index
    %swap3A_338 = arith.constant 0 : index
    %swap3A_339 = arith.constant 0 : index
    %swap3A_340 = vector.load %arg8[%swap3A, %swap3A_338, %swap3A_339] : memref<1x197x384xf32, #tpu.memory_space<vmem>>, vector<1x197x384xf32>
    %swap3A_341 = vector.shape_cast %swap3A_340 : vector<1x197x384xf32> to vector<197x384xf32>
    %swap3A_342 = vector.shape_cast %add3A_337 : vector<197x384xf32> to vector<1x197x384xf32>
    tpu.vector_store %arg8[%swap3A, %swap3A_338, %swap3A_339], %swap3A_342 {strides = array<i32>} : memref<1x197x384xf32, #tpu.memory_space<vmem>>, vector<1x197x384xf32>,
    return
  }
  func.func @transform_0(%arg0: i32) -> (i32, i32, i32) {
    %c0_i32 = arith.constant 0 : i32
    %c0_i32_0 = arith.constant 0 : i32
    %c0_i32_1 = arith.constant 0 : i32
    return %arg0, %c0_i32, %c0_i32_0 : i32, i32, i32
  }
  func.func @transform_1(%arg0: i32) -> (i32, i32, i32) {
    %c1_i32 = arith.constant 1 : i32
    %c0_i32 = arith.constant 0 : i32
    %c0_i32_0 = arith.constant 0 : i32
    %c0_i32_1 = arith.constant 0 : i32
    return %c1_i32, %c0_i32, %c0_i32_0 : i32, i32, i32
  }
  func.func @transform_2(%arg0: i32) -> (i32, i32, i32) {
    %c1_i32 = arith.constant 1 : i32
    %c0_i32 = arith.constant 0 : i32
    %c0_i32_0 = arith.constant 0 : i32
    %c0_i32_1 = arith.constant 0 : i32
    return %c1_i32, %c0_i32, %c0_i32_0 : i32, i32, i32
  }
  func.func @transform_3(%arg0: i32) -> (i32, i32, i32) {
    %c1_i32 = arith.constant 1 : i32
    %c0_i32 = arith.constant 0 : i32
    %c0_i32_0 = arith.constant 0 : i32
    %c0_i32_1 = arith.constant 0 : i32
    return %c1_i32, %c0_i32, %c0_i32_0 : i32, i32, i32
  }
  func.func @transform_4(%arg0: i32) -> (i32, i32, i32) {
    %c1_i32 = arith.constant 1 : i32
    %c0_i32 = arith.constant 0 : i32
    %c0_i32_0 = arith.constant 0 : i32
    %c0_i32_1 = arith.constant 0 : i32
    return %c1_i32, %c0_i32, %c0_i32_0 : i32, i32, i32
  }
  func.func @transform_5(%arg0: i32) -> (i32, i32, i32) {
    %c1_i32 = arith.constant 1 : i32
    %c0_i32 = arith.constant 0 : i32
    %c0_i32_0 = arith.constant 0 : i32
    %c0_i32_1 = arith.constant 0 : i32
    return %c1_i32, %c0_i32, %c0_i32_0 : i32, i32, i32
  }
  func.func @transform_6(%arg0: i32) -> (i32, i32, i32) {
    %c1_i32 = arith.constant 1 : i32
    %c0_i32 = arith.constant 0 : i32
    %c0_i32_0 = arith.constant 0 : i32
    %c0_i32_1 = arith.constant 0 : i32
    return %c1_i32, %c0_i32, %c0_i32_0 : i32, i32, i32
  }
  func.func @transform_7(%arg0: i32) -> (i32, i32, i32) {
    %c0_i32 = arith.constant 0 : i32
    %c0_i32_0 = arith.constant 0 : i32
    %c0_i32_1 = arith.constant 0 : i32
    return %arg0, %c0_i32, %c0_i32_0 : i32, i32, i32
  }
}

module attributes {stable_mosaic.version = 14 : i64} {
  func.func @_route_body(%arg0: i32, %arg1: memref<1576x384xf32, #tpu.memory_space<vmem>>, %arg2: memref<1x8x384xf32, #tpu.memory_space<vmem>>, %arg3: memref<1x1x8xf32, #tpu.memory_space<vmem>>, %arg4: memref<1x1576x8xf32, #tpu.memory_space<vmem>>, %arg5: memref<1576x1xi32, #tpu.memory_space<vmem>>, %arg6: memref<1576x1xi32, #tpu.memory_space<vmem>>, %arg7: memref<1x16xi32, #tpu.memory_space<vmem>>) attributes {dimension_semantics = [#tpu.dimension_semantics<arbitrary>], iteration_bounds = array<i64: 1>, scalar_prefetch = 0 : i64, scratch_operands = 0 : i64, tpu.core_type = #tpu.core_type<tc>, window_params = [{pipeline_mode = #tpu.pipeline_mode<synchronous>, transform_indices = @transform_0, window_bounds = array<i64: 1576, 384>}, {transform_indices = @transform_1, window_bounds = array<i64: 1, 8, 384>}, {transform_indices = @transform_2, window_bounds = array<i64: 1, 1, 8>}, {transform_indices = @transform_3, window_bounds = array<i64: 1, 1576, 8>}, {pipeline_mode = #tpu.pipeline_mode<synchronous>, transform_indices = @transform_4, window_bounds = array<i64: 1576, 1>}, {pipeline_mode = #tpu.pipeline_mode<synchronous>, transform_indices = @transform_5, window_bounds = array<i64: 1576, 1>}, {pipeline_mode = #tpu.pipeline_mode<synchronous>, transform_indices = @transform_6, window_bounds = array<i64: 1, 16>}]} {
    %get3A = arith.constant 0 : index
    %get3A_0 = arith.constant 0 : index
    %get3A_1 = vector.load %arg1[%get3A, %get3A_0] : memref<1576x384xf32, #tpu.memory_space<vmem>>, vector<1576x384xf32>
    %get3A_2 = arith.constant 0 : index
    %get3A_3 = arith.constant 0 : index
    %get3A_4 = arith.constant 0 : index
    %get3A_5 = vector.load %arg2[%get3A_2, %get3A_3, %get3A_4] : memref<1x8x384xf32, #tpu.memory_space<vmem>>, vector<1x8x384xf32>
    %get3A_6 = vector.shape_cast %get3A_5 : vector<1x8x384xf32> to vector<8x384xf32>
    %dot_general3A = arith.constant dense<0.000000e+00> : vector<1576x8xf32>
    %dot_general3A_7 = tpu.matmul %get3A_1, %get3A_6, %dot_general3A {dimension_numbers = #tpu.dot_dimension_numbers<[1], [1], [0], [0], [0, 0, 1, 0], [], []>, transpose_lhs_hint = false} : vector<1576x384xf32>, vector<8x384xf32>, vector<1576x8xf32> -> vector<1576x8xf32>
    %get3A_8 = arith.constant 0 : index
    %get3A_9 = arith.constant 0 : index
    %get3A_10 = arith.constant 0 : index
    %get3A_11 = vector.load %arg3[%get3A_8, %get3A_9, %get3A_10] : memref<1x1x8xf32, #tpu.memory_space<vmem>>, vector<1x1x8xf32>
    %get3A_12 = vector.shape_cast %get3A_11 : vector<1x1x8xf32> to vector<1x8xf32>
    %add3A = vector.broadcast %get3A_12 : vector<1x8xf32> to vector<1576x8xf32>
    %add3A_13 = arith.addf %dot_general3A_7, %add3A : vector<1576x8xf32>
    %get3A_14 = arith.constant 0 : index
    %get3A_15 = arith.constant 0 : index
    %get3A_16 = arith.constant 0 : index
    %get3A_17 = vector.load %arg4[%get3A_14, %get3A_15, %get3A_16] : memref<1x1576x8xf32, #tpu.memory_space<vmem>>, vector<1x1576x8xf32>
    %get3A_18 = vector.shape_cast %get3A_17 : vector<1x1576x8xf32> to vector<1576x8xf32>
    %add3A_19 = arith.addf %add3A_13, %get3A_18 : vector<1576x8xf32>
    %reduce_max3A = arith.constant dense<0xFF800000> : vector<1576xf32>
    %reduce_max3A_20 = vector.multi_reduction <maximumf>, %add3A_19, %reduce_max3A [1] : vector<1576x8xf32> to vector<1576xf32>
    %broadcast_in_dim3A = vector.shape_cast %reduce_max3A_20 : vector<1576xf32> to vector<1576x1xf32>
    %iota3A = tpu.iota {dimensions = array<i32: 1>} : vector<1576x8xi32>
    %eq3A = vector.broadcast %broadcast_in_dim3A : vector<1576x1xf32> to vector<1576x8xf32>
    %eq3A_21 = arith.cmpf oeq, %add3A_19, %eq3A : vector<1576x8xf32>
    %jit3A = arith.constant 8 : i32
    %broadcast_in_dim3A_22 = vector.broadcast %jit3A : i32 to vector<1576x8xi32>
    %select_n3A = arith.select %eq3A_21, %iota3A, %broadcast_in_dim3A_22 : vector<1576x8xi1>, vector<1576x8xi32>
    %reduce_min3A = arith.constant dense<2147483647> : vector<1576xi32>
    %reduce_min3A_23 = vector.multi_reduction <minsi>, %select_n3A, %reduce_min3A [1] : vector<1576x8xi32> to vector<1576xi32>
    %broadcast_in_dim3A_24 = vector.shape_cast %reduce_min3A_23 : vector<1576xi32> to vector<1576x1xi32>
    %eq3A_25 = vector.broadcast %broadcast_in_dim3A_24 : vector<1576x1xi32> to vector<1576x8xi32>
    %eq3A_26 = arith.cmpi eq, %iota3A, %eq3A_25 : vector<1576x8xi32>
    %convert_element_type3A = arith.extui %eq3A_26 : vector<1576x8xi1> to vector<1576x8xi32>
    %convert_element_type3A_27 = arith.sitofp %convert_element_type3A : vector<1576x8xi32> to vector<1576x8xf32>
    %reduce_sum3A = arith.constant dense<0.000000e+00> : vector<8xf32>
    %reduce_sum3A_28 = vector.multi_reduction <add>, %convert_element_type3A_27, %reduce_sum3A [0] : vector<1576x8xf32> to vector<8xf32>
    %broadcast_in_dim3A_29 = vector.shape_cast %reduce_sum3A_28 : vector<8xf32> to vector<1x8xf32>
    %iota3A_30 = tpu.iota {dimensions = array<i32: 0>} : vector<8x8xi32>
    %iota3A_31 = tpu.iota {dimensions = array<i32: 1>} : vector<8x8xi32>
    %lt3A = arith.cmpi slt, %iota3A_30, %iota3A_31 : vector<8x8xi32>
    %convert_element_type3A_32 = arith.extui %lt3A : vector<8x8xi1> to vector<8x8xi32>
    %convert_element_type3A_33 = arith.sitofp %convert_element_type3A_32 : vector<8x8xi32> to vector<8x8xf32>
    %dot_general3A_34 = arith.constant dense<0.000000e+00> : vector<1x8xf32>
    %dot_general3A_35 = tpu.matmul %broadcast_in_dim3A_29, %convert_element_type3A_33, %dot_general3A_34 {dimension_numbers = #tpu.dot_dimension_numbers<[1], [0], [0], [1], [0, 0, 1, 1], [], []>, transpose_lhs_hint = false} : vector<1x8xf32>, vector<8x8xf32>, vector<1x8xf32> -> vector<1x8xf32>
    %broadcast_in_dim3A_36 = arith.constant 0.000000e+00 : f32
    %broadcast_in_dim3A_37 = vector.broadcast %broadcast_in_dim3A_36 : f32 to vector<1x8xf32>
    %slice3A = vector.extract_strided_slice %convert_element_type3A_27 {offsets = [0, 0], sizes = [1575, 8], strides = [1, 1]} : vector<1576x8xf32> to vector<1575x8xf32>
    %concatenate3A = tpu.concatenate %broadcast_in_dim3A_37, %slice3A in 0 : vector<1x8xf32>, vector<1575x8xf32> -> vector<1576x8xf32>
    %add3A_38 = arith.addf %convert_element_type3A_27, %concatenate3A : vector<1576x8xf32>
    %broadcast_in_dim3A_39 = arith.constant 0.000000e+00 : f32
    %broadcast_in_dim3A_40 = vector.broadcast %broadcast_in_dim3A_39 : f32 to vector<2x8xf32>
    %slice3A_41 = vector.extract_strided_slice %add3A_38 {offsets = [0, 0], sizes = [1574, 8], strides = [1, 1]} : vector<1576x8xf32> to vector<1574x8xf32>
    %concatenate3A_42 = tpu.concatenate %broadcast_in_dim3A_40, %slice3A_41 in 0 : vector<2x8xf32>, vector<1574x8xf32> -> vector<1576x8xf32>
    %add3A_43 = arith.addf %add3A_38, %concatenate3A_42 : vector<1576x8xf32>
    %broadcast_in_dim3A_44 = arith.constant 0.000000e+00 : f32
    %broadcast_in_dim3A_45 = vector.broadcast %broadcast_in_dim3A_44 : f32 to vector<4x8xf32>
    %slice3A_46 = vector.extract_strided_slice %add3A_43 {offsets = [0, 0], sizes = [1572, 8], strides = [1, 1]} : vector<1576x8xf32> to vector<1572x8xf32>
    %concatenate3A_47 = tpu.concatenate %broadcast_in_dim3A_45, %slice3A_46 in 0 : vector<4x8xf32>, vector<1572x8xf32> -> vector<1576x8xf32>
    %add3A_48 = arith.addf %add3A_43, %concatenate3A_47 : vector<1576x8xf32>
    %broadcast_in_dim3A_49 = arith.constant 0.000000e+00 : f32
    %broadcast_in_dim3A_50 = vector.broadcast %broadcast_in_dim3A_49 : f32 to vector<8x8xf32>
    %slice3A_51 = vector.extract_strided_slice %add3A_48 {offsets = [0, 0], sizes = [1568, 8], strides = [1, 1]} : vector<1576x8xf32> to vector<1568x8xf32>
    %concatenate3A_52 = tpu.concatenate %broadcast_in_dim3A_50, %slice3A_51 in 0 : vector<8x8xf32>, vector<1568x8xf32> -> vector<1576x8xf32>
    %add3A_53 = arith.addf %add3A_48, %concatenate3A_52 : vector<1576x8xf32>
    %broadcast_in_dim3A_54 = arith.constant 0.000000e+00 : f32
    %broadcast_in_dim3A_55 = vector.broadcast %broadcast_in_dim3A_54 : f32 to vector<16x8xf32>
    %slice3A_56 = vector.extract_strided_slice %add3A_53 {offsets = [0, 0], sizes = [1560, 8], strides = [1, 1]} : vector<1576x8xf32> to vector<1560x8xf32>
    %concatenate3A_57 = tpu.concatenate %broadcast_in_dim3A_55, %slice3A_56 in 0 : vector<16x8xf32>, vector<1560x8xf32> -> vector<1576x8xf32>
    %add3A_58 = arith.addf %add3A_53, %concatenate3A_57 : vector<1576x8xf32>
    %broadcast_in_dim3A_59 = arith.constant 0.000000e+00 : f32
    %broadcast_in_dim3A_60 = vector.broadcast %broadcast_in_dim3A_59 : f32 to vector<32x8xf32>
    %slice3A_61 = vector.extract_strided_slice %add3A_58 {offsets = [0, 0], sizes = [1544, 8], strides = [1, 1]} : vector<1576x8xf32> to vector<1544x8xf32>
    %concatenate3A_62 = tpu.concatenate %broadcast_in_dim3A_60, %slice3A_61 in 0 : vector<32x8xf32>, vector<1544x8xf32> -> vector<1576x8xf32>
    %add3A_63 = arith.addf %add3A_58, %concatenate3A_62 : vector<1576x8xf32>
    %broadcast_in_dim3A_64 = arith.constant 0.000000e+00 : f32
    %broadcast_in_dim3A_65 = vector.broadcast %broadcast_in_dim3A_64 : f32 to vector<64x8xf32>
    %slice3A_66 = vector.extract_strided_slice %add3A_63 {offsets = [0, 0], sizes = [1512, 8], strides = [1, 1]} : vector<1576x8xf32> to vector<1512x8xf32>
    %concatenate3A_67 = tpu.concatenate %broadcast_in_dim3A_65, %slice3A_66 in 0 : vector<64x8xf32>, vector<1512x8xf32> -> vector<1576x8xf32>
    %add3A_68 = arith.addf %add3A_63, %concatenate3A_67 : vector<1576x8xf32>
    %broadcast_in_dim3A_69 = arith.constant 0.000000e+00 : f32
    %broadcast_in_dim3A_70 = vector.broadcast %broadcast_in_dim3A_69 : f32 to vector<128x8xf32>
    %slice3A_71 = vector.extract_strided_slice %add3A_68 {offsets = [0, 0], sizes = [1448, 8], strides = [1, 1]} : vector<1576x8xf32> to vector<1448x8xf32>
    %concatenate3A_72 = tpu.concatenate %broadcast_in_dim3A_70, %slice3A_71 in 0 : vector<128x8xf32>, vector<1448x8xf32> -> vector<1576x8xf32>
    %add3A_73 = arith.addf %add3A_68, %concatenate3A_72 : vector<1576x8xf32>
    %broadcast_in_dim3A_74 = arith.constant 0.000000e+00 : f32
    %broadcast_in_dim3A_75 = vector.broadcast %broadcast_in_dim3A_74 : f32 to vector<256x8xf32>
    %slice3A_76 = vector.extract_strided_slice %add3A_73 {offsets = [0, 0], sizes = [1320, 8], strides = [1, 1]} : vector<1576x8xf32> to vector<1320x8xf32>
    %concatenate3A_77 = tpu.concatenate %broadcast_in_dim3A_75, %slice3A_76 in 0 : vector<256x8xf32>, vector<1320x8xf32> -> vector<1576x8xf32>
    %add3A_78 = arith.addf %add3A_73, %concatenate3A_77 : vector<1576x8xf32>
    %broadcast_in_dim3A_79 = arith.constant 0.000000e+00 : f32
    %broadcast_in_dim3A_80 = vector.broadcast %broadcast_in_dim3A_79 : f32 to vector<512x8xf32>
    %slice3A_81 = vector.extract_strided_slice %add3A_78 {offsets = [0, 0], sizes = [1064, 8], strides = [1, 1]} : vector<1576x8xf32> to vector<1064x8xf32>
    %concatenate3A_82 = tpu.concatenate %broadcast_in_dim3A_80, %slice3A_81 in 0 : vector<512x8xf32>, vector<1064x8xf32> -> vector<1576x8xf32>
    %add3A_83 = arith.addf %add3A_78, %concatenate3A_82 : vector<1576x8xf32>
    %broadcast_in_dim3A_84 = arith.constant 0.000000e+00 : f32
    %broadcast_in_dim3A_85 = vector.broadcast %broadcast_in_dim3A_84 : f32 to vector<1024x8xf32>
    %slice3A_86 = vector.extract_strided_slice %add3A_83 {offsets = [0, 0], sizes = [552, 8], strides = [1, 1]} : vector<1576x8xf32> to vector<552x8xf32>
    %concatenate3A_87 = tpu.concatenate %broadcast_in_dim3A_85, %slice3A_86 in 0 : vector<1024x8xf32>, vector<552x8xf32> -> vector<1576x8xf32>
    %add3A_88 = arith.addf %add3A_83, %concatenate3A_87 : vector<1576x8xf32>
    %mul3A = arith.mulf %add3A_88, %convert_element_type3A_27 : vector<1576x8xf32>
    %reduce_sum3A_89 = arith.constant dense<0.000000e+00> : vector<1576xf32>
    %reduce_sum3A_90 = vector.multi_reduction <add>, %mul3A, %reduce_sum3A_89 [1] : vector<1576x8xf32> to vector<1576xf32>
    %broadcast_in_dim3A_91 = vector.shape_cast %reduce_sum3A_90 : vector<1576xf32> to vector<1576x1xf32>
    %mul3A_92 = vector.broadcast %dot_general3A_35 : vector<1x8xf32> to vector<1576x8xf32>
    %mul3A_93 = arith.mulf %mul3A_92, %convert_element_type3A_27 : vector<1576x8xf32>
    %reduce_sum3A_94 = arith.constant dense<0.000000e+00> : vector<1576xf32>
    %reduce_sum3A_95 = vector.multi_reduction <add>, %mul3A_93, %reduce_sum3A_94 [1] : vector<1576x8xf32> to vector<1576xf32>
    %broadcast_in_dim3A_96 = vector.shape_cast %reduce_sum3A_95 : vector<1576xf32> to vector<1576x1xf32>
    %add3A_97 = arith.addf %broadcast_in_dim3A_96, %broadcast_in_dim3A_91 : vector<1576x1xf32>
    %sub3A = arith.constant 1.000000e+00 : f32
    %sub3A_98 = vector.broadcast %sub3A : f32 to vector<1576x1xf32>
    %sub3A_99 = arith.subf %add3A_97, %sub3A_98 : vector<1576x1xf32>
    %convert_element_type3A_100 = arith.fptosi %sub3A_99 : vector<1576x1xf32> to vector<1576x1xi32>
    %swap3A = arith.constant 0 : index
    %swap3A_101 = arith.constant 0 : index
    %swap3A_102 = vector.load %arg5[%swap3A, %swap3A_101] : memref<1576x1xi32, #tpu.memory_space<vmem>>, vector<1576x1xi32>
    tpu.vector_store %arg5[%swap3A, %swap3A_101], %convert_element_type3A_100 {strides = array<i32>} : memref<1576x1xi32, #tpu.memory_space<vmem>>, vector<1576x1xi32>,
    %swap3A_103 = arith.constant 0 : index
    %swap3A_104 = arith.constant 0 : index
    %swap3A_105 = vector.load %arg6[%swap3A_103, %swap3A_104] : memref<1576x1xi32, #tpu.memory_space<vmem>>, vector<1576x1xi32>
    tpu.vector_store %arg6[%swap3A_103, %swap3A_104], %broadcast_in_dim3A_24 {strides = array<i32>} : memref<1576x1xi32, #tpu.memory_space<vmem>>, vector<1576x1xi32>,
    %add3A_106 = arith.addf %dot_general3A_35, %broadcast_in_dim3A_29 : vector<1x8xf32>
    %concatenate3A_107 = tpu.concatenate %dot_general3A_35, %add3A_106 in 1 : vector<1x8xf32>, vector<1x8xf32> -> vector<1x16xf32>
    %convert_element_type3A_108 = arith.fptosi %concatenate3A_107 : vector<1x16xf32> to vector<1x16xi32>
    %swap3A_109 = arith.constant 0 : index
    %swap3A_110 = arith.constant 0 : index
    %swap3A_111 = vector.load %arg7[%swap3A_109, %swap3A_110] : memref<1x16xi32, #tpu.memory_space<vmem>>, vector<1x16xi32>
    tpu.vector_store %arg7[%swap3A_109, %swap3A_110], %convert_element_type3A_108 {strides = array<i32>} : memref<1x16xi32, #tpu.memory_space<vmem>>, vector<1x16xi32>,
    return
  }
  func.func @transform_0(%arg0: i32) -> (i32, i32) {
    %c0_i32 = arith.constant 0 : i32
    %c0_i32_0 = arith.constant 0 : i32
    %c0_i32_1 = arith.constant 0 : i32
    return %c0_i32, %c0_i32_0 : i32, i32
  }
  func.func @transform_1(%arg0: i32) -> (i32, i32, i32) {
    %c1_i32 = arith.constant 1 : i32
    %c0_i32 = arith.constant 0 : i32
    %c0_i32_0 = arith.constant 0 : i32
    %c0_i32_1 = arith.constant 0 : i32
    return %c1_i32, %c0_i32, %c0_i32_0 : i32, i32, i32
  }
  func.func @transform_2(%arg0: i32) -> (i32, i32, i32) {
    %c1_i32 = arith.constant 1 : i32
    %c0_i32 = arith.constant 0 : i32
    %c0_i32_0 = arith.constant 0 : i32
    %c0_i32_1 = arith.constant 0 : i32
    return %c1_i32, %c0_i32, %c0_i32_0 : i32, i32, i32
  }
  func.func @transform_3(%arg0: i32) -> (i32, i32, i32) {
    %c1_i32 = arith.constant 1 : i32
    %c0_i32 = arith.constant 0 : i32
    %c0_i32_0 = arith.constant 0 : i32
    %c0_i32_1 = arith.constant 0 : i32
    return %c1_i32, %c0_i32, %c0_i32_0 : i32, i32, i32
  }
  func.func @transform_4(%arg0: i32) -> (i32, i32) {
    %c0_i32 = arith.constant 0 : i32
    %c0_i32_0 = arith.constant 0 : i32
    %c0_i32_1 = arith.constant 0 : i32
    return %c0_i32, %c0_i32_0 : i32, i32
  }
  func.func @transform_5(%arg0: i32) -> (i32, i32) {
    %c0_i32 = arith.constant 0 : i32
    %c0_i32_0 = arith.constant 0 : i32
    %c0_i32_1 = arith.constant 0 : i32
    return %c0_i32, %c0_i32_0 : i32, i32
  }
  func.func @transform_6(%arg0: i32) -> (i32, i32) {
    %c0_i32 = arith.constant 0 : i32
    %c0_i32_0 = arith.constant 0 : i32
    %c0_i32_1 = arith.constant 0 : i32
    return %c0_i32, %c0_i32_0 : i32, i32
  }
}

module attributes {stable_mosaic.version = 14 : i64} {
  func.func @_ffn_body(%arg0: i32, %arg1: memref<16xi32, #tpu.memory_space<smem>>, %arg2: memref<1792x384xf32, #tpu.memory_space<vmem>>, %arg3: memref<1x1x1536x384xf32, #tpu.memory_space<vmem>>, %arg4: memref<1x1x1x1536xf32, #tpu.memory_space<vmem>>, %arg5: memref<1x1x384x1536xf32, #tpu.memory_space<vmem>>, %arg6: memref<1x1x1x384xf32, #tpu.memory_space<vmem>>, %arg7: memref<1792x384xf32, #tpu.memory_space<vmem>>, %arg8: memref<1x1x384xf32, #tpu.memory_space<vmem>>) attributes {dimension_semantics = [#tpu.dimension_semantics<arbitrary>], iteration_bounds = array<i64: 8>, scalar_prefetch = 0 : i64, scratch_operands = 0 : i64, tpu.core_type = #tpu.core_type<tc>, window_params = [{transform_indices = @transform_0, window_bounds = array<i64: 16>}, {pipeline_mode = #tpu.pipeline_mode<synchronous>, transform_indices = @transform_1, window_bounds = array<i64: 1792, 384>}, {transform_indices = @transform_2, window_bounds = array<i64: 1, 1, 1536, 384>}, {transform_indices = @transform_3, window_bounds = array<i64: 1, 1, 1, 1536>}, {transform_indices = @transform_4, window_bounds = array<i64: 1, 1, 384, 1536>}, {transform_indices = @transform_5, window_bounds = array<i64: 1, 1, 1, 384>}, {pipeline_mode = #tpu.pipeline_mode<synchronous>, transform_indices = @transform_6, window_bounds = array<i64: 1792, 384>}, {transform_indices = @transform_7, window_bounds = array<i64: 1, 1, 384>}]} {
    %get3A = arith.constant 0 : index
    %get3A_0 = arith.constant 0 : index
    %get3A_1 = arith.constant 0 : index
    %get3A_2 = arith.constant 0 : index
    %get3A_3 = vector.load %arg3[%get3A, %get3A_0, %get3A_1, %get3A_2] : memref<1x1x1536x384xf32, #tpu.memory_space<vmem>>, vector<1x1x1536x384xf32>
    %get3A_4 = vector.shape_cast %get3A_3 : vector<1x1x1536x384xf32> to vector<1536x384xf32>
    %get3A_5 = arith.constant 0 : index
    %get3A_6 = arith.constant 0 : index
    %get3A_7 = arith.constant 0 : index
    %get3A_8 = arith.constant 0 : index
    %get3A_9 = vector.load %arg5[%get3A_5, %get3A_6, %get3A_7, %get3A_8] : memref<1x1x384x1536xf32, #tpu.memory_space<vmem>>, vector<1x1x384x1536xf32>
    %get3A_10 = vector.shape_cast %get3A_9 : vector<1x1x384x1536xf32> to vector<384x1536xf32>
    %get3A_11 = arith.constant 0 : index
    %get3A_12 = arith.constant 0 : index
    %get3A_13 = arith.constant 0 : index
    %get3A_14 = arith.constant 0 : index
    %get3A_15 = vector.load %arg4[%get3A_11, %get3A_12, %get3A_13, %get3A_14] : memref<1x1x1x1536xf32, #tpu.memory_space<vmem>>, vector<1x1x1x1536xf32>
    %get3A_16 = vector.shape_cast %get3A_15 : vector<1x1x1x1536xf32> to vector<1x1536xf32>
    %get3A_17 = arith.constant 0 : index
    %get3A_18 = arith.constant 0 : index
    %get3A_19 = arith.constant 0 : index
    %get3A_20 = arith.constant 0 : index
    %get3A_21 = vector.load %arg6[%get3A_17, %get3A_18, %get3A_19, %get3A_20] : memref<1x1x1x384xf32, #tpu.memory_space<vmem>>, vector<1x1x1x384xf32>
    %get3A_22 = vector.shape_cast %get3A_21 : vector<1x1x1x384xf32> to vector<1x384xf32>
    %mul3A = arith.constant 5.000000e-01 : f32
    %mul3A_23 = vector.broadcast %mul3A : f32 to vector<1x1536xf32>
    %mul3A_24 = arith.mulf %mul3A_23, %get3A_16 : vector<1x1536xf32>
    %mul3A_25 = arith.constant 0.707106769 : f32
    %mul3A_26 = vector.broadcast %mul3A_25 : f32 to vector<1x1536xf32>
    %mul3A_27 = arith.mulf %get3A_16, %mul3A_26 : vector<1x1536xf32>
    %erf3A = math.erf %mul3A_27 : vector<1x1536xf32>
    %add3A = arith.constant 1.000000e+00 : f32
    %add3A_28 = vector.broadcast %add3A : f32 to vector<1x1536xf32>
    %add3A_29 = arith.addf %add3A_28, %erf3A : vector<1x1536xf32>
    %mul3A_30 = arith.mulf %mul3A_24, %add3A_29 : vector<1x1536xf32>
    %dot_general3A = arith.constant dense<0.000000e+00> : vector<1x384xf32>
    %dot_general3A_31 = tpu.matmul %mul3A_30, %get3A_10, %dot_general3A {dimension_numbers = #tpu.dot_dimension_numbers<[1], [1], [0], [0], [0, 0, 1, 0], [], []>, transpose_lhs_hint = false} : vector<1x1536xf32>, vector<384x1536xf32>, vector<1x384xf32> -> vector<1x384xf32>
    %add3A_32 = arith.addf %dot_general3A_31, %get3A_22 : vector<1x384xf32>
    %swap3A = arith.constant 0 : index
    %swap3A_33 = arith.constant 0 : index
    %swap3A_34 = arith.constant 0 : index
    %swap3A_35 = vector.load %arg8[%swap3A, %swap3A_33, %swap3A_34] : memref<1x1x384xf32, #tpu.memory_space<vmem>>, vector<1x1x384xf32>
    %swap3A_36 = vector.shape_cast %swap3A_35 : vector<1x1x384xf32> to vector<1x384xf32>
    %swap3A_37 = vector.shape_cast %add3A_32 : vector<1x384xf32> to vector<1x1x384xf32>
    tpu.vector_store %arg8[%swap3A, %swap3A_33, %swap3A_34], %swap3A_37 {strides = array<i32>} : memref<1x1x384xf32, #tpu.memory_space<vmem>>, vector<1x1x384xf32>,
    %eq3A = arith.constant 0 : i32
    %eq3A_38 = arith.cmpi eq, %arg0, %eq3A : i32
    %convert_element_type3A = arith.extui %eq3A_38 : i1 to i32
    %cond3A = arith.constant 0 : i32
    %cond3A_39 = arith.cmpi ne, %convert_element_type3A, %cond3A : i32
    scf.if %cond3A_39 {
      %broadcast_in_dim3A = arith.constant 0.000000e+00 : f32
      %broadcast_in_dim3A_99 = vector.broadcast %broadcast_in_dim3A : f32 to vector<1792x384xf32>
      %swap3A_100 = arith.constant 0 : index
      %swap3A_101 = arith.constant 0 : index
      %swap3A_102 = vector.load %arg7[%swap3A_100, %swap3A_101] : memref<1792x384xf32, #tpu.memory_space<vmem>>, vector<1792x384xf32>
      tpu.vector_store %arg7[%swap3A_100, %swap3A_101], %broadcast_in_dim3A_99 {strides = array<i32>} : memref<1792x384xf32, #tpu.memory_space<vmem>>, vector<1792x384xf32>,
    } else {
    }
    %get3A_40 = arith.index_cast %arg0 : i32 to index
    %get3A_41 = memref.load %arg1[%get3A_40] : memref<16xi32, #tpu.memory_space<smem>>
    %add3A_42 = arith.constant 8 : i32
    %add3A_43 = arith.addi %add3A_42, %arg0 : i32
    %get3A_44 = arith.index_cast %add3A_43 : i32 to index
    %get3A_45 = memref.load %arg1[%get3A_44] : memref<16xi32, #tpu.memory_space<smem>>
    %gt3A = arith.constant 0 : i32
    %gt3A_46 = arith.cmpi sgt, %get3A_45, %gt3A : i32
    %lt3A = arith.constant 256 : i32
    %lt3A_47 = arith.cmpi slt, %get3A_41, %lt3A : i32
    %and3A = arith.andi %gt3A_46, %lt3A_47 : i1
    %convert_element_type3A_48 = arith.extui %and3A : i1 to i32
    %cond3A_49 = arith.constant 0 : i32
    %cond3A_50 = arith.cmpi ne, %convert_element_type3A_48, %cond3A_49 : i32
    scf.if %cond3A_50 {
      %get3A_99 = arith.constant 0 : index
      %get3A_100 = arith.constant 0 : index
      %get3A_101 = vector.load %arg2[%get3A_99, %get3A_100] : memref<1792x384xf32, #tpu.memory_space<vmem>>, vector<256x384xf32>
      %dot_general3A_102 = arith.constant dense<0.000000e+00> : vector<256x1536xf32>
      %dot_general3A_103 = tpu.matmul %get3A_101, %get3A_4, %dot_general3A_102 {dimension_numbers = #tpu.dot_dimension_numbers<[1], [1], [0], [0], [0, 0, 1, 0], [], []>, transpose_lhs_hint = false} : vector<256x384xf32>, vector<1536x384xf32>, vector<256x1536xf32> -> vector<256x1536xf32>
      %add3A_104 = vector.broadcast %get3A_16 : vector<1x1536xf32> to vector<256x1536xf32>
      %add3A_105 = arith.addf %dot_general3A_103, %add3A_104 : vector<256x1536xf32>
      %mul3A_106 = arith.constant 5.000000e-01 : f32
      %mul3A_107 = vector.broadcast %mul3A_106 : f32 to vector<256x1536xf32>
      %mul3A_108 = arith.mulf %mul3A_107, %add3A_105 : vector<256x1536xf32>
      %mul3A_109 = arith.constant 0.707106769 : f32
      %mul3A_110 = vector.broadcast %mul3A_109 : f32 to vector<256x1536xf32>
      %mul3A_111 = arith.mulf %add3A_105, %mul3A_110 : vector<256x1536xf32>
      %erf3A_112 = math.erf %mul3A_111 : vector<256x1536xf32>
      %add3A_113 = arith.constant 1.000000e+00 : f32
      %add3A_114 = vector.broadcast %add3A_113 : f32 to vector<256x1536xf32>
      %add3A_115 = arith.addf %add3A_114, %erf3A_112 : vector<256x1536xf32>
      %mul3A_116 = arith.mulf %mul3A_108, %add3A_115 : vector<256x1536xf32>
      %dot_general3A_117 = arith.constant dense<0.000000e+00> : vector<256x384xf32>
      %dot_general3A_118 = tpu.matmul %mul3A_116, %get3A_10, %dot_general3A_117 {dimension_numbers = #tpu.dot_dimension_numbers<[1], [1], [0], [0], [0, 0, 1, 0], [], []>, transpose_lhs_hint = false} : vector<256x1536xf32>, vector<384x1536xf32>, vector<256x384xf32> -> vector<256x384xf32>
      %add3A_119 = vector.broadcast %get3A_22 : vector<1x384xf32> to vector<256x384xf32>
      %add3A_120 = arith.addf %dot_general3A_118, %add3A_119 : vector<256x384xf32>
      %iota3A = tpu.iota {dimensions = array<i32: 0>} : vector<256x1xi32>
      %add3A_121 = arith.constant 0 : i32
      %add3A_122 = vector.broadcast %add3A_121 : i32 to vector<256x1xi32>
      %add3A_123 = arith.addi %add3A_122, %iota3A : vector<256x1xi32>
      %ge3A = vector.broadcast %get3A_41 : i32 to vector<256x1xi32>
      %ge3A_124 = arith.cmpi sge, %add3A_123, %ge3A : vector<256x1xi32>
      %lt3A_125 = vector.broadcast %get3A_45 : i32 to vector<256x1xi32>
      %lt3A_126 = arith.cmpi slt, %add3A_123, %lt3A_125 : vector<256x1xi32>
      %and3A_127 = arith.andi %ge3A_124, %lt3A_126 : vector<256x1xi1>
      %get3A_128 = arith.constant 0 : index
      %get3A_129 = arith.constant 0 : index
      %get3A_130 = vector.load %arg7[%get3A_128, %get3A_129] : memref<1792x384xf32, #tpu.memory_space<vmem>>, vector<256x384xf32>
      %broadcast_in_dim3A = vector.shape_cast %and3A_127 : vector<256x1xi1> to vector<256x1xi1>
      %broadcast_in_dim3A_131 = vector.broadcast %broadcast_in_dim3A : vector<256x1xi1> to vector<256x384xi1>
      %select_n3A = arith.select %broadcast_in_dim3A_131, %add3A_120, %get3A_130 : vector<256x384xi1>, vector<256x384xf32>
      %swap3A_132 = arith.constant 0 : index
      %swap3A_133 = arith.constant 0 : index
      %swap3A_134 = vector.load %arg7[%swap3A_132, %swap3A_133] : memref<1792x384xf32, #tpu.memory_space<vmem>>, vector<256x384xf32>
      tpu.vector_store %arg7[%swap3A_132, %swap3A_133], %select_n3A {strides = array<i32>} : memref<1792x384xf32, #tpu.memory_space<vmem>>, vector<256x384xf32>,
    } else {
    }
    %gt3A_51 = arith.constant 256 : i32
    %gt3A_52 = arith.cmpi sgt, %get3A_45, %gt3A_51 : i32
    %lt3A_53 = arith.constant 512 : i32
    %lt3A_54 = arith.cmpi slt, %get3A_41, %lt3A_53 : i32
    %and3A_55 = arith.andi %gt3A_52, %lt3A_54 : i1
    %convert_element_type3A_56 = arith.extui %and3A_55 : i1 to i32
    %cond3A_57 = arith.constant 0 : i32
    %cond3A_58 = arith.cmpi ne, %convert_element_type3A_56, %cond3A_57 : i32
    scf.if %cond3A_58 {
      %get3A_99 = arith.constant 256 : index
      %get3A_100 = arith.constant 0 : index
      %get3A_101 = vector.load %arg2[%get3A_99, %get3A_100] : memref<1792x384xf32, #tpu.memory_space<vmem>>, vector<256x384xf32>
      %dot_general3A_102 = arith.constant dense<0.000000e+00> : vector<256x1536xf32>
      %dot_general3A_103 = tpu.matmul %get3A_101, %get3A_4, %dot_general3A_102 {dimension_numbers = #tpu.dot_dimension_numbers<[1], [1], [0], [0], [0, 0, 1, 0], [], []>, transpose_lhs_hint = false} : vector<256x384xf32>, vector<1536x384xf32>, vector<256x1536xf32> -> vector<256x1536xf32>
      %add3A_104 = vector.broadcast %get3A_16 : vector<1x1536xf32> to vector<256x1536xf32>
      %add3A_105 = arith.addf %dot_general3A_103, %add3A_104 : vector<256x1536xf32>
      %mul3A_106 = arith.constant 5.000000e-01 : f32
      %mul3A_107 = vector.broadcast %mul3A_106 : f32 to vector<256x1536xf32>
      %mul3A_108 = arith.mulf %mul3A_107, %add3A_105 : vector<256x1536xf32>
      %mul3A_109 = arith.constant 0.707106769 : f32
      %mul3A_110 = vector.broadcast %mul3A_109 : f32 to vector<256x1536xf32>
      %mul3A_111 = arith.mulf %add3A_105, %mul3A_110 : vector<256x1536xf32>
      %erf3A_112 = math.erf %mul3A_111 : vector<256x1536xf32>
      %add3A_113 = arith.constant 1.000000e+00 : f32
      %add3A_114 = vector.broadcast %add3A_113 : f32 to vector<256x1536xf32>
      %add3A_115 = arith.addf %add3A_114, %erf3A_112 : vector<256x1536xf32>
      %mul3A_116 = arith.mulf %mul3A_108, %add3A_115 : vector<256x1536xf32>
      %dot_general3A_117 = arith.constant dense<0.000000e+00> : vector<256x384xf32>
      %dot_general3A_118 = tpu.matmul %mul3A_116, %get3A_10, %dot_general3A_117 {dimension_numbers = #tpu.dot_dimension_numbers<[1], [1], [0], [0], [0, 0, 1, 0], [], []>, transpose_lhs_hint = false} : vector<256x1536xf32>, vector<384x1536xf32>, vector<256x384xf32> -> vector<256x384xf32>
      %add3A_119 = vector.broadcast %get3A_22 : vector<1x384xf32> to vector<256x384xf32>
      %add3A_120 = arith.addf %dot_general3A_118, %add3A_119 : vector<256x384xf32>
      %iota3A = tpu.iota {dimensions = array<i32: 0>} : vector<256x1xi32>
      %add3A_121 = arith.constant 256 : i32
      %add3A_122 = vector.broadcast %add3A_121 : i32 to vector<256x1xi32>
      %add3A_123 = arith.addi %add3A_122, %iota3A : vector<256x1xi32>
      %ge3A = vector.broadcast %get3A_41 : i32 to vector<256x1xi32>
      %ge3A_124 = arith.cmpi sge, %add3A_123, %ge3A : vector<256x1xi32>
      %lt3A_125 = vector.broadcast %get3A_45 : i32 to vector<256x1xi32>
      %lt3A_126 = arith.cmpi slt, %add3A_123, %lt3A_125 : vector<256x1xi32>
      %and3A_127 = arith.andi %ge3A_124, %lt3A_126 : vector<256x1xi1>
      %get3A_128 = arith.constant 256 : index
      %get3A_129 = arith.constant 0 : index
      %get3A_130 = vector.load %arg7[%get3A_128, %get3A_129] : memref<1792x384xf32, #tpu.memory_space<vmem>>, vector<256x384xf32>
      %broadcast_in_dim3A = vector.shape_cast %and3A_127 : vector<256x1xi1> to vector<256x1xi1>
      %broadcast_in_dim3A_131 = vector.broadcast %broadcast_in_dim3A : vector<256x1xi1> to vector<256x384xi1>
      %select_n3A = arith.select %broadcast_in_dim3A_131, %add3A_120, %get3A_130 : vector<256x384xi1>, vector<256x384xf32>
      %swap3A_132 = arith.constant 256 : index
      %swap3A_133 = arith.constant 0 : index
      %swap3A_134 = vector.load %arg7[%swap3A_132, %swap3A_133] : memref<1792x384xf32, #tpu.memory_space<vmem>>, vector<256x384xf32>
      tpu.vector_store %arg7[%swap3A_132, %swap3A_133], %select_n3A {strides = array<i32>} : memref<1792x384xf32, #tpu.memory_space<vmem>>, vector<256x384xf32>,
    } else {
    }
    %gt3A_59 = arith.constant 512 : i32
    %gt3A_60 = arith.cmpi sgt, %get3A_45, %gt3A_59 : i32
    %lt3A_61 = arith.constant 768 : i32
    %lt3A_62 = arith.cmpi slt, %get3A_41, %lt3A_61 : i32
    %and3A_63 = arith.andi %gt3A_60, %lt3A_62 : i1
    %convert_element_type3A_64 = arith.extui %and3A_63 : i1 to i32
    %cond3A_65 = arith.constant 0 : i32
    %cond3A_66 = arith.cmpi ne, %convert_element_type3A_64, %cond3A_65 : i32
    scf.if %cond3A_66 {
      %get3A_99 = arith.constant 512 : index
      %get3A_100 = arith.constant 0 : index
      %get3A_101 = vector.load %arg2[%get3A_99, %get3A_100] : memref<1792x384xf32, #tpu.memory_space<vmem>>, vector<256x384xf32>
      %dot_general3A_102 = arith.constant dense<0.000000e+00> : vector<256x1536xf32>
      %dot_general3A_103 = tpu.matmul %get3A_101, %get3A_4, %dot_general3A_102 {dimension_numbers = #tpu.dot_dimension_numbers<[1], [1], [0], [0], [0, 0, 1, 0], [], []>, transpose_lhs_hint = false} : vector<256x384xf32>, vector<1536x384xf32>, vector<256x1536xf32> -> vector<256x1536xf32>
      %add3A_104 = vector.broadcast %get3A_16 : vector<1x1536xf32> to vector<256x1536xf32>
      %add3A_105 = arith.addf %dot_general3A_103, %add3A_104 : vector<256x1536xf32>
      %mul3A_106 = arith.constant 5.000000e-01 : f32
      %mul3A_107 = vector.broadcast %mul3A_106 : f32 to vector<256x1536xf32>
      %mul3A_108 = arith.mulf %mul3A_107, %add3A_105 : vector<256x1536xf32>
      %mul3A_109 = arith.constant 0.707106769 : f32
      %mul3A_110 = vector.broadcast %mul3A_109 : f32 to vector<256x1536xf32>
      %mul3A_111 = arith.mulf %add3A_105, %mul3A_110 : vector<256x1536xf32>
      %erf3A_112 = math.erf %mul3A_111 : vector<256x1536xf32>
      %add3A_113 = arith.constant 1.000000e+00 : f32
      %add3A_114 = vector.broadcast %add3A_113 : f32 to vector<256x1536xf32>
      %add3A_115 = arith.addf %add3A_114, %erf3A_112 : vector<256x1536xf32>
      %mul3A_116 = arith.mulf %mul3A_108, %add3A_115 : vector<256x1536xf32>
      %dot_general3A_117 = arith.constant dense<0.000000e+00> : vector<256x384xf32>
      %dot_general3A_118 = tpu.matmul %mul3A_116, %get3A_10, %dot_general3A_117 {dimension_numbers = #tpu.dot_dimension_numbers<[1], [1], [0], [0], [0, 0, 1, 0], [], []>, transpose_lhs_hint = false} : vector<256x1536xf32>, vector<384x1536xf32>, vector<256x384xf32> -> vector<256x384xf32>
      %add3A_119 = vector.broadcast %get3A_22 : vector<1x384xf32> to vector<256x384xf32>
      %add3A_120 = arith.addf %dot_general3A_118, %add3A_119 : vector<256x384xf32>
      %iota3A = tpu.iota {dimensions = array<i32: 0>} : vector<256x1xi32>
      %add3A_121 = arith.constant 512 : i32
      %add3A_122 = vector.broadcast %add3A_121 : i32 to vector<256x1xi32>
      %add3A_123 = arith.addi %add3A_122, %iota3A : vector<256x1xi32>
      %ge3A = vector.broadcast %get3A_41 : i32 to vector<256x1xi32>
      %ge3A_124 = arith.cmpi sge, %add3A_123, %ge3A : vector<256x1xi32>
      %lt3A_125 = vector.broadcast %get3A_45 : i32 to vector<256x1xi32>
      %lt3A_126 = arith.cmpi slt, %add3A_123, %lt3A_125 : vector<256x1xi32>
      %and3A_127 = arith.andi %ge3A_124, %lt3A_126 : vector<256x1xi1>
      %get3A_128 = arith.constant 512 : index
      %get3A_129 = arith.constant 0 : index
      %get3A_130 = vector.load %arg7[%get3A_128, %get3A_129] : memref<1792x384xf32, #tpu.memory_space<vmem>>, vector<256x384xf32>
      %broadcast_in_dim3A = vector.shape_cast %and3A_127 : vector<256x1xi1> to vector<256x1xi1>
      %broadcast_in_dim3A_131 = vector.broadcast %broadcast_in_dim3A : vector<256x1xi1> to vector<256x384xi1>
      %select_n3A = arith.select %broadcast_in_dim3A_131, %add3A_120, %get3A_130 : vector<256x384xi1>, vector<256x384xf32>
      %swap3A_132 = arith.constant 512 : index
      %swap3A_133 = arith.constant 0 : index
      %swap3A_134 = vector.load %arg7[%swap3A_132, %swap3A_133] : memref<1792x384xf32, #tpu.memory_space<vmem>>, vector<256x384xf32>
      tpu.vector_store %arg7[%swap3A_132, %swap3A_133], %select_n3A {strides = array<i32>} : memref<1792x384xf32, #tpu.memory_space<vmem>>, vector<256x384xf32>,
    } else {
    }
    %gt3A_67 = arith.constant 768 : i32
    %gt3A_68 = arith.cmpi sgt, %get3A_45, %gt3A_67 : i32
    %lt3A_69 = arith.constant 1024 : i32
    %lt3A_70 = arith.cmpi slt, %get3A_41, %lt3A_69 : i32
    %and3A_71 = arith.andi %gt3A_68, %lt3A_70 : i1
    %convert_element_type3A_72 = arith.extui %and3A_71 : i1 to i32
    %cond3A_73 = arith.constant 0 : i32
    %cond3A_74 = arith.cmpi ne, %convert_element_type3A_72, %cond3A_73 : i32
    scf.if %cond3A_74 {
      %get3A_99 = arith.constant 768 : index
      %get3A_100 = arith.constant 0 : index
      %get3A_101 = vector.load %arg2[%get3A_99, %get3A_100] : memref<1792x384xf32, #tpu.memory_space<vmem>>, vector<256x384xf32>
      %dot_general3A_102 = arith.constant dense<0.000000e+00> : vector<256x1536xf32>
      %dot_general3A_103 = tpu.matmul %get3A_101, %get3A_4, %dot_general3A_102 {dimension_numbers = #tpu.dot_dimension_numbers<[1], [1], [0], [0], [0, 0, 1, 0], [], []>, transpose_lhs_hint = false} : vector<256x384xf32>, vector<1536x384xf32>, vector<256x1536xf32> -> vector<256x1536xf32>
      %add3A_104 = vector.broadcast %get3A_16 : vector<1x1536xf32> to vector<256x1536xf32>
      %add3A_105 = arith.addf %dot_general3A_103, %add3A_104 : vector<256x1536xf32>
      %mul3A_106 = arith.constant 5.000000e-01 : f32
      %mul3A_107 = vector.broadcast %mul3A_106 : f32 to vector<256x1536xf32>
      %mul3A_108 = arith.mulf %mul3A_107, %add3A_105 : vector<256x1536xf32>
      %mul3A_109 = arith.constant 0.707106769 : f32
      %mul3A_110 = vector.broadcast %mul3A_109 : f32 to vector<256x1536xf32>
      %mul3A_111 = arith.mulf %add3A_105, %mul3A_110 : vector<256x1536xf32>
      %erf3A_112 = math.erf %mul3A_111 : vector<256x1536xf32>
      %add3A_113 = arith.constant 1.000000e+00 : f32
      %add3A_114 = vector.broadcast %add3A_113 : f32 to vector<256x1536xf32>
      %add3A_115 = arith.addf %add3A_114, %erf3A_112 : vector<256x1536xf32>
      %mul3A_116 = arith.mulf %mul3A_108, %add3A_115 : vector<256x1536xf32>
      %dot_general3A_117 = arith.constant dense<0.000000e+00> : vector<256x384xf32>
      %dot_general3A_118 = tpu.matmul %mul3A_116, %get3A_10, %dot_general3A_117 {dimension_numbers = #tpu.dot_dimension_numbers<[1], [1], [0], [0], [0, 0, 1, 0], [], []>, transpose_lhs_hint = false} : vector<256x1536xf32>, vector<384x1536xf32>, vector<256x384xf32> -> vector<256x384xf32>
      %add3A_119 = vector.broadcast %get3A_22 : vector<1x384xf32> to vector<256x384xf32>
      %add3A_120 = arith.addf %dot_general3A_118, %add3A_119 : vector<256x384xf32>
      %iota3A = tpu.iota {dimensions = array<i32: 0>} : vector<256x1xi32>
      %add3A_121 = arith.constant 768 : i32
      %add3A_122 = vector.broadcast %add3A_121 : i32 to vector<256x1xi32>
      %add3A_123 = arith.addi %add3A_122, %iota3A : vector<256x1xi32>
      %ge3A = vector.broadcast %get3A_41 : i32 to vector<256x1xi32>
      %ge3A_124 = arith.cmpi sge, %add3A_123, %ge3A : vector<256x1xi32>
      %lt3A_125 = vector.broadcast %get3A_45 : i32 to vector<256x1xi32>
      %lt3A_126 = arith.cmpi slt, %add3A_123, %lt3A_125 : vector<256x1xi32>
      %and3A_127 = arith.andi %ge3A_124, %lt3A_126 : vector<256x1xi1>
      %get3A_128 = arith.constant 768 : index
      %get3A_129 = arith.constant 0 : index
      %get3A_130 = vector.load %arg7[%get3A_128, %get3A_129] : memref<1792x384xf32, #tpu.memory_space<vmem>>, vector<256x384xf32>
      %broadcast_in_dim3A = vector.shape_cast %and3A_127 : vector<256x1xi1> to vector<256x1xi1>
      %broadcast_in_dim3A_131 = vector.broadcast %broadcast_in_dim3A : vector<256x1xi1> to vector<256x384xi1>
      %select_n3A = arith.select %broadcast_in_dim3A_131, %add3A_120, %get3A_130 : vector<256x384xi1>, vector<256x384xf32>
      %swap3A_132 = arith.constant 768 : index
      %swap3A_133 = arith.constant 0 : index
      %swap3A_134 = vector.load %arg7[%swap3A_132, %swap3A_133] : memref<1792x384xf32, #tpu.memory_space<vmem>>, vector<256x384xf32>
      tpu.vector_store %arg7[%swap3A_132, %swap3A_133], %select_n3A {strides = array<i32>} : memref<1792x384xf32, #tpu.memory_space<vmem>>, vector<256x384xf32>,
    } else {
    }
    %gt3A_75 = arith.constant 1024 : i32
    %gt3A_76 = arith.cmpi sgt, %get3A_45, %gt3A_75 : i32
    %lt3A_77 = arith.constant 1280 : i32
    %lt3A_78 = arith.cmpi slt, %get3A_41, %lt3A_77 : i32
    %and3A_79 = arith.andi %gt3A_76, %lt3A_78 : i1
    %convert_element_type3A_80 = arith.extui %and3A_79 : i1 to i32
    %cond3A_81 = arith.constant 0 : i32
    %cond3A_82 = arith.cmpi ne, %convert_element_type3A_80, %cond3A_81 : i32
    scf.if %cond3A_82 {
      %get3A_99 = arith.constant 1024 : index
      %get3A_100 = arith.constant 0 : index
      %get3A_101 = vector.load %arg2[%get3A_99, %get3A_100] : memref<1792x384xf32, #tpu.memory_space<vmem>>, vector<256x384xf32>
      %dot_general3A_102 = arith.constant dense<0.000000e+00> : vector<256x1536xf32>
      %dot_general3A_103 = tpu.matmul %get3A_101, %get3A_4, %dot_general3A_102 {dimension_numbers = #tpu.dot_dimension_numbers<[1], [1], [0], [0], [0, 0, 1, 0], [], []>, transpose_lhs_hint = false} : vector<256x384xf32>, vector<1536x384xf32>, vector<256x1536xf32> -> vector<256x1536xf32>
      %add3A_104 = vector.broadcast %get3A_16 : vector<1x1536xf32> to vector<256x1536xf32>
      %add3A_105 = arith.addf %dot_general3A_103, %add3A_104 : vector<256x1536xf32>
      %mul3A_106 = arith.constant 5.000000e-01 : f32
      %mul3A_107 = vector.broadcast %mul3A_106 : f32 to vector<256x1536xf32>
      %mul3A_108 = arith.mulf %mul3A_107, %add3A_105 : vector<256x1536xf32>
      %mul3A_109 = arith.constant 0.707106769 : f32
      %mul3A_110 = vector.broadcast %mul3A_109 : f32 to vector<256x1536xf32>
      %mul3A_111 = arith.mulf %add3A_105, %mul3A_110 : vector<256x1536xf32>
      %erf3A_112 = math.erf %mul3A_111 : vector<256x1536xf32>
      %add3A_113 = arith.constant 1.000000e+00 : f32
      %add3A_114 = vector.broadcast %add3A_113 : f32 to vector<256x1536xf32>
      %add3A_115 = arith.addf %add3A_114, %erf3A_112 : vector<256x1536xf32>
      %mul3A_116 = arith.mulf %mul3A_108, %add3A_115 : vector<256x1536xf32>
      %dot_general3A_117 = arith.constant dense<0.000000e+00> : vector<256x384xf32>
      %dot_general3A_118 = tpu.matmul %mul3A_116, %get3A_10, %dot_general3A_117 {dimension_numbers = #tpu.dot_dimension_numbers<[1], [1], [0], [0], [0, 0, 1, 0], [], []>, transpose_lhs_hint = false} : vector<256x1536xf32>, vector<384x1536xf32>, vector<256x384xf32> -> vector<256x384xf32>
      %add3A_119 = vector.broadcast %get3A_22 : vector<1x384xf32> to vector<256x384xf32>
      %add3A_120 = arith.addf %dot_general3A_118, %add3A_119 : vector<256x384xf32>
      %iota3A = tpu.iota {dimensions = array<i32: 0>} : vector<256x1xi32>
      %add3A_121 = arith.constant 1024 : i32
      %add3A_122 = vector.broadcast %add3A_121 : i32 to vector<256x1xi32>
      %add3A_123 = arith.addi %add3A_122, %iota3A : vector<256x1xi32>
      %ge3A = vector.broadcast %get3A_41 : i32 to vector<256x1xi32>
      %ge3A_124 = arith.cmpi sge, %add3A_123, %ge3A : vector<256x1xi32>
      %lt3A_125 = vector.broadcast %get3A_45 : i32 to vector<256x1xi32>
      %lt3A_126 = arith.cmpi slt, %add3A_123, %lt3A_125 : vector<256x1xi32>
      %and3A_127 = arith.andi %ge3A_124, %lt3A_126 : vector<256x1xi1>
      %get3A_128 = arith.constant 1024 : index
      %get3A_129 = arith.constant 0 : index
      %get3A_130 = vector.load %arg7[%get3A_128, %get3A_129] : memref<1792x384xf32, #tpu.memory_space<vmem>>, vector<256x384xf32>
      %broadcast_in_dim3A = vector.shape_cast %and3A_127 : vector<256x1xi1> to vector<256x1xi1>
      %broadcast_in_dim3A_131 = vector.broadcast %broadcast_in_dim3A : vector<256x1xi1> to vector<256x384xi1>
      %select_n3A = arith.select %broadcast_in_dim3A_131, %add3A_120, %get3A_130 : vector<256x384xi1>, vector<256x384xf32>
      %swap3A_132 = arith.constant 1024 : index
      %swap3A_133 = arith.constant 0 : index
      %swap3A_134 = vector.load %arg7[%swap3A_132, %swap3A_133] : memref<1792x384xf32, #tpu.memory_space<vmem>>, vector<256x384xf32>
      tpu.vector_store %arg7[%swap3A_132, %swap3A_133], %select_n3A {strides = array<i32>} : memref<1792x384xf32, #tpu.memory_space<vmem>>, vector<256x384xf32>,
    } else {
    }
    %gt3A_83 = arith.constant 1280 : i32
    %gt3A_84 = arith.cmpi sgt, %get3A_45, %gt3A_83 : i32
    %lt3A_85 = arith.constant 1536 : i32
    %lt3A_86 = arith.cmpi slt, %get3A_41, %lt3A_85 : i32
    %and3A_87 = arith.andi %gt3A_84, %lt3A_86 : i1
    %convert_element_type3A_88 = arith.extui %and3A_87 : i1 to i32
    %cond3A_89 = arith.constant 0 : i32
    %cond3A_90 = arith.cmpi ne, %convert_element_type3A_88, %cond3A_89 : i32
    scf.if %cond3A_90 {
      %get3A_99 = arith.constant 1280 : index
      %get3A_100 = arith.constant 0 : index
      %get3A_101 = vector.load %arg2[%get3A_99, %get3A_100] : memref<1792x384xf32, #tpu.memory_space<vmem>>, vector<256x384xf32>
      %dot_general3A_102 = arith.constant dense<0.000000e+00> : vector<256x1536xf32>
      %dot_general3A_103 = tpu.matmul %get3A_101, %get3A_4, %dot_general3A_102 {dimension_numbers = #tpu.dot_dimension_numbers<[1], [1], [0], [0], [0, 0, 1, 0], [], []>, transpose_lhs_hint = false} : vector<256x384xf32>, vector<1536x384xf32>, vector<256x1536xf32> -> vector<256x1536xf32>
      %add3A_104 = vector.broadcast %get3A_16 : vector<1x1536xf32> to vector<256x1536xf32>
      %add3A_105 = arith.addf %dot_general3A_103, %add3A_104 : vector<256x1536xf32>
      %mul3A_106 = arith.constant 5.000000e-01 : f32
      %mul3A_107 = vector.broadcast %mul3A_106 : f32 to vector<256x1536xf32>
      %mul3A_108 = arith.mulf %mul3A_107, %add3A_105 : vector<256x1536xf32>
      %mul3A_109 = arith.constant 0.707106769 : f32
      %mul3A_110 = vector.broadcast %mul3A_109 : f32 to vector<256x1536xf32>
      %mul3A_111 = arith.mulf %add3A_105, %mul3A_110 : vector<256x1536xf32>
      %erf3A_112 = math.erf %mul3A_111 : vector<256x1536xf32>
      %add3A_113 = arith.constant 1.000000e+00 : f32
      %add3A_114 = vector.broadcast %add3A_113 : f32 to vector<256x1536xf32>
      %add3A_115 = arith.addf %add3A_114, %erf3A_112 : vector<256x1536xf32>
      %mul3A_116 = arith.mulf %mul3A_108, %add3A_115 : vector<256x1536xf32>
      %dot_general3A_117 = arith.constant dense<0.000000e+00> : vector<256x384xf32>
      %dot_general3A_118 = tpu.matmul %mul3A_116, %get3A_10, %dot_general3A_117 {dimension_numbers = #tpu.dot_dimension_numbers<[1], [1], [0], [0], [0, 0, 1, 0], [], []>, transpose_lhs_hint = false} : vector<256x1536xf32>, vector<384x1536xf32>, vector<256x384xf32> -> vector<256x384xf32>
      %add3A_119 = vector.broadcast %get3A_22 : vector<1x384xf32> to vector<256x384xf32>
      %add3A_120 = arith.addf %dot_general3A_118, %add3A_119 : vector<256x384xf32>
      %iota3A = tpu.iota {dimensions = array<i32: 0>} : vector<256x1xi32>
      %add3A_121 = arith.constant 1280 : i32
      %add3A_122 = vector.broadcast %add3A_121 : i32 to vector<256x1xi32>
      %add3A_123 = arith.addi %add3A_122, %iota3A : vector<256x1xi32>
      %ge3A = vector.broadcast %get3A_41 : i32 to vector<256x1xi32>
      %ge3A_124 = arith.cmpi sge, %add3A_123, %ge3A : vector<256x1xi32>
      %lt3A_125 = vector.broadcast %get3A_45 : i32 to vector<256x1xi32>
      %lt3A_126 = arith.cmpi slt, %add3A_123, %lt3A_125 : vector<256x1xi32>
      %and3A_127 = arith.andi %ge3A_124, %lt3A_126 : vector<256x1xi1>
      %get3A_128 = arith.constant 1280 : index
      %get3A_129 = arith.constant 0 : index
      %get3A_130 = vector.load %arg7[%get3A_128, %get3A_129] : memref<1792x384xf32, #tpu.memory_space<vmem>>, vector<256x384xf32>
      %broadcast_in_dim3A = vector.shape_cast %and3A_127 : vector<256x1xi1> to vector<256x1xi1>
      %broadcast_in_dim3A_131 = vector.broadcast %broadcast_in_dim3A : vector<256x1xi1> to vector<256x384xi1>
      %select_n3A = arith.select %broadcast_in_dim3A_131, %add3A_120, %get3A_130 : vector<256x384xi1>, vector<256x384xf32>
      %swap3A_132 = arith.constant 1280 : index
      %swap3A_133 = arith.constant 0 : index
      %swap3A_134 = vector.load %arg7[%swap3A_132, %swap3A_133] : memref<1792x384xf32, #tpu.memory_space<vmem>>, vector<256x384xf32>
      tpu.vector_store %arg7[%swap3A_132, %swap3A_133], %select_n3A {strides = array<i32>} : memref<1792x384xf32, #tpu.memory_space<vmem>>, vector<256x384xf32>,
    } else {
    }
    %gt3A_91 = arith.constant 1536 : i32
    %gt3A_92 = arith.cmpi sgt, %get3A_45, %gt3A_91 : i32
    %lt3A_93 = arith.constant 1792 : i32
    %lt3A_94 = arith.cmpi slt, %get3A_41, %lt3A_93 : i32
    %and3A_95 = arith.andi %gt3A_92, %lt3A_94 : i1
    %convert_element_type3A_96 = arith.extui %and3A_95 : i1 to i32
    %cond3A_97 = arith.constant 0 : i32
    %cond3A_98 = arith.cmpi ne, %convert_element_type3A_96, %cond3A_97 : i32
    scf.if %cond3A_98 {
      %get3A_99 = arith.constant 1536 : index
      %get3A_100 = arith.constant 0 : index
      %get3A_101 = vector.load %arg2[%get3A_99, %get3A_100] : memref<1792x384xf32, #tpu.memory_space<vmem>>, vector<256x384xf32>
      %dot_general3A_102 = arith.constant dense<0.000000e+00> : vector<256x1536xf32>
      %dot_general3A_103 = tpu.matmul %get3A_101, %get3A_4, %dot_general3A_102 {dimension_numbers = #tpu.dot_dimension_numbers<[1], [1], [0], [0], [0, 0, 1, 0], [], []>, transpose_lhs_hint = false} : vector<256x384xf32>, vector<1536x384xf32>, vector<256x1536xf32> -> vector<256x1536xf32>
      %add3A_104 = vector.broadcast %get3A_16 : vector<1x1536xf32> to vector<256x1536xf32>
      %add3A_105 = arith.addf %dot_general3A_103, %add3A_104 : vector<256x1536xf32>
      %mul3A_106 = arith.constant 5.000000e-01 : f32
      %mul3A_107 = vector.broadcast %mul3A_106 : f32 to vector<256x1536xf32>
      %mul3A_108 = arith.mulf %mul3A_107, %add3A_105 : vector<256x1536xf32>
      %mul3A_109 = arith.constant 0.707106769 : f32
      %mul3A_110 = vector.broadcast %mul3A_109 : f32 to vector<256x1536xf32>
      %mul3A_111 = arith.mulf %add3A_105, %mul3A_110 : vector<256x1536xf32>
      %erf3A_112 = math.erf %mul3A_111 : vector<256x1536xf32>
      %add3A_113 = arith.constant 1.000000e+00 : f32
      %add3A_114 = vector.broadcast %add3A_113 : f32 to vector<256x1536xf32>
      %add3A_115 = arith.addf %add3A_114, %erf3A_112 : vector<256x1536xf32>
      %mul3A_116 = arith.mulf %mul3A_108, %add3A_115 : vector<256x1536xf32>
      %dot_general3A_117 = arith.constant dense<0.000000e+00> : vector<256x384xf32>
      %dot_general3A_118 = tpu.matmul %mul3A_116, %get3A_10, %dot_general3A_117 {dimension_numbers = #tpu.dot_dimension_numbers<[1], [1], [0], [0], [0, 0, 1, 0], [], []>, transpose_lhs_hint = false} : vector<256x1536xf32>, vector<384x1536xf32>, vector<256x384xf32> -> vector<256x384xf32>
      %add3A_119 = vector.broadcast %get3A_22 : vector<1x384xf32> to vector<256x384xf32>
      %add3A_120 = arith.addf %dot_general3A_118, %add3A_119 : vector<256x384xf32>
      %iota3A = tpu.iota {dimensions = array<i32: 0>} : vector<256x1xi32>
      %add3A_121 = arith.constant 1536 : i32
      %add3A_122 = vector.broadcast %add3A_121 : i32 to vector<256x1xi32>
      %add3A_123 = arith.addi %add3A_122, %iota3A : vector<256x1xi32>
      %ge3A = vector.broadcast %get3A_41 : i32 to vector<256x1xi32>
      %ge3A_124 = arith.cmpi sge, %add3A_123, %ge3A : vector<256x1xi32>
      %lt3A_125 = vector.broadcast %get3A_45 : i32 to vector<256x1xi32>
      %lt3A_126 = arith.cmpi slt, %add3A_123, %lt3A_125 : vector<256x1xi32>
      %and3A_127 = arith.andi %ge3A_124, %lt3A_126 : vector<256x1xi1>
      %get3A_128 = arith.constant 1536 : index
      %get3A_129 = arith.constant 0 : index
      %get3A_130 = vector.load %arg7[%get3A_128, %get3A_129] : memref<1792x384xf32, #tpu.memory_space<vmem>>, vector<256x384xf32>
      %broadcast_in_dim3A = vector.shape_cast %and3A_127 : vector<256x1xi1> to vector<256x1xi1>
      %broadcast_in_dim3A_131 = vector.broadcast %broadcast_in_dim3A : vector<256x1xi1> to vector<256x384xi1>
      %select_n3A = arith.select %broadcast_in_dim3A_131, %add3A_120, %get3A_130 : vector<256x384xi1>, vector<256x384xf32>
      %swap3A_132 = arith.constant 1536 : index
      %swap3A_133 = arith.constant 0 : index
      %swap3A_134 = vector.load %arg7[%swap3A_132, %swap3A_133] : memref<1792x384xf32, #tpu.memory_space<vmem>>, vector<256x384xf32>
      tpu.vector_store %arg7[%swap3A_132, %swap3A_133], %select_n3A {strides = array<i32>} : memref<1792x384xf32, #tpu.memory_space<vmem>>, vector<256x384xf32>,
    } else {
    }
    return
  }
  func.func @transform_0(%arg0: i32) -> i32 {
    %c0_i32 = arith.constant 0 : i32
    %c0_i32_0 = arith.constant 0 : i32
    return %c0_i32 : i32
  }
  func.func @transform_1(%arg0: i32) -> (i32, i32) {
    %c0_i32 = arith.constant 0 : i32
    %c0_i32_0 = arith.constant 0 : i32
    %c0_i32_1 = arith.constant 0 : i32
    return %c0_i32, %c0_i32_0 : i32, i32
  }
  func.func @transform_2(%arg0: i32) -> (i32, i32, i32, i32) {
    %c1_i32 = arith.constant 1 : i32
    %c0_i32 = arith.constant 0 : i32
    %c0_i32_0 = arith.constant 0 : i32
    %c0_i32_1 = arith.constant 0 : i32
    return %c1_i32, %arg0, %c0_i32, %c0_i32_0 : i32, i32, i32, i32
  }
  func.func @transform_3(%arg0: i32) -> (i32, i32, i32, i32) {
    %c1_i32 = arith.constant 1 : i32
    %c0_i32 = arith.constant 0 : i32
    %c0_i32_0 = arith.constant 0 : i32
    %c0_i32_1 = arith.constant 0 : i32
    return %c1_i32, %arg0, %c0_i32, %c0_i32_0 : i32, i32, i32, i32
  }
  func.func @transform_4(%arg0: i32) -> (i32, i32, i32, i32) {
    %c1_i32 = arith.constant 1 : i32
    %c0_i32 = arith.constant 0 : i32
    %c0_i32_0 = arith.constant 0 : i32
    %c0_i32_1 = arith.constant 0 : i32
    return %c1_i32, %arg0, %c0_i32, %c0_i32_0 : i32, i32, i32, i32
  }
  func.func @transform_5(%arg0: i32) -> (i32, i32, i32, i32) {
    %c1_i32 = arith.constant 1 : i32
    %c0_i32 = arith.constant 0 : i32
    %c0_i32_0 = arith.constant 0 : i32
    %c0_i32_1 = arith.constant 0 : i32
    return %c1_i32, %arg0, %c0_i32, %c0_i32_0 : i32, i32, i32, i32
  }
  func.func @transform_6(%arg0: i32) -> (i32, i32) {
    %c0_i32 = arith.constant 0 : i32
    %c0_i32_0 = arith.constant 0 : i32
    %c0_i32_1 = arith.constant 0 : i32
    return %c0_i32, %c0_i32_0 : i32, i32
  }
  func.func @transform_7(%arg0: i32) -> (i32, i32, i32) {
    %c0_i32 = arith.constant 0 : i32
    %c0_i32_0 = arith.constant 0 : i32
    %c0_i32_1 = arith.constant 0 : i32
    return %arg0, %c0_i32, %c0_i32_0 : i32, i32, i32
  }
}

module attributes {stable_mosaic.version = 14 : i64} {
  func.func @_resln_body(%arg0: i32, %arg1: memref<1576x384xf32, #tpu.memory_space<vmem>>, %arg2: memref<1576x384xf32, #tpu.memory_space<vmem>>, %arg3: memref<1576x1xi32, #tpu.memory_space<vmem>>, %arg4: memref<8x384xf32, #tpu.memory_space<vmem>>, %arg5: memref<1x1x384xf32, #tpu.memory_space<vmem>>, %arg6: memref<1x1x384xf32, #tpu.memory_space<vmem>>, %arg7: memref<1576x384xf32, #tpu.memory_space<vmem>>) attributes {dimension_semantics = [#tpu.dimension_semantics<arbitrary>], iteration_bounds = array<i64: 1>, scalar_prefetch = 0 : i64, scratch_operands = 0 : i64, tpu.core_type = #tpu.core_type<tc>, window_params = [{pipeline_mode = #tpu.pipeline_mode<synchronous>, transform_indices = @transform_0, window_bounds = array<i64: 1576, 384>}, {pipeline_mode = #tpu.pipeline_mode<synchronous>, transform_indices = @transform_1, window_bounds = array<i64: 1576, 384>}, {pipeline_mode = #tpu.pipeline_mode<synchronous>, transform_indices = @transform_2, window_bounds = array<i64: 1576, 1>}, {pipeline_mode = #tpu.pipeline_mode<synchronous>, transform_indices = @transform_3, window_bounds = array<i64: 8, 384>}, {transform_indices = @transform_4, window_bounds = array<i64: 1, 1, 384>}, {transform_indices = @transform_5, window_bounds = array<i64: 1, 1, 384>}, {pipeline_mode = #tpu.pipeline_mode<synchronous>, transform_indices = @transform_6, window_bounds = array<i64: 1576, 384>}]} {
    %iota3A = tpu.iota {dimensions = array<i32: 1>} : vector<1576x8xi32>
    %get3A = arith.constant 0 : index
    %get3A_0 = arith.constant 0 : index
    %get3A_1 = vector.load %arg3[%get3A, %get3A_0] : memref<1576x1xi32, #tpu.memory_space<vmem>>, vector<1576x1xi32>
    %eq3A = vector.broadcast %get3A_1 : vector<1576x1xi32> to vector<1576x8xi32>
    %eq3A_2 = arith.cmpi eq, %iota3A, %eq3A : vector<1576x8xi32>
    %convert_element_type3A = arith.extui %eq3A_2 : vector<1576x8xi1> to vector<1576x8xi32>
    %convert_element_type3A_3 = arith.sitofp %convert_element_type3A : vector<1576x8xi32> to vector<1576x8xf32>
    %get3A_4 = arith.constant 0 : index
    %get3A_5 = arith.constant 0 : index
    %get3A_6 = vector.load %arg4[%get3A_4, %get3A_5] : memref<8x384xf32, #tpu.memory_space<vmem>>, vector<8x384xf32>
    %reduce_sum3A = arith.constant dense<0.000000e+00> : vector<384xf32>
    %reduce_sum3A_7 = vector.multi_reduction <add>, %get3A_6, %reduce_sum3A [0] : vector<8x384xf32> to vector<384xf32>
    %broadcast_in_dim3A = vector.shape_cast %reduce_sum3A_7 : vector<384xf32> to vector<1x384xf32>
    %dot_general3A = arith.constant dense<0.000000e+00> : vector<1576x384xf32>
    %dot_general3A_8 = tpu.matmul %convert_element_type3A_3, %get3A_6, %dot_general3A {dimension_numbers = #tpu.dot_dimension_numbers<[1], [0], [0], [1], [0, 0, 1, 1], [], []>, transpose_lhs_hint = false} : vector<1576x8xf32>, vector<8x384xf32>, vector<1576x384xf32> -> vector<1576x384xf32>
    %get3A_9 = arith.constant 0 : index
    %get3A_10 = arith.constant 0 : index
    %get3A_11 = vector.load %arg2[%get3A_9, %get3A_10] : memref<1576x384xf32, #tpu.memory_space<vmem>>, vector<1576x384xf32>
    %sub3A = vector.broadcast %broadcast_in_dim3A : vector<1x384xf32> to vector<1576x384xf32>
    %sub3A_12 = arith.subf %sub3A, %dot_general3A_8 : vector<1576x384xf32>
    %add3A = arith.addf %get3A_11, %sub3A_12 : vector<1576x384xf32>
    %get3A_13 = arith.constant 0 : index
    %get3A_14 = arith.constant 0 : index
    %get3A_15 = vector.load %arg1[%get3A_13, %get3A_14] : memref<1576x384xf32, #tpu.memory_space<vmem>>, vector<1576x384xf32>
    %add3A_16 = arith.addf %get3A_15, %add3A : vector<1576x384xf32>
    %get3A_17 = arith.constant 0 : index
    %get3A_18 = arith.constant 0 : index
    %get3A_19 = arith.constant 0 : index
    %get3A_20 = vector.load %arg5[%get3A_17, %get3A_18, %get3A_19] : memref<1x1x384xf32, #tpu.memory_space<vmem>>, vector<1x1x384xf32>
    %get3A_21 = vector.shape_cast %get3A_20 : vector<1x1x384xf32> to vector<1x384xf32>
    %get3A_22 = arith.constant 0 : index
    %get3A_23 = arith.constant 0 : index
    %get3A_24 = arith.constant 0 : index
    %get3A_25 = vector.load %arg6[%get3A_22, %get3A_23, %get3A_24] : memref<1x1x384xf32, #tpu.memory_space<vmem>>, vector<1x1x384xf32>
    %get3A_26 = vector.shape_cast %get3A_25 : vector<1x1x384xf32> to vector<1x384xf32>
    %reduce_sum3A_27 = arith.constant dense<0.000000e+00> : vector<1576xf32>
    %reduce_sum3A_28 = vector.multi_reduction <add>, %add3A_16, %reduce_sum3A_27 [1] : vector<1576x384xf32> to vector<1576xf32>
    %broadcast_in_dim3A_29 = vector.shape_cast %reduce_sum3A_28 : vector<1576xf32> to vector<1576x1xf32>
    %div3A = arith.constant 3.840000e+02 : f32
    %div3A_30 = vector.broadcast %div3A : f32 to vector<1576x1xf32>
    %div3A_31 = arith.divf %broadcast_in_dim3A_29, %div3A_30 : vector<1576x1xf32>
    %sub3A_32 = vector.broadcast %div3A_31 : vector<1576x1xf32> to vector<1576x384xf32>
    %sub3A_33 = arith.subf %add3A_16, %sub3A_32 : vector<1576x384xf32>
    %integer_pow3A = arith.mulf %sub3A_33, %sub3A_33 : vector<1576x384xf32>
    %reduce_sum3A_34 = arith.constant dense<0.000000e+00> : vector<1576xf32>
    %reduce_sum3A_35 = vector.multi_reduction <add>, %integer_pow3A, %reduce_sum3A_34 [1] : vector<1576x384xf32> to vector<1576xf32>
    %broadcast_in_dim3A_36 = vector.shape_cast %reduce_sum3A_35 : vector<1576xf32> to vector<1576x1xf32>
    %div3A_37 = arith.constant 3.840000e+02 : f32
    %div3A_38 = vector.broadcast %div3A_37 : f32 to vector<1576x1xf32>
    %div3A_39 = arith.divf %broadcast_in_dim3A_36, %div3A_38 : vector<1576x1xf32>
    %sub3A_40 = vector.broadcast %div3A_31 : vector<1576x1xf32> to vector<1576x384xf32>
    %sub3A_41 = arith.subf %add3A_16, %sub3A_40 : vector<1576x384xf32>
    %add3A_42 = arith.constant 9.99999974E-6 : f32
    %add3A_43 = vector.broadcast %add3A_42 : f32 to vector<1576x1xf32>
    %add3A_44 = arith.addf %div3A_39, %add3A_43 : vector<1576x1xf32>
    %sqrt3A = math.sqrt %add3A_44 : vector<1576x1xf32>
    %div3A_45 = vector.broadcast %sqrt3A : vector<1576x1xf32> to vector<1576x384xf32>
    %div3A_46 = arith.divf %sub3A_41, %div3A_45 : vector<1576x384xf32>
    %mul3A = vector.broadcast %get3A_21 : vector<1x384xf32> to vector<1576x384xf32>
    %mul3A_47 = arith.mulf %div3A_46, %mul3A : vector<1576x384xf32>
    %add3A_48 = vector.broadcast %get3A_26 : vector<1x384xf32> to vector<1576x384xf32>
    %add3A_49 = arith.addf %mul3A_47, %add3A_48 : vector<1576x384xf32>
    %swap3A = arith.constant 0 : index
    %swap3A_50 = arith.constant 0 : index
    %swap3A_51 = vector.load %arg7[%swap3A, %swap3A_50] : memref<1576x384xf32, #tpu.memory_space<vmem>>, vector<1576x384xf32>
    tpu.vector_store %arg7[%swap3A, %swap3A_50], %add3A_49 {strides = array<i32>} : memref<1576x384xf32, #tpu.memory_space<vmem>>, vector<1576x384xf32>,
    return
  }
  func.func @transform_0(%arg0: i32) -> (i32, i32) {
    %c0_i32 = arith.constant 0 : i32
    %c0_i32_0 = arith.constant 0 : i32
    %c0_i32_1 = arith.constant 0 : i32
    return %c0_i32, %c0_i32_0 : i32, i32
  }
  func.func @transform_1(%arg0: i32) -> (i32, i32) {
    %c0_i32 = arith.constant 0 : i32
    %c0_i32_0 = arith.constant 0 : i32
    %c0_i32_1 = arith.constant 0 : i32
    return %c0_i32, %c0_i32_0 : i32, i32
  }
  func.func @transform_2(%arg0: i32) -> (i32, i32) {
    %c0_i32 = arith.constant 0 : i32
    %c0_i32_0 = arith.constant 0 : i32
    %c0_i32_1 = arith.constant 0 : i32
    return %c0_i32, %c0_i32_0 : i32, i32
  }
  func.func @transform_3(%arg0: i32) -> (i32, i32) {
    %c0_i32 = arith.constant 0 : i32
    %c0_i32_0 = arith.constant 0 : i32
    %c0_i32_1 = arith.constant 0 : i32
    return %c0_i32, %c0_i32_0 : i32, i32
  }
  func.func @transform_4(%arg0: i32) -> (i32, i32, i32) {
    %c1_i32 = arith.constant 1 : i32
    %c0_i32 = arith.constant 0 : i32
    %c0_i32_0 = arith.constant 0 : i32
    %c0_i32_1 = arith.constant 0 : i32
    return %c1_i32, %c0_i32, %c0_i32_0 : i32, i32, i32
  }
  func.func @transform_5(%arg0: i32) -> (i32, i32, i32) {
    %c1_i32 = arith.constant 1 : i32
    %c0_i32 = arith.constant 0 : i32
    %c0_i32_0 = arith.constant 0 : i32
    %c0_i32_1 = arith.constant 0 : i32
    return %c1_i32, %c0_i32, %c0_i32_0 : i32, i32, i32
  }
  func.func @transform_6(%arg0: i32) -> (i32, i32) {
    %c0_i32 = arith.constant 0 : i32
    %c0_i32_0 = arith.constant 0 : i32
    %c0_i32_1 = arith.constant 0 : i32
    return %c0_i32, %c0_i32_0 : i32, i32
  }
}

module attributes {stable_mosaic.version = 14 : i64} {
  func.func @_head_body(%arg0: memref<1576x384xf32, #tpu.memory_space<vmem>>, %arg1: memref<1x384xf32, #tpu.memory_space<vmem>>, %arg2: memref<1x384xf32, #tpu.memory_space<vmem>>, %arg3: memref<1000x384xf32, #tpu.memory_space<vmem>>, %arg4: memref<1x1000xf32, #tpu.memory_space<vmem>>, %arg5: memref<8x1000xf32, #tpu.memory_space<vmem>>) attributes {dimension_semantics = [], scalar_prefetch = 0 : i64, scratch_operands = 0 : i64, tpu.core_type = #tpu.core_type<tc>} {
    %get3A = arith.constant 0 : index
    %get3A_0 = arith.constant 0 : index
    %get3A_1 = vector.load %arg0[%get3A, %get3A_0] : memref<1576x384xf32, #tpu.memory_space<vmem>>, vector<1x384xf32>
    %get3A_2 = arith.constant 197 : index
    %get3A_3 = arith.constant 0 : index
    %get3A_4 = vector.load %arg0[%get3A_2, %get3A_3] : memref<1576x384xf32, #tpu.memory_space<vmem>>, vector<1x384xf32>
    %get3A_5 = arith.constant 394 : index
    %get3A_6 = arith.constant 0 : index
    %get3A_7 = vector.load %arg0[%get3A_5, %get3A_6] : memref<1576x384xf32, #tpu.memory_space<vmem>>, vector<1x384xf32>
    %get3A_8 = arith.constant 591 : index
    %get3A_9 = arith.constant 0 : index
    %get3A_10 = vector.load %arg0[%get3A_8, %get3A_9] : memref<1576x384xf32, #tpu.memory_space<vmem>>, vector<1x384xf32>
    %get3A_11 = arith.constant 788 : index
    %get3A_12 = arith.constant 0 : index
    %get3A_13 = vector.load %arg0[%get3A_11, %get3A_12] : memref<1576x384xf32, #tpu.memory_space<vmem>>, vector<1x384xf32>
    %get3A_14 = arith.constant 985 : index
    %get3A_15 = arith.constant 0 : index
    %get3A_16 = vector.load %arg0[%get3A_14, %get3A_15] : memref<1576x384xf32, #tpu.memory_space<vmem>>, vector<1x384xf32>
    %get3A_17 = arith.constant 1182 : index
    %get3A_18 = arith.constant 0 : index
    %get3A_19 = vector.load %arg0[%get3A_17, %get3A_18] : memref<1576x384xf32, #tpu.memory_space<vmem>>, vector<1x384xf32>
    %get3A_20 = arith.constant 1379 : index
    %get3A_21 = arith.constant 0 : index
    %get3A_22 = vector.load %arg0[%get3A_20, %get3A_21] : memref<1576x384xf32, #tpu.memory_space<vmem>>, vector<1x384xf32>
    %concatenate3A = tpu.concatenate %get3A_1, %get3A_4, %get3A_7, %get3A_10, %get3A_13, %get3A_16, %get3A_19, %get3A_22 in 0 : vector<1x384xf32>, vector<1x384xf32>, vector<1x384xf32>, vector<1x384xf32>, vector<1x384xf32>, vector<1x384xf32>, vector<1x384xf32>, vector<1x384xf32> -> vector<8x384xf32>
    %get3A_23 = arith.constant 0 : index
    %get3A_24 = arith.constant 0 : index
    %get3A_25 = vector.load %arg1[%get3A_23, %get3A_24] : memref<1x384xf32, #tpu.memory_space<vmem>>, vector<1x384xf32>
    %get3A_26 = arith.constant 0 : index
    %get3A_27 = arith.constant 0 : index
    %get3A_28 = vector.load %arg2[%get3A_26, %get3A_27] : memref<1x384xf32, #tpu.memory_space<vmem>>, vector<1x384xf32>
    %reduce_sum3A = arith.constant dense<0.000000e+00> : vector<8xf32>
    %reduce_sum3A_29 = vector.multi_reduction <add>, %concatenate3A, %reduce_sum3A [1] : vector<8x384xf32> to vector<8xf32>
    %broadcast_in_dim3A = vector.shape_cast %reduce_sum3A_29 : vector<8xf32> to vector<8x1xf32>
    %div3A = arith.constant 3.840000e+02 : f32
    %div3A_30 = vector.broadcast %div3A : f32 to vector<8x1xf32>
    %div3A_31 = arith.divf %broadcast_in_dim3A, %div3A_30 : vector<8x1xf32>
    %sub3A = vector.broadcast %div3A_31 : vector<8x1xf32> to vector<8x384xf32>
    %sub3A_32 = arith.subf %concatenate3A, %sub3A : vector<8x384xf32>
    %integer_pow3A = arith.mulf %sub3A_32, %sub3A_32 : vector<8x384xf32>
    %reduce_sum3A_33 = arith.constant dense<0.000000e+00> : vector<8xf32>
    %reduce_sum3A_34 = vector.multi_reduction <add>, %integer_pow3A, %reduce_sum3A_33 [1] : vector<8x384xf32> to vector<8xf32>
    %broadcast_in_dim3A_35 = vector.shape_cast %reduce_sum3A_34 : vector<8xf32> to vector<8x1xf32>
    %div3A_36 = arith.constant 3.840000e+02 : f32
    %div3A_37 = vector.broadcast %div3A_36 : f32 to vector<8x1xf32>
    %div3A_38 = arith.divf %broadcast_in_dim3A_35, %div3A_37 : vector<8x1xf32>
    %sub3A_39 = vector.broadcast %div3A_31 : vector<8x1xf32> to vector<8x384xf32>
    %sub3A_40 = arith.subf %concatenate3A, %sub3A_39 : vector<8x384xf32>
    %add3A = arith.constant 9.99999974E-6 : f32
    %add3A_41 = vector.broadcast %add3A : f32 to vector<8x1xf32>
    %add3A_42 = arith.addf %div3A_38, %add3A_41 : vector<8x1xf32>
    %sqrt3A = math.sqrt %add3A_42 : vector<8x1xf32>
    %div3A_43 = vector.broadcast %sqrt3A : vector<8x1xf32> to vector<8x384xf32>
    %div3A_44 = arith.divf %sub3A_40, %div3A_43 : vector<8x384xf32>
    %mul3A = vector.broadcast %get3A_25 : vector<1x384xf32> to vector<8x384xf32>
    %mul3A_45 = arith.mulf %div3A_44, %mul3A : vector<8x384xf32>
    %add3A_46 = vector.broadcast %get3A_28 : vector<1x384xf32> to vector<8x384xf32>
    %add3A_47 = arith.addf %mul3A_45, %add3A_46 : vector<8x384xf32>
    %get3A_48 = arith.constant 0 : index
    %get3A_49 = arith.constant 0 : index
    %get3A_50 = vector.load %arg3[%get3A_48, %get3A_49] : memref<1000x384xf32, #tpu.memory_space<vmem>>, vector<1000x384xf32>
    %dot_general3A = arith.constant dense<0.000000e+00> : vector<8x1000xf32>
    %dot_general3A_51 = tpu.matmul %add3A_47, %get3A_50, %dot_general3A {dimension_numbers = #tpu.dot_dimension_numbers<[1], [1], [0], [0], [0, 0, 1, 0], [], []>, transpose_lhs_hint = false} : vector<8x384xf32>, vector<1000x384xf32>, vector<8x1000xf32> -> vector<8x1000xf32>
    %get3A_52 = arith.constant 0 : index
    %get3A_53 = arith.constant 0 : index
    %get3A_54 = vector.load %arg4[%get3A_52, %get3A_53] : memref<1x1000xf32, #tpu.memory_space<vmem>>, vector<1x1000xf32>
    %add3A_55 = vector.broadcast %get3A_54 : vector<1x1000xf32> to vector<8x1000xf32>
    %add3A_56 = arith.addf %dot_general3A_51, %add3A_55 : vector<8x1000xf32>
    %swap3A = arith.constant 0 : index
    %swap3A_57 = arith.constant 0 : index
    %swap3A_58 = vector.load %arg5[%swap3A, %swap3A_57] : memref<8x1000xf32, #tpu.memory_space<vmem>>, vector<8x1000xf32>
    tpu.vector_store %arg5[%swap3A, %swap3A_57], %add3A_56 {strides = array<i32>} : memref<8x1000xf32, #tpu.memory_space<vmem>>, vector<8x1000xf32>,
    return
  }
}

</mosaic_0001>

<sc_bundles>
// kernel: kernel.18.cloned.1.call-start
scs
__scs_entry_jumppad:
0x0: {  	(pc) =	sbr.rel $0x88, $3  }
0x1: {  	(tag) =	ssettag $0x0;
	lr =	simm.s32 $0x1  }
0x2: {  	[smem:$0x3F8A] =	sst lr;
	_ =	strace $0xD0000000  }
0x3: {  	_ = 	snop  }
0x4: {  	_ = 	snop  }
0x5: {  	_ = 	snop  }
0x6: {  	_ = 	snop  }
0x7: {  	_ = 	snop  }
__scs_overlays_trampoline_lowered:
0x8: {  	[smem:$0x3F99] =	sst s0  }
0x9: {  	[smem:$0x3F9A] =	sst s1  }
0xa: {  	[smem:$0x3F9B] =	sst s2  }
0xb: {  	[smem:$0x3F9C] =	sst s3  }
0xc: {  	[smem:$0x3F9D] =	sst s4  }
0xd: {  	[smem:$0x3F9E] =	sst s5  }
0xe: {  	[smem:$0x3F9F] =	sst s6  }
0xf: {  	[smem:$0x3FA0] =	sst s7  }
0x10: {  	[smem:$0x3FA1] =	sst s8  }
0x11: {  	[smem:$0x3FA2] =	sst s9;
	s0 =	simm.s32 @!p0 $0x0  }
0x12: {  	s1 =	sld [smem:$0x3F88];
	s0 =	simm.s32 @p0 $0x1  }
0x13: {  	[smem:$0x3FA3] =	sst s0;
	s0 =	simm.s32 @!p1 $0x0  }
0x14: {  	s2 =	sld [smem:$0x3F87];
	s0 =	simm.s32 @p1 $0x1  }
0x15: {  	[smem:$0x3FA4] =	sst s0;
	s0 =	simm.s32 @!p2 $0x0  }
0x16: {  	s3 =	sld [smem:$0x3FDB];
	s0 =	simm.s32 @p2 $0x1  }
0x17: {  	s4 =	simm.s32 $0x1BF5;
	[smem:$0x3FA6] =	sst s0  }
0x18: {  	s0 =	sld [smem:$0x3F89];
	_ =	swait.ge [sflag:s4], $0x0  }
0x19: {  	s7 =	sld [smem:$0x3F8A]  }
0x1a: {  	s8 =	sadd.s32 $0xFFFFE003, lr  }
0x1b: {  	s9 =	sadd.s32 $0xFFFFFEF7, lr;
	s5 =	simm.s32 $0xFFFFFFFF;
	p2 =	slt.u32 s8, $0xFFFFF086  }
0x1c: {  	p1 =	slt.u32 s9, $0xF7A;
	s5 =	simm.s32 @!p2 $0x0  }
0x1d: {  	s5 =	simm.s32 @p1 $0x1;
	p0 =	seq.s32 s7, s2  }
0x1e: {  	s7 =	smul.u32 @!p0 $0xF7A, s2;
	p2 =	seq.s32 @!p0 s5, $0x0  }
0x1f: {  	s9 =	smul.u32 $0xF7A, s1;
	s8 =	simm.s32 @!p0 $0x1BF5;
	p2 =	por !p2, p0  }
0x20: {  	[sflag:s8] =	ssyncset.s32 @!p0 $0xFFFFF086;
	s6 =	sadd.s32 @!p0 s3, s7;
	s7 =	simm.s32 @!p0 $0x108  }
0x21: {  	s3 =	sadd.s32 s3, s9;
	s6 =	sadd.s32 @!p0 $0x88, s6;
	s7 =	simm.s32 @p2 $0x1082  }
0x22: {  	[simem:s7], [sflag:s8] =	dma.local @!p0 [hbm:s6], $0xF7A  }
0x23: {  	s9 =	sor.u32 $0xD0000000, s2;
	s6 =	simm.s32 $0x108;
	_ =	swait.ge @!p0 [sflag:s8], $0x0  }
0x24: {  	s3 =	sadd.s32 $0x88, s3;
	s6 =	simm.s32 @!p1 $0x1082;
	[sflag:s4] =	ssyncset.s32 $0xFFFFF086  }
0x25: {  	[simem:s6], [sflag:s4] =	dma.local [hbm:s3], $0xF7A  }
0x26: {  	[smem:$0x3F8A] =	sst s1;
	(tag) =	ssettag s2;
	_ =	strace s9  }
0x27: {  	s1 =	sld [smem:$0x3F9A]  }
0x28: {  	s2 =	sld [smem:$0x3F9B]  }
0x29: {  	s4 =	sld [smem:$0x3F9D]  }
0x2a: {  	p0 =	seq.s32 s5, $0x0;
	s5 =	sld [smem:$0x3F9E]  }
0x2b: {  	s6 =	sld [smem:$0x3F9F]  }
0x2c: {  	s7 =	sld [smem:$0x3FA0]  }
0x2d: {  	s3 =	simm.s32 $0x108;
	s8 =	sld [smem:$0x3FA1]  }
0x2e: {  	s3 =	simm.s32 @!p0 $0x1082;
	s9 =	sld [smem:$0x3FA2]  }
0x2f: {  	lr =	sadd.s32 s0, s3;
	s0 =	sld [smem:$0x3F99]  }
0x30: {  	s3 =	sld [smem:$0x3F9C]  }
0x31: {  	[smem:$0x3FA5] =	sst s10  }
0x32: {  	s10 =	sld [smem:$0x3FA3];
	_ =	sdelay $0x3  }
0x33: {  	p0 =	seq.s32 s10, $0x1;
	s10 =	sld [smem:$0x3FA5];
	_ =	sdelay $0x3  }
0x34: {  	[smem:$0x3FA5] =	sst s10  }
0x35: {  	s10 =	sld [smem:$0x3FA4];
	_ =	sdelay $0x3  }
0x36: {  	p1 =	seq.s32 s10, $0x1;
	s10 =	sld [smem:$0x3FA5];
	_ =	sdelay $0x3  }
0x37: {  	[smem:$0x3FA5] =	sst s10  }
0x38: {  	s10 =	sld [smem:$0x3FA6]  }
0x39: {  	_ = 	snop;
	(pc) =	sbr.ind lr, $3  }
0x3a: {  	_ = 	snop  }
0x3b: {  	_ = 	snop  }
0x3c: {  	p2 =	seq.s32 s10, $0x1;
	s10 =	sld [smem:$0x3FA5]  }
0x3d: {  	_ =	shalt  }
0x3e: {  	_ =	shalt  }
0x3f: {  	_ =	shalt  }
0x40: {  	_ =	shalt  }
0x41: {  	_ =	shalt  }
0x42: {  	_ =	shalt  }
0x43: {  	_ =	shalt  }
0x44: {  	_ =	shalt  }
0x45: {  	_ =	shalt  }
0x46: {  	_ =	shalt  }
0x47: {  	_ =	shalt  }
0x48: {  	_ =	shalt  }
0x49: {  	_ =	shalt  }
0x4a: {  	_ =	shalt  }
0x4b: {  	_ =	shalt  }
0x4c: {  	_ =	shalt  }
0x4d: {  	_ =	shalt  }
0x4e: {  	_ =	shalt  }
0x4f: {  	_ =	shalt  }
0x50: {  	_ =	shalt  }
0x51: {  	_ =	shalt  }
0x52: {  	_ =	shalt  }
0x53: {  	_ =	shalt  }
0x54: {  	_ =	shalt  }
0x55: {  	_ =	shalt  }
0x56: {  	_ =	shalt  }
0x57: {  	_ =	shalt  }
0x58: {  	_ =	shalt  }
0x59: {  	_ =	shalt  }
0x5a: {  	_ =	shalt  }
0x5b: {  	_ =	shalt  }
0x5c: {  	_ =	shalt  }
0x5d: {  	_ =	shalt  }
0x5e: {  	_ =	shalt  }
0x5f: {  	_ =	shalt  }
0x60: {  	_ =	shalt  }
0x61: {  	_ =	shalt  }
0x62: {  	_ =	shalt  }
0x63: {  	_ =	shalt  }
0x64: {  	_ =	shalt  }
0x65: {  	_ =	shalt  }
0x66: {  	_ =	shalt  }
0x67: {  	_ =	shalt  }
0x68: {  	_ =	shalt  }
0x69: {  	_ =	shalt  }
0x6a: {  	_ =	shalt  }
0x6b: {  	_ =	shalt  }
0x6c: {  	_ =	shalt  }
0x6d: {  	_ =	shalt  }
0x6e: {  	_ =	shalt  }
0x6f: {  	_ =	shalt  }
0x70: {  	_ =	shalt  }
0x71: {  	_ =	shalt  }
0x72: {  	_ =	shalt  }
0x73: {  	_ =	shalt  }
0x74: {  	_ =	shalt  }
0x75: {  	_ =	shalt  }
0x76: {  	_ =	shalt  }
0x77: {  	_ =	shalt  }
0x78: {  	_ =	shalt  }
0x79: {  	_ =	shalt  }
0x7a: {  	_ =	shalt  }
0x7b: {  	_ =	shalt  }
0x7c: {  	_ =	shalt  }
0x7d: {  	_ =	shalt  }
0x7e: {  	_ =	shalt  }
0x7f: {  	_ =	shalt  }
0x80: {  	_ =	shalt  }
0x81: {  	_ =	shalt  }
0x82: {  	_ =	shalt  }
0x83: {  	_ =	shalt  }
0x84: {  	_ =	shalt  }
0x85: {  	_ =	shalt  }
0x86: {  	_ =	shalt  }
0x87: {  	_ =	shalt  }
.Lfunc_end0:
.L_simem_size_0:
called_computation_lowered:
.L_overlay_start_0:
0x88: {  	s2 =	sld [smem:$0x3FD9]  }
0x89: {  	s3 =	sld [smem:$0x3FFE];
	_ =	sdelay $0x1  }
0x8a: {  	s1 =	srdreg.scid  }
0x8b: {  	s0 =	sand.u32 $0x1, s1  }
0x8c: {  	s17 =	sshll.u32 s0, $0xA;
	s2 =	sadd.s32 s3, s2  }
0x8d: {  	s2 =	sadd.s32 s2, s17  }
0x8e: {  	[smem:$0x3FB1] =	sst s2  }
0x8f: {  	_ = 	snop  }
0x90: {  	s2 =	sld [smem:$0x3FD0];
	(tm) =	ssettm $0x1  }
0x91: {  	s18 =	sld [smem:$0x3FFB];
	_ =	sdelay $0x3  }
0x92: {  	_ =	strace s18  }
0x93: {  	s3 =	sld [smem:$0x3FFC];
	_ =	sdelay $0x3  }
0x94: {  	_ =	strace s3  }
0x95: {  	s3 =	sld [smem:$0x3FFD];
	_ =	sdelay $0x3  }
0x96: {  	_ =	strace s3  }
0x97: {  	_ =	strace $0x8FFFFFFF  }
0x98: {  	s19 =	sld [smem:$0x3FDB];
	_ =	sdelay $0x1  }
0x99: {  	s4 =	simm.s32 $_scs_section_size  }
0x9a: {  	s5 =	simm.s32 $_size__tile_overlayer_lowered;
	s6 =	simm.s32 $_tile_overlayer_lowered  }
0x9b: {  	s22 =	simm.s32 $0x1BFF;
	s21 =	sshll.u32 s6, $0x1;
	s3 =	sadd.s32 s4, s19  }
0x9c: {  	s7 =	simm.s32 $0x0;
	s20 =	sshll.u32 s5, $0x1;
	s5 =	sadd.s32 s21, s3  }
0x9d: {  	[timem:s7], [sflag:s22] =	dma.local [hbm:s5], s20  }
0x9e: {  	_ =	swait.ge [sflag:s22], s20  }
0x9f: {  	s4 =	ssub.s32 $0x0, s20;
	[sflag:s22] =	ssyncset.done $0x0  }
0xa0: {  	[sflag:s22] =	ssyncadd.s32 s4;
	_ =	sdelay $0x1  }
0xa1: {  	s23 =	simm.s32 $0x1B8B  }
0xa2: {  	_ =	swait.ge [sflag:s23], $0x1  }
0xa3: {  	[sflag:s23] =	ssyncset.done $0x0  }
0xa4: {  	s25 =	simm.s32 $0x1B8E;
	s24 =	sld [smem:$0x3FFE];
	[sflag:s23] =	ssyncadd.s32 $0xFFFFFFFF  }
0xa5: {  	s26 =	simm.s32 $execute0_lowered;
	[smem:$0x3FD2] =	sst s25  }
0xa6: {  	s5 =	sshll.u32 s26, $0x1;
	_ =	strace $0x80000046;
	[dreg:$0x1] =	wrdreg $0xFFFFFFFF  }
0xa7: {  	s28 =	simm.s32 $_size_execute0_lowered;
	s3 =	sadd.s32 s3, s5;
	[dreg:$0x0] =	wrdreg $0x0  }
0xa8: {  	s5 =	sshll.u32 s28, $0x1;
	[dreg:$0x2] =	wrdreg s3  }
0xa9: {  	[dreg:$0x3] =	wrdreg s5  }
0xaa: {  	[dreg:$0x4] =	wrdreg $0xC0  }
0xab: {  	_ =	task [dreg:s7], $0x5FFFF  }
0xac: {  	[dreg:$0x1] =	wrdreg $0xFFFFFFFF  }
0xad: {  	[dreg:$0x0] =	wrdreg $0x60  }
0xae: {  	[dreg:$0x2] =	wrdreg s24  }
0xaf: {  	[dreg:$0x3] =	wrdreg s2  }
0xb0: {  	[dreg:$0x4] =	wrdreg $0x9  }
0xb1: {  	_ =	task.clear_ibuf [dreg:s7], $0x5FFFF;
	_ =	strace $0x90000046  }
0xb2: {  	s29 =	simm.s32 $0x9;
	_ =	strace $0x80000048  }
0xb3: {  	_ =	swait.ge [sflag:s29], $0x1  }
0xb4: {  	[sflag:s29] =	ssyncadd.s32 $0xFFFFFFFF  }
0xb5: {  	_ =	strace $0x90000048  }
0xb6: {  	_ =	sfence  }
0xb7: {  	s30 =	sld [smem:$0x0];
	_ =	sdelay $0x2  }
0xb8: {  	s31 =	sshll.u32 s1, $0xD;
	s1 =	sshrl.u32 s1, $0x2  }
0xb9: {  	s3 =	sand.u32 $0x4000, s31;
	s1 =	sadd.s32 s1, s30  }
0xba: {  	s0 =	sor.u32 s3, s0;
	s1 =	sshll.u32 s1, $0x11  }
0xbb: {  	s0 =	sor.u32 s1, s0  }
0xbc: {  	s0 =	sadd.s32 $0x8F2B, s0  }
0xbd: {  	[sflag:s0] =	ssyncadd.remote.s32 $0x1  }
0xbe: {  	_ =	sfence.sel $0xFFFF  }
0xbf: {  	[dreg:$0x0] =	wrdreg $0xFFFFFFFF;
	(pc) =	sbr.abs _section_cstart, $3  }
0xc0: {  	[dreg:$0x1] =	wrdreg $0xFFFFFFFF  }
0xc1: {  	_ =	task.clear_ibuf [dreg:s7], $0x2FFFF;
	_ =	strace $0x9FFFFFFF  }
0xc2: {  	(tm) =	ssettm $0x7FFFFFFF  }
0xc3: {  	_ =	shalt  }
tec
execute0_lowered:
.L_overlay_start_1:
0x0: {  	(tag) =	ssettag $0x1  }
0x1: {  	s8 =	rddreg [dreg:$0x0];
	s1 =	srdreg.scid  }
0x2: {  	s0 =	stileid.u32;
	s7 =	rddreg [dreg:$0x1]  }
0x3: {  	s2 =	simm.s32 $0x0;
	s12 =	simm.s32 $0x880;
	s13 =	simm.s32 $0xC80  }
0x4: {  	s14 =	simm.s32 $0x1480;
	s15 =	simm.s32 $0x1880;
	s16 =	simm.s32 $0x2080  }
0x5: {  	s17 =	simm.s32 $0x2480;
	s18 =	simm.s32 $0x2C80;
	s19 =	simm.s32 $0x3080  }
0x6: {  	s20 =	simm.s32 $0x3880;
	s21 =	simm.s32 $0x3C80;
	s22 =	simm.s32 $0x4480  }
0x7: {  	s24 =	simm.s32 $0x5080;
	s3 =	sand.u32 $0x1, s1;
	s4 =	sshll.u32 s0, $0x1  }
0x8: {  	s25 =	simm.s32 $0x1;
	s1 =	rddreg [dreg:$0x2];
	s23 =	sor.u32 s3, s4  }
0x9: {  	[smem:$0x7FF] =	sst s2;
	p0 =	sgt.u32 s0, $0xD;
	s4 =	smul.u32 $0xA80, s23  }
0xa: {  	s5 =	ssub.s32 $0x2, s3;
	_ =	strace $0x80000047;
	s9 =	smul.u32 $0x7, s23  }
.Ltmp0:
0xb: {  	s3 =	sadd.s32 $0x17C00, s8;
	s6 =	sshrl.u32 s5, $0x1;
	(pc) =	sbr.rel .LBB2_1-.Ltmp0, $4  }
0xc: {  	p1 =	sne.s32 s23, $0x1C;
	s23 =	simm.s32 $0x4880;
	s11 =	ssub.s32 s5, s6  }
0xd: {  	v2 =	vlaneseq.u32;
	vm0 =	vmmov $0xffff;
	vm1 =	vmmov $0xff;
	s6 =	sadd.s32 $0x17D00, s8;
	s10 =	sadd.s32 s4, s8;
	s4 =	sadd.s32 s7, s9  }
0xe: {  	v0 =	vand.u32 $0x7, v2;
	v1 =	vshrl.u32 v2, $0x3;
	v2 =	vor.u32 $0x8, v2;
	s7 =	sadd.s32 $0xC4, s7;
	s8 =	sadd.s32 $0x17A00, s8;
	s9 =	smax.u32 s11, $0x1  }
0xf: {  	v1 =	vmul.u32 $0x8, v1;
	vm2 =	vmmov @!p1 $0xff;
	vm3 =	vmmov @!p1 $0xffff;
	s11 =	simm.s32 $0x80;
	s5 =	sadd.s32 $0x5400, s10;
	s10 =	simm.s32 $0x2  }
.LBB2_3:
0x10: {  	s26 =	simm.s32 @!p1 $0x0;
	s28 =	simm.s32 @!p1 $0x5480  }
0x11: {  	[tilespmem:s28], [sflag:$0x2] =	stream.linear.gather @!p1 [hbm4b:s7+s26], $0x8, $0x38;
	[tilespmem:$0x6100] =	vst v63  }
0x12: {  	s28 =	simm.s32 @!p1 $0x2  }
0x13: {  	_ =	swait.ge @!p1 [sflag:s28], $0x8  }
0x14: {  	[sflag:s28] =	ssyncset.done @!p1 $0x0  }
0x15: {  	s29 =	simm.s32 @!p1 $0x5500;
	[sflag:s28] =	ssyncadd.s32 @!p1 $0xFFFFFFF8  }
0x16: {  	[tilespmem:s29], [sflag:$0x2] =	stream.linear.gather @!p1 [hbm4b:s8+s26], $0xC00, $0x38;
	[tilespmem:$0x6100] =	vst v63  }
0x17: {  	_ =	swait.ge @!p1 [sflag:s28], $0xC00  }
0x18: {  	[sflag:s28] =	ssyncset.done @!p1 $0x0  }
0x19: {  	[sflag:s28] =	ssyncadd.s32 @!p1 $0xFFFFF400  }
0x1a: {  	v3 =	vld.msk @!p1 [tilespmem:$0x5480], $0xff;
	_ =	sdelay $0x4  }
0x1b: {  	v4 =	vshrl.u32 @!p1 v3, $0x3  }
0x1c: {  	v4 =	vmul.u32 @!p1 $0x18, v4  }
0x1d: {  	v5 =	vlaneseq.u32 @!p1;
	v3 =	vand.u32 @!p1 $0x7, v3  }
0x1e: {  	v3 =	vor.u32 @!p1 v3, v4;
	v4 =	vand.u32 @!p1 $0x7, v5;
	v5 =	vshrl.u32 @!p1 v5, $0x3  }
0x1f: {  	v3 =	vperm.xlane @!p1 v3, v4;
	v4 =	vmul.u32 @!p1 $0x8, v5;
	_ =	sdelay $0x1  }
0x20: {  	v3 =	vadd.s32 @!p1 v4, v3;
	_ =	sdelay $0x3  }
0x21: {  	s9 =	sadd.s32 $0xFFFFFFFF, s9  }
0x22: {  	[hbm4b:s3+s26] =	stream.indirect_vreg.scatter @!p1 [tilespmem:s29], [sflag:$0x1], $0x80, v3, vm3, $0xb8;
	[tilespmem:$0x6100] =	vst v63  }
0x23: {  	p2 =	sne.s32 s9, $0x0;
	s28 =	simm.s32 @!p1 $0x5D00  }
0x24: {  	[hbm4b:s6+s26] =	stream.indirect_vreg.scatter @!p1 [tilespmem:s28], [sflag:$0x1], $0x80, v3, vm2, $0xb8;
	[tilespmem:$0x6100] =	vst v63  }
.Ltmp1:
0x25: {  	_ = 	snop;
	(pc) =	sbr.rel @!p2 .LBB2_4-.Ltmp1, $4  }
0x26: {  	s26 =	simm.s32 @!p1 $0x1  }
0x27: {  	_ =	swait.ge @!p1 [sflag:s26], $0xC00  }
0x28: {  	[sflag:s26] =	ssyncset.done @!p1 $0x0  }
0x29: {  	[sflag:s26] =	ssyncadd.s32 @!p1 $0xFFFFF400  }
.LBB2_1:
.Ltmp2:
0x2a: {  	(pc) =	sbr.rel @p0 .LBB2_3-.Ltmp2, $1  }
0x2b: {  	_ =	sdelay $0x3  }
0x2c: {  	[tilespmem:s2], [sflag:$0x2] =	stream.linear.gather [hbm4b:s4+s2], $0x38, $0x38;
	[tilespmem:$0x6100] =	vst v63  }
0x2d: {  	_ =	swait.ge [sflag:s10], $0x38  }
0x2e: {  	[sflag:s10] =	ssyncset.done $0x0  }
0x2f: {  	[sflag:s10] =	ssyncadd.s32 $0xFFFFFFC8  }
0x30: {  	[tilespmem:s11], [sflag:$0x2] =	stream.linear.gather [hbm4b:s5+s2], $0x5400, $0x38;
	[tilespmem:$0x6100] =	vst v63  }
0x31: {  	_ =	swait.ge [sflag:s10], $0x5400  }
0x32: {  	[sflag:s10] =	ssyncset.done $0x0  }
0x33: {  	[sflag:s10] =	ssyncadd.s32 $0xFFFFAC00  }
0x34: {  	v3 =	vld [tilespmem:$0x0];
	_ =	sdelay $0x4  }
0x35: {  	v4 =	vshrl.u32 v3, $0x3  }
0x36: {  	v4 =	vmul.u32 $0x18, v4  }
0x37: {  	v3 =	vand.u32 $0x7, v3  }
0x38: {  	v3 =	vor.u32 v3, v4  }
0x39: {  	v4 =	vperm.xlane v3, v0;
	_ =	sdelay $0x1  }
0x3a: {  	v4 =	vadd.s32 v1, v4;
	_ =	sdelay $0x1  }
0x3b: {  	v3 =	vperm.xlane v3, v2;
	_ =	sdelay $0x1  }
0x3c: {  	v3 =	vadd.s32 v1, v3  }
0x3d: {  	[hbm4b:s3+s2] =	stream.indirect_vreg.scatter [tilespmem:s11], [sflag:$0x1], $0x80, v4, vm0, $0xb8;
	[tilespmem:$0x6100] =	vst v63  }
0x3e: {  	_ = 	snop  }
0x3f: {  	[hbm4b:s6+s2] =	stream.indirect_vreg.scatter [tilespmem:s12], [sflag:$0x1], $0x80, v4, vm1, $0xb8;
	[tilespmem:$0x6100] =	vst v63  }
0x40: {  	_ = 	snop  }
0x41: {  	[hbm4b:s3+s2] =	stream.indirect_vreg.scatter [tilespmem:s13], [sflag:$0x1], $0x80, v3, vm0, $0xb8;
	[tilespmem:$0x6100] =	vst v63  }
0x42: {  	_ = 	snop  }
0x43: {  	[hbm4b:s6+s2] =	stream.indirect_vreg.scatter [tilespmem:s14], [sflag:$0x1], $0x80, v3, vm1, $0xb8;
	[tilespmem:$0x6100] =	vst v63  }
0x44: {  	v3 =	vld [tilespmem:$0x10];
	_ =	sdelay $0x4  }
0x45: {  	v61 =	vshrl.u32 v3, $0x3  }
0x46: {  	v4 =	vmul.u32 $0x18, v61  }
0x47: {  	v3 =	vand.u32 $0x7, v3  }
0x48: {  	v3 =	vor.u32 v3, v4  }
0x49: {  	v4 =	vperm.xlane v3, v0;
	_ =	sdelay $0x1  }
0x4a: {  	v4 =	vadd.s32 v1, v4;
	_ =	sdelay $0x1  }
0x4b: {  	v3 =	vperm.xlane v3, v2;
	_ =	sdelay $0x1  }
0x4c: {  	v3 =	vadd.s32 v1, v3  }
0x4d: {  	[hbm4b:s3+s2] =	stream.indirect_vreg.scatter [tilespmem:s15], [sflag:$0x1], $0x80, v4, vm0, $0xb8;
	[tilespmem:$0x6100] =	vst v63  }
0x4e: {  	_ = 	snop  }
0x4f: {  	[hbm4b:s6+s2] =	stream.indirect_vreg.scatter [tilespmem:s16], [sflag:$0x1], $0x80, v4, vm1, $0xb8;
	[tilespmem:$0x6100] =	vst v63  }
0x50: {  	_ = 	snop  }
0x51: {  	[hbm4b:s3+s2] =	stream.indirect_vreg.scatter [tilespmem:s17], [sflag:$0x1], $0x80, v3, vm0, $0xb8;
	[tilespmem:$0x6100] =	vst v63  }
0x52: {  	_ = 	snop  }
0x53: {  	[hbm4b:s6+s2] =	stream.indirect_vreg.scatter [tilespmem:s18], [sflag:$0x1], $0x80, v3, vm1, $0xb8;
	[tilespmem:$0x6100] =	vst v63  }
0x54: {  	v3 =	vld [tilespmem:$0x20];
	_ =	sdelay $0x4  }
0x55: {  	v62 =	vshrl.u32 v3, $0x3  }
0x56: {  	v4 =	vmul.u32 $0x18, v62  }
0x57: {  	v3 =	vand.u32 $0x7, v3  }
0x58: {  	v3 =	vor.u32 v3, v4  }
0x59: {  	v4 =	vperm.xlane v3, v0;
	_ =	sdelay $0x1  }
0x5a: {  	v4 =	vadd.s32 v1, v4;
	_ =	sdelay $0x1  }
0x5b: {  	v3 =	vperm.xlane v3, v2;
	_ =	sdelay $0x1  }
0x5c: {  	v3 =	vadd.s32 v1, v3  }
0x5d: {  	[hbm4b:s3+s2] =	stream.indirect_vreg.scatter [tilespmem:s19], [sflag:$0x1], $0x80, v4, vm0, $0xb8;
	[tilespmem:$0x6100] =	vst v63  }
0x5e: {  	_ = 	snop  }
0x5f: {  	[hbm4b:s6+s2] =	stream.indirect_vreg.scatter [tilespmem:s20], [sflag:$0x1], $0x80, v4, vm1, $0xb8;
	[tilespmem:$0x6100] =	vst v63  }
0x60: {  	_ = 	snop  }
0x61: {  	[hbm4b:s3+s2] =	stream.indirect_vreg.scatter [tilespmem:s21], [sflag:$0x1], $0x80, v3, vm0, $0xb8;
	[tilespmem:$0x6100] =	vst v63  }
0x62: {  	_ = 	snop  }
0x63: {  	[hbm4b:s6+s2] =	stream.indirect_vreg.scatter [tilespmem:s22], [sflag:$0x1], $0x80, v3, vm1, $0xb8;
	[tilespmem:$0x6100] =	vst v63  }
0x64: {  	v3 =	vld.msk [tilespmem:$0x30], $0xff;
	_ =	sdelay $0x4  }
0x65: {  	v63 =	vshrl.u32 v3, $0x3  }
0x66: {  	v4 =	vmul.u32 $0x18, v63  }
0x67: {  	v3 =	vand.u32 $0x7, v3  }
0x68: {  	v3 =	vor.u32 v3, v4  }
0x69: {  	v3 =	vperm.xlane v3, v0;
	_ =	sdelay $0x1  }
0x6a: {  	v3 =	vadd.s32 v1, v3;
	_ =	sdelay $0x4  }
0x6b: {  	[hbm4b:s3+s2] =	stream.indirect_vreg.scatter [tilespmem:s23], [sflag:$0x1], $0x80, v3, vm0, $0xb8;
	[tilespmem:$0x6100] =	vst v63  }
.Ltmp3:
0x6c: {  	_ = 	snop;
	(pc) =	sbr.rel .LBB2_3-.Ltmp3, $4  }
0x6d: {  	[hbm4b:s6+s2] =	stream.indirect_vreg.scatter [tilespmem:s24], [sflag:$0x1], $0x80, v3, vm1, $0xb8;
	[tilespmem:$0x6100] =	vst v63  }
0x6e: {  	_ =	swait.ge [sflag:s25], $0x5400  }
0x6f: {  	[sflag:s25] =	ssyncset.done $0x0  }
0x70: {  	[sflag:s25] =	ssyncadd.s32 $0xFFFFAC00  }
.LBB2_4:
0x71: {  	_ =	sfence.sel $0x180000  }
0x72: {  	[bflag:$0x0] =	sbarrier.arrive $0xFFFF  }
0x73: {  	p0 =	sne.s32 s0, $0x0;
	_ =	strace $0x90000047  }
0x74: {  	s0 =	sadd.s32 @!p0 $0x100000, s1;
	[bflag:$0x2] =	sbarrier.arrive $0xFFFF  }
0x75: {  	[sflag:s0] =	ssyncadd.tile.s32 @!p0 $0x1;
	_ =	shalt  }
.Lfunc_end2:
_tile_overlayer_lowered:
.L_overlay_start_2:
0x76: {  	(tag) =	ssettag $0x2  }
0x77: {  	s0 =	rddreg [dreg:$0x0];
	s2 =	stileid.u32  }
0x78: {  	s1 =	rddreg [dreg:$0x1];
	p0 =	sne.s32 s2, $0x0  }
0x79: {  	s3 =	rddreg [dreg:$0x2];
	[bflag:$0x3] =	sbarrier.arrive $0xFFFF;
	s2 =	simm.s32 @!p0 $0x1C02  }
0x7a: {  	[timem:s3], [sflag:s2] =	dma.local @!p0 [hbm:s0], s1  }
0x7b: {  	s0 =	simm.s32 @!p0 $0x2  }
0x7c: {  	_ =	swait.ge @!p0 [sflag:s0], s1  }
0x7d: {  	s1 =	ssub.s32 @!p0 $0x0, s1;
	[sflag:s0] =	ssyncset.done @!p0 $0x0  }
0x7e: {  	[sflag:s0] =	ssyncadd.s32 @!p0 s1  }
0x7f: {  	[bflag:$0x3] =	sbarrier.arrive $0xFFFF  }
0x80: {  	_ =	shalt  }

// kernel: kernel.21.cloned.1.call-start
scs
__scs_entry_jumppad:
0x0: {  	(pc) =	sbr.rel $0x88, $3  }
0x1: {  	(tag) =	ssettag $0x0;
	lr =	simm.s32 $0x1  }
0x2: {  	[smem:$0x3F8A] =	sst lr;
	_ =	strace $0xD0000000  }
0x3: {  	_ = 	snop  }
0x4: {  	_ = 	snop  }
0x5: {  	_ = 	snop  }
0x6: {  	_ = 	snop  }
0x7: {  	_ = 	snop  }
__scs_overlays_trampoline_lowered:
0x8: {  	[smem:$0x3F99] =	sst s0  }
0x9: {  	[smem:$0x3F9A] =	sst s1  }
0xa: {  	[smem:$0x3F9B] =	sst s2  }
0xb: {  	[smem:$0x3F9C] =	sst s3  }
0xc: {  	[smem:$0x3F9D] =	sst s4  }
0xd: {  	[smem:$0x3F9E] =	sst s5  }
0xe: {  	[smem:$0x3F9F] =	sst s6  }
0xf: {  	[smem:$0x3FA0] =	sst s7  }
0x10: {  	[smem:$0x3FA1] =	sst s8  }
0x11: {  	[smem:$0x3FA2] =	sst s9;
	s0 =	simm.s32 @!p0 $0x0  }
0x12: {  	s1 =	sld [smem:$0x3F88];
	s0 =	simm.s32 @p0 $0x1  }
0x13: {  	[smem:$0x3FA3] =	sst s0;
	s0 =	simm.s32 @!p1 $0x0  }
0x14: {  	s2 =	sld [smem:$0x3F87];
	s0 =	simm.s32 @p1 $0x1  }
0x15: {  	[smem:$0x3FA4] =	sst s0;
	s0 =	simm.s32 @!p2 $0x0  }
0x16: {  	s3 =	sld [smem:$0x3FDB];
	s0 =	simm.s32 @p2 $0x1  }
0x17: {  	s4 =	simm.s32 $0x1BF5;
	[smem:$0x3FA6] =	sst s0  }
0x18: {  	s0 =	sld [smem:$0x3F89];
	_ =	swait.ge [sflag:s4], $0x0  }
0x19: {  	s7 =	sld [smem:$0x3F8A]  }
0x1a: {  	s8 =	sadd.s32 $0xFFFFE003, lr  }
0x1b: {  	s9 =	sadd.s32 $0xFFFFFEF7, lr;
	s5 =	simm.s32 $0xFFFFFFFF;
	p2 =	slt.u32 s8, $0xFFFFF086  }
0x1c: {  	p1 =	slt.u32 s9, $0xF7A;
	s5 =	simm.s32 @!p2 $0x0  }
0x1d: {  	s5 =	simm.s32 @p1 $0x1;
	p0 =	seq.s32 s7, s2  }
0x1e: {  	s7 =	smul.u32 @!p0 $0xF7A, s2;
	p2 =	seq.s32 @!p0 s5, $0x0  }
0x1f: {  	s9 =	smul.u32 $0xF7A, s1;
	s8 =	simm.s32 @!p0 $0x1BF5;
	p2 =	por !p2, p0  }
0x20: {  	[sflag:s8] =	ssyncset.s32 @!p0 $0xFFFFF086;
	s6 =	sadd.s32 @!p0 s3, s7;
	s7 =	simm.s32 @!p0 $0x108  }
0x21: {  	s3 =	sadd.s32 s3, s9;
	s6 =	sadd.s32 @!p0 $0x88, s6;
	s7 =	simm.s32 @p2 $0x1082  }
0x22: {  	[simem:s7], [sflag:s8] =	dma.local @!p0 [hbm:s6], $0xF7A  }
0x23: {  	s9 =	sor.u32 $0xD0000000, s2;
	s6 =	simm.s32 $0x108;
	_ =	swait.ge @!p0 [sflag:s8], $0x0  }
0x24: {  	s3 =	sadd.s32 $0x88, s3;
	s6 =	simm.s32 @!p1 $0x1082;
	[sflag:s4] =	ssyncset.s32 $0xFFFFF086  }
0x25: {  	[simem:s6], [sflag:s4] =	dma.local [hbm:s3], $0xF7A  }
0x26: {  	[smem:$0x3F8A] =	sst s1;
	(tag) =	ssettag s2;
	_ =	strace s9  }
0x27: {  	s1 =	sld [smem:$0x3F9A]  }
0x28: {  	s2 =	sld [smem:$0x3F9B]  }
0x29: {  	s4 =	sld [smem:$0x3F9D]  }
0x2a: {  	p0 =	seq.s32 s5, $0x0;
	s5 =	sld [smem:$0x3F9E]  }
0x2b: {  	s6 =	sld [smem:$0x3F9F]  }
0x2c: {  	s7 =	sld [smem:$0x3FA0]  }
0x2d: {  	s3 =	simm.s32 $0x108;
	s8 =	sld [smem:$0x3FA1]  }
0x2e: {  	s3 =	simm.s32 @!p0 $0x1082;
	s9 =	sld [smem:$0x3FA2]  }
0x2f: {  	lr =	sadd.s32 s0, s3;
	s0 =	sld [smem:$0x3F99]  }
0x30: {  	s3 =	sld [smem:$0x3F9C]  }
0x31: {  	[smem:$0x3FA5] =	sst s10  }
0x32: {  	s10 =	sld [smem:$0x3FA3];
	_ =	sdelay $0x3  }
0x33: {  	p0 =	seq.s32 s10, $0x1;
	s10 =	sld [smem:$0x3FA5];
	_ =	sdelay $0x3  }
0x34: {  	[smem:$0x3FA5] =	sst s10  }
0x35: {  	s10 =	sld [smem:$0x3FA4];
	_ =	sdelay $0x3  }
0x36: {  	p1 =	seq.s32 s10, $0x1;
	s10 =	sld [smem:$0x3FA5];
	_ =	sdelay $0x3  }
0x37: {  	[smem:$0x3FA5] =	sst s10  }
0x38: {  	s10 =	sld [smem:$0x3FA6]  }
0x39: {  	_ = 	snop;
	(pc) =	sbr.ind lr, $3  }
0x3a: {  	_ = 	snop  }
0x3b: {  	_ = 	snop  }
0x3c: {  	p2 =	seq.s32 s10, $0x1;
	s10 =	sld [smem:$0x3FA5]  }
0x3d: {  	_ =	shalt  }
0x3e: {  	_ =	shalt  }
0x3f: {  	_ =	shalt  }
0x40: {  	_ =	shalt  }
0x41: {  	_ =	shalt  }
0x42: {  	_ =	shalt  }
0x43: {  	_ =	shalt  }
0x44: {  	_ =	shalt  }
0x45: {  	_ =	shalt  }
0x46: {  	_ =	shalt  }
0x47: {  	_ =	shalt  }
0x48: {  	_ =	shalt  }
0x49: {  	_ =	shalt  }
0x4a: {  	_ =	shalt  }
0x4b: {  	_ =	shalt  }
0x4c: {  	_ =	shalt  }
0x4d: {  	_ =	shalt  }
0x4e: {  	_ =	shalt  }
0x4f: {  	_ =	shalt  }
0x50: {  	_ =	shalt  }
0x51: {  	_ =	shalt  }
0x52: {  	_ =	shalt  }
0x53: {  	_ =	shalt  }
0x54: {  	_ =	shalt  }
0x55: {  	_ =	shalt  }
0x56: {  	_ =	shalt  }
0x57: {  	_ =	shalt  }
0x58: {  	_ =	shalt  }
0x59: {  	_ =	shalt  }
0x5a: {  	_ =	shalt  }
0x5b: {  	_ =	shalt  }
0x5c: {  	_ =	shalt  }
0x5d: {  	_ =	shalt  }
0x5e: {  	_ =	shalt  }
0x5f: {  	_ =	shalt  }
0x60: {  	_ =	shalt  }
0x61: {  	_ =	shalt  }
0x62: {  	_ =	shalt  }
0x63: {  	_ =	shalt  }
0x64: {  	_ =	shalt  }
0x65: {  	_ =	shalt  }
0x66: {  	_ =	shalt  }
0x67: {  	_ =	shalt  }
0x68: {  	_ =	shalt  }
0x69: {  	_ =	shalt  }
0x6a: {  	_ =	shalt  }
0x6b: {  	_ =	shalt  }
0x6c: {  	_ =	shalt  }
0x6d: {  	_ =	shalt  }
0x6e: {  	_ =	shalt  }
0x6f: {  	_ =	shalt  }
0x70: {  	_ =	shalt  }
0x71: {  	_ =	shalt  }
0x72: {  	_ =	shalt  }
0x73: {  	_ =	shalt  }
0x74: {  	_ =	shalt  }
0x75: {  	_ =	shalt  }
0x76: {  	_ =	shalt  }
0x77: {  	_ =	shalt  }
0x78: {  	_ =	shalt  }
0x79: {  	_ =	shalt  }
0x7a: {  	_ =	shalt  }
0x7b: {  	_ =	shalt  }
0x7c: {  	_ =	shalt  }
0x7d: {  	_ =	shalt  }
0x7e: {  	_ =	shalt  }
0x7f: {  	_ =	shalt  }
0x80: {  	_ =	shalt  }
0x81: {  	_ =	shalt  }
0x82: {  	_ =	shalt  }
0x83: {  	_ =	shalt  }
0x84: {  	_ =	shalt  }
0x85: {  	_ =	shalt  }
0x86: {  	_ =	shalt  }
0x87: {  	_ =	shalt  }
.Lfunc_end0:
.L_simem_size_0:
called_computation.1_lowered:
.L_overlay_start_0:
0x88: {  	s2 =	sld [smem:$0x3FD9]  }
0x89: {  	s3 =	sld [smem:$0x3FFE];
	_ =	sdelay $0x1  }
0x8a: {  	s1 =	srdreg.scid  }
0x8b: {  	s0 =	sand.u32 $0x1, s1  }
0x8c: {  	s17 =	sshll.u32 s0, $0xA;
	s2 =	sadd.s32 s3, s2  }
0x8d: {  	s2 =	sadd.s32 s2, s17  }
0x8e: {  	[smem:$0x3FB1] =	sst s2  }
0x8f: {  	_ = 	snop  }
0x90: {  	s2 =	sld [smem:$0x3FD0];
	(tm) =	ssettm $0x1  }
0x91: {  	s18 =	sld [smem:$0x3FFB];
	_ =	sdelay $0x3  }
0x92: {  	_ =	strace s18  }
0x93: {  	s3 =	sld [smem:$0x3FFC];
	_ =	sdelay $0x3  }
0x94: {  	_ =	strace s3  }
0x95: {  	s3 =	sld [smem:$0x3FFD];
	_ =	sdelay $0x3  }
0x96: {  	_ =	strace s3  }
0x97: {  	_ =	strace $0x8FFFFFFF  }
0x98: {  	s19 =	sld [smem:$0x3FDB];
	_ =	sdelay $0x1  }
0x99: {  	s4 =	simm.s32 $_scs_section_size  }
0x9a: {  	s5 =	simm.s32 $_size__tile_overlayer_lowered;
	s6 =	simm.s32 $_tile_overlayer_lowered  }
0x9b: {  	s22 =	simm.s32 $0x1BFF;
	s21 =	sshll.u32 s6, $0x1;
	s3 =	sadd.s32 s4, s19  }
0x9c: {  	s7 =	simm.s32 $0x0;
	s20 =	sshll.u32 s5, $0x1;
	s5 =	sadd.s32 s21, s3  }
0x9d: {  	[timem:s7], [sflag:s22] =	dma.local [hbm:s5], s20  }
0x9e: {  	_ =	swait.ge [sflag:s22], s20  }
0x9f: {  	s4 =	ssub.s32 $0x0, s20;
	[sflag:s22] =	ssyncset.done $0x0  }
0xa0: {  	[sflag:s22] =	ssyncadd.s32 s4;
	_ =	sdelay $0x1  }
0xa1: {  	s23 =	simm.s32 $0x1B8B  }
0xa2: {  	_ =	swait.ge [sflag:s23], $0x1  }
0xa3: {  	[sflag:s23] =	ssyncset.done $0x0  }
0xa4: {  	s25 =	simm.s32 $0x1B8E;
	s24 =	sld [smem:$0x3FFE];
	[sflag:s23] =	ssyncadd.s32 $0xFFFFFFFF  }
0xa5: {  	s26 =	simm.s32 $execute0_lowered;
	[smem:$0x3FD2] =	sst s25  }
0xa6: {  	s5 =	sshll.u32 s26, $0x1;
	_ =	strace $0x80000049;
	[dreg:$0x1] =	wrdreg $0xFFFFFFFF  }
0xa7: {  	s28 =	simm.s32 $_size_execute0_lowered;
	s3 =	sadd.s32 s3, s5;
	[dreg:$0x0] =	wrdreg $0x0  }
0xa8: {  	s5 =	sshll.u32 s28, $0x1;
	[dreg:$0x2] =	wrdreg s3  }
0xa9: {  	[dreg:$0x3] =	wrdreg s5  }
0xaa: {  	[dreg:$0x4] =	wrdreg $0xC0  }
0xab: {  	_ =	task [dreg:s7], $0x5FFFF  }
0xac: {  	[dreg:$0x1] =	wrdreg $0xFFFFFFFF  }
0xad: {  	[dreg:$0x0] =	wrdreg $0x60  }
0xae: {  	[dreg:$0x2] =	wrdreg s24  }
0xaf: {  	[dreg:$0x3] =	wrdreg s2  }
0xb0: {  	[dreg:$0x4] =	wrdreg $0x9  }
0xb1: {  	_ =	task.clear_ibuf [dreg:s7], $0x5FFFF;
	_ =	strace $0x90000049  }
0xb2: {  	s29 =	simm.s32 $0x9;
	_ =	strace $0x8000004B  }
0xb3: {  	_ =	swait.ge [sflag:s29], $0x1  }
0xb4: {  	[sflag:s29] =	ssyncadd.s32 $0xFFFFFFFF  }
0xb5: {  	_ =	strace $0x9000004B  }
0xb6: {  	_ =	sfence  }
0xb7: {  	s30 =	sld [smem:$0x0];
	_ =	sdelay $0x2  }
0xb8: {  	s31 =	sshll.u32 s1, $0xD;
	s1 =	sshrl.u32 s1, $0x2  }
0xb9: {  	s3 =	sand.u32 $0x4000, s31;
	s1 =	sadd.s32 s1, s30  }
0xba: {  	s0 =	sor.u32 s3, s0;
	s1 =	sshll.u32 s1, $0x11  }
0xbb: {  	s0 =	sor.u32 s1, s0  }
0xbc: {  	s0 =	sadd.s32 $0x8F2B, s0  }
0xbd: {  	[sflag:s0] =	ssyncadd.remote.s32 $0x1  }
0xbe: {  	_ =	sfence.sel $0xFFFF  }
0xbf: {  	[dreg:$0x0] =	wrdreg $0xFFFFFFFF;
	(pc) =	sbr.abs _section_cstart, $3  }
0xc0: {  	[dreg:$0x1] =	wrdreg $0xFFFFFFFF  }
0xc1: {  	_ =	task.clear_ibuf [dreg:s7], $0x2FFFF;
	_ =	strace $0x9FFFFFFF  }
0xc2: {  	(tm) =	ssettm $0x7FFFFFFF  }
0xc3: {  	_ =	shalt  }
tec
execute0_lowered:
.L_overlay_start_1:
0x0: {  	(tag) =	ssettag $0x1  }
0x1: {  	s8 =	rddreg [dreg:$0x0];
	s1 =	srdreg.scid  }
0x2: {  	s0 =	stileid.u32;
	s7 =	rddreg [dreg:$0x1]  }
0x3: {  	s2 =	simm.s32 $0x0;
	s12 =	simm.s32 $0x880;
	s13 =	simm.s32 $0xC80  }
0x4: {  	s14 =	simm.s32 $0x1480;
	s15 =	simm.s32 $0x1880;
	s16 =	simm.s32 $0x2080  }
0x5: {  	s17 =	simm.s32 $0x2480;
	s18 =	simm.s32 $0x2C80;
	s19 =	simm.s32 $0x3080  }
0x6: {  	s20 =	simm.s32 $0x3880;
	s21 =	simm.s32 $0x3C80;
	s22 =	simm.s32 $0x4480  }
0x7: {  	s24 =	simm.s32 $0x5080;
	s3 =	sand.u32 $0x1, s1;
	s4 =	sshll.u32 s0, $0x1  }
0x8: {  	s25 =	simm.s32 $0x1;
	s1 =	rddreg [dreg:$0x2];
	s23 =	sor.u32 s3, s4  }
0x9: {  	[smem:$0x7FF] =	sst s2;
	p0 =	sgt.u32 s0, $0xD;
	s4 =	smul.u32 $0xA80, s23  }
0xa: {  	s5 =	ssub.s32 $0x2, s3;
	_ =	strace $0x8000004A;
	s9 =	smul.u32 $0x7, s23  }
.Ltmp0:
0xb: {  	s3 =	sadd.s32 $0x17C00, s8;
	s6 =	sshrl.u32 s5, $0x1;
	(pc) =	sbr.rel .LBB2_1-.Ltmp0, $4  }
0xc: {  	p1 =	sne.s32 s23, $0x1C;
	s23 =	simm.s32 $0x4880;
	s11 =	ssub.s32 s5, s6  }
0xd: {  	v2 =	vlaneseq.u32;
	vm0 =	vmmov $0xffff;
	vm1 =	vmmov $0xff;
	s5 =	sadd.s32 $0x17D00, s8;
	s10 =	sadd.s32 s4, s8;
	s4 =	sadd.s32 s7, s9  }
0xe: {  	v0 =	vand.u32 $0x7, v2;
	v1 =	vshrl.u32 v2, $0x3;
	v2 =	vor.u32 $0x8, v2;
	s7 =	sadd.s32 $0xC4, s7;
	s8 =	sadd.s32 $0x3F200, s8;
	s9 =	smax.u32 s11, $0x1  }
0xf: {  	v1 =	vmul.u32 $0x8, v1;
	vm2 =	vmmov @!p1 $0xff;
	vm3 =	vmmov @!p1 $0xffff;
	s11 =	simm.s32 $0x80;
	s6 =	sadd.s32 $0x2CC00, s10;
	s10 =	simm.s32 $0x2  }
.LBB2_3:
0x10: {  	s26 =	simm.s32 @!p1 $0x0;
	s28 =	simm.s32 @!p1 $0x5480  }
0x11: {  	[tilespmem:s28], [sflag:$0x2] =	stream.linear.gather @!p1 [hbm4b:s7+s26], $0x8, $0x38;
	[tilespmem:$0x6100] =	vst v63  }
0x12: {  	s28 =	simm.s32 @!p1 $0x2  }
0x13: {  	_ =	swait.ge @!p1 [sflag:s28], $0x8  }
0x14: {  	[sflag:s28] =	ssyncset.done @!p1 $0x0  }
0x15: {  	[sflag:s28] =	ssyncadd.s32 @!p1 $0xFFFFFFF8  }
0x16: {  	v3 =	vld.msk @!p1 [tilespmem:$0x5480], $0xff;
	_ =	sdelay $0x4  }
0x17: {  	v4 =	vshrl.u32 @!p1 v3, $0x3  }
0x18: {  	v4 =	vmul.u32 @!p1 $0x18, v4  }
0x19: {  	v5 =	vlaneseq.u32 @!p1;
	v3 =	vand.u32 @!p1 $0x7, v3  }
0x1a: {  	v3 =	vor.u32 @!p1 v3, v4;
	v4 =	vand.u32 @!p1 $0x7, v5;
	v5 =	vshrl.u32 @!p1 v5, $0x3  }
0x1b: {  	v3 =	vperm.xlane @!p1 v3, v4;
	v4 =	vmul.u32 @!p1 $0x8, v5;
	_ =	sdelay $0x1  }
0x1c: {  	v3 =	vadd.s32 @!p1 v4, v3;
	_ =	sdelay $0x3  }
0x1d: {  	s29 =	simm.s32 @!p1 $0x5500  }
0x1e: {  	[tilespmem:s29], [sflag:$0x1] =	stream.indirect_vreg.gather @!p1 [hbm4b:s3+s26], $0x80, v3, vm3, $0xb8;
	[tilespmem:$0x6100] =	vst v63  }
0x1f: {  	s30 =	simm.s32 @!p1 $0x5D00  }
0x20: {  	[tilespmem:s30], [sflag:$0x1] =	stream.indirect_vreg.gather @!p1 [hbm4b:s5+s26], $0x80, v3, vm2, $0xb8;
	[tilespmem:$0x6100] =	vst v63  }
0x21: {  	s30 =	simm.s32 @!p1 $0x1  }
0x22: {  	s9 =	sadd.s32 $0xFFFFFFFF, s9;
	_ =	swait.ge @!p1 [sflag:s30], $0xC00  }
0x23: {  	p2 =	sne.s32 s9, $0x0;
	[sflag:s30] =	ssyncset.done @!p1 $0x0  }
.Ltmp1:
0x24: {  	[sflag:s30] =	ssyncadd.s32 @!p1 $0xFFFFF400;
	(pc) =	sbr.rel @!p2 .LBB2_4-.Ltmp1, $4  }
0x25: {  	[hbm4b:s8+s26] =	stream.linear.scatter @!p1 [tilespmem:s29], [sflag:$0x2], $0xC00, $0x38;
	[tilespmem:$0x6100] =	vst v63  }
0x26: {  	_ =	swait.ge @!p1 [sflag:s28], $0xC00  }
0x27: {  	[sflag:s28] =	ssyncset.done @!p1 $0x0  }
0x28: {  	[sflag:s28] =	ssyncadd.s32 @!p1 $0xFFFFF400  }
.LBB2_1:
.Ltmp2:
0x29: {  	(pc) =	sbr.rel @p0 .LBB2_3-.Ltmp2, $1  }
0x2a: {  	_ =	sdelay $0x3  }
0x2b: {  	[tilespmem:s2], [sflag:$0x2] =	stream.linear.gather [hbm4b:s4+s2], $0x38, $0x38;
	[tilespmem:$0x6100] =	vst v63  }
0x2c: {  	_ =	swait.ge [sflag:s10], $0x38  }
0x2d: {  	[sflag:s10] =	ssyncset.done $0x0  }
0x2e: {  	[sflag:s10] =	ssyncadd.s32 $0xFFFFFFC8  }
0x2f: {  	v3 =	vld [tilespmem:$0x0];
	_ =	sdelay $0x4  }
0x30: {  	v4 =	vshrl.u32 v3, $0x3  }
0x31: {  	v4 =	vmul.u32 $0x18, v4  }
0x32: {  	v3 =	vand.u32 $0x7, v3  }
0x33: {  	v3 =	vor.u32 v3, v4  }
0x34: {  	v4 =	vperm.xlane v3, v0;
	_ =	sdelay $0x1  }
0x35: {  	v4 =	vadd.s32 v1, v4;
	_ =	sdelay $0x1  }
0x36: {  	v3 =	vperm.xlane v3, v2;
	_ =	sdelay $0x1  }
0x37: {  	v3 =	vadd.s32 v1, v3  }
0x38: {  	[tilespmem:s11], [sflag:$0x1] =	stream.indirect_vreg.gather [hbm4b:s3+s2], $0x80, v4, vm0, $0xb8;
	[tilespmem:$0x6100] =	vst v63  }
0x39: {  	_ = 	snop  }
0x3a: {  	[tilespmem:s12], [sflag:$0x1] =	stream.indirect_vreg.gather [hbm4b:s5+s2], $0x80, v4, vm1, $0xb8;
	[tilespmem:$0x6100] =	vst v63  }
0x3b: {  	_ = 	snop  }
0x3c: {  	[tilespmem:s13], [sflag:$0x1] =	stream.indirect_vreg.gather [hbm4b:s3+s2], $0x80, v3, vm0, $0xb8;
	[tilespmem:$0x6100] =	vst v63  }
0x3d: {  	_ = 	snop  }
0x3e: {  	[tilespmem:s14], [sflag:$0x1] =	stream.indirect_vreg.gather [hbm4b:s5+s2], $0x80, v3, vm1, $0xb8;
	[tilespmem:$0x6100] =	vst v63  }
0x3f: {  	v3 =	vld [tilespmem:$0x10];
	_ =	sdelay $0x4  }
0x40: {  	v61 =	vshrl.u32 v3, $0x3  }
0x41: {  	v4 =	vmul.u32 $0x18, v61  }
0x42: {  	v3 =	vand.u32 $0x7, v3  }
0x43: {  	v3 =	vor.u32 v3, v4  }
0x44: {  	v4 =	vperm.xlane v3, v0;
	_ =	sdelay $0x1  }
0x45: {  	v4 =	vadd.s32 v1, v4;
	_ =	sdelay $0x1  }
0x46: {  	v3 =	vperm.xlane v3, v2;
	_ =	sdelay $0x1  }
0x47: {  	v3 =	vadd.s32 v1, v3  }
0x48: {  	[tilespmem:s15], [sflag:$0x1] =	stream.indirect_vreg.gather [hbm4b:s3+s2], $0x80, v4, vm0, $0xb8;
	[tilespmem:$0x6100] =	vst v63  }
0x49: {  	_ = 	snop  }
0x4a: {  	[tilespmem:s16], [sflag:$0x1] =	stream.indirect_vreg.gather [hbm4b:s5+s2], $0x80, v4, vm1, $0xb8;
	[tilespmem:$0x6100] =	vst v63  }
0x4b: {  	_ = 	snop  }
0x4c: {  	[tilespmem:s17], [sflag:$0x1] =	stream.indirect_vreg.gather [hbm4b:s3+s2], $0x80, v3, vm0, $0xb8;
	[tilespmem:$0x6100] =	vst v63  }
0x4d: {  	_ = 	snop  }
0x4e: {  	[tilespmem:s18], [sflag:$0x1] =	stream.indirect_vreg.gather [hbm4b:s5+s2], $0x80, v3, vm1, $0xb8;
	[tilespmem:$0x6100] =	vst v63  }
0x4f: {  	v3 =	vld [tilespmem:$0x20];
	_ =	sdelay $0x4  }
0x50: {  	v62 =	vshrl.u32 v3, $0x3  }
0x51: {  	v4 =	vmul.u32 $0x18, v62  }
0x52: {  	v3 =	vand.u32 $0x7, v3  }
0x53: {  	v3 =	vor.u32 v3, v4  }
0x54: {  	v4 =	vperm.xlane v3, v0;
	_ =	sdelay $0x1  }
0x55: {  	v4 =	vadd.s32 v1, v4;
	_ =	sdelay $0x1  }
0x56: {  	v3 =	vperm.xlane v3, v2;
	_ =	sdelay $0x1  }
0x57: {  	v3 =	vadd.s32 v1, v3  }
0x58: {  	[tilespmem:s19], [sflag:$0x1] =	stream.indirect_vreg.gather [hbm4b:s3+s2], $0x80, v4, vm0, $0xb8;
	[tilespmem:$0x6100] =	vst v63  }
0x59: {  	_ = 	snop  }
0x5a: {  	[tilespmem:s20], [sflag:$0x1] =	stream.indirect_vreg.gather [hbm4b:s5+s2], $0x80, v4, vm1, $0xb8;
	[tilespmem:$0x6100] =	vst v63  }
0x5b: {  	_ = 	snop  }
0x5c: {  	[tilespmem:s21], [sflag:$0x1] =	stream.indirect_vreg.gather [hbm4b:s3+s2], $0x80, v3, vm0, $0xb8;
	[tilespmem:$0x6100] =	vst v63  }
0x5d: {  	_ = 	snop  }
0x5e: {  	[tilespmem:s22], [sflag:$0x1] =	stream.indirect_vreg.gather [hbm4b:s5+s2], $0x80, v3, vm1, $0xb8;
	[tilespmem:$0x6100] =	vst v63  }
0x5f: {  	v3 =	vld.msk [tilespmem:$0x30], $0xff;
	_ =	sdelay $0x4  }
0x60: {  	v63 =	vshrl.u32 v3, $0x3  }
0x61: {  	v4 =	vmul.u32 $0x18, v63  }
0x62: {  	v3 =	vand.u32 $0x7, v3  }
0x63: {  	v3 =	vor.u32 v3, v4  }
0x64: {  	v3 =	vperm.xlane v3, v0;
	_ =	sdelay $0x1  }
0x65: {  	v3 =	vadd.s32 v1, v3;
	_ =	sdelay $0x4  }
0x66: {  	[tilespmem:s23], [sflag:$0x1] =	stream.indirect_vreg.gather [hbm4b:s3+s2], $0x80, v3, vm0, $0xb8;
	[tilespmem:$0x6100] =	vst v63  }
0x67: {  	_ = 	snop  }
0x68: {  	[tilespmem:s24], [sflag:$0x1] =	stream.indirect_vreg.gather [hbm4b:s5+s2], $0x80, v3, vm1, $0xb8;
	[tilespmem:$0x6100] =	vst v63  }
0x69: {  	_ =	swait.ge [sflag:s25], $0x5400  }
0x6a: {  	[sflag:s25] =	ssyncset.done $0x0  }
.Ltmp3:
0x6b: {  	[sflag:s25] =	ssyncadd.s32 $0xFFFFAC00;
	(pc) =	sbr.rel .LBB2_3-.Ltmp3, $4  }
0x6c: {  	[hbm4b:s6+s2] =	stream.linear.scatter [tilespmem:s11], [sflag:$0x2], $0x5400, $0x38;
	[tilespmem:$0x6100] =	vst v63  }
0x6d: {  	_ =	swait.ge [sflag:s10], $0x5400  }
0x6e: {  	[sflag:s10] =	ssyncset.done $0x0  }
0x6f: {  	[sflag:s10] =	ssyncadd.s32 $0xFFFFAC00  }
.LBB2_4:
0x70: {  	_ =	sfence.sel $0x180000  }
0x71: {  	[bflag:$0x0] =	sbarrier.arrive $0xFFFF  }
0x72: {  	p0 =	sne.s32 s0, $0x0;
	_ =	strace $0x9000004A  }
0x73: {  	s0 =	sadd.s32 @!p0 $0x100000, s1;
	[bflag:$0x2] =	sbarrier.arrive $0xFFFF  }
0x74: {  	[sflag:s0] =	ssyncadd.tile.s32 @!p0 $0x1;
	_ =	shalt  }
.Lfunc_end2:
_tile_overlayer_lowered:
.L_overlay_start_2:
0x75: {  	(tag) =	ssettag $0x2  }
0x76: {  	s0 =	rddreg [dreg:$0x0];
	s2 =	stileid.u32  }
0x77: {  	s1 =	rddreg [dreg:$0x1];
	p0 =	sne.s32 s2, $0x0  }
0x78: {  	s3 =	rddreg [dreg:$0x2];
	[bflag:$0x3] =	sbarrier.arrive $0xFFFF;
	s2 =	simm.s32 @!p0 $0x1C02  }
0x79: {  	[timem:s3], [sflag:s2] =	dma.local @!p0 [hbm:s0], s1  }
0x7a: {  	s0 =	simm.s32 @!p0 $0x2  }
0x7b: {  	_ =	swait.ge @!p0 [sflag:s0], s1  }
0x7c: {  	s1 =	ssub.s32 @!p0 $0x0, s1;
	[sflag:s0] =	ssyncset.done @!p0 $0x0  }
0x7d: {  	[sflag:s0] =	ssyncadd.s32 @!p0 s1  }
0x7e: {  	[bflag:$0x3] =	sbarrier.arrive $0xFFFF  }
0x7f: {  	_ =	shalt  }

// kernel: kernel.24.cloned.1.call-start
scs
__scs_entry_jumppad:
0x0: {  	(pc) =	sbr.rel $0x88, $3  }
0x1: {  	(tag) =	ssettag $0x0;
	lr =	simm.s32 $0x1  }
0x2: {  	[smem:$0x3F8A] =	sst lr;
	_ =	strace $0xD0000000  }
0x3: {  	_ = 	snop  }
0x4: {  	_ = 	snop  }
0x5: {  	_ = 	snop  }
0x6: {  	_ = 	snop  }
0x7: {  	_ = 	snop  }
__scs_overlays_trampoline_lowered:
0x8: {  	[smem:$0x3F99] =	sst s0  }
0x9: {  	[smem:$0x3F9A] =	sst s1  }
0xa: {  	[smem:$0x3F9B] =	sst s2  }
0xb: {  	[smem:$0x3F9C] =	sst s3  }
0xc: {  	[smem:$0x3F9D] =	sst s4  }
0xd: {  	[smem:$0x3F9E] =	sst s5  }
0xe: {  	[smem:$0x3F9F] =	sst s6  }
0xf: {  	[smem:$0x3FA0] =	sst s7  }
0x10: {  	[smem:$0x3FA1] =	sst s8  }
0x11: {  	[smem:$0x3FA2] =	sst s9;
	s0 =	simm.s32 @!p0 $0x0  }
0x12: {  	s1 =	sld [smem:$0x3F88];
	s0 =	simm.s32 @p0 $0x1  }
0x13: {  	[smem:$0x3FA3] =	sst s0;
	s0 =	simm.s32 @!p1 $0x0  }
0x14: {  	s2 =	sld [smem:$0x3F87];
	s0 =	simm.s32 @p1 $0x1  }
0x15: {  	[smem:$0x3FA4] =	sst s0;
	s0 =	simm.s32 @!p2 $0x0  }
0x16: {  	s3 =	sld [smem:$0x3FDB];
	s0 =	simm.s32 @p2 $0x1  }
0x17: {  	s4 =	simm.s32 $0x1BF5;
	[smem:$0x3FA6] =	sst s0  }
0x18: {  	s0 =	sld [smem:$0x3F89];
	_ =	swait.ge [sflag:s4], $0x0  }
0x19: {  	s7 =	sld [smem:$0x3F8A]  }
0x1a: {  	s8 =	sadd.s32 $0xFFFFE003, lr  }
0x1b: {  	s9 =	sadd.s32 $0xFFFFFEF7, lr;
	s5 =	simm.s32 $0xFFFFFFFF;
	p2 =	slt.u32 s8, $0xFFFFF086  }
0x1c: {  	p1 =	slt.u32 s9, $0xF7A;
	s5 =	simm.s32 @!p2 $0x0  }
0x1d: {  	s5 =	simm.s32 @p1 $0x1;
	p0 =	seq.s32 s7, s2  }
0x1e: {  	s7 =	smul.u32 @!p0 $0xF7A, s2;
	p2 =	seq.s32 @!p0 s5, $0x0  }
0x1f: {  	s9 =	smul.u32 $0xF7A, s1;
	s8 =	simm.s32 @!p0 $0x1BF5;
	p2 =	por !p2, p0  }
0x20: {  	[sflag:s8] =	ssyncset.s32 @!p0 $0xFFFFF086;
	s6 =	sadd.s32 @!p0 s3, s7;
	s7 =	simm.s32 @!p0 $0x108  }
0x21: {  	s3 =	sadd.s32 s3, s9;
	s6 =	sadd.s32 @!p0 $0x88, s6;
	s7 =	simm.s32 @p2 $0x1082  }
0x22: {  	[simem:s7], [sflag:s8] =	dma.local @!p0 [hbm:s6], $0xF7A  }
0x23: {  	s9 =	sor.u32 $0xD0000000, s2;
	s6 =	simm.s32 $0x108;
	_ =	swait.ge @!p0 [sflag:s8], $0x0  }
0x24: {  	s3 =	sadd.s32 $0x88, s3;
	s6 =	simm.s32 @!p1 $0x1082;
	[sflag:s4] =	ssyncset.s32 $0xFFFFF086  }
0x25: {  	[simem:s6], [sflag:s4] =	dma.local [hbm:s3], $0xF7A  }
0x26: {  	[smem:$0x3F8A] =	sst s1;
	(tag) =	ssettag s2;
	_ =	strace s9  }
0x27: {  	s1 =	sld [smem:$0x3F9A]  }
0x28: {  	s2 =	sld [smem:$0x3F9B]  }
0x29: {  	s4 =	sld [smem:$0x3F9D]  }
0x2a: {  	p0 =	seq.s32 s5, $0x0;
	s5 =	sld [smem:$0x3F9E]  }
0x2b: {  	s6 =	sld [smem:$0x3F9F]  }
0x2c: {  	s7 =	sld [smem:$0x3FA0]  }
0x2d: {  	s3 =	simm.s32 $0x108;
	s8 =	sld [smem:$0x3FA1]  }
0x2e: {  	s3 =	simm.s32 @!p0 $0x1082;
	s9 =	sld [smem:$0x3FA2]  }
0x2f: {  	lr =	sadd.s32 s0, s3;
	s0 =	sld [smem:$0x3F99]  }
0x30: {  	s3 =	sld [smem:$0x3F9C]  }
0x31: {  	[smem:$0x3FA5] =	sst s10  }
0x32: {  	s10 =	sld [smem:$0x3FA3];
	_ =	sdelay $0x3  }
0x33: {  	p0 =	seq.s32 s10, $0x1;
	s10 =	sld [smem:$0x3FA5];
	_ =	sdelay $0x3  }
0x34: {  	[smem:$0x3FA5] =	sst s10  }
0x35: {  	s10 =	sld [smem:$0x3FA4];
	_ =	sdelay $0x3  }
0x36: {  	p1 =	seq.s32 s10, $0x1;
	s10 =	sld [smem:$0x3FA5];
	_ =	sdelay $0x3  }
0x37: {  	[smem:$0x3FA5] =	sst s10  }
0x38: {  	s10 =	sld [smem:$0x3FA6]  }
0x39: {  	_ = 	snop;
	(pc) =	sbr.ind lr, $3  }
0x3a: {  	_ = 	snop  }
0x3b: {  	_ = 	snop  }
0x3c: {  	p2 =	seq.s32 s10, $0x1;
	s10 =	sld [smem:$0x3FA5]  }
0x3d: {  	_ =	shalt  }
0x3e: {  	_ =	shalt  }
0x3f: {  	_ =	shalt  }
0x40: {  	_ =	shalt  }
0x41: {  	_ =	shalt  }
0x42: {  	_ =	shalt  }
0x43: {  	_ =	shalt  }
0x44: {  	_ =	shalt  }
0x45: {  	_ =	shalt  }
0x46: {  	_ =	shalt  }
0x47: {  	_ =	shalt  }
0x48: {  	_ =	shalt  }
0x49: {  	_ =	shalt  }
0x4a: {  	_ =	shalt  }
0x4b: {  	_ =	shalt  }
0x4c: {  	_ =	shalt  }
0x4d: {  	_ =	shalt  }
0x4e: {  	_ =	shalt  }
0x4f: {  	_ =	shalt  }
0x50: {  	_ =	shalt  }
0x51: {  	_ =	shalt  }
0x52: {  	_ =	shalt  }
0x53: {  	_ =	shalt  }
0x54: {  	_ =	shalt  }
0x55: {  	_ =	shalt  }
0x56: {  	_ =	shalt  }
0x57: {  	_ =	shalt  }
0x58: {  	_ =	shalt  }
0x59: {  	_ =	shalt  }
0x5a: {  	_ =	shalt  }
0x5b: {  	_ =	shalt  }
0x5c: {  	_ =	shalt  }
0x5d: {  	_ =	shalt  }
0x5e: {  	_ =	shalt  }
0x5f: {  	_ =	shalt  }
0x60: {  	_ =	shalt  }
0x61: {  	_ =	shalt  }
0x62: {  	_ =	shalt  }
0x63: {  	_ =	shalt  }
0x64: {  	_ =	shalt  }
0x65: {  	_ =	shalt  }
0x66: {  	_ =	shalt  }
0x67: {  	_ =	shalt  }
0x68: {  	_ =	shalt  }
0x69: {  	_ =	shalt  }
0x6a: {  	_ =	shalt  }
0x6b: {  	_ =	shalt  }
0x6c: {  	_ =	shalt  }
0x6d: {  	_ =	shalt  }
0x6e: {  	_ =	shalt  }
0x6f: {  	_ =	shalt  }
0x70: {  	_ =	shalt  }
0x71: {  	_ =	shalt  }
0x72: {  	_ =	shalt  }
0x73: {  	_ =	shalt  }
0x74: {  	_ =	shalt  }
0x75: {  	_ =	shalt  }
0x76: {  	_ =	shalt  }
0x77: {  	_ =	shalt  }
0x78: {  	_ =	shalt  }
0x79: {  	_ =	shalt  }
0x7a: {  	_ =	shalt  }
0x7b: {  	_ =	shalt  }
0x7c: {  	_ =	shalt  }
0x7d: {  	_ =	shalt  }
0x7e: {  	_ =	shalt  }
0x7f: {  	_ =	shalt  }
0x80: {  	_ =	shalt  }
0x81: {  	_ =	shalt  }
0x82: {  	_ =	shalt  }
0x83: {  	_ =	shalt  }
0x84: {  	_ =	shalt  }
0x85: {  	_ =	shalt  }
0x86: {  	_ =	shalt  }
0x87: {  	_ =	shalt  }
.Lfunc_end0:
.L_simem_size_0:
called_computation.2_lowered:
.L_overlay_start_0:
0x88: {  	s2 =	sld [smem:$0x3FD9]  }
0x89: {  	s3 =	sld [smem:$0x3FFE];
	_ =	sdelay $0x1  }
0x8a: {  	s1 =	srdreg.scid  }
0x8b: {  	s0 =	sand.u32 $0x1, s1  }
0x8c: {  	s17 =	sshll.u32 s0, $0xA;
	s2 =	sadd.s32 s3, s2  }
0x8d: {  	s2 =	sadd.s32 s2, s17  }
0x8e: {  	[smem:$0x3FB1] =	sst s2  }
0x8f: {  	_ = 	snop  }
0x90: {  	s2 =	sld [smem:$0x3FD0];
	(tm) =	ssettm $0x1  }
0x91: {  	s18 =	sld [smem:$0x3FFB];
	_ =	sdelay $0x3  }
0x92: {  	_ =	strace s18  }
0x93: {  	s3 =	sld [smem:$0x3FFC];
	_ =	sdelay $0x3  }
0x94: {  	_ =	strace s3  }
0x95: {  	s3 =	sld [smem:$0x3FFD];
	_ =	sdelay $0x3  }
0x96: {  	_ =	strace s3  }
0x97: {  	_ =	strace $0x8FFFFFFF  }
0x98: {  	s19 =	sld [smem:$0x3FDB];
	_ =	sdelay $0x1  }
0x99: {  	s4 =	simm.s32 $_scs_section_size  }
0x9a: {  	s5 =	simm.s32 $_size__tile_overlayer_lowered;
	s6 =	simm.s32 $_tile_overlayer_lowered  }
0x9b: {  	s22 =	simm.s32 $0x1BFF;
	s21 =	sshll.u32 s6, $0x1;
	s3 =	sadd.s32 s4, s19  }
0x9c: {  	s7 =	simm.s32 $0x0;
	s20 =	sshll.u32 s5, $0x1;
	s5 =	sadd.s32 s21, s3  }
0x9d: {  	[timem:s7], [sflag:s22] =	dma.local [hbm:s5], s20  }
0x9e: {  	_ =	swait.ge [sflag:s22], s20  }
0x9f: {  	s4 =	ssub.s32 $0x0, s20;
	[sflag:s22] =	ssyncset.done $0x0  }
0xa0: {  	[sflag:s22] =	ssyncadd.s32 s4;
	_ =	sdelay $0x1  }
0xa1: {  	s23 =	simm.s32 $0x1B8B  }
0xa2: {  	_ =	swait.ge [sflag:s23], $0x1  }
0xa3: {  	[sflag:s23] =	ssyncset.done $0x0  }
0xa4: {  	s25 =	simm.s32 $0x1B8E;
	s24 =	sld [smem:$0x3FFE];
	[sflag:s23] =	ssyncadd.s32 $0xFFFFFFFF  }
0xa5: {  	s26 =	simm.s32 $execute0_lowered;
	[smem:$0x3FD2] =	sst s25  }
0xa6: {  	s5 =	sshll.u32 s26, $0x1;
	_ =	strace $0x8000004C;
	[dreg:$0x1] =	wrdreg $0xFFFFFFFF  }
0xa7: {  	s28 =	simm.s32 $_size_execute0_lowered;
	s3 =	sadd.s32 s3, s5;
	[dreg:$0x0] =	wrdreg $0x0  }
0xa8: {  	s5 =	sshll.u32 s28, $0x1;
	[dreg:$0x2] =	wrdreg s3  }
0xa9: {  	[dreg:$0x3] =	wrdreg s5  }
0xaa: {  	[dreg:$0x4] =	wrdreg $0xC0  }
0xab: {  	_ =	task [dreg:s7], $0x5FFFF  }
0xac: {  	[dreg:$0x1] =	wrdreg $0xFFFFFFFF  }
0xad: {  	[dreg:$0x0] =	wrdreg $0x60  }
0xae: {  	[dreg:$0x2] =	wrdreg s24  }
0xaf: {  	[dreg:$0x3] =	wrdreg s2  }
0xb0: {  	[dreg:$0x4] =	wrdreg $0x9  }
0xb1: {  	_ =	task.clear_ibuf [dreg:s7], $0x5FFFF;
	_ =	strace $0x9000004C  }
0xb2: {  	s29 =	simm.s32 $0x9;
	_ =	strace $0x8000004E  }
0xb3: {  	_ =	swait.ge [sflag:s29], $0x1  }
0xb4: {  	[sflag:s29] =	ssyncadd.s32 $0xFFFFFFFF  }
0xb5: {  	_ =	strace $0x9000004E  }
0xb6: {  	_ =	sfence  }
0xb7: {  	s30 =	sld [smem:$0x0];
	_ =	sdelay $0x2  }
0xb8: {  	s31 =	sshll.u32 s1, $0xD;
	s1 =	sshrl.u32 s1, $0x2  }
0xb9: {  	s3 =	sand.u32 $0x4000, s31;
	s1 =	sadd.s32 s1, s30  }
0xba: {  	s0 =	sor.u32 s3, s0;
	s1 =	sshll.u32 s1, $0x11  }
0xbb: {  	s0 =	sor.u32 s1, s0  }
0xbc: {  	s0 =	sadd.s32 $0x8F2B, s0  }
0xbd: {  	[sflag:s0] =	ssyncadd.remote.s32 $0x1  }
0xbe: {  	_ =	sfence.sel $0xFFFF  }
0xbf: {  	[dreg:$0x0] =	wrdreg $0xFFFFFFFF;
	(pc) =	sbr.abs _section_cstart, $3  }
0xc0: {  	[dreg:$0x1] =	wrdreg $0xFFFFFFFF  }
0xc1: {  	_ =	task.clear_ibuf [dreg:s7], $0x2FFFF;
	_ =	strace $0x9FFFFFFF  }
0xc2: {  	(tm) =	ssettm $0x7FFFFFFF  }
0xc3: {  	_ =	shalt  }
tec
execute0_lowered:
.L_overlay_start_1:
0x0: {  	(tag) =	ssettag $0x1  }
0x1: {  	s8 =	rddreg [dreg:$0x0];
	s1 =	srdreg.scid  }
0x2: {  	s0 =	stileid.u32;
	s7 =	rddreg [dreg:$0x1]  }
0x3: {  	s2 =	simm.s32 $0x0;
	s12 =	simm.s32 $0x880;
	s13 =	simm.s32 $0xC80  }
0x4: {  	s14 =	simm.s32 $0x1480;
	s15 =	simm.s32 $0x1880;
	s16 =	simm.s32 $0x2080  }
0x5: {  	s17 =	simm.s32 $0x2480;
	s18 =	simm.s32 $0x2C80;
	s19 =	simm.s32 $0x3080  }
0x6: {  	s20 =	simm.s32 $0x3880;
	s21 =	simm.s32 $0x3C80;
	s22 =	simm.s32 $0x4480  }
0x7: {  	s24 =	simm.s32 $0x5080;
	s3 =	sand.u32 $0x1, s1;
	s4 =	sshll.u32 s0, $0x1  }
0x8: {  	s25 =	simm.s32 $0x1;
	s1 =	rddreg [dreg:$0x2];
	s23 =	sor.u32 s3, s4  }
0x9: {  	[smem:$0x7FF] =	sst s2;
	p0 =	sgt.u32 s0, $0xD;
	s4 =	smul.u32 $0xA80, s23  }
0xa: {  	s5 =	ssub.s32 $0x2, s3;
	_ =	strace $0x8000004D;
	s9 =	smul.u32 $0x7, s23  }
.Ltmp0:
0xb: {  	s3 =	sadd.s32 $0x17C00, s8;
	s6 =	sshrl.u32 s5, $0x1;
	(pc) =	sbr.rel .LBB2_1-.Ltmp0, $4  }
0xc: {  	p1 =	sne.s32 s23, $0x1C;
	s23 =	simm.s32 $0x4880;
	s11 =	ssub.s32 s5, s6  }
0xd: {  	v2 =	vlaneseq.u32;
	vm0 =	vmmov $0xffff;
	vm1 =	vmmov $0xff;
	s6 =	sadd.s32 $0x17D00, s8;
	s10 =	sadd.s32 s4, s8;
	s4 =	sadd.s32 s7, s9  }
0xe: {  	v0 =	vand.u32 $0x7, v2;
	v1 =	vshrl.u32 v2, $0x3;
	v2 =	vor.u32 $0x8, v2;
	s7 =	sadd.s32 $0xC4, s7;
	s8 =	sadd.s32 $0x17A00, s8;
	s9 =	smax.u32 s11, $0x1  }
0xf: {  	v1 =	vmul.u32 $0x8, v1;
	vm2 =	vmmov @!p1 $0xff;
	vm3 =	vmmov @!p1 $0xffff;
	s11 =	simm.s32 $0x80;
	s5 =	sadd.s32 $0x5400, s10;
	s10 =	simm.s32 $0x2  }
.LBB2_3:
0x10: {  	s26 =	simm.s32 @!p1 $0x0;
	s28 =	simm.s32 @!p1 $0x5480  }
0x11: {  	[tilespmem:s28], [sflag:$0x2] =	stream.linear.gather @!p1 [hbm4b:s7+s26], $0x8, $0x38;
	[tilespmem:$0x6100] =	vst v63  }
0x12: {  	s28 =	simm.s32 @!p1 $0x2  }
0x13: {  	_ =	swait.ge @!p1 [sflag:s28], $0x8  }
0x14: {  	[sflag:s28] =	ssyncset.done @!p1 $0x0  }
0x15: {  	s29 =	simm.s32 @!p1 $0x5500;
	[sflag:s28] =	ssyncadd.s32 @!p1 $0xFFFFFFF8  }
0x16: {  	[tilespmem:s29], [sflag:$0x2] =	stream.linear.gather @!p1 [hbm4b:s8+s26], $0xC00, $0x38;
	[tilespmem:$0x6100] =	vst v63  }
0x17: {  	_ =	swait.ge @!p1 [sflag:s28], $0xC00  }
0x18: {  	[sflag:s28] =	ssyncset.done @!p1 $0x0  }
0x19: {  	[sflag:s28] =	ssyncadd.s32 @!p1 $0xFFFFF400  }
0x1a: {  	v3 =	vld.msk @!p1 [tilespmem:$0x5480], $0xff;
	_ =	sdelay $0x4  }
0x1b: {  	v4 =	vshrl.u32 @!p1 v3, $0x3  }
0x1c: {  	v4 =	vmul.u32 @!p1 $0x18, v4  }
0x1d: {  	v5 =	vlaneseq.u32 @!p1;
	v3 =	vand.u32 @!p1 $0x7, v3  }
0x1e: {  	v3 =	vor.u32 @!p1 v3, v4;
	v4 =	vand.u32 @!p1 $0x7, v5;
	v5 =	vshrl.u32 @!p1 v5, $0x3  }
0x1f: {  	v3 =	vperm.xlane @!p1 v3, v4;
	v4 =	vmul.u32 @!p1 $0x8, v5;
	_ =	sdelay $0x1  }
0x20: {  	v3 =	vadd.s32 @!p1 v4, v3;
	_ =	sdelay $0x3  }
0x21: {  	s9 =	sadd.s32 $0xFFFFFFFF, s9  }
0x22: {  	[hbm4b:s3+s26] =	stream.indirect_vreg.scatter @!p1 [tilespmem:s29], [sflag:$0x1], $0x80, v3, vm3, $0xb8;
	[tilespmem:$0x6100] =	vst v63  }
0x23: {  	p2 =	sne.s32 s9, $0x0;
	s28 =	simm.s32 @!p1 $0x5D00  }
0x24: {  	[hbm4b:s6+s26] =	stream.indirect_vreg.scatter @!p1 [tilespmem:s28], [sflag:$0x1], $0x80, v3, vm2, $0xb8;
	[tilespmem:$0x6100] =	vst v63  }
.Ltmp1:
0x25: {  	_ = 	snop;
	(pc) =	sbr.rel @!p2 .LBB2_4-.Ltmp1, $4  }
0x26: {  	s26 =	simm.s32 @!p1 $0x1  }
0x27: {  	_ =	swait.ge @!p1 [sflag:s26], $0xC00  }
0x28: {  	[sflag:s26] =	ssyncset.done @!p1 $0x0  }
0x29: {  	[sflag:s26] =	ssyncadd.s32 @!p1 $0xFFFFF400  }
.LBB2_1:
.Ltmp2:
0x2a: {  	(pc) =	sbr.rel @p0 .LBB2_3-.Ltmp2, $1  }
0x2b: {  	_ =	sdelay $0x3  }
0x2c: {  	[tilespmem:s2], [sflag:$0x2] =	stream.linear.gather [hbm4b:s4+s2], $0x38, $0x38;
	[tilespmem:$0x6100] =	vst v63  }
0x2d: {  	_ =	swait.ge [sflag:s10], $0x38  }
0x2e: {  	[sflag:s10] =	ssyncset.done $0x0  }
0x2f: {  	[sflag:s10] =	ssyncadd.s32 $0xFFFFFFC8  }
0x30: {  	[tilespmem:s11], [sflag:$0x2] =	stream.linear.gather [hbm4b:s5+s2], $0x5400, $0x38;
	[tilespmem:$0x6100] =	vst v63  }
0x31: {  	_ =	swait.ge [sflag:s10], $0x5400  }
0x32: {  	[sflag:s10] =	ssyncset.done $0x0  }
0x33: {  	[sflag:s10] =	ssyncadd.s32 $0xFFFFAC00  }
0x34: {  	v3 =	vld [tilespmem:$0x0];
	_ =	sdelay $0x4  }
0x35: {  	v4 =	vshrl.u32 v3, $0x3  }
0x36: {  	v4 =	vmul.u32 $0x18, v4  }
0x37: {  	v3 =	vand.u32 $0x7, v3  }
0x38: {  	v3 =	vor.u32 v3, v4  }
0x39: {  	v4 =	vperm.xlane v3, v0;
	_ =	sdelay $0x1  }
0x3a: {  	v4 =	vadd.s32 v1, v4;
	_ =	sdelay $0x1  }
0x3b: {  	v3 =	vperm.xlane v3, v2;
	_ =	sdelay $0x1  }
0x3c: {  	v3 =	vadd.s32 v1, v3  }
0x3d: {  	[hbm4b:s3+s2] =	stream.indirect_vreg.scatter [tilespmem:s11], [sflag:$0x1], $0x80, v4, vm0, $0xb8;
	[tilespmem:$0x6100] =	vst v63  }
0x3e: {  	_ = 	snop  }
0x3f: {  	[hbm4b:s6+s2] =	stream.indirect_vreg.scatter [tilespmem:s12], [sflag:$0x1], $0x80, v4, vm1, $0xb8;
	[tilespmem:$0x6100] =	vst v63  }
0x40: {  	_ = 	snop  }
0x41: {  	[hbm4b:s3+s2] =	stream.indirect_vreg.scatter [tilespmem:s13], [sflag:$0x1], $0x80, v3, vm0, $0xb8;
	[tilespmem:$0x6100] =	vst v63  }
0x42: {  	_ = 	snop  }
0x43: {  	[hbm4b:s6+s2] =	stream.indirect_vreg.scatter [tilespmem:s14], [sflag:$0x1], $0x80, v3, vm1, $0xb8;
	[tilespmem:$0x6100] =	vst v63  }
0x44: {  	v3 =	vld [tilespmem:$0x10];
	_ =	sdelay $0x4  }
0x45: {  	v61 =	vshrl.u32 v3, $0x3  }
0x46: {  	v4 =	vmul.u32 $0x18, v61  }
0x47: {  	v3 =	vand.u32 $0x7, v3  }
0x48: {  	v3 =	vor.u32 v3, v4  }
0x49: {  	v4 =	vperm.xlane v3, v0;
	_ =	sdelay $0x1  }
0x4a: {  	v4 =	vadd.s32 v1, v4;
	_ =	sdelay $0x1  }
0x4b: {  	v3 =	vperm.xlane v3, v2;
	_ =	sdelay $0x1  }
0x4c: {  	v3 =	vadd.s32 v1, v3  }
0x4d: {  	[hbm4b:s3+s2] =	stream.indirect_vreg.scatter [tilespmem:s15], [sflag:$0x1], $0x80, v4, vm0, $0xb8;
	[tilespmem:$0x6100] =	vst v63  }
0x4e: {  	_ = 	snop  }
0x4f: {  	[hbm4b:s6+s2] =	stream.indirect_vreg.scatter [tilespmem:s16], [sflag:$0x1], $0x80, v4, vm1, $0xb8;
	[tilespmem:$0x6100] =	vst v63  }
0x50: {  	_ = 	snop  }
0x51: {  	[hbm4b:s3+s2] =	stream.indirect_vreg.scatter [tilespmem:s17], [sflag:$0x1], $0x80, v3, vm0, $0xb8;
	[tilespmem:$0x6100] =	vst v63  }
0x52: {  	_ = 	snop  }
0x53: {  	[hbm4b:s6+s2] =	stream.indirect_vreg.scatter [tilespmem:s18], [sflag:$0x1], $0x80, v3, vm1, $0xb8;
	[tilespmem:$0x6100] =	vst v63  }
0x54: {  	v3 =	vld [tilespmem:$0x20];
	_ =	sdelay $0x4  }
0x55: {  	v62 =	vshrl.u32 v3, $0x3  }
0x56: {  	v4 =	vmul.u32 $0x18, v62  }
0x57: {  	v3 =	vand.u32 $0x7, v3  }
0x58: {  	v3 =	vor.u32 v3, v4  }
0x59: {  	v4 =	vperm.xlane v3, v0;
	_ =	sdelay $0x1  }
0x5a: {  	v4 =	vadd.s32 v1, v4;
	_ =	sdelay $0x1  }
0x5b: {  	v3 =	vperm.xlane v3, v2;
	_ =	sdelay $0x1  }
0x5c: {  	v3 =	vadd.s32 v1, v3  }
0x5d: {  	[hbm4b:s3+s2] =	stream.indirect_vreg.scatter [tilespmem:s19], [sflag:$0x1], $0x80, v4, vm0, $0xb8;
	[tilespmem:$0x6100] =	vst v63  }
0x5e: {  	_ = 	snop  }
0x5f: {  	[hbm4b:s6+s2] =	stream.indirect_vreg.scatter [tilespmem:s20], [sflag:$0x1], $0x80, v4, vm1, $0xb8;
	[tilespmem:$0x6100] =	vst v63  }
0x60: {  	_ = 	snop  }
0x61: {  	[hbm4b:s3+s2] =	stream.indirect_vreg.scatter [tilespmem:s21], [sflag:$0x1], $0x80, v3, vm0, $0xb8;
	[tilespmem:$0x6100] =	vst v63  }
0x62: {  	_ = 	snop  }
0x63: {  	[hbm4b:s6+s2] =	stream.indirect_vreg.scatter [tilespmem:s22], [sflag:$0x1], $0x80, v3, vm1, $0xb8;
	[tilespmem:$0x6100] =	vst v63  }
0x64: {  	v3 =	vld.msk [tilespmem:$0x30], $0xff;
	_ =	sdelay $0x4  }
0x65: {  	v63 =	vshrl.u32 v3, $0x3  }
0x66: {  	v4 =	vmul.u32 $0x18, v63  }
0x67: {  	v3 =	vand.u32 $0x7, v3  }
0x68: {  	v3 =	vor.u32 v3, v4  }
0x69: {  	v3 =	vperm.xlane v3, v0;
	_ =	sdelay $0x1  }
0x6a: {  	v3 =	vadd.s32 v1, v3;
	_ =	sdelay $0x4  }
0x6b: {  	[hbm4b:s3+s2] =	stream.indirect_vreg.scatter [tilespmem:s23], [sflag:$0x1], $0x80, v3, vm0, $0xb8;
	[tilespmem:$0x6100] =	vst v63  }
.Ltmp3:
0x6c: {  	_ = 	snop;
	(pc) =	sbr.rel .LBB2_3-.Ltmp3, $4  }
0x6d: {  	[hbm4b:s6+s2] =	stream.indirect_vreg.scatter [tilespmem:s24], [sflag:$0x1], $0x80, v3, vm1, $0xb8;
	[tilespmem:$0x6100] =	vst v63  }
0x6e: {  	_ =	swait.ge [sflag:s25], $0x5400  }
0x6f: {  	[sflag:s25] =	ssyncset.done $0x0  }
0x70: {  	[sflag:s25] =	ssyncadd.s32 $0xFFFFAC00  }
.LBB2_4:
0x71: {  	_ =	sfence.sel $0x180000  }
0x72: {  	[bflag:$0x0] =	sbarrier.arrive $0xFFFF  }
0x73: {  	p0 =	sne.s32 s0, $0x0;
	_ =	strace $0x9000004D  }
0x74: {  	s0 =	sadd.s32 @!p0 $0x100000, s1;
	[bflag:$0x2] =	sbarrier.arrive $0xFFFF  }
0x75: {  	[sflag:s0] =	ssyncadd.tile.s32 @!p0 $0x1;
	_ =	shalt  }
.Lfunc_end2:
_tile_overlayer_lowered:
.L_overlay_start_2:
0x76: {  	(tag) =	ssettag $0x2  }
0x77: {  	s0 =	rddreg [dreg:$0x0];
	s2 =	stileid.u32  }
0x78: {  	s1 =	rddreg [dreg:$0x1];
	p0 =	sne.s32 s2, $0x0  }
0x79: {  	s3 =	rddreg [dreg:$0x2];
	[bflag:$0x3] =	sbarrier.arrive $0xFFFF;
	s2 =	simm.s32 @!p0 $0x1C02  }
0x7a: {  	[timem:s3], [sflag:s2] =	dma.local @!p0 [hbm:s0], s1  }
0x7b: {  	s0 =	simm.s32 @!p0 $0x2  }
0x7c: {  	_ =	swait.ge @!p0 [sflag:s0], s1  }
0x7d: {  	s1 =	ssub.s32 @!p0 $0x0, s1;
	[sflag:s0] =	ssyncset.done @!p0 $0x0  }
0x7e: {  	[sflag:s0] =	ssyncadd.s32 @!p0 s1  }
0x7f: {  	[bflag:$0x3] =	sbarrier.arrive $0xFFFF  }
0x80: {  	_ =	shalt  }

// kernel: kernel.27.cloned.1.call-start
scs
__scs_entry_jumppad:
0x0: {  	(pc) =	sbr.rel $0x88, $3  }
0x1: {  	(tag) =	ssettag $0x0;
	lr =	simm.s32 $0x1  }
0x2: {  	[smem:$0x3F8A] =	sst lr;
	_ =	strace $0xD0000000  }
0x3: {  	_ = 	snop  }
0x4: {  	_ = 	snop  }
0x5: {  	_ = 	snop  }
0x6: {  	_ = 	snop  }
0x7: {  	_ = 	snop  }
__scs_overlays_trampoline_lowered:
0x8: {  	[smem:$0x3F99] =	sst s0  }
0x9: {  	[smem:$0x3F9A] =	sst s1  }
0xa: {  	[smem:$0x3F9B] =	sst s2  }
0xb: {  	[smem:$0x3F9C] =	sst s3  }
0xc: {  	[smem:$0x3F9D] =	sst s4  }
0xd: {  	[smem:$0x3F9E] =	sst s5  }
0xe: {  	[smem:$0x3F9F] =	sst s6  }
0xf: {  	[smem:$0x3FA0] =	sst s7  }
0x10: {  	[smem:$0x3FA1] =	sst s8  }
0x11: {  	[smem:$0x3FA2] =	sst s9;
	s0 =	simm.s32 @!p0 $0x0  }
0x12: {  	s1 =	sld [smem:$0x3F88];
	s0 =	simm.s32 @p0 $0x1  }
0x13: {  	[smem:$0x3FA3] =	sst s0;
	s0 =	simm.s32 @!p1 $0x0  }
0x14: {  	s2 =	sld [smem:$0x3F87];
	s0 =	simm.s32 @p1 $0x1  }
0x15: {  	[smem:$0x3FA4] =	sst s0;
	s0 =	simm.s32 @!p2 $0x0  }
0x16: {  	s3 =	sld [smem:$0x3FDB];
	s0 =	simm.s32 @p2 $0x1  }
0x17: {  	s4 =	simm.s32 $0x1BF5;
	[smem:$0x3FA6] =	sst s0  }
0x18: {  	s0 =	sld [smem:$0x3F89];
	_ =	swait.ge [sflag:s4], $0x0  }
0x19: {  	s7 =	sld [smem:$0x3F8A]  }
0x1a: {  	s8 =	sadd.s32 $0xFFFFE003, lr  }
0x1b: {  	s9 =	sadd.s32 $0xFFFFFEF7, lr;
	s5 =	simm.s32 $0xFFFFFFFF;
	p2 =	slt.u32 s8, $0xFFFFF086  }
0x1c: {  	p1 =	slt.u32 s9, $0xF7A;
	s5 =	simm.s32 @!p2 $0x0  }
0x1d: {  	s5 =	simm.s32 @p1 $0x1;
	p0 =	seq.s32 s7, s2  }
0x1e: {  	s7 =	smul.u32 @!p0 $0xF7A, s2;
	p2 =	seq.s32 @!p0 s5, $0x0  }
0x1f: {  	s9 =	smul.u32 $0xF7A, s1;
	s8 =	simm.s32 @!p0 $0x1BF5;
	p2 =	por !p2, p0  }
0x20: {  	[sflag:s8] =	ssyncset.s32 @!p0 $0xFFFFF086;
	s6 =	sadd.s32 @!p0 s3, s7;
	s7 =	simm.s32 @!p0 $0x108  }
0x21: {  	s3 =	sadd.s32 s3, s9;
	s6 =	sadd.s32 @!p0 $0x88, s6;
	s7 =	simm.s32 @p2 $0x1082  }
0x22: {  	[simem:s7], [sflag:s8] =	dma.local @!p0 [hbm:s6], $0xF7A  }
0x23: {  	s9 =	sor.u32 $0xD0000000, s2;
	s6 =	simm.s32 $0x108;
	_ =	swait.ge @!p0 [sflag:s8], $0x0  }
0x24: {  	s3 =	sadd.s32 $0x88, s3;
	s6 =	simm.s32 @!p1 $0x1082;
	[sflag:s4] =	ssyncset.s32 $0xFFFFF086  }
0x25: {  	[simem:s6], [sflag:s4] =	dma.local [hbm:s3], $0xF7A  }
0x26: {  	[smem:$0x3F8A] =	sst s1;
	(tag) =	ssettag s2;
	_ =	strace s9  }
0x27: {  	s1 =	sld [smem:$0x3F9A]  }
0x28: {  	s2 =	sld [smem:$0x3F9B]  }
0x29: {  	s4 =	sld [smem:$0x3F9D]  }
0x2a: {  	p0 =	seq.s32 s5, $0x0;
	s5 =	sld [smem:$0x3F9E]  }
0x2b: {  	s6 =	sld [smem:$0x3F9F]  }
0x2c: {  	s7 =	sld [smem:$0x3FA0]  }
0x2d: {  	s3 =	simm.s32 $0x108;
	s8 =	sld [smem:$0x3FA1]  }
0x2e: {  	s3 =	simm.s32 @!p0 $0x1082;
	s9 =	sld [smem:$0x3FA2]  }
0x2f: {  	lr =	sadd.s32 s0, s3;
	s0 =	sld [smem:$0x3F99]  }
0x30: {  	s3 =	sld [smem:$0x3F9C]  }
0x31: {  	[smem:$0x3FA5] =	sst s10  }
0x32: {  	s10 =	sld [smem:$0x3FA3];
	_ =	sdelay $0x3  }
0x33: {  	p0 =	seq.s32 s10, $0x1;
	s10 =	sld [smem:$0x3FA5];
	_ =	sdelay $0x3  }
0x34: {  	[smem:$0x3FA5] =	sst s10  }
0x35: {  	s10 =	sld [smem:$0x3FA4];
	_ =	sdelay $0x3  }
0x36: {  	p1 =	seq.s32 s10, $0x1;
	s10 =	sld [smem:$0x3FA5];
	_ =	sdelay $0x3  }
0x37: {  	[smem:$0x3FA5] =	sst s10  }
0x38: {  	s10 =	sld [smem:$0x3FA6]  }
0x39: {  	_ = 	snop;
	(pc) =	sbr.ind lr, $3  }
0x3a: {  	_ = 	snop  }
0x3b: {  	_ = 	snop  }
0x3c: {  	p2 =	seq.s32 s10, $0x1;
	s10 =	sld [smem:$0x3FA5]  }
0x3d: {  	_ =	shalt  }
0x3e: {  	_ =	shalt  }
0x3f: {  	_ =	shalt  }
0x40: {  	_ =	shalt  }
0x41: {  	_ =	shalt  }
0x42: {  	_ =	shalt  }
0x43: {  	_ =	shalt  }
0x44: {  	_ =	shalt  }
0x45: {  	_ =	shalt  }
0x46: {  	_ =	shalt  }
0x47: {  	_ =	shalt  }
0x48: {  	_ =	shalt  }
0x49: {  	_ =	shalt  }
0x4a: {  	_ =	shalt  }
0x4b: {  	_ =	shalt  }
0x4c: {  	_ =	shalt  }
0x4d: {  	_ =	shalt  }
0x4e: {  	_ =	shalt  }
0x4f: {  	_ =	shalt  }
0x50: {  	_ =	shalt  }
0x51: {  	_ =	shalt  }
0x52: {  	_ =	shalt  }
0x53: {  	_ =	shalt  }
0x54: {  	_ =	shalt  }
0x55: {  	_ =	shalt  }
0x56: {  	_ =	shalt  }
0x57: {  	_ =	shalt  }
0x58: {  	_ =	shalt  }
0x59: {  	_ =	shalt  }
0x5a: {  	_ =	shalt  }
0x5b: {  	_ =	shalt  }
0x5c: {  	_ =	shalt  }
0x5d: {  	_ =	shalt  }
0x5e: {  	_ =	shalt  }
0x5f: {  	_ =	shalt  }
0x60: {  	_ =	shalt  }
0x61: {  	_ =	shalt  }
0x62: {  	_ =	shalt  }
0x63: {  	_ =	shalt  }
0x64: {  	_ =	shalt  }
0x65: {  	_ =	shalt  }
0x66: {  	_ =	shalt  }
0x67: {  	_ =	shalt  }
0x68: {  	_ =	shalt  }
0x69: {  	_ =	shalt  }
0x6a: {  	_ =	shalt  }
0x6b: {  	_ =	shalt  }
0x6c: {  	_ =	shalt  }
0x6d: {  	_ =	shalt  }
0x6e: {  	_ =	shalt  }
0x6f: {  	_ =	shalt  }
0x70: {  	_ =	shalt  }
0x71: {  	_ =	shalt  }
0x72: {  	_ =	shalt  }
0x73: {  	_ =	shalt  }
0x74: {  	_ =	shalt  }
0x75: {  	_ =	shalt  }
0x76: {  	_ =	shalt  }
0x77: {  	_ =	shalt  }
0x78: {  	_ =	shalt  }
0x79: {  	_ =	shalt  }
0x7a: {  	_ =	shalt  }
0x7b: {  	_ =	shalt  }
0x7c: {  	_ =	shalt  }
0x7d: {  	_ =	shalt  }
0x7e: {  	_ =	shalt  }
0x7f: {  	_ =	shalt  }
0x80: {  	_ =	shalt  }
0x81: {  	_ =	shalt  }
0x82: {  	_ =	shalt  }
0x83: {  	_ =	shalt  }
0x84: {  	_ =	shalt  }
0x85: {  	_ =	shalt  }
0x86: {  	_ =	shalt  }
0x87: {  	_ =	shalt  }
.Lfunc_end0:
.L_simem_size_0:
called_computation.3_lowered:
.L_overlay_start_0:
0x88: {  	s2 =	sld [smem:$0x3FD9]  }
0x89: {  	s3 =	sld [smem:$0x3FFE];
	_ =	sdelay $0x1  }
0x8a: {  	s1 =	srdreg.scid  }
0x8b: {  	s0 =	sand.u32 $0x1, s1  }
0x8c: {  	s17 =	sshll.u32 s0, $0xA;
	s2 =	sadd.s32 s3, s2  }
0x8d: {  	s2 =	sadd.s32 s2, s17  }
0x8e: {  	[smem:$0x3FB1] =	sst s2  }
0x8f: {  	_ = 	snop  }
0x90: {  	s2 =	sld [smem:$0x3FD0];
	(tm) =	ssettm $0x1  }
0x91: {  	s18 =	sld [smem:$0x3FFB];
	_ =	sdelay $0x3  }
0x92: {  	_ =	strace s18  }
0x93: {  	s3 =	sld [smem:$0x3FFC];
	_ =	sdelay $0x3  }
0x94: {  	_ =	strace s3  }
0x95: {  	s3 =	sld [smem:$0x3FFD];
	_ =	sdelay $0x3  }
0x96: {  	_ =	strace s3  }
0x97: {  	_ =	strace $0x8FFFFFFF  }
0x98: {  	s19 =	sld [smem:$0x3FDB];
	_ =	sdelay $0x1  }
0x99: {  	s4 =	simm.s32 $_scs_section_size  }
0x9a: {  	s5 =	simm.s32 $_size__tile_overlayer_lowered;
	s6 =	simm.s32 $_tile_overlayer_lowered  }
0x9b: {  	s22 =	simm.s32 $0x1BFF;
	s21 =	sshll.u32 s6, $0x1;
	s3 =	sadd.s32 s4, s19  }
0x9c: {  	s7 =	simm.s32 $0x0;
	s20 =	sshll.u32 s5, $0x1;
	s5 =	sadd.s32 s21, s3  }
0x9d: {  	[timem:s7], [sflag:s22] =	dma.local [hbm:s5], s20  }
0x9e: {  	_ =	swait.ge [sflag:s22], s20  }
0x9f: {  	s4 =	ssub.s32 $0x0, s20;
	[sflag:s22] =	ssyncset.done $0x0  }
0xa0: {  	[sflag:s22] =	ssyncadd.s32 s4;
	_ =	sdelay $0x1  }
0xa1: {  	s23 =	simm.s32 $0x1B8B  }
0xa2: {  	_ =	swait.ge [sflag:s23], $0x1  }
0xa3: {  	[sflag:s23] =	ssyncset.done $0x0  }
0xa4: {  	s25 =	simm.s32 $0x1B8E;
	s24 =	sld [smem:$0x3FFE];
	[sflag:s23] =	ssyncadd.s32 $0xFFFFFFFF  }
0xa5: {  	s26 =	simm.s32 $execute0_lowered;
	[smem:$0x3FD2] =	sst s25  }
0xa6: {  	s5 =	sshll.u32 s26, $0x1;
	_ =	strace $0x8000004F;
	[dreg:$0x1] =	wrdreg $0xFFFFFFFF  }
0xa7: {  	s28 =	simm.s32 $_size_execute0_lowered;
	s3 =	sadd.s32 s3, s5;
	[dreg:$0x0] =	wrdreg $0x0  }
0xa8: {  	s5 =	sshll.u32 s28, $0x1;
	[dreg:$0x2] =	wrdreg s3  }
0xa9: {  	[dreg:$0x3] =	wrdreg s5  }
0xaa: {  	[dreg:$0x4] =	wrdreg $0xC0  }
0xab: {  	_ =	task [dreg:s7], $0x5FFFF  }
0xac: {  	[dreg:$0x1] =	wrdreg $0xFFFFFFFF  }
0xad: {  	[dreg:$0x0] =	wrdreg $0x60  }
0xae: {  	[dreg:$0x2] =	wrdreg s24  }
0xaf: {  	[dreg:$0x3] =	wrdreg s2  }
0xb0: {  	[dreg:$0x4] =	wrdreg $0x9  }
0xb1: {  	_ =	task.clear_ibuf [dreg:s7], $0x5FFFF;
	_ =	strace $0x9000004F  }
0xb2: {  	s29 =	simm.s32 $0x9;
	_ =	strace $0x80000051  }
0xb3: {  	_ =	swait.ge [sflag:s29], $0x1  }
0xb4: {  	[sflag:s29] =	ssyncadd.s32 $0xFFFFFFFF  }
0xb5: {  	_ =	strace $0x90000051  }
0xb6: {  	_ =	sfence  }
0xb7: {  	s30 =	sld [smem:$0x0];
	_ =	sdelay $0x2  }
0xb8: {  	s31 =	sshll.u32 s1, $0xD;
	s1 =	sshrl.u32 s1, $0x2  }
0xb9: {  	s3 =	sand.u32 $0x4000, s31;
	s1 =	sadd.s32 s1, s30  }
0xba: {  	s0 =	sor.u32 s3, s0;
	s1 =	sshll.u32 s1, $0x11  }
0xbb: {  	s0 =	sor.u32 s1, s0  }
0xbc: {  	s0 =	sadd.s32 $0x8F2B, s0  }
0xbd: {  	[sflag:s0] =	ssyncadd.remote.s32 $0x1  }
0xbe: {  	_ =	sfence.sel $0xFFFF  }
0xbf: {  	[dreg:$0x0] =	wrdreg $0xFFFFFFFF;
	(pc) =	sbr.abs _section_cstart, $3  }
0xc0: {  	[dreg:$0x1] =	wrdreg $0xFFFFFFFF  }
0xc1: {  	_ =	task.clear_ibuf [dreg:s7], $0x2FFFF;
	_ =	strace $0x9FFFFFFF  }
0xc2: {  	(tm) =	ssettm $0x7FFFFFFF  }
0xc3: {  	_ =	shalt  }
tec
execute0_lowered:
.L_overlay_start_1:
0x0: {  	(tag) =	ssettag $0x1  }
0x1: {  	s8 =	rddreg [dreg:$0x0];
	s1 =	srdreg.scid  }
0x2: {  	s0 =	stileid.u32;
	s7 =	rddreg [dreg:$0x1]  }
0x3: {  	s2 =	simm.s32 $0x0;
	s12 =	simm.s32 $0x880;
	s13 =	simm.s32 $0xC80  }
0x4: {  	s14 =	simm.s32 $0x1480;
	s15 =	simm.s32 $0x1880;
	s16 =	simm.s32 $0x2080  }
0x5: {  	s17 =	simm.s32 $0x2480;
	s18 =	simm.s32 $0x2C80;
	s19 =	simm.s32 $0x3080  }
0x6: {  	s20 =	simm.s32 $0x3880;
	s21 =	simm.s32 $0x3C80;
	s22 =	simm.s32 $0x4480  }
0x7: {  	s24 =	simm.s32 $0x5080;
	s3 =	sand.u32 $0x1, s1;
	s4 =	sshll.u32 s0, $0x1  }
0x8: {  	s25 =	simm.s32 $0x1;
	s1 =	rddreg [dreg:$0x2];
	s23 =	sor.u32 s3, s4  }
0x9: {  	[smem:$0x7FF] =	sst s2;
	p0 =	sgt.u32 s0, $0xD;
	s4 =	smul.u32 $0xA80, s23  }
0xa: {  	s5 =	ssub.s32 $0x2, s3;
	_ =	strace $0x80000050;
	s9 =	smul.u32 $0x7, s23  }
.Ltmp0:
0xb: {  	s3 =	sadd.s32 $0x17C00, s8;
	s6 =	sshrl.u32 s5, $0x1;
	(pc) =	sbr.rel .LBB2_1-.Ltmp0, $4  }
0xc: {  	p1 =	sne.s32 s23, $0x1C;
	s23 =	simm.s32 $0x4880;
	s11 =	ssub.s32 s5, s6  }
0xd: {  	v2 =	vlaneseq.u32;
	vm0 =	vmmov $0xffff;
	vm1 =	vmmov $0xff;
	s5 =	sadd.s32 $0x17D00, s8;
	s10 =	sadd.s32 s4, s8;
	s4 =	sadd.s32 s7, s9  }
0xe: {  	v0 =	vand.u32 $0x7, v2;
	v1 =	vshrl.u32 v2, $0x3;
	v2 =	vor.u32 $0x8, v2;
	s7 =	sadd.s32 $0xC4, s7;
	s8 =	sadd.s32 $0x3F200, s8;
	s9 =	smax.u32 s11, $0x1  }
0xf: {  	v1 =	vmul.u32 $0x8, v1;
	vm2 =	vmmov @!p1 $0xff;
	vm3 =	vmmov @!p1 $0xffff;
	s11 =	simm.s32 $0x80;
	s6 =	sadd.s32 $0x2CC00, s10;
	s10 =	simm.s32 $0x2  }
.LBB2_3:
0x10: {  	s26 =	simm.s32 @!p1 $0x0;
	s28 =	simm.s32 @!p1 $0x5480  }
0x11: {  	[tilespmem:s28], [sflag:$0x2] =	stream.linear.gather @!p1 [hbm4b:s7+s26], $0x8, $0x38;
	[tilespmem:$0x6100] =	vst v63  }
0x12: {  	s28 =	simm.s32 @!p1 $0x2  }
0x13: {  	_ =	swait.ge @!p1 [sflag:s28], $0x8  }
0x14: {  	[sflag:s28] =	ssyncset.done @!p1 $0x0  }
0x15: {  	[sflag:s28] =	ssyncadd.s32 @!p1 $0xFFFFFFF8  }
0x16: {  	v3 =	vld.msk @!p1 [tilespmem:$0x5480], $0xff;
	_ =	sdelay $0x4  }
0x17: {  	v4 =	vshrl.u32 @!p1 v3, $0x3  }
0x18: {  	v4 =	vmul.u32 @!p1 $0x18, v4  }
0x19: {  	v5 =	vlaneseq.u32 @!p1;
	v3 =	vand.u32 @!p1 $0x7, v3  }
0x1a: {  	v3 =	vor.u32 @!p1 v3, v4;
	v4 =	vand.u32 @!p1 $0x7, v5;
	v5 =	vshrl.u32 @!p1 v5, $0x3  }
0x1b: {  	v3 =	vperm.xlane @!p1 v3, v4;
	v4 =	vmul.u32 @!p1 $0x8, v5;
	_ =	sdelay $0x1  }
0x1c: {  	v3 =	vadd.s32 @!p1 v4, v3;
	_ =	sdelay $0x3  }
0x1d: {  	s29 =	simm.s32 @!p1 $0x5500  }
0x1e: {  	[tilespmem:s29], [sflag:$0x1] =	stream.indirect_vreg.gather @!p1 [hbm4b:s3+s26], $0x80, v3, vm3, $0xb8;
	[tilespmem:$0x6100] =	vst v63  }
0x1f: {  	s30 =	simm.s32 @!p1 $0x5D00  }
0x20: {  	[tilespmem:s30], [sflag:$0x1] =	stream.indirect_vreg.gather @!p1 [hbm4b:s5+s26], $0x80, v3, vm2, $0xb8;
	[tilespmem:$0x6100] =	vst v63  }
0x21: {  	s30 =	simm.s32 @!p1 $0x1  }
0x22: {  	s9 =	sadd.s32 $0xFFFFFFFF, s9;
	_ =	swait.ge @!p1 [sflag:s30], $0xC00  }
0x23: {  	p2 =	sne.s32 s9, $0x0;
	[sflag:s30] =	ssyncset.done @!p1 $0x0  }
.Ltmp1:
0x24: {  	[sflag:s30] =	ssyncadd.s32 @!p1 $0xFFFFF400;
	(pc) =	sbr.rel @!p2 .LBB2_4-.Ltmp1, $4  }
0x25: {  	[hbm4b:s8+s26] =	stream.linear.scatter @!p1 [tilespmem:s29], [sflag:$0x2], $0xC00, $0x38;
	[tilespmem:$0x6100] =	vst v63  }
0x26: {  	_ =	swait.ge @!p1 [sflag:s28], $0xC00  }
0x27: {  	[sflag:s28] =	ssyncset.done @!p1 $0x0  }
0x28: {  	[sflag:s28] =	ssyncadd.s32 @!p1 $0xFFFFF400  }
.LBB2_1:
.Ltmp2:
0x29: {  	(pc) =	sbr.rel @p0 .LBB2_3-.Ltmp2, $1  }
0x2a: {  	_ =	sdelay $0x3  }
0x2b: {  	[tilespmem:s2], [sflag:$0x2] =	stream.linear.gather [hbm4b:s4+s2], $0x38, $0x38;
	[tilespmem:$0x6100] =	vst v63  }
0x2c: {  	_ =	swait.ge [sflag:s10], $0x38  }
0x2d: {  	[sflag:s10] =	ssyncset.done $0x0  }
0x2e: {  	[sflag:s10] =	ssyncadd.s32 $0xFFFFFFC8  }
0x2f: {  	v3 =	vld [tilespmem:$0x0];
	_ =	sdelay $0x4  }
0x30: {  	v4 =	vshrl.u32 v3, $0x3  }
0x31: {  	v4 =	vmul.u32 $0x18, v4  }
0x32: {  	v3 =	vand.u32 $0x7, v3  }
0x33: {  	v3 =	vor.u32 v3, v4  }
0x34: {  	v4 =	vperm.xlane v3, v0;
	_ =	sdelay $0x1  }
0x35: {  	v4 =	vadd.s32 v1, v4;
	_ =	sdelay $0x1  }
0x36: {  	v3 =	vperm.xlane v3, v2;
	_ =	sdelay $0x1  }
0x37: {  	v3 =	vadd.s32 v1, v3  }
0x38: {  	[tilespmem:s11], [sflag:$0x1] =	stream.indirect_vreg.gather [hbm4b:s3+s2], $0x80, v4, vm0, $0xb8;
	[tilespmem:$0x6100] =	vst v63  }
0x39: {  	_ = 	snop  }
0x3a: {  	[tilespmem:s12], [sflag:$0x1] =	stream.indirect_vreg.gather [hbm4b:s5+s2], $0x80, v4, vm1, $0xb8;
	[tilespmem:$0x6100] =	vst v63  }
0x3b: {  	_ = 	snop  }
0x3c: {  	[tilespmem:s13], [sflag:$0x1] =	stream.indirect_vreg.gather [hbm4b:s3+s2], $0x80, v3, vm0, $0xb8;
	[tilespmem:$0x6100] =	vst v63  }
0x3d: {  	_ = 	snop  }
0x3e: {  	[tilespmem:s14], [sflag:$0x1] =	stream.indirect_vreg.gather [hbm4b:s5+s2], $0x80, v3, vm1, $0xb8;
	[tilespmem:$0x6100] =	vst v63  }
0x3f: {  	v3 =	vld [tilespmem:$0x10];
	_ =	sdelay $0x4  }
0x40: {  	v61 =	vshrl.u32 v3, $0x3  }
0x41: {  	v4 =	vmul.u32 $0x18, v61  }
0x42: {  	v3 =	vand.u32 $0x7, v3  }
0x43: {  	v3 =	vor.u32 v3, v4  }
0x44: {  	v4 =	vperm.xlane v3, v0;
	_ =	sdelay $0x1  }
0x45: {  	v4 =	vadd.s32 v1, v4;
	_ =	sdelay $0x1  }
0x46: {  	v3 =	vperm.xlane v3, v2;
	_ =	sdelay $0x1  }
0x47: {  	v3 =	vadd.s32 v1, v3  }
0x48: {  	[tilespmem:s15], [sflag:$0x1] =	stream.indirect_vreg.gather [hbm4b:s3+s2], $0x80, v4, vm0, $0xb8;
	[tilespmem:$0x6100] =	vst v63  }
0x49: {  	_ = 	snop  }
0x4a: {  	[tilespmem:s16], [sflag:$0x1] =	stream.indirect_vreg.gather [hbm4b:s5+s2], $0x80, v4, vm1, $0xb8;
	[tilespmem:$0x6100] =	vst v63  }
0x4b: {  	_ = 	snop  }
0x4c: {  	[tilespmem:s17], [sflag:$0x1] =	stream.indirect_vreg.gather [hbm4b:s3+s2], $0x80, v3, vm0, $0xb8;
	[tilespmem:$0x6100] =	vst v63  }
0x4d: {  	_ = 	snop  }
0x4e: {  	[tilespmem:s18], [sflag:$0x1] =	stream.indirect_vreg.gather [hbm4b:s5+s2], $0x80, v3, vm1, $0xb8;
	[tilespmem:$0x6100] =	vst v63  }
0x4f: {  	v3 =	vld [tilespmem:$0x20];
	_ =	sdelay $0x4  }
0x50: {  	v62 =	vshrl.u32 v3, $0x3  }
0x51: {  	v4 =	vmul.u32 $0x18, v62  }
0x52: {  	v3 =	vand.u32 $0x7, v3  }
0x53: {  	v3 =	vor.u32 v3, v4  }
0x54: {  	v4 =	vperm.xlane v3, v0;
	_ =	sdelay $0x1  }
0x55: {  	v4 =	vadd.s32 v1, v4;
	_ =	sdelay $0x1  }
0x56: {  	v3 =	vperm.xlane v3, v2;
	_ =	sdelay $0x1  }
0x57: {  	v3 =	vadd.s32 v1, v3  }
0x58: {  	[tilespmem:s19], [sflag:$0x1] =	stream.indirect_vreg.gather [hbm4b:s3+s2], $0x80, v4, vm0, $0xb8;
	[tilespmem:$0x6100] =	vst v63  }
0x59: {  	_ = 	snop  }
0x5a: {  	[tilespmem:s20], [sflag:$0x1] =	stream.indirect_vreg.gather [hbm4b:s5+s2], $0x80, v4, vm1, $0xb8;
	[tilespmem:$0x6100] =	vst v63  }
0x5b: {  	_ = 	snop  }
0x5c: {  	[tilespmem:s21], [sflag:$0x1] =	stream.indirect_vreg.gather [hbm4b:s3+s2], $0x80, v3, vm0, $0xb8;
	[tilespmem:$0x6100] =	vst v63  }
0x5d: {  	_ = 	snop  }
0x5e: {  	[tilespmem:s22], [sflag:$0x1] =	stream.indirect_vreg.gather [hbm4b:s5+s2], $0x80, v3, vm1, $0xb8;
	[tilespmem:$0x6100] =	vst v63  }
0x5f: {  	v3 =	vld.msk [tilespmem:$0x30], $0xff;
	_ =	sdelay $0x4  }
0x60: {  	v63 =	vshrl.u32 v3, $0x3  }
0x61: {  	v4 =	vmul.u32 $0x18, v63  }
0x62: {  	v3 =	vand.u32 $0x7, v3  }
0x63: {  	v3 =	vor.u32 v3, v4  }
0x64: {  	v3 =	vperm.xlane v3, v0;
	_ =	sdelay $0x1  }
0x65: {  	v3 =	vadd.s32 v1, v3;
	_ =	sdelay $0x4  }
0x66: {  	[tilespmem:s23], [sflag:$0x1] =	stream.indirect_vreg.gather [hbm4b:s3+s2], $0x80, v3, vm0, $0xb8;
	[tilespmem:$0x6100] =	vst v63  }
0x67: {  	_ = 	snop  }
0x68: {  	[tilespmem:s24], [sflag:$0x1] =	stream.indirect_vreg.gather [hbm4b:s5+s2], $0x80, v3, vm1, $0xb8;
	[tilespmem:$0x6100] =	vst v63  }
0x69: {  	_ =	swait.ge [sflag:s25], $0x5400  }
0x6a: {  	[sflag:s25] =	ssyncset.done $0x0  }
.Ltmp3:
0x6b: {  	[sflag:s25] =	ssyncadd.s32 $0xFFFFAC00;
	(pc) =	sbr.rel .LBB2_3-.Ltmp3, $4  }
0x6c: {  	[hbm4b:s6+s2] =	stream.linear.scatter [tilespmem:s11], [sflag:$0x2], $0x5400, $0x38;
	[tilespmem:$0x6100] =	vst v63  }
0x6d: {  	_ =	swait.ge [sflag:s10], $0x5400  }
0x6e: {  	[sflag:s10] =	ssyncset.done $0x0  }
0x6f: {  	[sflag:s10] =	ssyncadd.s32 $0xFFFFAC00  }
.LBB2_4:
0x70: {  	_ =	sfence.sel $0x180000  }
0x71: {  	[bflag:$0x0] =	sbarrier.arrive $0xFFFF  }
0x72: {  	p0 =	sne.s32 s0, $0x0;
	_ =	strace $0x90000050  }
0x73: {  	s0 =	sadd.s32 @!p0 $0x100000, s1;
	[bflag:$0x2] =	sbarrier.arrive $0xFFFF  }
0x74: {  	[sflag:s0] =	ssyncadd.tile.s32 @!p0 $0x1;
	_ =	shalt  }
.Lfunc_end2:
_tile_overlayer_lowered:
.L_overlay_start_2:
0x75: {  	(tag) =	ssettag $0x2  }
0x76: {  	s0 =	rddreg [dreg:$0x0];
	s2 =	stileid.u32  }
0x77: {  	s1 =	rddreg [dreg:$0x1];
	p0 =	sne.s32 s2, $0x0  }
0x78: {  	s3 =	rddreg [dreg:$0x2];
	[bflag:$0x3] =	sbarrier.arrive $0xFFFF;
	s2 =	simm.s32 @!p0 $0x1C02  }
0x79: {  	[timem:s3], [sflag:s2] =	dma.local @!p0 [hbm:s0], s1  }
0x7a: {  	s0 =	simm.s32 @!p0 $0x2  }
0x7b: {  	_ =	swait.ge @!p0 [sflag:s0], s1  }
0x7c: {  	s1 =	ssub.s32 @!p0 $0x0, s1;
	[sflag:s0] =	ssyncset.done @!p0 $0x0  }
0x7d: {  	[sflag:s0] =	ssyncadd.s32 @!p0 s1  }
0x7e: {  	[bflag:$0x3] =	sbarrier.arrive $0xFFFF  }
0x7f: {  	_ =	shalt  }

</sc_bundles>
